<compile_context>
chip_gen: v7x
topology: tpu7x:2x2x1
jax: 0.10.2.dev20260603
libtpu: 0.0.44.dev20260713+nightly
codegen_flags: <defaults>
</compile_context>

<pallas_src>
import functools

import jax
import jax.numpy as jnp
from jax import lax
from jax.experimental import pallas as pl
from jax.experimental.pallas import tpu as pltpu
from jax.experimental.pallas import tpu_sc as plsc

B, S, D, NH, E, K, DF = 2, 2048, 768, 12, 8, 2, 768
DO = D // 2
T = B * S
DH = D // NH
NEG = -1e9

BM = 256
NBLK = (T * K) // BM + E
LPAD = NBLK * BM

NC, NS = 2, 16
NW = NC * NS


def _ln(x, g, b):
    m = jnp.mean(x, -1, keepdims=True)
    v = jnp.mean((x - m) ** 2, -1, keepdims=True)
    return (x - m) / jnp.sqrt(v + 1e-5) * g + b



def _k1_body(x_ref, g_ref, b_ref, wq_ref, wk_ref, wv_ref, q_ref, k_ref, v_ref):
    xn = _ln(x_ref[...], g_ref[...], b_ref[...]).astype(jnp.bfloat16)
    q_ref[...] = jnp.dot(xn, wq_ref[...],
                         preferred_element_type=jnp.float32).astype(jnp.bfloat16)
    k_ref[...] = jnp.dot(xn, wk_ref[...],
                         preferred_element_type=jnp.float32).astype(jnp.bfloat16)
    v_ref[...] = jnp.dot(xn, wv_ref[...],
                         preferred_element_type=jnp.float32).astype(jnp.bfloat16)


def _k1(xf, g, b, Wq, Wk, Wv):
    blk = 512
    grid = (T // blk,)
    return pl.pallas_call(
        _k1_body,
        grid=grid,
        in_specs=[
            pl.BlockSpec((blk, D), lambda i: (i, 0)),
            pl.BlockSpec((1, D), lambda i: (0, 0)),
            pl.BlockSpec((1, D), lambda i: (0, 0)),
            pl.BlockSpec((D, D), lambda i: (0, 0)),
            pl.BlockSpec((D, D), lambda i: (0, 0)),
            pl.BlockSpec((D, D), lambda i: (0, 0)),
        ],
        out_specs=[
            pl.BlockSpec((blk, D), lambda i: (i, 0)),
            pl.BlockSpec((blk, D), lambda i: (i, 0)),
            pl.BlockSpec((blk, D), lambda i: (i, 0)),
        ],
        out_shape=[jax.ShapeDtypeStruct((T, D), jnp.bfloat16)] * 3,
    )(xf, g, b, Wq, Wk, Wv)



def _k2_body(q_ref, k_ref, v_ref, x0_ref, wo_ref, g2_ref, b2_ref, g3_ref,
             b3_ref, gw1_ref, gw2_ref,
             x_ref, xn3_ref, l1_ref, l2_ref, acc_scr, l_scr, *, bq, ckv):
    qb = pl.program_id(1)
    kb = pl.program_id(2)

    @pl.when(kb == 0)
    def _():
        acc_scr[...] = jnp.zeros_like(acc_scr)
        l_scr[...] = jnp.zeros_like(l_scr)

    @pl.when(kb <= qb)
    def _():
        rows = qb * bq + jax.lax.broadcasted_iota(jnp.int32, (bq, ckv), 0)
        cols = kb * ckv + jax.lax.broadcasted_iota(jnp.int32, (bq, ckv), 1)
        causal = rows >= cols
        for h in range(NH):
            sl = slice(h * DH, (h + 1) * DH)
            qh = q_ref[:, sl] * jnp.bfloat16(0.125)
            s = jax.lax.dot_general(qh, k_ref[:, sl], (((1,), (1,)), ((), ())),
                                    preferred_element_type=jnp.float32)
            p = jnp.exp(jnp.where(causal, s, NEG))
            l_scr[h] += jnp.sum(p, -1, keepdims=True)
            acc_scr[h] += jnp.dot(p.astype(jnp.bfloat16), v_ref[:, sl],
                                  preferred_element_type=jnp.float32)

    @pl.when(kb == qb)
    def _():
        o = jnp.concatenate(
            [acc_scr[h] * (1.0 / l_scr[h]) for h in range(NH)], -1)
        proj = jnp.dot(o.astype(jnp.bfloat16), wo_ref[...],
                       preferred_element_type=jnp.float32)
        x = x0_ref[...] + _ln(proj, g2_ref[...], b2_ref[...])
        x_ref[...] = x
        xn3 = _ln(x, g3_ref[...], b3_ref[...])
        xn3_ref[...] = xn3
        l1_ref[...] = jnp.dot(xn3, gw1_ref[...],
                              preferred_element_type=jnp.float32)
        l2_ref[...] = jnp.dot(xn3, gw2_ref[...],
                              preferred_element_type=jnp.float32)


def _k2(q, k, v, x0, Wo, g2, b2, g3, b3, gw1, gw2):
    bq = 512
    ckv = 512
    grid = (B, S // bq, S // ckv)
    row = pl.BlockSpec((bq, D), lambda b, i, j: (b * (S // bq) + i, 0))
    par = pl.BlockSpec((1, D), lambda b, i, j: (0, 0))
    return pl.pallas_call(
        functools.partial(_k2_body, bq=bq, ckv=ckv),
        grid=grid,
        in_specs=[
            row,
            pl.BlockSpec((ckv, D), lambda b, i, j: (b * (S // ckv) + j, 0)),
            pl.BlockSpec((ckv, D), lambda b, i, j: (b * (S // ckv) + j, 0)),
            row,
            pl.BlockSpec((D, D), lambda b, i, j: (0, 0)),
            par, par, par, par,
            pl.BlockSpec((D, E), lambda b, i, j: (0, 0)),
            pl.BlockSpec((D, E), lambda b, i, j: (0, 0)),
        ],
        out_specs=[row, row,
                   pl.BlockSpec((bq, E), lambda b, i, j: (b * (S // bq) + i, 0)),
                   pl.BlockSpec((bq, E), lambda b, i, j: (b * (S // bq) + i, 0))],
        out_shape=[jax.ShapeDtypeStruct((T, D), jnp.float32),
                   jax.ShapeDtypeStruct((T, D), jnp.float32),
                   jax.ShapeDtypeStruct((T, E), jnp.float32),
                   jax.ShapeDtypeStruct((T, E), jnp.float32)],
        scratch_shapes=[pltpu.VMEM((NH, bq, DH), jnp.float32),
                        pltpu.VMEM((NH, bq, 1), jnp.float32)],
        compiler_params=pltpu.CompilerParams(
            dimension_semantics=("arbitrary", "arbitrary", "arbitrary")),
    )(q, k, v, x0, Wo, g2, b2, g3, b3, gw1, gw2)



def _top2(p):
    iota = jax.lax.broadcasted_iota(jnp.int32, p.shape, 1)
    m0 = jnp.max(p, -1, keepdims=True)
    i0 = jnp.min(jnp.where(p == m0, iota, E), -1, keepdims=True)
    oh0 = (iota == i0)
    pm = jnp.where(oh0, NEG, p)
    m1 = jnp.max(pm, -1, keepdims=True)
    i1 = jnp.min(jnp.where(pm == m1, iota, E), -1, keepdims=True)
    oh1 = (iota == i1)
    return m0, oh0, m1, oh1


def _softmax_top2(l):
    mx = jnp.max(l, -1, keepdims=True)
    eexp = jnp.exp(l - mx)
    p = eexp / jnp.sum(eexp, -1, keepdims=True)
    m0, oh0, m1, oh1 = _top2(p)
    wsum = m0 + m1
    topw = jnp.concatenate([m0 / wsum, m1 / wsum], -1)
    return p, oh0, oh1, topw


def _positions(oh0, oh1, c, cnt):
    rank0 = jnp.sum(jnp.where(oh0, c, 0.0), -1, keepdims=True)
    rank1 = jnp.sum(jnp.where(oh1, c, 0.0), -1, keepdims=True)
    cnt_i = cnt.astype(jnp.int32)
    pc = ((cnt_i + (BM - 1)) // BM) * BM
    triu = (jax.lax.broadcasted_iota(jnp.int32, (E, E), 0)
            < jax.lax.broadcasted_iota(jnp.int32, (E, E), 1)).astype(jnp.float32)
    off = jnp.dot(pc.astype(jnp.float32), triu,
                  preferred_element_type=jnp.float32).astype(jnp.int32)
    off0 = jnp.sum(jnp.where(oh0, off, 0), -1, keepdims=True)
    off1 = jnp.sum(jnp.where(oh1, off, 0), -1, keepdims=True)
    pos0 = off0 + rank0.astype(jnp.int32)
    pos1 = off1 + rank1.astype(jnp.int32)
    bstart = jax.lax.broadcasted_iota(jnp.int32, (NBLK, E), 0) * BM
    eid = jnp.sum((bstart >= off + pc).astype(jnp.int32), -1, keepdims=True)
    return pos0, pos1, jnp.minimum(eid, E - 1)


def _k4_body(l1_ref, l2_ref,
             w1_ref, p01_ref, p11_ref, pp1_ref, eid1_ref,
             w2_ref, p02_ref, p12_ref, pp2_ref, eid2_ref, bal_ref,
             a_scr, c_scr):
    p1, oh0_1, oh1_1, w1 = _softmax_top2(l1_ref[...])
    _, oh0_2, oh1_2, w2 = _softmax_top2(l2_ref[...])

    a_scr[:, :E] = oh0_1.astype(jnp.float32) + oh1_1.astype(jnp.float32)
    a_scr[:, E:] = oh0_2.astype(jnp.float32) + oh1_2.astype(jnp.float32)
    cb = 256
    tri = (jax.lax.broadcasted_iota(jnp.int32, (cb, cb), 0)
           > jax.lax.broadcasted_iota(jnp.int32, (cb, cb), 1)).astype(jnp.float32)

    def body(i, carry):
        ab = a_scr[pl.ds(i * cb, cb), :]
        c_scr[pl.ds(i * cb, cb), :] = carry + jnp.dot(
            tri, ab, preferred_element_type=jnp.float32)
        return carry + jnp.sum(ab, 0, keepdims=True)

    cnt = lax.fori_loop(0, T // cb, body, jnp.zeros((1, 2 * E), jnp.float32))
    c = c_scr[...]

    pos0_1, pos1_1, eid1 = _positions(oh0_1, oh1_1, c[:, :E], cnt[:, :E])
    pos0_2, pos1_2, eid2 = _positions(oh0_2, oh1_2, c[:, E:], cnt[:, E:])
    w1_ref[...] = w1
    p01_ref[...] = pos0_1
    p11_ref[...] = pos1_1
    pp1_ref[...] = jnp.concatenate([pos0_1, pos1_1], -1)
    eid1_ref[...] = eid1
    w2_ref[...] = w2
    p02_ref[...] = pos0_2
    p12_ref[...] = pos1_2
    pp2_ref[...] = jnp.concatenate([pos0_2, pos1_2], -1)
    eid2_ref[...] = eid2
    f = jnp.mean(oh0_1.astype(jnp.float32), axis=0, keepdims=True)
    P = jnp.mean(p1, axis=0, keepdims=True)
    bal_ref[...] = jnp.float32(E) * jnp.sum(f * P, keepdims=True)


def _k4(l1, l2):
    full = lambda s: pl.BlockSpec(s, lambda: tuple(0 for _ in s))
    return pl.pallas_call(
        _k4_body,
        in_specs=[full((T, E))] * 2,
        out_specs=[full((T, K)), full((T, 1)), full((T, 1)), full((T, K)),
                   full((NBLK, 1)),
                   full((T, K)), full((T, 1)), full((T, 1)), full((T, K)),
                   full((NBLK, 1)),
                   full((1, 1))],
        out_shape=[jax.ShapeDtypeStruct((T, K), jnp.float32),
                   jax.ShapeDtypeStruct((T, 1), jnp.int32),
                   jax.ShapeDtypeStruct((T, 1), jnp.int32),
                   jax.ShapeDtypeStruct((T, K), jnp.int32),
                   jax.ShapeDtypeStruct((NBLK, 1), jnp.int32),
                   jax.ShapeDtypeStruct((T, K), jnp.float32),
                   jax.ShapeDtypeStruct((T, 1), jnp.int32),
                   jax.ShapeDtypeStruct((T, 1), jnp.int32),
                   jax.ShapeDtypeStruct((T, K), jnp.int32),
                   jax.ShapeDtypeStruct((NBLK, 1), jnp.int32),
                   jax.ShapeDtypeStruct((1, 1), jnp.float32)],
        scratch_shapes=[pltpu.VMEM((T, 2 * E), jnp.float32),
                        pltpu.VMEM((T, 2 * E), jnp.float32)],
    )(l1, l2)



_TOK_PER_W = T // NW
_DCH = 64


def _sc_dispatch_body(xn3, p01, p11, p02, p12, xs1, xs2,
                      rows_v, i0, i1, i2, i3, sem):
    wid = lax.axis_index("s") * NC + lax.axis_index("c")
    for j in range(_TOK_PER_W // _DCH):
        base = wid * _TOK_PER_W + j * _DCH
        pltpu.sync_copy(xn3.at[pl.ds(base, _DCH)], rows_v)
        for pref, iv in ((p01, i0), (p11, i1), (p02, i2), (p12, i3)):
            pltpu.sync_copy(pref.at[pl.ds(base, _DCH)], iv)
        cps = [pltpu.async_copy(rows_v, dst.at[iv], sem)
               for dst, iv in ((xs1, i0), (xs1, i1), (xs2, i2), (xs2, i3))]
        for cp in cps:
            cp.wait()


def _sc_dispatch(xn3, p01, p11, p02, p12):
    mesh = plsc.VectorSubcoreMesh(core_axis_name="c", subcore_axis_name="s")
    f = pl.kernel(
        _sc_dispatch_body,
        out_type=(jax.ShapeDtypeStruct((LPAD, D), jnp.float32),
                  jax.ShapeDtypeStruct((LPAD, D), jnp.float32)),
        mesh=mesh,
        scratch_types=[pltpu.VMEM((_DCH, D), jnp.float32),
                       pltpu.VMEM((_DCH,), jnp.int32),
                       pltpu.VMEM((_DCH,), jnp.int32),
                       pltpu.VMEM((_DCH,), jnp.int32),
                       pltpu.VMEM((_DCH,), jnp.int32),
                       pltpu.SemaphoreType.DMA],
    )
    return f(xn3, p01, p11, p02, p12)



def _k5_body(eid_ref, x_ref, wg_ref, wu_ref, wd_ref, o_ref):
    e = eid_ref[pl.program_id(0)]
    x = x_ref[...].astype(jnp.bfloat16)
    t1 = jax.nn.leaky_relu(jnp.dot(x, wg_ref[e], preferred_element_type=jnp.float32))
    t2 = jnp.dot(x, wu_ref[e], preferred_element_type=jnp.float32)
    h = (t1 * t2).astype(jnp.bfloat16)
    o_ref[...] = jnp.dot(h, wd_ref[e], preferred_element_type=jnp.float32)


def _k5(xs, wg, wu, wd, eid):
    grid_spec = pltpu.PrefetchScalarGridSpec(
        num_scalar_prefetch=1,
        grid=(NBLK,),
        in_specs=[
            pl.BlockSpec((BM, D), lambda b, eid: (b, 0)),
            pl.BlockSpec((E, D, DF), lambda b, eid: (0, 0, 0)),
            pl.BlockSpec((E, D, DF), lambda b, eid: (0, 0, 0)),
            pl.BlockSpec((E, DF, DO), lambda b, eid: (0, 0, 0)),
        ],
        out_specs=pl.BlockSpec((BM, DO), lambda b, eid: (b, 0)),
    )
    return pl.pallas_call(
        _k5_body,
        grid_spec=grid_spec,
        out_shape=jax.ShapeDtypeStruct((LPAD, DO), jnp.float32),
        compiler_params=pltpu.CompilerParams(
            dimension_semantics=("arbitrary",)),
    )(eid, xs, wg, wu, wd)



_PAIRS = T * K
_PPW = _PAIRS // NW
_GCH = 128


def _sc_combine_body(ys1, ys2, pf1, pf2, yg1, yg2, r1, r2, i1, i2, sem):
    wid = lax.axis_index("s") * NC + lax.axis_index("c")
    for j in range(_PPW // _GCH):
        base = wid * _PPW + j * _GCH
        pltpu.sync_copy(pf1.at[pl.ds(base, _GCH)], i1)
        pltpu.sync_copy(pf2.at[pl.ds(base, _GCH)], i2)
        cp1 = pltpu.async_copy(ys1.at[i1], r1, sem)
        cp2 = pltpu.async_copy(ys2.at[i2], r2, sem)
        cp1.wait()
        cp2.wait()
        pltpu.sync_copy(r1, yg1.at[pl.ds(base, _GCH)])
        pltpu.sync_copy(r2, yg2.at[pl.ds(base, _GCH)])


def _sc_combine(ys1, ys2, pf1, pf2):
    mesh = plsc.VectorSubcoreMesh(core_axis_name="c", subcore_axis_name="s")
    f = pl.kernel(
        _sc_combine_body,
        out_type=(jax.ShapeDtypeStruct((_PAIRS, DO), jnp.float32),
                  jax.ShapeDtypeStruct((_PAIRS, DO), jnp.float32)),
        mesh=mesh,
        scratch_types=[pltpu.VMEM((_GCH, DO), jnp.float32),
                       pltpu.VMEM((_GCH, DO), jnp.float32),
                       pltpu.VMEM((_GCH,), jnp.int32),
                       pltpu.VMEM((_GCH,), jnp.int32),
                       pltpu.SemaphoreType.DMA],
    )
    return f(ys1, ys2, pf1, pf2)



def _k6_body(x_ref, w1_ref, w2_ref, y1_ref, y2_ref, out_ref):
    y1 = y1_ref[...]
    y2 = y2_ref[...]
    o1 = w1_ref[:, 0:1] * y1[:, :DO] + w1_ref[:, 1:2] * y1[:, DO:]
    o2 = w2_ref[:, 0:1] * y2[:, :DO] + w2_ref[:, 1:2] * y2[:, DO:]
    out_ref[...] = x_ref[...] + jnp.concatenate([o1, o2], -1)


def _k6(x, w1, w2, yg1, yg2):
    blk = 1024
    grid = (T // blk,)
    return pl.pallas_call(
        _k6_body,
        grid=grid,
        in_specs=[pl.BlockSpec((blk, D), lambda i: (i, 0)),
                  pl.BlockSpec((blk, K), lambda i: (i, 0)),
                  pl.BlockSpec((blk, K), lambda i: (i, 0)),
                  pl.BlockSpec((blk, K * DO), lambda i: (i, 0)),
                  pl.BlockSpec((blk, K * DO), lambda i: (i, 0))],
        out_specs=pl.BlockSpec((blk, D), lambda i: (i, 0)),
        out_shape=jax.ShapeDtypeStruct((T, D), jnp.float32),
    )(x, w1, w2, yg1, yg2)


def kernel(self_seq, ln1_g, ln1_b, ln2_g, ln2_b, ln3_g, ln3_b,
           Wq, Wk, Wv, Wo, g1, wg1, wu1, wd1, g2, g2t, wg2, wu2, wd2, Wc):
    xf = self_seq.reshape(T, D)
    bf = jnp.bfloat16
    q, k, v = _k1(xf, ln1_g.reshape(1, D), ln1_b.reshape(1, D),
                  Wq.astype(bf), Wk.astype(bf), Wv.astype(bf))
    x, xn3, l1, l2 = _k2(q, k, v, xf, Wo.astype(bf), ln2_g.reshape(1, D),
                         ln2_b.reshape(1, D),
                         ln3_g.reshape(1, D), ln3_b.reshape(1, D), g1, g2)
    (w1, p01, p11, pp1, eid1, w2, p02, p12, pp2, eid2, bal) = _k4(l1, l2)

    p01f, p11f = p01.reshape(T), p11.reshape(T)
    p02f, p12f = p02.reshape(T), p12.reshape(T)
    xs1, xs2 = _sc_dispatch(xn3, p01f, p11f, p02f, p12f)
    ys1 = _k5(xs1, wg1.astype(bf), wu1.astype(bf), wd1.astype(bf),
              eid1.reshape(NBLK))
    ys2 = _k5(xs2, wg2.astype(bf), wu2.astype(bf), wd2.astype(bf),
              eid2.reshape(NBLK))

    yg1, yg2 = _sc_combine(ys1, ys2, pp1.reshape(_PAIRS), pp2.reshape(_PAIRS))
    out = _k6(x, w1, w2, yg1.reshape(T, K * DO), yg2.reshape(T, K * DO))
    return (out.reshape(B, S, D), bal.reshape(()), jnp.zeros((), jnp.float32))

# --- scband reference (transcript-rebuilt; emitter-appended) ---
"""Pipeline reference for scband-transformer-layer-mo-eand-contrastive-mo-e-29600914604404 (READ-ONLY COPY).

The authoritative reference and input builder live on the scoring server;
editing this copy changes nothing except your own understanding.
"""

import jax, jax.numpy as jnp
import numpy as np

B, S, D, NH, E, K, DF = 2, 2048, 768, 12, 8, 2, 768
DO = D // 2


def _p(key, i, shape, scale=0.02):
    return jax.random.normal(jax.random.fold_in(key, i), shape, dtype=jnp.float32) * scale


def setup_inputs(seed: int = 0):
    key = jax.random.key(seed)
    inp = {}
    inp["self_seq"] = jax.random.normal(jax.random.fold_in(key, 0), (B, S, D), dtype=jnp.float32)
    for n in ["ln1", "ln2", "ln3"]:
        inp[n + "_g"] = jnp.ones((D,), jnp.float32)
        inp[n + "_b"] = jnp.zeros((D,), jnp.float32)
    inp["Wq"] = _p(key, 1, (D, D)); inp["Wk"] = _p(key, 2, (D, D))
    inp["Wv"] = _p(key, 3, (D, D)); inp["Wo"] = _p(key, 4, (D, D))
    inp["g1"] = _p(key, 5, (D, E))
    inp["wg1"] = _p(key, 6, (E, D, DF)); inp["wu1"] = _p(key, 7, (E, D, DF)); inp["wd1"] = _p(key, 8, (E, DF, DO))
    inp["g2"] = _p(key, 9, (D, E)); inp["g2t"] = _p(key, 10, (D, E))
    inp["wg2"] = _p(key, 11, (E, D, DF)); inp["wu2"] = _p(key, 12, (E, D, DF)); inp["wd2"] = _p(key, 13, (E, DF, DO))
    inp["Wc"] = _p(key, 14, (E, E), 1.0)
    return inp


def _ln(x, g, b):
    m = jnp.mean(x, -1, keepdims=True)
    v = jnp.mean((x - m) ** 2, -1, keepdims=True)
    return (x - m) / jnp.sqrt(v + 1e-5) * g + b


def _attn(x, Wq, Wk, Wv, Wo):
    b, s, d = x.shape
    dh = d // NH
    q = (x @ Wq).reshape(b, s, NH, dh).transpose(0, 2, 1, 3)
    k = (x @ Wk).reshape(b, s, NH, dh).transpose(0, 2, 1, 3)
    v = (x @ Wv).reshape(b, s, NH, dh).transpose(0, 2, 1, 3)
    sc = jnp.einsum('bhqd,bhkd->bhqk', q, k) / jnp.sqrt(jnp.float32(dh))
    mask = jnp.tril(jnp.ones((s, s), bool))
    sc = jnp.where(mask[None, None], sc, jnp.float32(-1e9))
    a = jax.nn.softmax(sc, -1)
    o = jnp.einsum('bhqk,bhkd->bhqd', a, v).transpose(0, 2, 1, 3).reshape(b, s, d)
    return o @ Wo


def _moe(xf, gW, wg, wu, wd):
    logits = xf @ gW
    probs = jax.nn.softmax(logits, -1)
    topv, topi = jax.lax.top_k(probs, K)
    topv = topv / jnp.sum(topv, -1, keepdims=True)
    h = jax.nn.leaky_relu(jnp.einsum('td,edh->teh', xf, wg)) * jnp.einsum('td,edh->teh', xf, wu)
    y = jnp.einsum('teh,eho->teo', h, wd)
    t = xf.shape[0]
    comb = jnp.zeros((t, E), xf.dtype).at[jnp.arange(t)[:, None], topi].add(topv)
    out = jnp.einsum('te,teo->to', comb, y)
    return out, logits, probs, topi


def _contrastive(lq, lk, Wc):
    lq = lq.reshape(B, -1, lq.shape[-1]).mean(1)
    lk = lk.reshape(B, -1, lk.shape[-1]).mean(1)
    h = B // 2
    labels = jnp.arange(h)
    wk1 = Wc @ lk[h:].T
    l1 = lq[:h] @ wk1
    l1 = l1 - jnp.max(l1, 1, keepdims=True)
    ce1 = -jnp.mean(jax.nn.log_softmax(l1, -1)[jnp.arange(h), labels])
    wk2 = Wc @ lk[:h].T
    l2 = lq[h:] @ wk2
    l2 = l2 - jnp.max(l2, 1, keepdims=True)
    ce2 = -jnp.mean(jax.nn.log_softmax(l2, -1)[jnp.arange(h), labels])
    return 0.5 * ce1 + 0.5 * ce2


def _forward(self_seq, ln1_g, ln1_b, ln2_g, ln2_b, ln3_g, ln3_b, Wq, Wk, Wv, Wo, g1, wg1, wu1, wd1, g2, g2t, wg2, wu2, wd2, Wc):
    q1 = _ln(self_seq, ln1_g, ln1_b)
    q1 = _attn(q1, Wq, Wk, Wv, Wo)
    q1 = _ln(q1, ln2_g, ln2_b)
    x = self_seq + q1
    q1 = _ln(x, ln3_g, ln3_b)
    xf = q1.reshape(-1, D)
    out1, log1, probs1, topi1 = _moe(xf, g1, wg1, wu1, wd1)
    out2, log2, probs2, topi2 = _moe(xf, g2, wg2, wu2, wd2)
    f = jnp.mean(jax.nn.one_hot(topi1[:, 0], E, dtype=xf.dtype), 0)
    P = jnp.mean(probs1, 0)
    bal = jnp.float32(E) * jnp.sum(f * P)
    log2t = jax.lax.stop_gradient(xf @ g2t)
    closs = _contrastive(log2, log2t, Wc)
    x = x + jnp.concatenate([out1, out2], -1).reshape(B, S, D)
    return (x, bal, closs)


def reference(self_seq, ln1_g, ln1_b, ln2_g, ln2_b, ln3_g, ln3_b, Wq, Wk, Wv, Wo, g1, wg1, wu1, wd1, g2, g2t, wg2, wu2, wd2, Wc):
    return _forward(self_seq, ln1_g, ln1_b, ln2_g, ln2_b, ln3_g, ln3_b, Wq, Wk, Wv, Wo, g1, wg1, wu1, wd1, g2, g2t, wg2, wu2, wd2, Wc)

if __name__ == "__main__":
    import jax
    _d = setup_inputs()
    print(jax.jit(kernel)(*tuple(_d.values())))

</pallas_src>

<mosaic_0001>
#map = affine_map<(d0, d1) -> (0, 0)>
#map1 = affine_map<(d0, d1) -> (0)>
module attributes {stable_mosaic.version = 14 : i64} {
  func.func @_sc_dispatch_body(%arg0: i32, %arg1: i32, %arg2: memref<4096x768xf32, #tpu.memory_space<hbm>>, %arg3: memref<4096xi32, #tpu.memory_space<hbm>>, %arg4: memref<4096xi32, #tpu.memory_space<hbm>>, %arg5: memref<4096xi32, #tpu.memory_space<hbm>>, %arg6: memref<4096xi32, #tpu.memory_space<hbm>>, %arg7: memref<10240x768xf32, #tpu.memory_space<hbm>>, %arg8: memref<10240x768xf32, #tpu.memory_space<hbm>>, %arg9: memref<64x768xf32, #tpu.memory_space<vmem>>, %arg10: memref<64xi32, #tpu.memory_space<vmem>>, %arg11: memref<64xi32, #tpu.memory_space<vmem>>, %arg12: memref<64xi32, #tpu.memory_space<vmem>>, %arg13: memref<64xi32, #tpu.memory_space<vmem>>, %arg14: memref<!tpu.dma_semaphore, #tpu.memory_space<semaphore_mem>>) attributes {dimension_semantics = [#tpu.dimension_semantics<core_parallel>, #tpu.dimension_semantics<subcore_parallel>], iteration_bounds = array<i64: 2, 16>, scalar_prefetch = 0 : i64, scratch_operands = 6 : i64, tpu.core_type = #tpu.core_type<sc_vector_subcore>, window_params = [{transform_indices = #map}, {transform_indices = #map1}, {transform_indices = #map1}, {transform_indices = #map1}, {transform_indices = #map1}, {transform_indices = #map}, {transform_indices = #map}]} {
    %mul3A = arith.constant 2 : i32
    %mul3A_0 = arith.muli %arg1, %mul3A : i32
    %add3A = arith.addi %mul3A_0, %arg0 : i32
    %mul3A_1 = arith.constant 128 : i32
    %mul3A_2 = arith.muli %add3A, %mul3A_1 : i32
    %add3A_3 = arith.constant 0 : i32
    %add3A_4 = arith.addi %mul3A_2, %add3A_3 : i32
    "tpu.region"() ({
      %run_scoped3A = tpu.sem_alloc : memref<!tpu.dma_semaphore, #tpu.memory_space<semaphore_mem>>
      %dma_start3A_55 = arith.constant 0 : i32
      %dma_start3A_56 = tpu.memref_slice %arg2[%add3A_4, %dma_start3A_55] : memref<4096x768xf32, #tpu.memory_space<hbm>> -> memref<64x768xf32, #tpu.memory_space<hbm>>
      %dma_start3A_57 = arith.constant 0 : i32
      %dma_start3A_58 = tpu.memref_slice %arg2[%add3A_4, %dma_start3A_57] : memref<4096x768xf32, #tpu.memory_space<hbm>> -> memref<64x768xf32, #tpu.memory_space<hbm>>
      tpu.enqueue_dma source(%dma_start3A_58 : memref<64x768xf32, #tpu.memory_space<hbm>>) target(%arg9 : memref<64x768xf32, #tpu.memory_space<vmem>>) target_semaphore(%run_scoped3A : memref<!tpu.dma_semaphore, #tpu.memory_space<semaphore_mem>>)
      %dma_wait3A_59 = arith.constant 0 : i32
      %dma_wait3A_60 = tpu.memref_slice %arg2[%add3A_4, %dma_wait3A_59] : memref<4096x768xf32, #tpu.memory_space<hbm>> -> memref<64x768xf32, #tpu.memory_space<hbm>>
      %dma_wait3A_61 = arith.constant 0 : i32
      %dma_wait3A_62 = tpu.memref_slice %arg2[%add3A_4, %dma_wait3A_61] : memref<4096x768xf32, #tpu.memory_space<hbm>> -> memref<64x768xf32, #tpu.memory_space<hbm>>
      tpu.wait_dma2 semaphore(%run_scoped3A : memref<!tpu.dma_semaphore, #tpu.memory_space<semaphore_mem>>) src(%dma_wait3A_62 : memref<64x768xf32, #tpu.memory_space<hbm>>) dst(%arg9 : memref<64x768xf32, #tpu.memory_space<vmem>>)
      tpu.yield
    }) : () -> ()
    "tpu.region"() ({
      %run_scoped3A = tpu.sem_alloc : memref<!tpu.dma_semaphore, #tpu.memory_space<semaphore_mem>>
      %dma_start3A_55 = tpu.memref_slice %arg3[%add3A_4] : memref<4096xi32, #tpu.memory_space<hbm>> -> memref<64xi32, #tpu.memory_space<hbm>>
      %dma_start3A_56 = tpu.memref_slice %arg3[%add3A_4] : memref<4096xi32, #tpu.memory_space<hbm>> -> memref<64xi32, #tpu.memory_space<hbm>>
      tpu.enqueue_dma source(%dma_start3A_56 : memref<64xi32, #tpu.memory_space<hbm>>) target(%arg10 : memref<64xi32, #tpu.memory_space<vmem>>) target_semaphore(%run_scoped3A : memref<!tpu.dma_semaphore, #tpu.memory_space<semaphore_mem>>)
      %dma_wait3A_57 = tpu.memref_slice %arg3[%add3A_4] : memref<4096xi32, #tpu.memory_space<hbm>> -> memref<64xi32, #tpu.memory_space<hbm>>
      %dma_wait3A_58 = tpu.memref_slice %arg3[%add3A_4] : memref<4096xi32, #tpu.memory_space<hbm>> -> memref<64xi32, #tpu.memory_space<hbm>>
      tpu.wait_dma2 semaphore(%run_scoped3A : memref<!tpu.dma_semaphore, #tpu.memory_space<semaphore_mem>>) src(%dma_wait3A_58 : memref<64xi32, #tpu.memory_space<hbm>>) dst(%arg10 : memref<64xi32, #tpu.memory_space<vmem>>)
      tpu.yield
    }) : () -> ()
    "tpu.region"() ({
      %run_scoped3A = tpu.sem_alloc : memref<!tpu.dma_semaphore, #tpu.memory_space<semaphore_mem>>
      %dma_start3A_55 = tpu.memref_slice %arg4[%add3A_4] : memref<4096xi32, #tpu.memory_space<hbm>> -> memref<64xi32, #tpu.memory_space<hbm>>
      %dma_start3A_56 = tpu.memref_slice %arg4[%add3A_4] : memref<4096xi32, #tpu.memory_space<hbm>> -> memref<64xi32, #tpu.memory_space<hbm>>
      tpu.enqueue_dma source(%dma_start3A_56 : memref<64xi32, #tpu.memory_space<hbm>>) target(%arg11 : memref<64xi32, #tpu.memory_space<vmem>>) target_semaphore(%run_scoped3A : memref<!tpu.dma_semaphore, #tpu.memory_space<semaphore_mem>>)
      %dma_wait3A_57 = tpu.memref_slice %arg4[%add3A_4] : memref<4096xi32, #tpu.memory_space<hbm>> -> memref<64xi32, #tpu.memory_space<hbm>>
      %dma_wait3A_58 = tpu.memref_slice %arg4[%add3A_4] : memref<4096xi32, #tpu.memory_space<hbm>> -> memref<64xi32, #tpu.memory_space<hbm>>
      tpu.wait_dma2 semaphore(%run_scoped3A : memref<!tpu.dma_semaphore, #tpu.memory_space<semaphore_mem>>) src(%dma_wait3A_58 : memref<64xi32, #tpu.memory_space<hbm>>) dst(%arg11 : memref<64xi32, #tpu.memory_space<vmem>>)
      tpu.yield
    }) : () -> ()
    "tpu.region"() ({
      %run_scoped3A = tpu.sem_alloc : memref<!tpu.dma_semaphore, #tpu.memory_space<semaphore_mem>>
      %dma_start3A_55 = tpu.memref_slice %arg5[%add3A_4] : memref<4096xi32, #tpu.memory_space<hbm>> -> memref<64xi32, #tpu.memory_space<hbm>>
      %dma_start3A_56 = tpu.memref_slice %arg5[%add3A_4] : memref<4096xi32, #tpu.memory_space<hbm>> -> memref<64xi32, #tpu.memory_space<hbm>>
      tpu.enqueue_dma source(%dma_start3A_56 : memref<64xi32, #tpu.memory_space<hbm>>) target(%arg12 : memref<64xi32, #tpu.memory_space<vmem>>) target_semaphore(%run_scoped3A : memref<!tpu.dma_semaphore, #tpu.memory_space<semaphore_mem>>)
      %dma_wait3A_57 = tpu.memref_slice %arg5[%add3A_4] : memref<4096xi32, #tpu.memory_space<hbm>> -> memref<64xi32, #tpu.memory_space<hbm>>
      %dma_wait3A_58 = tpu.memref_slice %arg5[%add3A_4] : memref<4096xi32, #tpu.memory_space<hbm>> -> memref<64xi32, #tpu.memory_space<hbm>>
      tpu.wait_dma2 semaphore(%run_scoped3A : memref<!tpu.dma_semaphore, #tpu.memory_space<semaphore_mem>>) src(%dma_wait3A_58 : memref<64xi32, #tpu.memory_space<hbm>>) dst(%arg12 : memref<64xi32, #tpu.memory_space<vmem>>)
      tpu.yield
    }) : () -> ()
    "tpu.region"() ({
      %run_scoped3A = tpu.sem_alloc : memref<!tpu.dma_semaphore, #tpu.memory_space<semaphore_mem>>
      %dma_start3A_55 = tpu.memref_slice %arg6[%add3A_4] : memref<4096xi32, #tpu.memory_space<hbm>> -> memref<64xi32, #tpu.memory_space<hbm>>
      %dma_start3A_56 = tpu.memref_slice %arg6[%add3A_4] : memref<4096xi32, #tpu.memory_space<hbm>> -> memref<64xi32, #tpu.memory_space<hbm>>
      tpu.enqueue_dma source(%dma_start3A_56 : memref<64xi32, #tpu.memory_space<hbm>>) target(%arg13 : memref<64xi32, #tpu.memory_space<vmem>>) target_semaphore(%run_scoped3A : memref<!tpu.dma_semaphore, #tpu.memory_space<semaphore_mem>>)
      %dma_wait3A_57 = tpu.memref_slice %arg6[%add3A_4] : memref<4096xi32, #tpu.memory_space<hbm>> -> memref<64xi32, #tpu.memory_space<hbm>>
      %dma_wait3A_58 = tpu.memref_slice %arg6[%add3A_4] : memref<4096xi32, #tpu.memory_space<hbm>> -> memref<64xi32, #tpu.memory_space<hbm>>
      tpu.wait_dma2 semaphore(%run_scoped3A : memref<!tpu.dma_semaphore, #tpu.memory_space<semaphore_mem>>) src(%dma_wait3A_58 : memref<64xi32, #tpu.memory_space<hbm>>) dst(%arg13 : memref<64xi32, #tpu.memory_space<vmem>>)
      tpu.yield
    }) : () -> ()
    %dma_start3A = arith.constant 0 : i32
    %dma_start3A_5 = arith.constant 0 : i32
    %dma_start3A_6 = tpu.memref_slice %arg7[%dma_start3A, %dma_start3A_5] : memref<10240x768xf32, #tpu.memory_space<hbm>> -> memref<10240x768xf32, #tpu.memory_space<hbm>>
    tpu.enqueue_indirect_dma source(%arg9 : memref<64x768xf32, #tpu.memory_space<vmem>>) target(%dma_start3A_6 : memref<10240x768xf32, #tpu.memory_space<hbm>>) offsets(%arg10 : memref<64xi32, #tpu.memory_space<vmem>>) semaphore(%arg14 : memref<!tpu.dma_semaphore, #tpu.memory_space<semaphore_mem>>)
    %dma_start3A_7 = arith.constant 0 : i32
    %dma_start3A_8 = arith.constant 0 : i32
    %dma_start3A_9 = tpu.memref_slice %arg7[%dma_start3A_7, %dma_start3A_8] : memref<10240x768xf32, #tpu.memory_space<hbm>> -> memref<10240x768xf32, #tpu.memory_space<hbm>>
    tpu.enqueue_indirect_dma source(%arg9 : memref<64x768xf32, #tpu.memory_space<vmem>>) target(%dma_start3A_9 : memref<10240x768xf32, #tpu.memory_space<hbm>>) offsets(%arg11 : memref<64xi32, #tpu.memory_space<vmem>>) semaphore(%arg14 : memref<!tpu.dma_semaphore, #tpu.memory_space<semaphore_mem>>)
    %dma_start3A_10 = arith.constant 0 : i32
    %dma_start3A_11 = arith.constant 0 : i32
    %dma_start3A_12 = tpu.memref_slice %arg8[%dma_start3A_10, %dma_start3A_11] : memref<10240x768xf32, #tpu.memory_space<hbm>> -> memref<10240x768xf32, #tpu.memory_space<hbm>>
    tpu.enqueue_indirect_dma source(%arg9 : memref<64x768xf32, #tpu.memory_space<vmem>>) target(%dma_start3A_12 : memref<10240x768xf32, #tpu.memory_space<hbm>>) offsets(%arg12 : memref<64xi32, #tpu.memory_space<vmem>>) semaphore(%arg14 : memref<!tpu.dma_semaphore, #tpu.memory_space<semaphore_mem>>)
    %dma_start3A_13 = arith.constant 0 : i32
    %dma_start3A_14 = arith.constant 0 : i32
    %dma_start3A_15 = tpu.memref_slice %arg8[%dma_start3A_13, %dma_start3A_14] : memref<10240x768xf32, #tpu.memory_space<hbm>> -> memref<10240x768xf32, #tpu.memory_space<hbm>>
    tpu.enqueue_indirect_dma source(%arg9 : memref<64x768xf32, #tpu.memory_space<vmem>>) target(%dma_start3A_15 : memref<10240x768xf32, #tpu.memory_space<hbm>>) offsets(%arg13 : memref<64xi32, #tpu.memory_space<vmem>>) semaphore(%arg14 : memref<!tpu.dma_semaphore, #tpu.memory_space<semaphore_mem>>)
    %dma_wait3A = arith.constant 0 : i32
    %dma_wait3A_16 = arith.constant 0 : i32
    %dma_wait3A_17 = tpu.memref_slice %arg7[%dma_wait3A, %dma_wait3A_16] : memref<10240x768xf32, #tpu.memory_space<hbm>> -> memref<10240x768xf32, #tpu.memory_space<hbm>>
    tpu.wait_indirect_dma semaphore(%arg14 : memref<!tpu.dma_semaphore, #tpu.memory_space<semaphore_mem>>) src(%arg9 : memref<64x768xf32, #tpu.memory_space<vmem>>) dst(%dma_wait3A_17 : memref<10240x768xf32, #tpu.memory_space<hbm>>)
    %dma_wait3A_18 = arith.constant 0 : i32
    %dma_wait3A_19 = arith.constant 0 : i32
    %dma_wait3A_20 = tpu.memref_slice %arg7[%dma_wait3A_18, %dma_wait3A_19] : memref<10240x768xf32, #tpu.memory_space<hbm>> -> memref<10240x768xf32, #tpu.memory_space<hbm>>
    tpu.wait_indirect_dma semaphore(%arg14 : memref<!tpu.dma_semaphore, #tpu.memory_space<semaphore_mem>>) src(%arg9 : memref<64x768xf32, #tpu.memory_space<vmem>>) dst(%dma_wait3A_20 : memref<10240x768xf32, #tpu.memory_space<hbm>>)
    %dma_wait3A_21 = arith.constant 0 : i32
    %dma_wait3A_22 = arith.constant 0 : i32
    %dma_wait3A_23 = tpu.memref_slice %arg8[%dma_wait3A_21, %dma_wait3A_22] : memref<10240x768xf32, #tpu.memory_space<hbm>> -> memref<10240x768xf32, #tpu.memory_space<hbm>>
    tpu.wait_indirect_dma semaphore(%arg14 : memref<!tpu.dma_semaphore, #tpu.memory_space<semaphore_mem>>) src(%arg9 : memref<64x768xf32, #tpu.memory_space<vmem>>) dst(%dma_wait3A_23 : memref<10240x768xf32, #tpu.memory_space<hbm>>)
    %dma_wait3A_24 = arith.constant 0 : i32
    %dma_wait3A_25 = arith.constant 0 : i32
    %dma_wait3A_26 = tpu.memref_slice %arg8[%dma_wait3A_24, %dma_wait3A_25] : memref<10240x768xf32, #tpu.memory_space<hbm>> -> memref<10240x768xf32, #tpu.memory_space<hbm>>
    tpu.wait_indirect_dma semaphore(%arg14 : memref<!tpu.dma_semaphore, #tpu.memory_space<semaphore_mem>>) src(%arg9 : memref<64x768xf32, #tpu.memory_space<vmem>>) dst(%dma_wait3A_26 : memref<10240x768xf32, #tpu.memory_space<hbm>>)
    %mul3A_27 = arith.constant 128 : i32
    %mul3A_28 = arith.muli %add3A, %mul3A_27 : i32
    %add3A_29 = arith.constant 64 : i32
    %add3A_30 = arith.addi %mul3A_28, %add3A_29 : i32
    "tpu.region"() ({
      %run_scoped3A = tpu.sem_alloc : memref<!tpu.dma_semaphore, #tpu.memory_space<semaphore_mem>>
      %dma_start3A_55 = arith.constant 0 : i32
      %dma_start3A_56 = tpu.memref_slice %arg2[%add3A_30, %dma_start3A_55] : memref<4096x768xf32, #tpu.memory_space<hbm>> -> memref<64x768xf32, #tpu.memory_space<hbm>>
      %dma_start3A_57 = arith.constant 0 : i32
      %dma_start3A_58 = tpu.memref_slice %arg2[%add3A_30, %dma_start3A_57] : memref<4096x768xf32, #tpu.memory_space<hbm>> -> memref<64x768xf32, #tpu.memory_space<hbm>>
      tpu.enqueue_dma source(%dma_start3A_58 : memref<64x768xf32, #tpu.memory_space<hbm>>) target(%arg9 : memref<64x768xf32, #tpu.memory_space<vmem>>) target_semaphore(%run_scoped3A : memref<!tpu.dma_semaphore, #tpu.memory_space<semaphore_mem>>)
      %dma_wait3A_59 = arith.constant 0 : i32
      %dma_wait3A_60 = tpu.memref_slice %arg2[%add3A_30, %dma_wait3A_59] : memref<4096x768xf32, #tpu.memory_space<hbm>> -> memref<64x768xf32, #tpu.memory_space<hbm>>
      %dma_wait3A_61 = arith.constant 0 : i32
      %dma_wait3A_62 = tpu.memref_slice %arg2[%add3A_30, %dma_wait3A_61] : memref<4096x768xf32, #tpu.memory_space<hbm>> -> memref<64x768xf32, #tpu.memory_space<hbm>>
      tpu.wait_dma2 semaphore(%run_scoped3A : memref<!tpu.dma_semaphore, #tpu.memory_space<semaphore_mem>>) src(%dma_wait3A_62 : memref<64x768xf32, #tpu.memory_space<hbm>>) dst(%arg9 : memref<64x768xf32, #tpu.memory_space<vmem>>)
      tpu.yield
    }) : () -> ()
    "tpu.region"() ({
      %run_scoped3A = tpu.sem_alloc : memref<!tpu.dma_semaphore, #tpu.memory_space<semaphore_mem>>
      %dma_start3A_55 = tpu.memref_slice %arg3[%add3A_30] : memref<4096xi32, #tpu.memory_space<hbm>> -> memref<64xi32, #tpu.memory_space<hbm>>
      %dma_start3A_56 = tpu.memref_slice %arg3[%add3A_30] : memref<4096xi32, #tpu.memory_space<hbm>> -> memref<64xi32, #tpu.memory_space<hbm>>
      tpu.enqueue_dma source(%dma_start3A_56 : memref<64xi32, #tpu.memory_space<hbm>>) target(%arg10 : memref<64xi32, #tpu.memory_space<vmem>>) target_semaphore(%run_scoped3A : memref<!tpu.dma_semaphore, #tpu.memory_space<semaphore_mem>>)
      %dma_wait3A_57 = tpu.memref_slice %arg3[%add3A_30] : memref<4096xi32, #tpu.memory_space<hbm>> -> memref<64xi32, #tpu.memory_space<hbm>>
      %dma_wait3A_58 = tpu.memref_slice %arg3[%add3A_30] : memref<4096xi32, #tpu.memory_space<hbm>> -> memref<64xi32, #tpu.memory_space<hbm>>
      tpu.wait_dma2 semaphore(%run_scoped3A : memref<!tpu.dma_semaphore, #tpu.memory_space<semaphore_mem>>) src(%dma_wait3A_58 : memref<64xi32, #tpu.memory_space<hbm>>) dst(%arg10 : memref<64xi32, #tpu.memory_space<vmem>>)
      tpu.yield
    }) : () -> ()
    "tpu.region"() ({
      %run_scoped3A = tpu.sem_alloc : memref<!tpu.dma_semaphore, #tpu.memory_space<semaphore_mem>>
      %dma_start3A_55 = tpu.memref_slice %arg4[%add3A_30] : memref<4096xi32, #tpu.memory_space<hbm>> -> memref<64xi32, #tpu.memory_space<hbm>>
      %dma_start3A_56 = tpu.memref_slice %arg4[%add3A_30] : memref<4096xi32, #tpu.memory_space<hbm>> -> memref<64xi32, #tpu.memory_space<hbm>>
      tpu.enqueue_dma source(%dma_start3A_56 : memref<64xi32, #tpu.memory_space<hbm>>) target(%arg11 : memref<64xi32, #tpu.memory_space<vmem>>) target_semaphore(%run_scoped3A : memref<!tpu.dma_semaphore, #tpu.memory_space<semaphore_mem>>)
      %dma_wait3A_57 = tpu.memref_slice %arg4[%add3A_30] : memref<4096xi32, #tpu.memory_space<hbm>> -> memref<64xi32, #tpu.memory_space<hbm>>
      %dma_wait3A_58 = tpu.memref_slice %arg4[%add3A_30] : memref<4096xi32, #tpu.memory_space<hbm>> -> memref<64xi32, #tpu.memory_space<hbm>>
      tpu.wait_dma2 semaphore(%run_scoped3A : memref<!tpu.dma_semaphore, #tpu.memory_space<semaphore_mem>>) src(%dma_wait3A_58 : memref<64xi32, #tpu.memory_space<hbm>>) dst(%arg11 : memref<64xi32, #tpu.memory_space<vmem>>)
      tpu.yield
    }) : () -> ()
    "tpu.region"() ({
      %run_scoped3A = tpu.sem_alloc : memref<!tpu.dma_semaphore, #tpu.memory_space<semaphore_mem>>
      %dma_start3A_55 = tpu.memref_slice %arg5[%add3A_30] : memref<4096xi32, #tpu.memory_space<hbm>> -> memref<64xi32, #tpu.memory_space<hbm>>
      %dma_start3A_56 = tpu.memref_slice %arg5[%add3A_30] : memref<4096xi32, #tpu.memory_space<hbm>> -> memref<64xi32, #tpu.memory_space<hbm>>
      tpu.enqueue_dma source(%dma_start3A_56 : memref<64xi32, #tpu.memory_space<hbm>>) target(%arg12 : memref<64xi32, #tpu.memory_space<vmem>>) target_semaphore(%run_scoped3A : memref<!tpu.dma_semaphore, #tpu.memory_space<semaphore_mem>>)
      %dma_wait3A_57 = tpu.memref_slice %arg5[%add3A_30] : memref<4096xi32, #tpu.memory_space<hbm>> -> memref<64xi32, #tpu.memory_space<hbm>>
      %dma_wait3A_58 = tpu.memref_slice %arg5[%add3A_30] : memref<4096xi32, #tpu.memory_space<hbm>> -> memref<64xi32, #tpu.memory_space<hbm>>
      tpu.wait_dma2 semaphore(%run_scoped3A : memref<!tpu.dma_semaphore, #tpu.memory_space<semaphore_mem>>) src(%dma_wait3A_58 : memref<64xi32, #tpu.memory_space<hbm>>) dst(%arg12 : memref<64xi32, #tpu.memory_space<vmem>>)
      tpu.yield
    }) : () -> ()
    "tpu.region"() ({
      %run_scoped3A = tpu.sem_alloc : memref<!tpu.dma_semaphore, #tpu.memory_space<semaphore_mem>>
      %dma_start3A_55 = tpu.memref_slice %arg6[%add3A_30] : memref<4096xi32, #tpu.memory_space<hbm>> -> memref<64xi32, #tpu.memory_space<hbm>>
      %dma_start3A_56 = tpu.memref_slice %arg6[%add3A_30] : memref<4096xi32, #tpu.memory_space<hbm>> -> memref<64xi32, #tpu.memory_space<hbm>>
      tpu.enqueue_dma source(%dma_start3A_56 : memref<64xi32, #tpu.memory_space<hbm>>) target(%arg13 : memref<64xi32, #tpu.memory_space<vmem>>) target_semaphore(%run_scoped3A : memref<!tpu.dma_semaphore, #tpu.memory_space<semaphore_mem>>)
      %dma_wait3A_57 = tpu.memref_slice %arg6[%add3A_30] : memref<4096xi32, #tpu.memory_space<hbm>> -> memref<64xi32, #tpu.memory_space<hbm>>
      %dma_wait3A_58 = tpu.memref_slice %arg6[%add3A_30] : memref<4096xi32, #tpu.memory_space<hbm>> -> memref<64xi32, #tpu.memory_space<hbm>>
      tpu.wait_dma2 semaphore(%run_scoped3A : memref<!tpu.dma_semaphore, #tpu.memory_space<semaphore_mem>>) src(%dma_wait3A_58 : memref<64xi32, #tpu.memory_space<hbm>>) dst(%arg13 : memref<64xi32, #tpu.memory_space<vmem>>)
      tpu.yield
    }) : () -> ()
    %dma_start3A_31 = arith.constant 0 : i32
    %dma_start3A_32 = arith.constant 0 : i32
    %dma_start3A_33 = tpu.memref_slice %arg7[%dma_start3A_31, %dma_start3A_32] : memref<10240x768xf32, #tpu.memory_space<hbm>> -> memref<10240x768xf32, #tpu.memory_space<hbm>>
    tpu.enqueue_indirect_dma source(%arg9 : memref<64x768xf32, #tpu.memory_space<vmem>>) target(%dma_start3A_33 : memref<10240x768xf32, #tpu.memory_space<hbm>>) offsets(%arg10 : memref<64xi32, #tpu.memory_space<vmem>>) semaphore(%arg14 : memref<!tpu.dma_semaphore, #tpu.memory_space<semaphore_mem>>)
    %dma_start3A_34 = arith.constant 0 : i32
    %dma_start3A_35 = arith.constant 0 : i32
    %dma_start3A_36 = tpu.memref_slice %arg7[%dma_start3A_34, %dma_start3A_35] : memref<10240x768xf32, #tpu.memory_space<hbm>> -> memref<10240x768xf32, #tpu.memory_space<hbm>>
    tpu.enqueue_indirect_dma source(%arg9 : memref<64x768xf32, #tpu.memory_space<vmem>>) target(%dma_start3A_36 : memref<10240x768xf32, #tpu.memory_space<hbm>>) offsets(%arg11 : memref<64xi32, #tpu.memory_space<vmem>>) semaphore(%arg14 : memref<!tpu.dma_semaphore, #tpu.memory_space<semaphore_mem>>)
    %dma_start3A_37 = arith.constant 0 : i32
    %dma_start3A_38 = arith.constant 0 : i32
    %dma_start3A_39 = tpu.memref_slice %arg8[%dma_start3A_37, %dma_start3A_38] : memref<10240x768xf32, #tpu.memory_space<hbm>> -> memref<10240x768xf32, #tpu.memory_space<hbm>>
    tpu.enqueue_indirect_dma source(%arg9 : memref<64x768xf32, #tpu.memory_space<vmem>>) target(%dma_start3A_39 : memref<10240x768xf32, #tpu.memory_space<hbm>>) offsets(%arg12 : memref<64xi32, #tpu.memory_space<vmem>>) semaphore(%arg14 : memref<!tpu.dma_semaphore, #tpu.memory_space<semaphore_mem>>)
    %dma_start3A_40 = arith.constant 0 : i32
    %dma_start3A_41 = arith.constant 0 : i32
    %dma_start3A_42 = tpu.memref_slice %arg8[%dma_start3A_40, %dma_start3A_41] : memref<10240x768xf32, #tpu.memory_space<hbm>> -> memref<10240x768xf32, #tpu.memory_space<hbm>>
    tpu.enqueue_indirect_dma source(%arg9 : memref<64x768xf32, #tpu.memory_space<vmem>>) target(%dma_start3A_42 : memref<10240x768xf32, #tpu.memory_space<hbm>>) offsets(%arg13 : memref<64xi32, #tpu.memory_space<vmem>>) semaphore(%arg14 : memref<!tpu.dma_semaphore, #tpu.memory_space<semaphore_mem>>)
    %dma_wait3A_43 = arith.constant 0 : i32
    %dma_wait3A_44 = arith.constant 0 : i32
    %dma_wait3A_45 = tpu.memref_slice %arg7[%dma_wait3A_43, %dma_wait3A_44] : memref<10240x768xf32, #tpu.memory_space<hbm>> -> memref<10240x768xf32, #tpu.memory_space<hbm>>
    tpu.wait_indirect_dma semaphore(%arg14 : memref<!tpu.dma_semaphore, #tpu.memory_space<semaphore_mem>>) src(%arg9 : memref<64x768xf32, #tpu.memory_space<vmem>>) dst(%dma_wait3A_45 : memref<10240x768xf32, #tpu.memory_space<hbm>>)
    %dma_wait3A_46 = arith.constant 0 : i32
    %dma_wait3A_47 = arith.constant 0 : i32
    %dma_wait3A_48 = tpu.memref_slice %arg7[%dma_wait3A_46, %dma_wait3A_47] : memref<10240x768xf32, #tpu.memory_space<hbm>> -> memref<10240x768xf32, #tpu.memory_space<hbm>>
    tpu.wait_indirect_dma semaphore(%arg14 : memref<!tpu.dma_semaphore, #tpu.memory_space<semaphore_mem>>) src(%arg9 : memref<64x768xf32, #tpu.memory_space<vmem>>) dst(%dma_wait3A_48 : memref<10240x768xf32, #tpu.memory_space<hbm>>)
    %dma_wait3A_49 = arith.constant 0 : i32
    %dma_wait3A_50 = arith.constant 0 : i32
    %dma_wait3A_51 = tpu.memref_slice %arg8[%dma_wait3A_49, %dma_wait3A_50] : memref<10240x768xf32, #tpu.memory_space<hbm>> -> memref<10240x768xf32, #tpu.memory_space<hbm>>
    tpu.wait_indirect_dma semaphore(%arg14 : memref<!tpu.dma_semaphore, #tpu.memory_space<semaphore_mem>>) src(%arg9 : memref<64x768xf32, #tpu.memory_space<vmem>>) dst(%dma_wait3A_51 : memref<10240x768xf32, #tpu.memory_space<hbm>>)
    %dma_wait3A_52 = arith.constant 0 : i32
    %dma_wait3A_53 = arith.constant 0 : i32
    %dma_wait3A_54 = tpu.memref_slice %arg8[%dma_wait3A_52, %dma_wait3A_53] : memref<10240x768xf32, #tpu.memory_space<hbm>> -> memref<10240x768xf32, #tpu.memory_space<hbm>>
    tpu.wait_indirect_dma semaphore(%arg14 : memref<!tpu.dma_semaphore, #tpu.memory_space<semaphore_mem>>) src(%arg9 : memref<64x768xf32, #tpu.memory_space<vmem>>) dst(%dma_wait3A_54 : memref<10240x768xf32, #tpu.memory_space<hbm>>)
    return
  }
}

#map = affine_map<(d0, d1) -> (0, 0)>
#map1 = affine_map<(d0, d1) -> (0)>
module attributes {stable_mosaic.version = 14 : i64} {
  func.func @_sc_combine_body(%arg0: i32, %arg1: i32, %arg2: memref<10240x384xf32, #tpu.memory_space<hbm>>, %arg3: memref<10240x384xf32, #tpu.memory_space<hbm>>, %arg4: memref<8192xi32, #tpu.memory_space<hbm>>, %arg5: memref<8192xi32, #tpu.memory_space<hbm>>, %arg6: memref<8192x384xf32, #tpu.memory_space<hbm>>, %arg7: memref<8192x384xf32, #tpu.memory_space<hbm>>, %arg8: memref<128x384xf32, #tpu.memory_space<vmem>>, %arg9: memref<128x384xf32, #tpu.memory_space<vmem>>, %arg10: memref<128xi32, #tpu.memory_space<vmem>>, %arg11: memref<128xi32, #tpu.memory_space<vmem>>, %arg12: memref<!tpu.dma_semaphore, #tpu.memory_space<semaphore_mem>>) attributes {dimension_semantics = [#tpu.dimension_semantics<core_parallel>, #tpu.dimension_semantics<subcore_parallel>], iteration_bounds = array<i64: 2, 16>, scalar_prefetch = 0 : i64, scratch_operands = 5 : i64, tpu.core_type = #tpu.core_type<sc_vector_subcore>, window_params = [{transform_indices = #map}, {transform_indices = #map}, {transform_indices = #map1}, {transform_indices = #map1}, {transform_indices = #map}, {transform_indices = #map}]} {
    %mul3A = arith.constant 2 : i32
    %mul3A_0 = arith.muli %arg1, %mul3A : i32
    %add3A = arith.addi %mul3A_0, %arg0 : i32
    %mul3A_1 = arith.constant 256 : i32
    %mul3A_2 = arith.muli %add3A, %mul3A_1 : i32
    %add3A_3 = arith.constant 0 : i32
    %add3A_4 = arith.addi %mul3A_2, %add3A_3 : i32
    "tpu.region"() ({
      %run_scoped3A = tpu.sem_alloc : memref<!tpu.dma_semaphore, #tpu.memory_space<semaphore_mem>>
      %dma_start3A_31 = tpu.memref_slice %arg4[%add3A_4] : memref<8192xi32, #tpu.memory_space<hbm>> -> memref<128xi32, #tpu.memory_space<hbm>>
      %dma_start3A_32 = tpu.memref_slice %arg4[%add3A_4] : memref<8192xi32, #tpu.memory_space<hbm>> -> memref<128xi32, #tpu.memory_space<hbm>>
      tpu.enqueue_dma source(%dma_start3A_32 : memref<128xi32, #tpu.memory_space<hbm>>) target(%arg10 : memref<128xi32, #tpu.memory_space<vmem>>) target_semaphore(%run_scoped3A : memref<!tpu.dma_semaphore, #tpu.memory_space<semaphore_mem>>)
      %dma_wait3A_33 = tpu.memref_slice %arg4[%add3A_4] : memref<8192xi32, #tpu.memory_space<hbm>> -> memref<128xi32, #tpu.memory_space<hbm>>
      %dma_wait3A_34 = tpu.memref_slice %arg4[%add3A_4] : memref<8192xi32, #tpu.memory_space<hbm>> -> memref<128xi32, #tpu.memory_space<hbm>>
      tpu.wait_dma2 semaphore(%run_scoped3A : memref<!tpu.dma_semaphore, #tpu.memory_space<semaphore_mem>>) src(%dma_wait3A_34 : memref<128xi32, #tpu.memory_space<hbm>>) dst(%arg10 : memref<128xi32, #tpu.memory_space<vmem>>)
      tpu.yield
    }) : () -> ()
    "tpu.region"() ({
      %run_scoped3A = tpu.sem_alloc : memref<!tpu.dma_semaphore, #tpu.memory_space<semaphore_mem>>
      %dma_start3A_31 = tpu.memref_slice %arg5[%add3A_4] : memref<8192xi32, #tpu.memory_space<hbm>> -> memref<128xi32, #tpu.memory_space<hbm>>
      %dma_start3A_32 = tpu.memref_slice %arg5[%add3A_4] : memref<8192xi32, #tpu.memory_space<hbm>> -> memref<128xi32, #tpu.memory_space<hbm>>
      tpu.enqueue_dma source(%dma_start3A_32 : memref<128xi32, #tpu.memory_space<hbm>>) target(%arg11 : memref<128xi32, #tpu.memory_space<vmem>>) target_semaphore(%run_scoped3A : memref<!tpu.dma_semaphore, #tpu.memory_space<semaphore_mem>>)
      %dma_wait3A_33 = tpu.memref_slice %arg5[%add3A_4] : memref<8192xi32, #tpu.memory_space<hbm>> -> memref<128xi32, #tpu.memory_space<hbm>>
      %dma_wait3A_34 = tpu.memref_slice %arg5[%add3A_4] : memref<8192xi32, #tpu.memory_space<hbm>> -> memref<128xi32, #tpu.memory_space<hbm>>
      tpu.wait_dma2 semaphore(%run_scoped3A : memref<!tpu.dma_semaphore, #tpu.memory_space<semaphore_mem>>) src(%dma_wait3A_34 : memref<128xi32, #tpu.memory_space<hbm>>) dst(%arg11 : memref<128xi32, #tpu.memory_space<vmem>>)
      tpu.yield
    }) : () -> ()
    %dma_start3A = arith.constant 0 : i32
    %dma_start3A_5 = arith.constant 0 : i32
    %dma_start3A_6 = tpu.memref_slice %arg2[%dma_start3A, %dma_start3A_5] : memref<10240x384xf32, #tpu.memory_space<hbm>> -> memref<10240x384xf32, #tpu.memory_space<hbm>>
    tpu.enqueue_indirect_dma source(%dma_start3A_6 : memref<10240x384xf32, #tpu.memory_space<hbm>>) target(%arg8 : memref<128x384xf32, #tpu.memory_space<vmem>>) offsets(%arg10 : memref<128xi32, #tpu.memory_space<vmem>>) semaphore(%arg12 : memref<!tpu.dma_semaphore, #tpu.memory_space<semaphore_mem>>)
    %dma_start3A_7 = arith.constant 0 : i32
    %dma_start3A_8 = arith.constant 0 : i32
    %dma_start3A_9 = tpu.memref_slice %arg3[%dma_start3A_7, %dma_start3A_8] : memref<10240x384xf32, #tpu.memory_space<hbm>> -> memref<10240x384xf32, #tpu.memory_space<hbm>>
    tpu.enqueue_indirect_dma source(%dma_start3A_9 : memref<10240x384xf32, #tpu.memory_space<hbm>>) target(%arg9 : memref<128x384xf32, #tpu.memory_space<vmem>>) offsets(%arg11 : memref<128xi32, #tpu.memory_space<vmem>>) semaphore(%arg12 : memref<!tpu.dma_semaphore, #tpu.memory_space<semaphore_mem>>)
    %dma_wait3A = arith.constant 0 : i32
    %dma_wait3A_10 = arith.constant 0 : i32
    %dma_wait3A_11 = tpu.memref_slice %arg2[%dma_wait3A, %dma_wait3A_10] : memref<10240x384xf32, #tpu.memory_space<hbm>> -> memref<10240x384xf32, #tpu.memory_space<hbm>>
    tpu.wait_indirect_dma semaphore(%arg12 : memref<!tpu.dma_semaphore, #tpu.memory_space<semaphore_mem>>) src(%dma_wait3A_11 : memref<10240x384xf32, #tpu.memory_space<hbm>>) dst(%arg8 : memref<128x384xf32, #tpu.memory_space<vmem>>)
    %dma_wait3A_12 = arith.constant 0 : i32
    %dma_wait3A_13 = arith.constant 0 : i32
    %dma_wait3A_14 = tpu.memref_slice %arg3[%dma_wait3A_12, %dma_wait3A_13] : memref<10240x384xf32, #tpu.memory_space<hbm>> -> memref<10240x384xf32, #tpu.memory_space<hbm>>
    tpu.wait_indirect_dma semaphore(%arg12 : memref<!tpu.dma_semaphore, #tpu.memory_space<semaphore_mem>>) src(%dma_wait3A_14 : memref<10240x384xf32, #tpu.memory_space<hbm>>) dst(%arg9 : memref<128x384xf32, #tpu.memory_space<vmem>>)
    "tpu.region"() ({
      %run_scoped3A = tpu.sem_alloc : memref<!tpu.dma_semaphore, #tpu.memory_space<semaphore_mem>>
      %dma_start3A_31 = arith.constant 0 : i32
      %dma_start3A_32 = tpu.memref_slice %arg6[%add3A_4, %dma_start3A_31] : memref<8192x384xf32, #tpu.memory_space<hbm>> -> memref<128x384xf32, #tpu.memory_space<hbm>>
      %dma_start3A_33 = arith.constant 0 : i32
      %dma_start3A_34 = tpu.memref_slice %arg6[%add3A_4, %dma_start3A_33] : memref<8192x384xf32, #tpu.memory_space<hbm>> -> memref<128x384xf32, #tpu.memory_space<hbm>>
      tpu.enqueue_dma source(%arg8 : memref<128x384xf32, #tpu.memory_space<vmem>>) target(%dma_start3A_34 : memref<128x384xf32, #tpu.memory_space<hbm>>) target_semaphore(%run_scoped3A : memref<!tpu.dma_semaphore, #tpu.memory_space<semaphore_mem>>)
      %dma_wait3A_35 = arith.constant 0 : i32
      %dma_wait3A_36 = tpu.memref_slice %arg6[%add3A_4, %dma_wait3A_35] : memref<8192x384xf32, #tpu.memory_space<hbm>> -> memref<128x384xf32, #tpu.memory_space<hbm>>
      %dma_wait3A_37 = arith.constant 0 : i32
      %dma_wait3A_38 = tpu.memref_slice %arg6[%add3A_4, %dma_wait3A_37] : memref<8192x384xf32, #tpu.memory_space<hbm>> -> memref<128x384xf32, #tpu.memory_space<hbm>>
      tpu.wait_dma2 semaphore(%run_scoped3A : memref<!tpu.dma_semaphore, #tpu.memory_space<semaphore_mem>>) src(%arg8 : memref<128x384xf32, #tpu.memory_space<vmem>>) dst(%dma_wait3A_38 : memref<128x384xf32, #tpu.memory_space<hbm>>)
      tpu.yield
    }) : () -> ()
    "tpu.region"() ({
      %run_scoped3A = tpu.sem_alloc : memref<!tpu.dma_semaphore, #tpu.memory_space<semaphore_mem>>
      %dma_start3A_31 = arith.constant 0 : i32
      %dma_start3A_32 = tpu.memref_slice %arg7[%add3A_4, %dma_start3A_31] : memref<8192x384xf32, #tpu.memory_space<hbm>> -> memref<128x384xf32, #tpu.memory_space<hbm>>
      %dma_start3A_33 = arith.constant 0 : i32
      %dma_start3A_34 = tpu.memref_slice %arg7[%add3A_4, %dma_start3A_33] : memref<8192x384xf32, #tpu.memory_space<hbm>> -> memref<128x384xf32, #tpu.memory_space<hbm>>
      tpu.enqueue_dma source(%arg9 : memref<128x384xf32, #tpu.memory_space<vmem>>) target(%dma_start3A_34 : memref<128x384xf32, #tpu.memory_space<hbm>>) target_semaphore(%run_scoped3A : memref<!tpu.dma_semaphore, #tpu.memory_space<semaphore_mem>>)
      %dma_wait3A_35 = arith.constant 0 : i32
      %dma_wait3A_36 = tpu.memref_slice %arg7[%add3A_4, %dma_wait3A_35] : memref<8192x384xf32, #tpu.memory_space<hbm>> -> memref<128x384xf32, #tpu.memory_space<hbm>>
      %dma_wait3A_37 = arith.constant 0 : i32
      %dma_wait3A_38 = tpu.memref_slice %arg7[%add3A_4, %dma_wait3A_37] : memref<8192x384xf32, #tpu.memory_space<hbm>> -> memref<128x384xf32, #tpu.memory_space<hbm>>
      tpu.wait_dma2 semaphore(%run_scoped3A : memref<!tpu.dma_semaphore, #tpu.memory_space<semaphore_mem>>) src(%arg9 : memref<128x384xf32, #tpu.memory_space<vmem>>) dst(%dma_wait3A_38 : memref<128x384xf32, #tpu.memory_space<hbm>>)
      tpu.yield
    }) : () -> ()
    %mul3A_15 = arith.constant 256 : i32
    %mul3A_16 = arith.muli %add3A, %mul3A_15 : i32
    %add3A_17 = arith.constant 128 : i32
    %add3A_18 = arith.addi %mul3A_16, %add3A_17 : i32
    "tpu.region"() ({
      %run_scoped3A = tpu.sem_alloc : memref<!tpu.dma_semaphore, #tpu.memory_space<semaphore_mem>>
      %dma_start3A_31 = tpu.memref_slice %arg4[%add3A_18] : memref<8192xi32, #tpu.memory_space<hbm>> -> memref<128xi32, #tpu.memory_space<hbm>>
      %dma_start3A_32 = tpu.memref_slice %arg4[%add3A_18] : memref<8192xi32, #tpu.memory_space<hbm>> -> memref<128xi32, #tpu.memory_space<hbm>>
      tpu.enqueue_dma source(%dma_start3A_32 : memref<128xi32, #tpu.memory_space<hbm>>) target(%arg10 : memref<128xi32, #tpu.memory_space<vmem>>) target_semaphore(%run_scoped3A : memref<!tpu.dma_semaphore, #tpu.memory_space<semaphore_mem>>)
      %dma_wait3A_33 = tpu.memref_slice %arg4[%add3A_18] : memref<8192xi32, #tpu.memory_space<hbm>> -> memref<128xi32, #tpu.memory_space<hbm>>
      %dma_wait3A_34 = tpu.memref_slice %arg4[%add3A_18] : memref<8192xi32, #tpu.memory_space<hbm>> -> memref<128xi32, #tpu.memory_space<hbm>>
      tpu.wait_dma2 semaphore(%run_scoped3A : memref<!tpu.dma_semaphore, #tpu.memory_space<semaphore_mem>>) src(%dma_wait3A_34 : memref<128xi32, #tpu.memory_space<hbm>>) dst(%arg10 : memref<128xi32, #tpu.memory_space<vmem>>)
      tpu.yield
    }) : () -> ()
    "tpu.region"() ({
      %run_scoped3A = tpu.sem_alloc : memref<!tpu.dma_semaphore, #tpu.memory_space<semaphore_mem>>
      %dma_start3A_31 = tpu.memref_slice %arg5[%add3A_18] : memref<8192xi32, #tpu.memory_space<hbm>> -> memref<128xi32, #tpu.memory_space<hbm>>
      %dma_start3A_32 = tpu.memref_slice %arg5[%add3A_18] : memref<8192xi32, #tpu.memory_space<hbm>> -> memref<128xi32, #tpu.memory_space<hbm>>
      tpu.enqueue_dma source(%dma_start3A_32 : memref<128xi32, #tpu.memory_space<hbm>>) target(%arg11 : memref<128xi32, #tpu.memory_space<vmem>>) target_semaphore(%run_scoped3A : memref<!tpu.dma_semaphore, #tpu.memory_space<semaphore_mem>>)
      %dma_wait3A_33 = tpu.memref_slice %arg5[%add3A_18] : memref<8192xi32, #tpu.memory_space<hbm>> -> memref<128xi32, #tpu.memory_space<hbm>>
      %dma_wait3A_34 = tpu.memref_slice %arg5[%add3A_18] : memref<8192xi32, #tpu.memory_space<hbm>> -> memref<128xi32, #tpu.memory_space<hbm>>
      tpu.wait_dma2 semaphore(%run_scoped3A : memref<!tpu.dma_semaphore, #tpu.memory_space<semaphore_mem>>) src(%dma_wait3A_34 : memref<128xi32, #tpu.memory_space<hbm>>) dst(%arg11 : memref<128xi32, #tpu.memory_space<vmem>>)
      tpu.yield
    }) : () -> ()
    %dma_start3A_19 = arith.constant 0 : i32
    %dma_start3A_20 = arith.constant 0 : i32
    %dma_start3A_21 = tpu.memref_slice %arg2[%dma_start3A_19, %dma_start3A_20] : memref<10240x384xf32, #tpu.memory_space<hbm>> -> memref<10240x384xf32, #tpu.memory_space<hbm>>
    tpu.enqueue_indirect_dma source(%dma_start3A_21 : memref<10240x384xf32, #tpu.memory_space<hbm>>) target(%arg8 : memref<128x384xf32, #tpu.memory_space<vmem>>) offsets(%arg10 : memref<128xi32, #tpu.memory_space<vmem>>) semaphore(%arg12 : memref<!tpu.dma_semaphore, #tpu.memory_space<semaphore_mem>>)
    %dma_start3A_22 = arith.constant 0 : i32
    %dma_start3A_23 = arith.constant 0 : i32
    %dma_start3A_24 = tpu.memref_slice %arg3[%dma_start3A_22, %dma_start3A_23] : memref<10240x384xf32, #tpu.memory_space<hbm>> -> memref<10240x384xf32, #tpu.memory_space<hbm>>
    tpu.enqueue_indirect_dma source(%dma_start3A_24 : memref<10240x384xf32, #tpu.memory_space<hbm>>) target(%arg9 : memref<128x384xf32, #tpu.memory_space<vmem>>) offsets(%arg11 : memref<128xi32, #tpu.memory_space<vmem>>) semaphore(%arg12 : memref<!tpu.dma_semaphore, #tpu.memory_space<semaphore_mem>>)
    %dma_wait3A_25 = arith.constant 0 : i32
    %dma_wait3A_26 = arith.constant 0 : i32
    %dma_wait3A_27 = tpu.memref_slice %arg2[%dma_wait3A_25, %dma_wait3A_26] : memref<10240x384xf32, #tpu.memory_space<hbm>> -> memref<10240x384xf32, #tpu.memory_space<hbm>>
    tpu.wait_indirect_dma semaphore(%arg12 : memref<!tpu.dma_semaphore, #tpu.memory_space<semaphore_mem>>) src(%dma_wait3A_27 : memref<10240x384xf32, #tpu.memory_space<hbm>>) dst(%arg8 : memref<128x384xf32, #tpu.memory_space<vmem>>)
    %dma_wait3A_28 = arith.constant 0 : i32
    %dma_wait3A_29 = arith.constant 0 : i32
    %dma_wait3A_30 = tpu.memref_slice %arg3[%dma_wait3A_28, %dma_wait3A_29] : memref<10240x384xf32, #tpu.memory_space<hbm>> -> memref<10240x384xf32, #tpu.memory_space<hbm>>
    tpu.wait_indirect_dma semaphore(%arg12 : memref<!tpu.dma_semaphore, #tpu.memory_space<semaphore_mem>>) src(%dma_wait3A_30 : memref<10240x384xf32, #tpu.memory_space<hbm>>) dst(%arg9 : memref<128x384xf32, #tpu.memory_space<vmem>>)
    "tpu.region"() ({
      %run_scoped3A = tpu.sem_alloc : memref<!tpu.dma_semaphore, #tpu.memory_space<semaphore_mem>>
      %dma_start3A_31 = arith.constant 0 : i32
      %dma_start3A_32 = tpu.memref_slice %arg6[%add3A_18, %dma_start3A_31] : memref<8192x384xf32, #tpu.memory_space<hbm>> -> memref<128x384xf32, #tpu.memory_space<hbm>>
      %dma_start3A_33 = arith.constant 0 : i32
      %dma_start3A_34 = tpu.memref_slice %arg6[%add3A_18, %dma_start3A_33] : memref<8192x384xf32, #tpu.memory_space<hbm>> -> memref<128x384xf32, #tpu.memory_space<hbm>>
      tpu.enqueue_dma source(%arg8 : memref<128x384xf32, #tpu.memory_space<vmem>>) target(%dma_start3A_34 : memref<128x384xf32, #tpu.memory_space<hbm>>) target_semaphore(%run_scoped3A : memref<!tpu.dma_semaphore, #tpu.memory_space<semaphore_mem>>)
      %dma_wait3A_35 = arith.constant 0 : i32
      %dma_wait3A_36 = tpu.memref_slice %arg6[%add3A_18, %dma_wait3A_35] : memref<8192x384xf32, #tpu.memory_space<hbm>> -> memref<128x384xf32, #tpu.memory_space<hbm>>
      %dma_wait3A_37 = arith.constant 0 : i32
      %dma_wait3A_38 = tpu.memref_slice %arg6[%add3A_18, %dma_wait3A_37] : memref<8192x384xf32, #tpu.memory_space<hbm>> -> memref<128x384xf32, #tpu.memory_space<hbm>>
      tpu.wait_dma2 semaphore(%run_scoped3A : memref<!tpu.dma_semaphore, #tpu.memory_space<semaphore_mem>>) src(%arg8 : memref<128x384xf32, #tpu.memory_space<vmem>>) dst(%dma_wait3A_38 : memref<128x384xf32, #tpu.memory_space<hbm>>)
      tpu.yield
    }) : () -> ()
    "tpu.region"() ({
      %run_scoped3A = tpu.sem_alloc : memref<!tpu.dma_semaphore, #tpu.memory_space<semaphore_mem>>
      %dma_start3A_31 = arith.constant 0 : i32
      %dma_start3A_32 = tpu.memref_slice %arg7[%add3A_18, %dma_start3A_31] : memref<8192x384xf32, #tpu.memory_space<hbm>> -> memref<128x384xf32, #tpu.memory_space<hbm>>
      %dma_start3A_33 = arith.constant 0 : i32
      %dma_start3A_34 = tpu.memref_slice %arg7[%add3A_18, %dma_start3A_33] : memref<8192x384xf32, #tpu.memory_space<hbm>> -> memref<128x384xf32, #tpu.memory_space<hbm>>
      tpu.enqueue_dma source(%arg9 : memref<128x384xf32, #tpu.memory_space<vmem>>) target(%dma_start3A_34 : memref<128x384xf32, #tpu.memory_space<hbm>>) target_semaphore(%run_scoped3A : memref<!tpu.dma_semaphore, #tpu.memory_space<semaphore_mem>>)
      %dma_wait3A_35 = arith.constant 0 : i32
      %dma_wait3A_36 = tpu.memref_slice %arg7[%add3A_18, %dma_wait3A_35] : memref<8192x384xf32, #tpu.memory_space<hbm>> -> memref<128x384xf32, #tpu.memory_space<hbm>>
      %dma_wait3A_37 = arith.constant 0 : i32
      %dma_wait3A_38 = tpu.memref_slice %arg7[%add3A_18, %dma_wait3A_37] : memref<8192x384xf32, #tpu.memory_space<hbm>> -> memref<128x384xf32, #tpu.memory_space<hbm>>
      tpu.wait_dma2 semaphore(%run_scoped3A : memref<!tpu.dma_semaphore, #tpu.memory_space<semaphore_mem>>) src(%arg9 : memref<128x384xf32, #tpu.memory_space<vmem>>) dst(%dma_wait3A_38 : memref<128x384xf32, #tpu.memory_space<hbm>>)
      tpu.yield
    }) : () -> ()
    return
  }
}

module attributes {stable_mosaic.version = 14 : i64} {
  func.func @_k2_body(%arg0: i32, %arg1: i32, %arg2: i32, %arg3: memref<512x768xbf16, #tpu.memory_space<vmem>>, %arg4: memref<512x768xbf16, #tpu.memory_space<vmem>>, %arg5: memref<512x768xbf16, #tpu.memory_space<vmem>>, %arg6: memref<512x768xf32, #tpu.memory_space<vmem>>, %arg7: memref<768x768xbf16, #tpu.memory_space<vmem>>, %arg8: memref<1x768xf32, #tpu.memory_space<vmem>>, %arg9: memref<1x768xf32, #tpu.memory_space<vmem>>, %arg10: memref<1x768xf32, #tpu.memory_space<vmem>>, %arg11: memref<1x768xf32, #tpu.memory_space<vmem>>, %arg12: memref<768x8xf32, #tpu.memory_space<vmem>>, %arg13: memref<768x8xf32, #tpu.memory_space<vmem>>, %arg14: memref<512x768xf32, #tpu.memory_space<vmem>>, %arg15: memref<512x768xf32, #tpu.memory_space<vmem>>, %arg16: memref<512x8xf32, #tpu.memory_space<vmem>>, %arg17: memref<512x8xf32, #tpu.memory_space<vmem>>, %arg18: memref<12x512x64xf32, #tpu.memory_space<vmem>>, %arg19: memref<12x512x1xf32, #tpu.memory_space<vmem>>) attributes {dimension_semantics = [#tpu.dimension_semantics<arbitrary>, #tpu.dimension_semantics<arbitrary>, #tpu.dimension_semantics<arbitrary>], iteration_bounds = array<i64: 2, 4, 4>, scalar_prefetch = 0 : i64, scratch_operands = 2 : i64, tpu.core_type = #tpu.core_type<tc>, window_params = [{transform_indices = @transform_0, window_bounds = array<i64: 512, 768>}, {transform_indices = @transform_1, window_bounds = array<i64: 512, 768>}, {transform_indices = @transform_2, window_bounds = array<i64: 512, 768>}, {transform_indices = @transform_3, window_bounds = array<i64: 512, 768>}, {pipeline_mode = #tpu.pipeline_mode<synchronous>, transform_indices = @transform_4, window_bounds = array<i64: 768, 768>}, {pipeline_mode = #tpu.pipeline_mode<synchronous>, transform_indices = @transform_5, window_bounds = array<i64: 1, 768>}, {pipeline_mode = #tpu.pipeline_mode<synchronous>, transform_indices = @transform_6, window_bounds = array<i64: 1, 768>}, {pipeline_mode = #tpu.pipeline_mode<synchronous>, transform_indices = @transform_7, window_bounds = array<i64: 1, 768>}, {pipeline_mode = #tpu.pipeline_mode<synchronous>, transform_indices = @transform_8, window_bounds = array<i64: 1, 768>}, {pipeline_mode = #tpu.pipeline_mode<synchronous>, transform_indices = @transform_9, window_bounds = array<i64: 768, 8>}, {pipeline_mode = #tpu.pipeline_mode<synchronous>, transform_indices = @transform_10, window_bounds = array<i64: 768, 8>}, {transform_indices = @transform_11, window_bounds = array<i64: 512, 768>}, {transform_indices = @transform_12, window_bounds = array<i64: 512, 768>}, {transform_indices = @transform_13, window_bounds = array<i64: 512, 8>}, {transform_indices = @transform_14, window_bounds = array<i64: 512, 8>}]} {
    %eq3A = arith.constant 0 : i32
    %eq3A_0 = arith.cmpi eq, %arg2, %eq3A : i32
    %convert_element_type3A = arith.extui %eq3A_0 : i1 to i32
    %cond3A = arith.constant 0 : i32
    %cond3A_1 = arith.cmpi ne, %convert_element_type3A, %cond3A : i32
    scf.if %cond3A_1 {
      %broadcast_in_dim3A = arith.constant 0.000000e+00 : f32
      %broadcast_in_dim3A_9 = vector.broadcast %broadcast_in_dim3A : f32 to vector<12x512x64xf32>
      %swap3A = arith.constant 0 : index
      %swap3A_10 = arith.constant 0 : index
      %swap3A_11 = arith.constant 0 : index
      %swap3A_12 = vector.load %arg18[%swap3A, %swap3A_10, %swap3A_11] : memref<12x512x64xf32, #tpu.memory_space<vmem>>, vector<12x512x64xf32>
      tpu.vector_store %arg18[%swap3A, %swap3A_10, %swap3A_11], %broadcast_in_dim3A_9 {strides = array<i32>} : memref<12x512x64xf32, #tpu.memory_space<vmem>>, vector<12x512x64xf32>,
      %broadcast_in_dim3A_13 = arith.constant 0.000000e+00 : f32
      %broadcast_in_dim3A_14 = vector.broadcast %broadcast_in_dim3A_13 : f32 to vector<12x512x1xf32>
      %swap3A_15 = arith.constant 0 : index
      %swap3A_16 = arith.constant 0 : index
      %swap3A_17 = arith.constant 0 : index
      %swap3A_18 = vector.load %arg19[%swap3A_15, %swap3A_16, %swap3A_17] : memref<12x512x1xf32, #tpu.memory_space<vmem>>, vector<12x512x1xf32>
      tpu.vector_store %arg19[%swap3A_15, %swap3A_16, %swap3A_17], %broadcast_in_dim3A_14 {strides = array<i32>} : memref<12x512x1xf32, #tpu.memory_space<vmem>>, vector<12x512x1xf32>,
    } else {
    }
    %le3A = arith.cmpi sle, %arg2, %arg1 : i32
    %convert_element_type3A_2 = arith.extui %le3A : i1 to i32
    %cond3A_3 = arith.constant 0 : i32
    %cond3A_4 = arith.cmpi ne, %convert_element_type3A_2, %cond3A_3 : i32
    scf.if %cond3A_4 {
      %mul3A = arith.constant 512 : i32
      %mul3A_9 = arith.muli %arg1, %mul3A : i32
      %iota3A = tpu.iota {dimensions = array<i32: 0>} : vector<512x512xi32>
      %add3A = vector.broadcast %mul3A_9 : i32 to vector<512x512xi32>
      %add3A_10 = arith.addi %add3A, %iota3A : vector<512x512xi32>
      %mul3A_11 = arith.constant 512 : i32
      %mul3A_12 = arith.muli %arg2, %mul3A_11 : i32
      %iota3A_13 = tpu.iota {dimensions = array<i32: 1>} : vector<512x512xi32>
      %add3A_14 = vector.broadcast %mul3A_12 : i32 to vector<512x512xi32>
      %add3A_15 = arith.addi %add3A_14, %iota3A_13 : vector<512x512xi32>
      %ge3A = arith.cmpi sge, %add3A_10, %add3A_15 : vector<512x512xi32>
      %get3A = arith.constant 0 : index
      %get3A_16 = arith.constant 0 : index
      %get3A_17 = vector.load %arg3[%get3A, %get3A_16] : memref<512x768xbf16, #tpu.memory_space<vmem>>, vector<512x64xbf16>
      %mul3A_18 = arith.constant 1.250000e-01 : bf16
      %mul3A_19 = vector.broadcast %mul3A_18 : bf16 to vector<512x64xbf16>
      %mul3A_20 = arith.mulf %get3A_17, %mul3A_19 : vector<512x64xbf16>
      %get3A_21 = arith.constant 0 : index
      %get3A_22 = arith.constant 0 : index
      %get3A_23 = vector.load %arg4[%get3A_21, %get3A_22] : memref<512x768xbf16, #tpu.memory_space<vmem>>, vector<512x64xbf16>
      %dot_general3A = arith.constant dense<0.000000e+00> : vector<512x512xf32>
      %dot_general3A_24 = tpu.matmul %mul3A_20, %get3A_23, %dot_general3A {dimension_numbers = #tpu.dot_dimension_numbers<[1], [1], [0], [0], [0, 0, 1, 0], [], []>, transpose_lhs_hint = false} : vector<512x64xbf16>, vector<512x64xbf16>, vector<512x512xf32> -> vector<512x512xf32>
      %jit3A = arith.constant -1.000000e+09 : f32
      %broadcast_in_dim3A = vector.broadcast %jit3A : f32 to vector<512x512xf32>
      %select_n3A = arith.select %ge3A, %dot_general3A_24, %broadcast_in_dim3A : vector<512x512xi1>, vector<512x512xf32>
      %exp3A = math.exp %select_n3A : vector<512x512xf32>
      %get3A_25 = arith.constant 0 : index
      %get3A_26 = arith.constant 0 : index
      %get3A_27 = arith.constant 0 : index
      %get3A_28 = vector.load %arg19[%get3A_25, %get3A_26, %get3A_27] : memref<12x512x1xf32, #tpu.memory_space<vmem>>, vector<1x512x1xf32>
      %get3A_29 = vector.shape_cast %get3A_28 : vector<1x512x1xf32> to vector<512x1xf32>
      %reduce_sum3A = arith.constant dense<0.000000e+00> : vector<512xf32>
      %reduce_sum3A_30 = vector.multi_reduction <add>, %exp3A, %reduce_sum3A [1] : vector<512x512xf32> to vector<512xf32>
      %broadcast_in_dim3A_31 = vector.shape_cast %reduce_sum3A_30 : vector<512xf32> to vector<512x1xf32>
      %add3A_32 = arith.addf %get3A_29, %broadcast_in_dim3A_31 : vector<512x1xf32>
      %swap3A = arith.constant 0 : index
      %swap3A_33 = arith.constant 0 : index
      %swap3A_34 = arith.constant 0 : index
      %swap3A_35 = vector.load %arg19[%swap3A, %swap3A_33, %swap3A_34] : memref<12x512x1xf32, #tpu.memory_space<vmem>>, vector<1x512x1xf32>
      %swap3A_36 = vector.shape_cast %swap3A_35 : vector<1x512x1xf32> to vector<512x1xf32>
      %swap3A_37 = vector.shape_cast %add3A_32 : vector<512x1xf32> to vector<1x512x1xf32>
      tpu.vector_store %arg19[%swap3A, %swap3A_33, %swap3A_34], %swap3A_37 {strides = array<i32>} : memref<12x512x1xf32, #tpu.memory_space<vmem>>, vector<1x512x1xf32>,
      %get3A_38 = arith.constant 0 : index
      %get3A_39 = arith.constant 0 : index
      %get3A_40 = arith.constant 0 : index
      %get3A_41 = vector.load %arg18[%get3A_38, %get3A_39, %get3A_40] : memref<12x512x64xf32, #tpu.memory_space<vmem>>, vector<1x512x64xf32>
      %get3A_42 = vector.shape_cast %get3A_41 : vector<1x512x64xf32> to vector<512x64xf32>
      %convert_element_type3A_43 = arith.truncf %exp3A : vector<512x512xf32> to vector<512x512xbf16>
      %get3A_44 = arith.constant 0 : index
      %get3A_45 = arith.constant 0 : index
      %get3A_46 = vector.load %arg5[%get3A_44, %get3A_45] : memref<512x768xbf16, #tpu.memory_space<vmem>>, vector<512x64xbf16>
      %dot_general3A_47 = arith.constant dense<0.000000e+00> : vector<512x64xf32>
      %dot_general3A_48 = tpu.matmul %convert_element_type3A_43, %get3A_46, %dot_general3A_47 {dimension_numbers = #tpu.dot_dimension_numbers<[1], [0], [0], [1], [0, 0, 1, 1], [], []>, transpose_lhs_hint = false} : vector<512x512xbf16>, vector<512x64xbf16>, vector<512x64xf32> -> vector<512x64xf32>
      %add3A_49 = arith.addf %get3A_42, %dot_general3A_48 : vector<512x64xf32>
      %swap3A_50 = arith.constant 0 : index
      %swap3A_51 = arith.constant 0 : index
      %swap3A_52 = arith.constant 0 : index
      %swap3A_53 = vector.load %arg18[%swap3A_50, %swap3A_51, %swap3A_52] : memref<12x512x64xf32, #tpu.memory_space<vmem>>, vector<1x512x64xf32>
      %swap3A_54 = vector.shape_cast %swap3A_53 : vector<1x512x64xf32> to vector<512x64xf32>
      %swap3A_55 = vector.shape_cast %add3A_49 : vector<512x64xf32> to vector<1x512x64xf32>
      tpu.vector_store %arg18[%swap3A_50, %swap3A_51, %swap3A_52], %swap3A_55 {strides = array<i32>} : memref<12x512x64xf32, #tpu.memory_space<vmem>>, vector<1x512x64xf32>,
      %get3A_56 = arith.constant 0 : index
      %get3A_57 = arith.constant 64 : index
      %get3A_58 = vector.load %arg3[%get3A_56, %get3A_57] : memref<512x768xbf16, #tpu.memory_space<vmem>>, vector<512x64xbf16>
      %mul3A_59 = arith.constant 1.250000e-01 : bf16
      %mul3A_60 = vector.broadcast %mul3A_59 : bf16 to vector<512x64xbf16>
      %mul3A_61 = arith.mulf %get3A_58, %mul3A_60 : vector<512x64xbf16>
      %get3A_62 = arith.constant 0 : index
      %get3A_63 = arith.constant 64 : index
      %get3A_64 = vector.load %arg4[%get3A_62, %get3A_63] : memref<512x768xbf16, #tpu.memory_space<vmem>>, vector<512x64xbf16>
      %dot_general3A_65 = arith.constant dense<0.000000e+00> : vector<512x512xf32>
      %dot_general3A_66 = tpu.matmul %mul3A_61, %get3A_64, %dot_general3A_65 {dimension_numbers = #tpu.dot_dimension_numbers<[1], [1], [0], [0], [0, 0, 1, 0], [], []>, transpose_lhs_hint = false} : vector<512x64xbf16>, vector<512x64xbf16>, vector<512x512xf32> -> vector<512x512xf32>
      %jit3A_67 = arith.constant -1.000000e+09 : f32
      %broadcast_in_dim3A_68 = vector.broadcast %jit3A_67 : f32 to vector<512x512xf32>
      %select_n3A_69 = arith.select %ge3A, %dot_general3A_66, %broadcast_in_dim3A_68 : vector<512x512xi1>, vector<512x512xf32>
      %exp3A_70 = math.exp %select_n3A_69 : vector<512x512xf32>
      %get3A_71 = arith.constant 1 : index
      %get3A_72 = arith.constant 0 : index
      %get3A_73 = arith.constant 0 : index
      %get3A_74 = vector.load %arg19[%get3A_71, %get3A_72, %get3A_73] : memref<12x512x1xf32, #tpu.memory_space<vmem>>, vector<1x512x1xf32>
      %get3A_75 = vector.shape_cast %get3A_74 : vector<1x512x1xf32> to vector<512x1xf32>
      %reduce_sum3A_76 = arith.constant dense<0.000000e+00> : vector<512xf32>
      %reduce_sum3A_77 = vector.multi_reduction <add>, %exp3A_70, %reduce_sum3A_76 [1] : vector<512x512xf32> to vector<512xf32>
      %broadcast_in_dim3A_78 = vector.shape_cast %reduce_sum3A_77 : vector<512xf32> to vector<512x1xf32>
      %add3A_79 = arith.addf %get3A_75, %broadcast_in_dim3A_78 : vector<512x1xf32>
      %swap3A_80 = arith.constant 1 : index
      %swap3A_81 = arith.constant 0 : index
      %swap3A_82 = arith.constant 0 : index
      %swap3A_83 = vector.load %arg19[%swap3A_80, %swap3A_81, %swap3A_82] : memref<12x512x1xf32, #tpu.memory_space<vmem>>, vector<1x512x1xf32>
      %swap3A_84 = vector.shape_cast %swap3A_83 : vector<1x512x1xf32> to vector<512x1xf32>
      %swap3A_85 = vector.shape_cast %add3A_79 : vector<512x1xf32> to vector<1x512x1xf32>
      tpu.vector_store %arg19[%swap3A_80, %swap3A_81, %swap3A_82], %swap3A_85 {strides = array<i32>} : memref<12x512x1xf32, #tpu.memory_space<vmem>>, vector<1x512x1xf32>,
      %get3A_86 = arith.constant 1 : index
      %get3A_87 = arith.constant 0 : index
      %get3A_88 = arith.constant 0 : index
      %get3A_89 = vector.load %arg18[%get3A_86, %get3A_87, %get3A_88] : memref<12x512x64xf32, #tpu.memory_space<vmem>>, vector<1x512x64xf32>
      %get3A_90 = vector.shape_cast %get3A_89 : vector<1x512x64xf32> to vector<512x64xf32>
      %convert_element_type3A_91 = arith.truncf %exp3A_70 : vector<512x512xf32> to vector<512x512xbf16>
      %get3A_92 = arith.constant 0 : index
      %get3A_93 = arith.constant 64 : index
      %get3A_94 = vector.load %arg5[%get3A_92, %get3A_93] : memref<512x768xbf16, #tpu.memory_space<vmem>>, vector<512x64xbf16>
      %dot_general3A_95 = arith.constant dense<0.000000e+00> : vector<512x64xf32>
      %dot_general3A_96 = tpu.matmul %convert_element_type3A_91, %get3A_94, %dot_general3A_95 {dimension_numbers = #tpu.dot_dimension_numbers<[1], [0], [0], [1], [0, 0, 1, 1], [], []>, transpose_lhs_hint = false} : vector<512x512xbf16>, vector<512x64xbf16>, vector<512x64xf32> -> vector<512x64xf32>
      %add3A_97 = arith.addf %get3A_90, %dot_general3A_96 : vector<512x64xf32>
      %swap3A_98 = arith.constant 1 : index
      %swap3A_99 = arith.constant 0 : index
      %swap3A_100 = arith.constant 0 : index
      %swap3A_101 = vector.load %arg18[%swap3A_98, %swap3A_99, %swap3A_100] : memref<12x512x64xf32, #tpu.memory_space<vmem>>, vector<1x512x64xf32>
      %swap3A_102 = vector.shape_cast %swap3A_101 : vector<1x512x64xf32> to vector<512x64xf32>
      %swap3A_103 = vector.shape_cast %add3A_97 : vector<512x64xf32> to vector<1x512x64xf32>
      tpu.vector_store %arg18[%swap3A_98, %swap3A_99, %swap3A_100], %swap3A_103 {strides = array<i32>} : memref<12x512x64xf32, #tpu.memory_space<vmem>>, vector<1x512x64xf32>,
      %get3A_104 = arith.constant 0 : index
      %get3A_105 = arith.constant 128 : index
      %get3A_106 = vector.load %arg3[%get3A_104, %get3A_105] : memref<512x768xbf16, #tpu.memory_space<vmem>>, vector<512x64xbf16>
      %mul3A_107 = arith.constant 1.250000e-01 : bf16
      %mul3A_108 = vector.broadcast %mul3A_107 : bf16 to vector<512x64xbf16>
      %mul3A_109 = arith.mulf %get3A_106, %mul3A_108 : vector<512x64xbf16>
      %get3A_110 = arith.constant 0 : index
      %get3A_111 = arith.constant 128 : index
      %get3A_112 = vector.load %arg4[%get3A_110, %get3A_111] : memref<512x768xbf16, #tpu.memory_space<vmem>>, vector<512x64xbf16>
      %dot_general3A_113 = arith.constant dense<0.000000e+00> : vector<512x512xf32>
      %dot_general3A_114 = tpu.matmul %mul3A_109, %get3A_112, %dot_general3A_113 {dimension_numbers = #tpu.dot_dimension_numbers<[1], [1], [0], [0], [0, 0, 1, 0], [], []>, transpose_lhs_hint = false} : vector<512x64xbf16>, vector<512x64xbf16>, vector<512x512xf32> -> vector<512x512xf32>
      %jit3A_115 = arith.constant -1.000000e+09 : f32
      %broadcast_in_dim3A_116 = vector.broadcast %jit3A_115 : f32 to vector<512x512xf32>
      %select_n3A_117 = arith.select %ge3A, %dot_general3A_114, %broadcast_in_dim3A_116 : vector<512x512xi1>, vector<512x512xf32>
      %exp3A_118 = math.exp %select_n3A_117 : vector<512x512xf32>
      %get3A_119 = arith.constant 2 : index
      %get3A_120 = arith.constant 0 : index
      %get3A_121 = arith.constant 0 : index
      %get3A_122 = vector.load %arg19[%get3A_119, %get3A_120, %get3A_121] : memref<12x512x1xf32, #tpu.memory_space<vmem>>, vector<1x512x1xf32>
      %get3A_123 = vector.shape_cast %get3A_122 : vector<1x512x1xf32> to vector<512x1xf32>
      %reduce_sum3A_124 = arith.constant dense<0.000000e+00> : vector<512xf32>
      %reduce_sum3A_125 = vector.multi_reduction <add>, %exp3A_118, %reduce_sum3A_124 [1] : vector<512x512xf32> to vector<512xf32>
      %broadcast_in_dim3A_126 = vector.shape_cast %reduce_sum3A_125 : vector<512xf32> to vector<512x1xf32>
      %add3A_127 = arith.addf %get3A_123, %broadcast_in_dim3A_126 : vector<512x1xf32>
      %swap3A_128 = arith.constant 2 : index
      %swap3A_129 = arith.constant 0 : index
      %swap3A_130 = arith.constant 0 : index
      %swap3A_131 = vector.load %arg19[%swap3A_128, %swap3A_129, %swap3A_130] : memref<12x512x1xf32, #tpu.memory_space<vmem>>, vector<1x512x1xf32>
      %swap3A_132 = vector.shape_cast %swap3A_131 : vector<1x512x1xf32> to vector<512x1xf32>
      %swap3A_133 = vector.shape_cast %add3A_127 : vector<512x1xf32> to vector<1x512x1xf32>
      tpu.vector_store %arg19[%swap3A_128, %swap3A_129, %swap3A_130], %swap3A_133 {strides = array<i32>} : memref<12x512x1xf32, #tpu.memory_space<vmem>>, vector<1x512x1xf32>,
      %get3A_134 = arith.constant 2 : index
      %get3A_135 = arith.constant 0 : index
      %get3A_136 = arith.constant 0 : index
      %get3A_137 = vector.load %arg18[%get3A_134, %get3A_135, %get3A_136] : memref<12x512x64xf32, #tpu.memory_space<vmem>>, vector<1x512x64xf32>
      %get3A_138 = vector.shape_cast %get3A_137 : vector<1x512x64xf32> to vector<512x64xf32>
      %convert_element_type3A_139 = arith.truncf %exp3A_118 : vector<512x512xf32> to vector<512x512xbf16>
      %get3A_140 = arith.constant 0 : index
      %get3A_141 = arith.constant 128 : index
      %get3A_142 = vector.load %arg5[%get3A_140, %get3A_141] : memref<512x768xbf16, #tpu.memory_space<vmem>>, vector<512x64xbf16>
      %dot_general3A_143 = arith.constant dense<0.000000e+00> : vector<512x64xf32>
      %dot_general3A_144 = tpu.matmul %convert_element_type3A_139, %get3A_142, %dot_general3A_143 {dimension_numbers = #tpu.dot_dimension_numbers<[1], [0], [0], [1], [0, 0, 1, 1], [], []>, transpose_lhs_hint = false} : vector<512x512xbf16>, vector<512x64xbf16>, vector<512x64xf32> -> vector<512x64xf32>
      %add3A_145 = arith.addf %get3A_138, %dot_general3A_144 : vector<512x64xf32>
      %swap3A_146 = arith.constant 2 : index
      %swap3A_147 = arith.constant 0 : index
      %swap3A_148 = arith.constant 0 : index
      %swap3A_149 = vector.load %arg18[%swap3A_146, %swap3A_147, %swap3A_148] : memref<12x512x64xf32, #tpu.memory_space<vmem>>, vector<1x512x64xf32>
      %swap3A_150 = vector.shape_cast %swap3A_149 : vector<1x512x64xf32> to vector<512x64xf32>
      %swap3A_151 = vector.shape_cast %add3A_145 : vector<512x64xf32> to vector<1x512x64xf32>
      tpu.vector_store %arg18[%swap3A_146, %swap3A_147, %swap3A_148], %swap3A_151 {strides = array<i32>} : memref<12x512x64xf32, #tpu.memory_space<vmem>>, vector<1x512x64xf32>,
      %get3A_152 = arith.constant 0 : index
      %get3A_153 = arith.constant 192 : index
      %get3A_154 = vector.load %arg3[%get3A_152, %get3A_153] : memref<512x768xbf16, #tpu.memory_space<vmem>>, vector<512x64xbf16>
      %mul3A_155 = arith.constant 1.250000e-01 : bf16
      %mul3A_156 = vector.broadcast %mul3A_155 : bf16 to vector<512x64xbf16>
      %mul3A_157 = arith.mulf %get3A_154, %mul3A_156 : vector<512x64xbf16>
      %get3A_158 = arith.constant 0 : index
      %get3A_159 = arith.constant 192 : index
      %get3A_160 = vector.load %arg4[%get3A_158, %get3A_159] : memref<512x768xbf16, #tpu.memory_space<vmem>>, vector<512x64xbf16>
      %dot_general3A_161 = arith.constant dense<0.000000e+00> : vector<512x512xf32>
      %dot_general3A_162 = tpu.matmul %mul3A_157, %get3A_160, %dot_general3A_161 {dimension_numbers = #tpu.dot_dimension_numbers<[1], [1], [0], [0], [0, 0, 1, 0], [], []>, transpose_lhs_hint = false} : vector<512x64xbf16>, vector<512x64xbf16>, vector<512x512xf32> -> vector<512x512xf32>
      %jit3A_163 = arith.constant -1.000000e+09 : f32
      %broadcast_in_dim3A_164 = vector.broadcast %jit3A_163 : f32 to vector<512x512xf32>
      %select_n3A_165 = arith.select %ge3A, %dot_general3A_162, %broadcast_in_dim3A_164 : vector<512x512xi1>, vector<512x512xf32>
      %exp3A_166 = math.exp %select_n3A_165 : vector<512x512xf32>
      %get3A_167 = arith.constant 3 : index
      %get3A_168 = arith.constant 0 : index
      %get3A_169 = arith.constant 0 : index
      %get3A_170 = vector.load %arg19[%get3A_167, %get3A_168, %get3A_169] : memref<12x512x1xf32, #tpu.memory_space<vmem>>, vector<1x512x1xf32>
      %get3A_171 = vector.shape_cast %get3A_170 : vector<1x512x1xf32> to vector<512x1xf32>
      %reduce_sum3A_172 = arith.constant dense<0.000000e+00> : vector<512xf32>
      %reduce_sum3A_173 = vector.multi_reduction <add>, %exp3A_166, %reduce_sum3A_172 [1] : vector<512x512xf32> to vector<512xf32>
      %broadcast_in_dim3A_174 = vector.shape_cast %reduce_sum3A_173 : vector<512xf32> to vector<512x1xf32>
      %add3A_175 = arith.addf %get3A_171, %broadcast_in_dim3A_174 : vector<512x1xf32>
      %swap3A_176 = arith.constant 3 : index
      %swap3A_177 = arith.constant 0 : index
      %swap3A_178 = arith.constant 0 : index
      %swap3A_179 = vector.load %arg19[%swap3A_176, %swap3A_177, %swap3A_178] : memref<12x512x1xf32, #tpu.memory_space<vmem>>, vector<1x512x1xf32>
      %swap3A_180 = vector.shape_cast %swap3A_179 : vector<1x512x1xf32> to vector<512x1xf32>
      %swap3A_181 = vector.shape_cast %add3A_175 : vector<512x1xf32> to vector<1x512x1xf32>
      tpu.vector_store %arg19[%swap3A_176, %swap3A_177, %swap3A_178], %swap3A_181 {strides = array<i32>} : memref<12x512x1xf32, #tpu.memory_space<vmem>>, vector<1x512x1xf32>,
      %get3A_182 = arith.constant 3 : index
      %get3A_183 = arith.constant 0 : index
      %get3A_184 = arith.constant 0 : index
      %get3A_185 = vector.load %arg18[%get3A_182, %get3A_183, %get3A_184] : memref<12x512x64xf32, #tpu.memory_space<vmem>>, vector<1x512x64xf32>
      %get3A_186 = vector.shape_cast %get3A_185 : vector<1x512x64xf32> to vector<512x64xf32>
      %convert_element_type3A_187 = arith.truncf %exp3A_166 : vector<512x512xf32> to vector<512x512xbf16>
      %get3A_188 = arith.constant 0 : index
      %get3A_189 = arith.constant 192 : index
      %get3A_190 = vector.load %arg5[%get3A_188, %get3A_189] : memref<512x768xbf16, #tpu.memory_space<vmem>>, vector<512x64xbf16>
      %dot_general3A_191 = arith.constant dense<0.000000e+00> : vector<512x64xf32>
      %dot_general3A_192 = tpu.matmul %convert_element_type3A_187, %get3A_190, %dot_general3A_191 {dimension_numbers = #tpu.dot_dimension_numbers<[1], [0], [0], [1], [0, 0, 1, 1], [], []>, transpose_lhs_hint = false} : vector<512x512xbf16>, vector<512x64xbf16>, vector<512x64xf32> -> vector<512x64xf32>
      %add3A_193 = arith.addf %get3A_186, %dot_general3A_192 : vector<512x64xf32>
      %swap3A_194 = arith.constant 3 : index
      %swap3A_195 = arith.constant 0 : index
      %swap3A_196 = arith.constant 0 : index
      %swap3A_197 = vector.load %arg18[%swap3A_194, %swap3A_195, %swap3A_196] : memref<12x512x64xf32, #tpu.memory_space<vmem>>, vector<1x512x64xf32>
      %swap3A_198 = vector.shape_cast %swap3A_197 : vector<1x512x64xf32> to vector<512x64xf32>
      %swap3A_199 = vector.shape_cast %add3A_193 : vector<512x64xf32> to vector<1x512x64xf32>
      tpu.vector_store %arg18[%swap3A_194, %swap3A_195, %swap3A_196], %swap3A_199 {strides = array<i32>} : memref<12x512x64xf32, #tpu.memory_space<vmem>>, vector<1x512x64xf32>,
      %get3A_200 = arith.constant 0 : index
      %get3A_201 = arith.constant 256 : index
      %get3A_202 = vector.load %arg3[%get3A_200, %get3A_201] : memref<512x768xbf16, #tpu.memory_space<vmem>>, vector<512x64xbf16>
      %mul3A_203 = arith.constant 1.250000e-01 : bf16
      %mul3A_204 = vector.broadcast %mul3A_203 : bf16 to vector<512x64xbf16>
      %mul3A_205 = arith.mulf %get3A_202, %mul3A_204 : vector<512x64xbf16>
      %get3A_206 = arith.constant 0 : index
      %get3A_207 = arith.constant 256 : index
      %get3A_208 = vector.load %arg4[%get3A_206, %get3A_207] : memref<512x768xbf16, #tpu.memory_space<vmem>>, vector<512x64xbf16>
      %dot_general3A_209 = arith.constant dense<0.000000e+00> : vector<512x512xf32>
      %dot_general3A_210 = tpu.matmul %mul3A_205, %get3A_208, %dot_general3A_209 {dimension_numbers = #tpu.dot_dimension_numbers<[1], [1], [0], [0], [0, 0, 1, 0], [], []>, transpose_lhs_hint = false} : vector<512x64xbf16>, vector<512x64xbf16>, vector<512x512xf32> -> vector<512x512xf32>
      %jit3A_211 = arith.constant -1.000000e+09 : f32
      %broadcast_in_dim3A_212 = vector.broadcast %jit3A_211 : f32 to vector<512x512xf32>
      %select_n3A_213 = arith.select %ge3A, %dot_general3A_210, %broadcast_in_dim3A_212 : vector<512x512xi1>, vector<512x512xf32>
      %exp3A_214 = math.exp %select_n3A_213 : vector<512x512xf32>
      %get3A_215 = arith.constant 4 : index
      %get3A_216 = arith.constant 0 : index
      %get3A_217 = arith.constant 0 : index
      %get3A_218 = vector.load %arg19[%get3A_215, %get3A_216, %get3A_217] : memref<12x512x1xf32, #tpu.memory_space<vmem>>, vector<1x512x1xf32>
      %get3A_219 = vector.shape_cast %get3A_218 : vector<1x512x1xf32> to vector<512x1xf32>
      %reduce_sum3A_220 = arith.constant dense<0.000000e+00> : vector<512xf32>
      %reduce_sum3A_221 = vector.multi_reduction <add>, %exp3A_214, %reduce_sum3A_220 [1] : vector<512x512xf32> to vector<512xf32>
      %broadcast_in_dim3A_222 = vector.shape_cast %reduce_sum3A_221 : vector<512xf32> to vector<512x1xf32>
      %add3A_223 = arith.addf %get3A_219, %broadcast_in_dim3A_222 : vector<512x1xf32>
      %swap3A_224 = arith.constant 4 : index
      %swap3A_225 = arith.constant 0 : index
      %swap3A_226 = arith.constant 0 : index
      %swap3A_227 = vector.load %arg19[%swap3A_224, %swap3A_225, %swap3A_226] : memref<12x512x1xf32, #tpu.memory_space<vmem>>, vector<1x512x1xf32>
      %swap3A_228 = vector.shape_cast %swap3A_227 : vector<1x512x1xf32> to vector<512x1xf32>
      %swap3A_229 = vector.shape_cast %add3A_223 : vector<512x1xf32> to vector<1x512x1xf32>
      tpu.vector_store %arg19[%swap3A_224, %swap3A_225, %swap3A_226], %swap3A_229 {strides = array<i32>} : memref<12x512x1xf32, #tpu.memory_space<vmem>>, vector<1x512x1xf32>,
      %get3A_230 = arith.constant 4 : index
      %get3A_231 = arith.constant 0 : index
      %get3A_232 = arith.constant 0 : index
      %get3A_233 = vector.load %arg18[%get3A_230, %get3A_231, %get3A_232] : memref<12x512x64xf32, #tpu.memory_space<vmem>>, vector<1x512x64xf32>
      %get3A_234 = vector.shape_cast %get3A_233 : vector<1x512x64xf32> to vector<512x64xf32>
      %convert_element_type3A_235 = arith.truncf %exp3A_214 : vector<512x512xf32> to vector<512x512xbf16>
      %get3A_236 = arith.constant 0 : index
      %get3A_237 = arith.constant 256 : index
      %get3A_238 = vector.load %arg5[%get3A_236, %get3A_237] : memref<512x768xbf16, #tpu.memory_space<vmem>>, vector<512x64xbf16>
      %dot_general3A_239 = arith.constant dense<0.000000e+00> : vector<512x64xf32>
      %dot_general3A_240 = tpu.matmul %convert_element_type3A_235, %get3A_238, %dot_general3A_239 {dimension_numbers = #tpu.dot_dimension_numbers<[1], [0], [0], [1], [0, 0, 1, 1], [], []>, transpose_lhs_hint = false} : vector<512x512xbf16>, vector<512x64xbf16>, vector<512x64xf32> -> vector<512x64xf32>
      %add3A_241 = arith.addf %get3A_234, %dot_general3A_240 : vector<512x64xf32>
      %swap3A_242 = arith.constant 4 : index
      %swap3A_243 = arith.constant 0 : index
      %swap3A_244 = arith.constant 0 : index
      %swap3A_245 = vector.load %arg18[%swap3A_242, %swap3A_243, %swap3A_244] : memref<12x512x64xf32, #tpu.memory_space<vmem>>, vector<1x512x64xf32>
      %swap3A_246 = vector.shape_cast %swap3A_245 : vector<1x512x64xf32> to vector<512x64xf32>
      %swap3A_247 = vector.shape_cast %add3A_241 : vector<512x64xf32> to vector<1x512x64xf32>
      tpu.vector_store %arg18[%swap3A_242, %swap3A_243, %swap3A_244], %swap3A_247 {strides = array<i32>} : memref<12x512x64xf32, #tpu.memory_space<vmem>>, vector<1x512x64xf32>,
      %get3A_248 = arith.constant 0 : index
      %get3A_249 = arith.constant 320 : index
      %get3A_250 = vector.load %arg3[%get3A_248, %get3A_249] : memref<512x768xbf16, #tpu.memory_space<vmem>>, vector<512x64xbf16>
      %mul3A_251 = arith.constant 1.250000e-01 : bf16
      %mul3A_252 = vector.broadcast %mul3A_251 : bf16 to vector<512x64xbf16>
      %mul3A_253 = arith.mulf %get3A_250, %mul3A_252 : vector<512x64xbf16>
      %get3A_254 = arith.constant 0 : index
      %get3A_255 = arith.constant 320 : index
      %get3A_256 = vector.load %arg4[%get3A_254, %get3A_255] : memref<512x768xbf16, #tpu.memory_space<vmem>>, vector<512x64xbf16>
      %dot_general3A_257 = arith.constant dense<0.000000e+00> : vector<512x512xf32>
      %dot_general3A_258 = tpu.matmul %mul3A_253, %get3A_256, %dot_general3A_257 {dimension_numbers = #tpu.dot_dimension_numbers<[1], [1], [0], [0], [0, 0, 1, 0], [], []>, transpose_lhs_hint = false} : vector<512x64xbf16>, vector<512x64xbf16>, vector<512x512xf32> -> vector<512x512xf32>
      %jit3A_259 = arith.constant -1.000000e+09 : f32
      %broadcast_in_dim3A_260 = vector.broadcast %jit3A_259 : f32 to vector<512x512xf32>
      %select_n3A_261 = arith.select %ge3A, %dot_general3A_258, %broadcast_in_dim3A_260 : vector<512x512xi1>, vector<512x512xf32>
      %exp3A_262 = math.exp %select_n3A_261 : vector<512x512xf32>
      %get3A_263 = arith.constant 5 : index
      %get3A_264 = arith.constant 0 : index
      %get3A_265 = arith.constant 0 : index
      %get3A_266 = vector.load %arg19[%get3A_263, %get3A_264, %get3A_265] : memref<12x512x1xf32, #tpu.memory_space<vmem>>, vector<1x512x1xf32>
      %get3A_267 = vector.shape_cast %get3A_266 : vector<1x512x1xf32> to vector<512x1xf32>
      %reduce_sum3A_268 = arith.constant dense<0.000000e+00> : vector<512xf32>
      %reduce_sum3A_269 = vector.multi_reduction <add>, %exp3A_262, %reduce_sum3A_268 [1] : vector<512x512xf32> to vector<512xf32>
      %broadcast_in_dim3A_270 = vector.shape_cast %reduce_sum3A_269 : vector<512xf32> to vector<512x1xf32>
      %add3A_271 = arith.addf %get3A_267, %broadcast_in_dim3A_270 : vector<512x1xf32>
      %swap3A_272 = arith.constant 5 : index
      %swap3A_273 = arith.constant 0 : index
      %swap3A_274 = arith.constant 0 : index
      %swap3A_275 = vector.load %arg19[%swap3A_272, %swap3A_273, %swap3A_274] : memref<12x512x1xf32, #tpu.memory_space<vmem>>, vector<1x512x1xf32>
      %swap3A_276 = vector.shape_cast %swap3A_275 : vector<1x512x1xf32> to vector<512x1xf32>
      %swap3A_277 = vector.shape_cast %add3A_271 : vector<512x1xf32> to vector<1x512x1xf32>
      tpu.vector_store %arg19[%swap3A_272, %swap3A_273, %swap3A_274], %swap3A_277 {strides = array<i32>} : memref<12x512x1xf32, #tpu.memory_space<vmem>>, vector<1x512x1xf32>,
      %get3A_278 = arith.constant 5 : index
      %get3A_279 = arith.constant 0 : index
      %get3A_280 = arith.constant 0 : index
      %get3A_281 = vector.load %arg18[%get3A_278, %get3A_279, %get3A_280] : memref<12x512x64xf32, #tpu.memory_space<vmem>>, vector<1x512x64xf32>
      %get3A_282 = vector.shape_cast %get3A_281 : vector<1x512x64xf32> to vector<512x64xf32>
      %convert_element_type3A_283 = arith.truncf %exp3A_262 : vector<512x512xf32> to vector<512x512xbf16>
      %get3A_284 = arith.constant 0 : index
      %get3A_285 = arith.constant 320 : index
      %get3A_286 = vector.load %arg5[%get3A_284, %get3A_285] : memref<512x768xbf16, #tpu.memory_space<vmem>>, vector<512x64xbf16>
      %dot_general3A_287 = arith.constant dense<0.000000e+00> : vector<512x64xf32>
      %dot_general3A_288 = tpu.matmul %convert_element_type3A_283, %get3A_286, %dot_general3A_287 {dimension_numbers = #tpu.dot_dimension_numbers<[1], [0], [0], [1], [0, 0, 1, 1], [], []>, transpose_lhs_hint = false} : vector<512x512xbf16>, vector<512x64xbf16>, vector<512x64xf32> -> vector<512x64xf32>
      %add3A_289 = arith.addf %get3A_282, %dot_general3A_288 : vector<512x64xf32>
      %swap3A_290 = arith.constant 5 : index
      %swap3A_291 = arith.constant 0 : index
      %swap3A_292 = arith.constant 0 : index
      %swap3A_293 = vector.load %arg18[%swap3A_290, %swap3A_291, %swap3A_292] : memref<12x512x64xf32, #tpu.memory_space<vmem>>, vector<1x512x64xf32>
      %swap3A_294 = vector.shape_cast %swap3A_293 : vector<1x512x64xf32> to vector<512x64xf32>
      %swap3A_295 = vector.shape_cast %add3A_289 : vector<512x64xf32> to vector<1x512x64xf32>
      tpu.vector_store %arg18[%swap3A_290, %swap3A_291, %swap3A_292], %swap3A_295 {strides = array<i32>} : memref<12x512x64xf32, #tpu.memory_space<vmem>>, vector<1x512x64xf32>,
      %get3A_296 = arith.constant 0 : index
      %get3A_297 = arith.constant 384 : index
      %get3A_298 = vector.load %arg3[%get3A_296, %get3A_297] : memref<512x768xbf16, #tpu.memory_space<vmem>>, vector<512x64xbf16>
      %mul3A_299 = arith.constant 1.250000e-01 : bf16
      %mul3A_300 = vector.broadcast %mul3A_299 : bf16 to vector<512x64xbf16>
      %mul3A_301 = arith.mulf %get3A_298, %mul3A_300 : vector<512x64xbf16>
      %get3A_302 = arith.constant 0 : index
      %get3A_303 = arith.constant 384 : index
      %get3A_304 = vector.load %arg4[%get3A_302, %get3A_303] : memref<512x768xbf16, #tpu.memory_space<vmem>>, vector<512x64xbf16>
      %dot_general3A_305 = arith.constant dense<0.000000e+00> : vector<512x512xf32>
      %dot_general3A_306 = tpu.matmul %mul3A_301, %get3A_304, %dot_general3A_305 {dimension_numbers = #tpu.dot_dimension_numbers<[1], [1], [0], [0], [0, 0, 1, 0], [], []>, transpose_lhs_hint = false} : vector<512x64xbf16>, vector<512x64xbf16>, vector<512x512xf32> -> vector<512x512xf32>
      %jit3A_307 = arith.constant -1.000000e+09 : f32
      %broadcast_in_dim3A_308 = vector.broadcast %jit3A_307 : f32 to vector<512x512xf32>
      %select_n3A_309 = arith.select %ge3A, %dot_general3A_306, %broadcast_in_dim3A_308 : vector<512x512xi1>, vector<512x512xf32>
      %exp3A_310 = math.exp %select_n3A_309 : vector<512x512xf32>
      %get3A_311 = arith.constant 6 : index
      %get3A_312 = arith.constant 0 : index
      %get3A_313 = arith.constant 0 : index
      %get3A_314 = vector.load %arg19[%get3A_311, %get3A_312, %get3A_313] : memref<12x512x1xf32, #tpu.memory_space<vmem>>, vector<1x512x1xf32>
      %get3A_315 = vector.shape_cast %get3A_314 : vector<1x512x1xf32> to vector<512x1xf32>
      %reduce_sum3A_316 = arith.constant dense<0.000000e+00> : vector<512xf32>
      %reduce_sum3A_317 = vector.multi_reduction <add>, %exp3A_310, %reduce_sum3A_316 [1] : vector<512x512xf32> to vector<512xf32>
      %broadcast_in_dim3A_318 = vector.shape_cast %reduce_sum3A_317 : vector<512xf32> to vector<512x1xf32>
      %add3A_319 = arith.addf %get3A_315, %broadcast_in_dim3A_318 : vector<512x1xf32>
      %swap3A_320 = arith.constant 6 : index
      %swap3A_321 = arith.constant 0 : index
      %swap3A_322 = arith.constant 0 : index
      %swap3A_323 = vector.load %arg19[%swap3A_320, %swap3A_321, %swap3A_322] : memref<12x512x1xf32, #tpu.memory_space<vmem>>, vector<1x512x1xf32>
      %swap3A_324 = vector.shape_cast %swap3A_323 : vector<1x512x1xf32> to vector<512x1xf32>
      %swap3A_325 = vector.shape_cast %add3A_319 : vector<512x1xf32> to vector<1x512x1xf32>
      tpu.vector_store %arg19[%swap3A_320, %swap3A_321, %swap3A_322], %swap3A_325 {strides = array<i32>} : memref<12x512x1xf32, #tpu.memory_space<vmem>>, vector<1x512x1xf32>,
      %get3A_326 = arith.constant 6 : index
      %get3A_327 = arith.constant 0 : index
      %get3A_328 = arith.constant 0 : index
      %get3A_329 = vector.load %arg18[%get3A_326, %get3A_327, %get3A_328] : memref<12x512x64xf32, #tpu.memory_space<vmem>>, vector<1x512x64xf32>
      %get3A_330 = vector.shape_cast %get3A_329 : vector<1x512x64xf32> to vector<512x64xf32>
      %convert_element_type3A_331 = arith.truncf %exp3A_310 : vector<512x512xf32> to vector<512x512xbf16>
      %get3A_332 = arith.constant 0 : index
      %get3A_333 = arith.constant 384 : index
      %get3A_334 = vector.load %arg5[%get3A_332, %get3A_333] : memref<512x768xbf16, #tpu.memory_space<vmem>>, vector<512x64xbf16>
      %dot_general3A_335 = arith.constant dense<0.000000e+00> : vector<512x64xf32>
      %dot_general3A_336 = tpu.matmul %convert_element_type3A_331, %get3A_334, %dot_general3A_335 {dimension_numbers = #tpu.dot_dimension_numbers<[1], [0], [0], [1], [0, 0, 1, 1], [], []>, transpose_lhs_hint = false} : vector<512x512xbf16>, vector<512x64xbf16>, vector<512x64xf32> -> vector<512x64xf32>
      %add3A_337 = arith.addf %get3A_330, %dot_general3A_336 : vector<512x64xf32>
      %swap3A_338 = arith.constant 6 : index
      %swap3A_339 = arith.constant 0 : index
      %swap3A_340 = arith.constant 0 : index
      %swap3A_341 = vector.load %arg18[%swap3A_338, %swap3A_339, %swap3A_340] : memref<12x512x64xf32, #tpu.memory_space<vmem>>, vector<1x512x64xf32>
      %swap3A_342 = vector.shape_cast %swap3A_341 : vector<1x512x64xf32> to vector<512x64xf32>
      %swap3A_343 = vector.shape_cast %add3A_337 : vector<512x64xf32> to vector<1x512x64xf32>
      tpu.vector_store %arg18[%swap3A_338, %swap3A_339, %swap3A_340], %swap3A_343 {strides = array<i32>} : memref<12x512x64xf32, #tpu.memory_space<vmem>>, vector<1x512x64xf32>,
      %get3A_344 = arith.constant 0 : index
      %get3A_345 = arith.constant 448 : index
      %get3A_346 = vector.load %arg3[%get3A_344, %get3A_345] : memref<512x768xbf16, #tpu.memory_space<vmem>>, vector<512x64xbf16>
      %mul3A_347 = arith.constant 1.250000e-01 : bf16
      %mul3A_348 = vector.broadcast %mul3A_347 : bf16 to vector<512x64xbf16>
      %mul3A_349 = arith.mulf %get3A_346, %mul3A_348 : vector<512x64xbf16>
      %get3A_350 = arith.constant 0 : index
      %get3A_351 = arith.constant 448 : index
      %get3A_352 = vector.load %arg4[%get3A_350, %get3A_351] : memref<512x768xbf16, #tpu.memory_space<vmem>>, vector<512x64xbf16>
      %dot_general3A_353 = arith.constant dense<0.000000e+00> : vector<512x512xf32>
      %dot_general3A_354 = tpu.matmul %mul3A_349, %get3A_352, %dot_general3A_353 {dimension_numbers = #tpu.dot_dimension_numbers<[1], [1], [0], [0], [0, 0, 1, 0], [], []>, transpose_lhs_hint = false} : vector<512x64xbf16>, vector<512x64xbf16>, vector<512x512xf32> -> vector<512x512xf32>
      %jit3A_355 = arith.constant -1.000000e+09 : f32
      %broadcast_in_dim3A_356 = vector.broadcast %jit3A_355 : f32 to vector<512x512xf32>
      %select_n3A_357 = arith.select %ge3A, %dot_general3A_354, %broadcast_in_dim3A_356 : vector<512x512xi1>, vector<512x512xf32>
      %exp3A_358 = math.exp %select_n3A_357 : vector<512x512xf32>
      %get3A_359 = arith.constant 7 : index
      %get3A_360 = arith.constant 0 : index
      %get3A_361 = arith.constant 0 : index
      %get3A_362 = vector.load %arg19[%get3A_359, %get3A_360, %get3A_361] : memref<12x512x1xf32, #tpu.memory_space<vmem>>, vector<1x512x1xf32>
      %get3A_363 = vector.shape_cast %get3A_362 : vector<1x512x1xf32> to vector<512x1xf32>
      %reduce_sum3A_364 = arith.constant dense<0.000000e+00> : vector<512xf32>
      %reduce_sum3A_365 = vector.multi_reduction <add>, %exp3A_358, %reduce_sum3A_364 [1] : vector<512x512xf32> to vector<512xf32>
      %broadcast_in_dim3A_366 = vector.shape_cast %reduce_sum3A_365 : vector<512xf32> to vector<512x1xf32>
      %add3A_367 = arith.addf %get3A_363, %broadcast_in_dim3A_366 : vector<512x1xf32>
      %swap3A_368 = arith.constant 7 : index
      %swap3A_369 = arith.constant 0 : index
      %swap3A_370 = arith.constant 0 : index
      %swap3A_371 = vector.load %arg19[%swap3A_368, %swap3A_369, %swap3A_370] : memref<12x512x1xf32, #tpu.memory_space<vmem>>, vector<1x512x1xf32>
      %swap3A_372 = vector.shape_cast %swap3A_371 : vector<1x512x1xf32> to vector<512x1xf32>
      %swap3A_373 = vector.shape_cast %add3A_367 : vector<512x1xf32> to vector<1x512x1xf32>
      tpu.vector_store %arg19[%swap3A_368, %swap3A_369, %swap3A_370], %swap3A_373 {strides = array<i32>} : memref<12x512x1xf32, #tpu.memory_space<vmem>>, vector<1x512x1xf32>,
      %get3A_374 = arith.constant 7 : index
      %get3A_375 = arith.constant 0 : index
      %get3A_376 = arith.constant 0 : index
      %get3A_377 = vector.load %arg18[%get3A_374, %get3A_375, %get3A_376] : memref<12x512x64xf32, #tpu.memory_space<vmem>>, vector<1x512x64xf32>
      %get3A_378 = vector.shape_cast %get3A_377 : vector<1x512x64xf32> to vector<512x64xf32>
      %convert_element_type3A_379 = arith.truncf %exp3A_358 : vector<512x512xf32> to vector<512x512xbf16>
      %get3A_380 = arith.constant 0 : index
      %get3A_381 = arith.constant 448 : index
      %get3A_382 = vector.load %arg5[%get3A_380, %get3A_381] : memref<512x768xbf16, #tpu.memory_space<vmem>>, vector<512x64xbf16>
      %dot_general3A_383 = arith.constant dense<0.000000e+00> : vector<512x64xf32>
      %dot_general3A_384 = tpu.matmul %convert_element_type3A_379, %get3A_382, %dot_general3A_383 {dimension_numbers = #tpu.dot_dimension_numbers<[1], [0], [0], [1], [0, 0, 1, 1], [], []>, transpose_lhs_hint = false} : vector<512x512xbf16>, vector<512x64xbf16>, vector<512x64xf32> -> vector<512x64xf32>
      %add3A_385 = arith.addf %get3A_378, %dot_general3A_384 : vector<512x64xf32>
      %swap3A_386 = arith.constant 7 : index
      %swap3A_387 = arith.constant 0 : index
      %swap3A_388 = arith.constant 0 : index
      %swap3A_389 = vector.load %arg18[%swap3A_386, %swap3A_387, %swap3A_388] : memref<12x512x64xf32, #tpu.memory_space<vmem>>, vector<1x512x64xf32>
      %swap3A_390 = vector.shape_cast %swap3A_389 : vector<1x512x64xf32> to vector<512x64xf32>
      %swap3A_391 = vector.shape_cast %add3A_385 : vector<512x64xf32> to vector<1x512x64xf32>
      tpu.vector_store %arg18[%swap3A_386, %swap3A_387, %swap3A_388], %swap3A_391 {strides = array<i32>} : memref<12x512x64xf32, #tpu.memory_space<vmem>>, vector<1x512x64xf32>,
      %get3A_392 = arith.constant 0 : index
      %get3A_393 = arith.constant 512 : index
      %get3A_394 = vector.load %arg3[%get3A_392, %get3A_393] : memref<512x768xbf16, #tpu.memory_space<vmem>>, vector<512x64xbf16>
      %mul3A_395 = arith.constant 1.250000e-01 : bf16
      %mul3A_396 = vector.broadcast %mul3A_395 : bf16 to vector<512x64xbf16>
      %mul3A_397 = arith.mulf %get3A_394, %mul3A_396 : vector<512x64xbf16>
      %get3A_398 = arith.constant 0 : index
      %get3A_399 = arith.constant 512 : index
      %get3A_400 = vector.load %arg4[%get3A_398, %get3A_399] : memref<512x768xbf16, #tpu.memory_space<vmem>>, vector<512x64xbf16>
      %dot_general3A_401 = arith.constant dense<0.000000e+00> : vector<512x512xf32>
      %dot_general3A_402 = tpu.matmul %mul3A_397, %get3A_400, %dot_general3A_401 {dimension_numbers = #tpu.dot_dimension_numbers<[1], [1], [0], [0], [0, 0, 1, 0], [], []>, transpose_lhs_hint = false} : vector<512x64xbf16>, vector<512x64xbf16>, vector<512x512xf32> -> vector<512x512xf32>
      %jit3A_403 = arith.constant -1.000000e+09 : f32
      %broadcast_in_dim3A_404 = vector.broadcast %jit3A_403 : f32 to vector<512x512xf32>
      %select_n3A_405 = arith.select %ge3A, %dot_general3A_402, %broadcast_in_dim3A_404 : vector<512x512xi1>, vector<512x512xf32>
      %exp3A_406 = math.exp %select_n3A_405 : vector<512x512xf32>
      %get3A_407 = arith.constant 8 : index
      %get3A_408 = arith.constant 0 : index
      %get3A_409 = arith.constant 0 : index
      %get3A_410 = vector.load %arg19[%get3A_407, %get3A_408, %get3A_409] : memref<12x512x1xf32, #tpu.memory_space<vmem>>, vector<1x512x1xf32>
      %get3A_411 = vector.shape_cast %get3A_410 : vector<1x512x1xf32> to vector<512x1xf32>
      %reduce_sum3A_412 = arith.constant dense<0.000000e+00> : vector<512xf32>
      %reduce_sum3A_413 = vector.multi_reduction <add>, %exp3A_406, %reduce_sum3A_412 [1] : vector<512x512xf32> to vector<512xf32>
      %broadcast_in_dim3A_414 = vector.shape_cast %reduce_sum3A_413 : vector<512xf32> to vector<512x1xf32>
      %add3A_415 = arith.addf %get3A_411, %broadcast_in_dim3A_414 : vector<512x1xf32>
      %swap3A_416 = arith.constant 8 : index
      %swap3A_417 = arith.constant 0 : index
      %swap3A_418 = arith.constant 0 : index
      %swap3A_419 = vector.load %arg19[%swap3A_416, %swap3A_417, %swap3A_418] : memref<12x512x1xf32, #tpu.memory_space<vmem>>, vector<1x512x1xf32>
      %swap3A_420 = vector.shape_cast %swap3A_419 : vector<1x512x1xf32> to vector<512x1xf32>
      %swap3A_421 = vector.shape_cast %add3A_415 : vector<512x1xf32> to vector<1x512x1xf32>
      tpu.vector_store %arg19[%swap3A_416, %swap3A_417, %swap3A_418], %swap3A_421 {strides = array<i32>} : memref<12x512x1xf32, #tpu.memory_space<vmem>>, vector<1x512x1xf32>,
      %get3A_422 = arith.constant 8 : index
      %get3A_423 = arith.constant 0 : index
      %get3A_424 = arith.constant 0 : index
      %get3A_425 = vector.load %arg18[%get3A_422, %get3A_423, %get3A_424] : memref<12x512x64xf32, #tpu.memory_space<vmem>>, vector<1x512x64xf32>
      %get3A_426 = vector.shape_cast %get3A_425 : vector<1x512x64xf32> to vector<512x64xf32>
      %convert_element_type3A_427 = arith.truncf %exp3A_406 : vector<512x512xf32> to vector<512x512xbf16>
      %get3A_428 = arith.constant 0 : index
      %get3A_429 = arith.constant 512 : index
      %get3A_430 = vector.load %arg5[%get3A_428, %get3A_429] : memref<512x768xbf16, #tpu.memory_space<vmem>>, vector<512x64xbf16>
      %dot_general3A_431 = arith.constant dense<0.000000e+00> : vector<512x64xf32>
      %dot_general3A_432 = tpu.matmul %convert_element_type3A_427, %get3A_430, %dot_general3A_431 {dimension_numbers = #tpu.dot_dimension_numbers<[1], [0], [0], [1], [0, 0, 1, 1], [], []>, transpose_lhs_hint = false} : vector<512x512xbf16>, vector<512x64xbf16>, vector<512x64xf32> -> vector<512x64xf32>
      %add3A_433 = arith.addf %get3A_426, %dot_general3A_432 : vector<512x64xf32>
      %swap3A_434 = arith.constant 8 : index
      %swap3A_435 = arith.constant 0 : index
      %swap3A_436 = arith.constant 0 : index
      %swap3A_437 = vector.load %arg18[%swap3A_434, %swap3A_435, %swap3A_436] : memref<12x512x64xf32, #tpu.memory_space<vmem>>, vector<1x512x64xf32>
      %swap3A_438 = vector.shape_cast %swap3A_437 : vector<1x512x64xf32> to vector<512x64xf32>
      %swap3A_439 = vector.shape_cast %add3A_433 : vector<512x64xf32> to vector<1x512x64xf32>
      tpu.vector_store %arg18[%swap3A_434, %swap3A_435, %swap3A_436], %swap3A_439 {strides = array<i32>} : memref<12x512x64xf32, #tpu.memory_space<vmem>>, vector<1x512x64xf32>,
      %get3A_440 = arith.constant 0 : index
      %get3A_441 = arith.constant 576 : index
      %get3A_442 = vector.load %arg3[%get3A_440, %get3A_441] : memref<512x768xbf16, #tpu.memory_space<vmem>>, vector<512x64xbf16>
      %mul3A_443 = arith.constant 1.250000e-01 : bf16
      %mul3A_444 = vector.broadcast %mul3A_443 : bf16 to vector<512x64xbf16>
      %mul3A_445 = arith.mulf %get3A_442, %mul3A_444 : vector<512x64xbf16>
      %get3A_446 = arith.constant 0 : index
      %get3A_447 = arith.constant 576 : index
      %get3A_448 = vector.load %arg4[%get3A_446, %get3A_447] : memref<512x768xbf16, #tpu.memory_space<vmem>>, vector<512x64xbf16>
      %dot_general3A_449 = arith.constant dense<0.000000e+00> : vector<512x512xf32>
      %dot_general3A_450 = tpu.matmul %mul3A_445, %get3A_448, %dot_general3A_449 {dimension_numbers = #tpu.dot_dimension_numbers<[1], [1], [0], [0], [0, 0, 1, 0], [], []>, transpose_lhs_hint = false} : vector<512x64xbf16>, vector<512x64xbf16>, vector<512x512xf32> -> vector<512x512xf32>
      %jit3A_451 = arith.constant -1.000000e+09 : f32
      %broadcast_in_dim3A_452 = vector.broadcast %jit3A_451 : f32 to vector<512x512xf32>
      %select_n3A_453 = arith.select %ge3A, %dot_general3A_450, %broadcast_in_dim3A_452 : vector<512x512xi1>, vector<512x512xf32>
      %exp3A_454 = math.exp %select_n3A_453 : vector<512x512xf32>
      %get3A_455 = arith.constant 9 : index
      %get3A_456 = arith.constant 0 : index
      %get3A_457 = arith.constant 0 : index
      %get3A_458 = vector.load %arg19[%get3A_455, %get3A_456, %get3A_457] : memref<12x512x1xf32, #tpu.memory_space<vmem>>, vector<1x512x1xf32>
      %get3A_459 = vector.shape_cast %get3A_458 : vector<1x512x1xf32> to vector<512x1xf32>
      %reduce_sum3A_460 = arith.constant dense<0.000000e+00> : vector<512xf32>
      %reduce_sum3A_461 = vector.multi_reduction <add>, %exp3A_454, %reduce_sum3A_460 [1] : vector<512x512xf32> to vector<512xf32>
      %broadcast_in_dim3A_462 = vector.shape_cast %reduce_sum3A_461 : vector<512xf32> to vector<512x1xf32>
      %add3A_463 = arith.addf %get3A_459, %broadcast_in_dim3A_462 : vector<512x1xf32>
      %swap3A_464 = arith.constant 9 : index
      %swap3A_465 = arith.constant 0 : index
      %swap3A_466 = arith.constant 0 : index
      %swap3A_467 = vector.load %arg19[%swap3A_464, %swap3A_465, %swap3A_466] : memref<12x512x1xf32, #tpu.memory_space<vmem>>, vector<1x512x1xf32>
      %swap3A_468 = vector.shape_cast %swap3A_467 : vector<1x512x1xf32> to vector<512x1xf32>
      %swap3A_469 = vector.shape_cast %add3A_463 : vector<512x1xf32> to vector<1x512x1xf32>
      tpu.vector_store %arg19[%swap3A_464, %swap3A_465, %swap3A_466], %swap3A_469 {strides = array<i32>} : memref<12x512x1xf32, #tpu.memory_space<vmem>>, vector<1x512x1xf32>,
      %get3A_470 = arith.constant 9 : index
      %get3A_471 = arith.constant 0 : index
      %get3A_472 = arith.constant 0 : index
      %get3A_473 = vector.load %arg18[%get3A_470, %get3A_471, %get3A_472] : memref<12x512x64xf32, #tpu.memory_space<vmem>>, vector<1x512x64xf32>
      %get3A_474 = vector.shape_cast %get3A_473 : vector<1x512x64xf32> to vector<512x64xf32>
      %convert_element_type3A_475 = arith.truncf %exp3A_454 : vector<512x512xf32> to vector<512x512xbf16>
      %get3A_476 = arith.constant 0 : index
      %get3A_477 = arith.constant 576 : index
      %get3A_478 = vector.load %arg5[%get3A_476, %get3A_477] : memref<512x768xbf16, #tpu.memory_space<vmem>>, vector<512x64xbf16>
      %dot_general3A_479 = arith.constant dense<0.000000e+00> : vector<512x64xf32>
      %dot_general3A_480 = tpu.matmul %convert_element_type3A_475, %get3A_478, %dot_general3A_479 {dimension_numbers = #tpu.dot_dimension_numbers<[1], [0], [0], [1], [0, 0, 1, 1], [], []>, transpose_lhs_hint = false} : vector<512x512xbf16>, vector<512x64xbf16>, vector<512x64xf32> -> vector<512x64xf32>
      %add3A_481 = arith.addf %get3A_474, %dot_general3A_480 : vector<512x64xf32>
      %swap3A_482 = arith.constant 9 : index
      %swap3A_483 = arith.constant 0 : index
      %swap3A_484 = arith.constant 0 : index
      %swap3A_485 = vector.load %arg18[%swap3A_482, %swap3A_483, %swap3A_484] : memref<12x512x64xf32, #tpu.memory_space<vmem>>, vector<1x512x64xf32>
      %swap3A_486 = vector.shape_cast %swap3A_485 : vector<1x512x64xf32> to vector<512x64xf32>
      %swap3A_487 = vector.shape_cast %add3A_481 : vector<512x64xf32> to vector<1x512x64xf32>
      tpu.vector_store %arg18[%swap3A_482, %swap3A_483, %swap3A_484], %swap3A_487 {strides = array<i32>} : memref<12x512x64xf32, #tpu.memory_space<vmem>>, vector<1x512x64xf32>,
      %get3A_488 = arith.constant 0 : index
      %get3A_489 = arith.constant 640 : index
      %get3A_490 = vector.load %arg3[%get3A_488, %get3A_489] : memref<512x768xbf16, #tpu.memory_space<vmem>>, vector<512x64xbf16>
      %mul3A_491 = arith.constant 1.250000e-01 : bf16
      %mul3A_492 = vector.broadcast %mul3A_491 : bf16 to vector<512x64xbf16>
      %mul3A_493 = arith.mulf %get3A_490, %mul3A_492 : vector<512x64xbf16>
      %get3A_494 = arith.constant 0 : index
      %get3A_495 = arith.constant 640 : index
      %get3A_496 = vector.load %arg4[%get3A_494, %get3A_495] : memref<512x768xbf16, #tpu.memory_space<vmem>>, vector<512x64xbf16>
      %dot_general3A_497 = arith.constant dense<0.000000e+00> : vector<512x512xf32>
      %dot_general3A_498 = tpu.matmul %mul3A_493, %get3A_496, %dot_general3A_497 {dimension_numbers = #tpu.dot_dimension_numbers<[1], [1], [0], [0], [0, 0, 1, 0], [], []>, transpose_lhs_hint = false} : vector<512x64xbf16>, vector<512x64xbf16>, vector<512x512xf32> -> vector<512x512xf32>
      %jit3A_499 = arith.constant -1.000000e+09 : f32
      %broadcast_in_dim3A_500 = vector.broadcast %jit3A_499 : f32 to vector<512x512xf32>
      %select_n3A_501 = arith.select %ge3A, %dot_general3A_498, %broadcast_in_dim3A_500 : vector<512x512xi1>, vector<512x512xf32>
      %exp3A_502 = math.exp %select_n3A_501 : vector<512x512xf32>
      %get3A_503 = arith.constant 10 : index
      %get3A_504 = arith.constant 0 : index
      %get3A_505 = arith.constant 0 : index
      %get3A_506 = vector.load %arg19[%get3A_503, %get3A_504, %get3A_505] : memref<12x512x1xf32, #tpu.memory_space<vmem>>, vector<1x512x1xf32>
      %get3A_507 = vector.shape_cast %get3A_506 : vector<1x512x1xf32> to vector<512x1xf32>
      %reduce_sum3A_508 = arith.constant dense<0.000000e+00> : vector<512xf32>
      %reduce_sum3A_509 = vector.multi_reduction <add>, %exp3A_502, %reduce_sum3A_508 [1] : vector<512x512xf32> to vector<512xf32>
      %broadcast_in_dim3A_510 = vector.shape_cast %reduce_sum3A_509 : vector<512xf32> to vector<512x1xf32>
      %add3A_511 = arith.addf %get3A_507, %broadcast_in_dim3A_510 : vector<512x1xf32>
      %swap3A_512 = arith.constant 10 : index
      %swap3A_513 = arith.constant 0 : index
      %swap3A_514 = arith.constant 0 : index
      %swap3A_515 = vector.load %arg19[%swap3A_512, %swap3A_513, %swap3A_514] : memref<12x512x1xf32, #tpu.memory_space<vmem>>, vector<1x512x1xf32>
      %swap3A_516 = vector.shape_cast %swap3A_515 : vector<1x512x1xf32> to vector<512x1xf32>
      %swap3A_517 = vector.shape_cast %add3A_511 : vector<512x1xf32> to vector<1x512x1xf32>
      tpu.vector_store %arg19[%swap3A_512, %swap3A_513, %swap3A_514], %swap3A_517 {strides = array<i32>} : memref<12x512x1xf32, #tpu.memory_space<vmem>>, vector<1x512x1xf32>,
      %get3A_518 = arith.constant 10 : index
      %get3A_519 = arith.constant 0 : index
      %get3A_520 = arith.constant 0 : index
      %get3A_521 = vector.load %arg18[%get3A_518, %get3A_519, %get3A_520] : memref<12x512x64xf32, #tpu.memory_space<vmem>>, vector<1x512x64xf32>
      %get3A_522 = vector.shape_cast %get3A_521 : vector<1x512x64xf32> to vector<512x64xf32>
      %convert_element_type3A_523 = arith.truncf %exp3A_502 : vector<512x512xf32> to vector<512x512xbf16>
      %get3A_524 = arith.constant 0 : index
      %get3A_525 = arith.constant 640 : index
      %get3A_526 = vector.load %arg5[%get3A_524, %get3A_525] : memref<512x768xbf16, #tpu.memory_space<vmem>>, vector<512x64xbf16>
      %dot_general3A_527 = arith.constant dense<0.000000e+00> : vector<512x64xf32>
      %dot_general3A_528 = tpu.matmul %convert_element_type3A_523, %get3A_526, %dot_general3A_527 {dimension_numbers = #tpu.dot_dimension_numbers<[1], [0], [0], [1], [0, 0, 1, 1], [], []>, transpose_lhs_hint = false} : vector<512x512xbf16>, vector<512x64xbf16>, vector<512x64xf32> -> vector<512x64xf32>
      %add3A_529 = arith.addf %get3A_522, %dot_general3A_528 : vector<512x64xf32>
      %swap3A_530 = arith.constant 10 : index
      %swap3A_531 = arith.constant 0 : index
      %swap3A_532 = arith.constant 0 : index
      %swap3A_533 = vector.load %arg18[%swap3A_530, %swap3A_531, %swap3A_532] : memref<12x512x64xf32, #tpu.memory_space<vmem>>, vector<1x512x64xf32>
      %swap3A_534 = vector.shape_cast %swap3A_533 : vector<1x512x64xf32> to vector<512x64xf32>
      %swap3A_535 = vector.shape_cast %add3A_529 : vector<512x64xf32> to vector<1x512x64xf32>
      tpu.vector_store %arg18[%swap3A_530, %swap3A_531, %swap3A_532], %swap3A_535 {strides = array<i32>} : memref<12x512x64xf32, #tpu.memory_space<vmem>>, vector<1x512x64xf32>,
      %get3A_536 = arith.constant 0 : index
      %get3A_537 = arith.constant 704 : index
      %get3A_538 = vector.load %arg3[%get3A_536, %get3A_537] : memref<512x768xbf16, #tpu.memory_space<vmem>>, vector<512x64xbf16>
      %mul3A_539 = arith.constant 1.250000e-01 : bf16
      %mul3A_540 = vector.broadcast %mul3A_539 : bf16 to vector<512x64xbf16>
      %mul3A_541 = arith.mulf %get3A_538, %mul3A_540 : vector<512x64xbf16>
      %get3A_542 = arith.constant 0 : index
      %get3A_543 = arith.constant 704 : index
      %get3A_544 = vector.load %arg4[%get3A_542, %get3A_543] : memref<512x768xbf16, #tpu.memory_space<vmem>>, vector<512x64xbf16>
      %dot_general3A_545 = arith.constant dense<0.000000e+00> : vector<512x512xf32>
      %dot_general3A_546 = tpu.matmul %mul3A_541, %get3A_544, %dot_general3A_545 {dimension_numbers = #tpu.dot_dimension_numbers<[1], [1], [0], [0], [0, 0, 1, 0], [], []>, transpose_lhs_hint = false} : vector<512x64xbf16>, vector<512x64xbf16>, vector<512x512xf32> -> vector<512x512xf32>
      %jit3A_547 = arith.constant -1.000000e+09 : f32
      %broadcast_in_dim3A_548 = vector.broadcast %jit3A_547 : f32 to vector<512x512xf32>
      %select_n3A_549 = arith.select %ge3A, %dot_general3A_546, %broadcast_in_dim3A_548 : vector<512x512xi1>, vector<512x512xf32>
      %exp3A_550 = math.exp %select_n3A_549 : vector<512x512xf32>
      %get3A_551 = arith.constant 11 : index
      %get3A_552 = arith.constant 0 : index
      %get3A_553 = arith.constant 0 : index
      %get3A_554 = vector.load %arg19[%get3A_551, %get3A_552, %get3A_553] : memref<12x512x1xf32, #tpu.memory_space<vmem>>, vector<1x512x1xf32>
      %get3A_555 = vector.shape_cast %get3A_554 : vector<1x512x1xf32> to vector<512x1xf32>
      %reduce_sum3A_556 = arith.constant dense<0.000000e+00> : vector<512xf32>
      %reduce_sum3A_557 = vector.multi_reduction <add>, %exp3A_550, %reduce_sum3A_556 [1] : vector<512x512xf32> to vector<512xf32>
      %broadcast_in_dim3A_558 = vector.shape_cast %reduce_sum3A_557 : vector<512xf32> to vector<512x1xf32>
      %add3A_559 = arith.addf %get3A_555, %broadcast_in_dim3A_558 : vector<512x1xf32>
      %swap3A_560 = arith.constant 11 : index
      %swap3A_561 = arith.constant 0 : index
      %swap3A_562 = arith.constant 0 : index
      %swap3A_563 = vector.load %arg19[%swap3A_560, %swap3A_561, %swap3A_562] : memref<12x512x1xf32, #tpu.memory_space<vmem>>, vector<1x512x1xf32>
      %swap3A_564 = vector.shape_cast %swap3A_563 : vector<1x512x1xf32> to vector<512x1xf32>
      %swap3A_565 = vector.shape_cast %add3A_559 : vector<512x1xf32> to vector<1x512x1xf32>
      tpu.vector_store %arg19[%swap3A_560, %swap3A_561, %swap3A_562], %swap3A_565 {strides = array<i32>} : memref<12x512x1xf32, #tpu.memory_space<vmem>>, vector<1x512x1xf32>,
      %get3A_566 = arith.constant 11 : index
      %get3A_567 = arith.constant 0 : index
      %get3A_568 = arith.constant 0 : index
      %get3A_569 = vector.load %arg18[%get3A_566, %get3A_567, %get3A_568] : memref<12x512x64xf32, #tpu.memory_space<vmem>>, vector<1x512x64xf32>
      %get3A_570 = vector.shape_cast %get3A_569 : vector<1x512x64xf32> to vector<512x64xf32>
      %convert_element_type3A_571 = arith.truncf %exp3A_550 : vector<512x512xf32> to vector<512x512xbf16>
      %get3A_572 = arith.constant 0 : index
      %get3A_573 = arith.constant 704 : index
      %get3A_574 = vector.load %arg5[%get3A_572, %get3A_573] : memref<512x768xbf16, #tpu.memory_space<vmem>>, vector<512x64xbf16>
      %dot_general3A_575 = arith.constant dense<0.000000e+00> : vector<512x64xf32>
      %dot_general3A_576 = tpu.matmul %convert_element_type3A_571, %get3A_574, %dot_general3A_575 {dimension_numbers = #tpu.dot_dimension_numbers<[1], [0], [0], [1], [0, 0, 1, 1], [], []>, transpose_lhs_hint = false} : vector<512x512xbf16>, vector<512x64xbf16>, vector<512x64xf32> -> vector<512x64xf32>
      %add3A_577 = arith.addf %get3A_570, %dot_general3A_576 : vector<512x64xf32>
      %swap3A_578 = arith.constant 11 : index
      %swap3A_579 = arith.constant 0 : index
      %swap3A_580 = arith.constant 0 : index
      %swap3A_581 = vector.load %arg18[%swap3A_578, %swap3A_579, %swap3A_580] : memref<12x512x64xf32, #tpu.memory_space<vmem>>, vector<1x512x64xf32>
      %swap3A_582 = vector.shape_cast %swap3A_581 : vector<1x512x64xf32> to vector<512x64xf32>
      %swap3A_583 = vector.shape_cast %add3A_577 : vector<512x64xf32> to vector<1x512x64xf32>
      tpu.vector_store %arg18[%swap3A_578, %swap3A_579, %swap3A_580], %swap3A_583 {strides = array<i32>} : memref<12x512x64xf32, #tpu.memory_space<vmem>>, vector<1x512x64xf32>,
    } else {
    }
    %eq3A_5 = arith.cmpi eq, %arg2, %arg1 : i32
    %convert_element_type3A_6 = arith.extui %eq3A_5 : i1 to i32
    %cond3A_7 = arith.constant 0 : i32
    %cond3A_8 = arith.cmpi ne, %convert_element_type3A_6, %cond3A_7 : i32
    scf.if %cond3A_8 {
      %get3A = arith.constant 0 : index
      %get3A_9 = arith.constant 0 : index
      %get3A_10 = arith.constant 0 : index
      %get3A_11 = vector.load %arg18[%get3A, %get3A_9, %get3A_10] : memref<12x512x64xf32, #tpu.memory_space<vmem>>, vector<1x512x64xf32>
      %get3A_12 = vector.shape_cast %get3A_11 : vector<1x512x64xf32> to vector<512x64xf32>
      %get3A_13 = arith.constant 0 : index
      %get3A_14 = arith.constant 0 : index
      %get3A_15 = arith.constant 0 : index
      %get3A_16 = vector.load %arg19[%get3A_13, %get3A_14, %get3A_15] : memref<12x512x1xf32, #tpu.memory_space<vmem>>, vector<1x512x1xf32>
      %get3A_17 = vector.shape_cast %get3A_16 : vector<1x512x1xf32> to vector<512x1xf32>
      %div3A = arith.constant 1.000000e+00 : f32
      %div3A_18 = vector.broadcast %div3A : f32 to vector<512x1xf32>
      %div3A_19 = arith.divf %div3A_18, %get3A_17 : vector<512x1xf32>
      %mul3A = vector.broadcast %div3A_19 : vector<512x1xf32> to vector<512x64xf32>
      %mul3A_20 = arith.mulf %get3A_12, %mul3A : vector<512x64xf32>
      %get3A_21 = arith.constant 1 : index
      %get3A_22 = arith.constant 0 : index
      %get3A_23 = arith.constant 0 : index
      %get3A_24 = vector.load %arg18[%get3A_21, %get3A_22, %get3A_23] : memref<12x512x64xf32, #tpu.memory_space<vmem>>, vector<1x512x64xf32>
      %get3A_25 = vector.shape_cast %get3A_24 : vector<1x512x64xf32> to vector<512x64xf32>
      %get3A_26 = arith.constant 1 : index
      %get3A_27 = arith.constant 0 : index
      %get3A_28 = arith.constant 0 : index
      %get3A_29 = vector.load %arg19[%get3A_26, %get3A_27, %get3A_28] : memref<12x512x1xf32, #tpu.memory_space<vmem>>, vector<1x512x1xf32>
      %get3A_30 = vector.shape_cast %get3A_29 : vector<1x512x1xf32> to vector<512x1xf32>
      %div3A_31 = arith.constant 1.000000e+00 : f32
      %div3A_32 = vector.broadcast %div3A_31 : f32 to vector<512x1xf32>
      %div3A_33 = arith.divf %div3A_32, %get3A_30 : vector<512x1xf32>
      %mul3A_34 = vector.broadcast %div3A_33 : vector<512x1xf32> to vector<512x64xf32>
      %mul3A_35 = arith.mulf %get3A_25, %mul3A_34 : vector<512x64xf32>
      %get3A_36 = arith.constant 2 : index
      %get3A_37 = arith.constant 0 : index
      %get3A_38 = arith.constant 0 : index
      %get3A_39 = vector.load %arg18[%get3A_36, %get3A_37, %get3A_38] : memref<12x512x64xf32, #tpu.memory_space<vmem>>, vector<1x512x64xf32>
      %get3A_40 = vector.shape_cast %get3A_39 : vector<1x512x64xf32> to vector<512x64xf32>
      %get3A_41 = arith.constant 2 : index
      %get3A_42 = arith.constant 0 : index
      %get3A_43 = arith.constant 0 : index
      %get3A_44 = vector.load %arg19[%get3A_41, %get3A_42, %get3A_43] : memref<12x512x1xf32, #tpu.memory_space<vmem>>, vector<1x512x1xf32>
      %get3A_45 = vector.shape_cast %get3A_44 : vector<1x512x1xf32> to vector<512x1xf32>
      %div3A_46 = arith.constant 1.000000e+00 : f32
      %div3A_47 = vector.broadcast %div3A_46 : f32 to vector<512x1xf32>
      %div3A_48 = arith.divf %div3A_47, %get3A_45 : vector<512x1xf32>
      %mul3A_49 = vector.broadcast %div3A_48 : vector<512x1xf32> to vector<512x64xf32>
      %mul3A_50 = arith.mulf %get3A_40, %mul3A_49 : vector<512x64xf32>
      %get3A_51 = arith.constant 3 : index
      %get3A_52 = arith.constant 0 : index
      %get3A_53 = arith.constant 0 : index
      %get3A_54 = vector.load %arg18[%get3A_51, %get3A_52, %get3A_53] : memref<12x512x64xf32, #tpu.memory_space<vmem>>, vector<1x512x64xf32>
      %get3A_55 = vector.shape_cast %get3A_54 : vector<1x512x64xf32> to vector<512x64xf32>
      %get3A_56 = arith.constant 3 : index
      %get3A_57 = arith.constant 0 : index
      %get3A_58 = arith.constant 0 : index
      %get3A_59 = vector.load %arg19[%get3A_56, %get3A_57, %get3A_58] : memref<12x512x1xf32, #tpu.memory_space<vmem>>, vector<1x512x1xf32>
      %get3A_60 = vector.shape_cast %get3A_59 : vector<1x512x1xf32> to vector<512x1xf32>
      %div3A_61 = arith.constant 1.000000e+00 : f32
      %div3A_62 = vector.broadcast %div3A_61 : f32 to vector<512x1xf32>
      %div3A_63 = arith.divf %div3A_62, %get3A_60 : vector<512x1xf32>
      %mul3A_64 = vector.broadcast %div3A_63 : vector<512x1xf32> to vector<512x64xf32>
      %mul3A_65 = arith.mulf %get3A_55, %mul3A_64 : vector<512x64xf32>
      %get3A_66 = arith.constant 4 : index
      %get3A_67 = arith.constant 0 : index
      %get3A_68 = arith.constant 0 : index
      %get3A_69 = vector.load %arg18[%get3A_66, %get3A_67, %get3A_68] : memref<12x512x64xf32, #tpu.memory_space<vmem>>, vector<1x512x64xf32>
      %get3A_70 = vector.shape_cast %get3A_69 : vector<1x512x64xf32> to vector<512x64xf32>
      %get3A_71 = arith.constant 4 : index
      %get3A_72 = arith.constant 0 : index
      %get3A_73 = arith.constant 0 : index
      %get3A_74 = vector.load %arg19[%get3A_71, %get3A_72, %get3A_73] : memref<12x512x1xf32, #tpu.memory_space<vmem>>, vector<1x512x1xf32>
      %get3A_75 = vector.shape_cast %get3A_74 : vector<1x512x1xf32> to vector<512x1xf32>
      %div3A_76 = arith.constant 1.000000e+00 : f32
      %div3A_77 = vector.broadcast %div3A_76 : f32 to vector<512x1xf32>
      %div3A_78 = arith.divf %div3A_77, %get3A_75 : vector<512x1xf32>
      %mul3A_79 = vector.broadcast %div3A_78 : vector<512x1xf32> to vector<512x64xf32>
      %mul3A_80 = arith.mulf %get3A_70, %mul3A_79 : vector<512x64xf32>
      %get3A_81 = arith.constant 5 : index
      %get3A_82 = arith.constant 0 : index
      %get3A_83 = arith.constant 0 : index
      %get3A_84 = vector.load %arg18[%get3A_81, %get3A_82, %get3A_83] : memref<12x512x64xf32, #tpu.memory_space<vmem>>, vector<1x512x64xf32>
      %get3A_85 = vector.shape_cast %get3A_84 : vector<1x512x64xf32> to vector<512x64xf32>
      %get3A_86 = arith.constant 5 : index
      %get3A_87 = arith.constant 0 : index
      %get3A_88 = arith.constant 0 : index
      %get3A_89 = vector.load %arg19[%get3A_86, %get3A_87, %get3A_88] : memref<12x512x1xf32, #tpu.memory_space<vmem>>, vector<1x512x1xf32>
      %get3A_90 = vector.shape_cast %get3A_89 : vector<1x512x1xf32> to vector<512x1xf32>
      %div3A_91 = arith.constant 1.000000e+00 : f32
      %div3A_92 = vector.broadcast %div3A_91 : f32 to vector<512x1xf32>
      %div3A_93 = arith.divf %div3A_92, %get3A_90 : vector<512x1xf32>
      %mul3A_94 = vector.broadcast %div3A_93 : vector<512x1xf32> to vector<512x64xf32>
      %mul3A_95 = arith.mulf %get3A_85, %mul3A_94 : vector<512x64xf32>
      %get3A_96 = arith.constant 6 : index
      %get3A_97 = arith.constant 0 : index
      %get3A_98 = arith.constant 0 : index
      %get3A_99 = vector.load %arg18[%get3A_96, %get3A_97, %get3A_98] : memref<12x512x64xf32, #tpu.memory_space<vmem>>, vector<1x512x64xf32>
      %get3A_100 = vector.shape_cast %get3A_99 : vector<1x512x64xf32> to vector<512x64xf32>
      %get3A_101 = arith.constant 6 : index
      %get3A_102 = arith.constant 0 : index
      %get3A_103 = arith.constant 0 : index
      %get3A_104 = vector.load %arg19[%get3A_101, %get3A_102, %get3A_103] : memref<12x512x1xf32, #tpu.memory_space<vmem>>, vector<1x512x1xf32>
      %get3A_105 = vector.shape_cast %get3A_104 : vector<1x512x1xf32> to vector<512x1xf32>
      %div3A_106 = arith.constant 1.000000e+00 : f32
      %div3A_107 = vector.broadcast %div3A_106 : f32 to vector<512x1xf32>
      %div3A_108 = arith.divf %div3A_107, %get3A_105 : vector<512x1xf32>
      %mul3A_109 = vector.broadcast %div3A_108 : vector<512x1xf32> to vector<512x64xf32>
      %mul3A_110 = arith.mulf %get3A_100, %mul3A_109 : vector<512x64xf32>
      %get3A_111 = arith.constant 7 : index
      %get3A_112 = arith.constant 0 : index
      %get3A_113 = arith.constant 0 : index
      %get3A_114 = vector.load %arg18[%get3A_111, %get3A_112, %get3A_113] : memref<12x512x64xf32, #tpu.memory_space<vmem>>, vector<1x512x64xf32>
      %get3A_115 = vector.shape_cast %get3A_114 : vector<1x512x64xf32> to vector<512x64xf32>
      %get3A_116 = arith.constant 7 : index
      %get3A_117 = arith.constant 0 : index
      %get3A_118 = arith.constant 0 : index
      %get3A_119 = vector.load %arg19[%get3A_116, %get3A_117, %get3A_118] : memref<12x512x1xf32, #tpu.memory_space<vmem>>, vector<1x512x1xf32>
      %get3A_120 = vector.shape_cast %get3A_119 : vector<1x512x1xf32> to vector<512x1xf32>
      %div3A_121 = arith.constant 1.000000e+00 : f32
      %div3A_122 = vector.broadcast %div3A_121 : f32 to vector<512x1xf32>
      %div3A_123 = arith.divf %div3A_122, %get3A_120 : vector<512x1xf32>
      %mul3A_124 = vector.broadcast %div3A_123 : vector<512x1xf32> to vector<512x64xf32>
      %mul3A_125 = arith.mulf %get3A_115, %mul3A_124 : vector<512x64xf32>
      %get3A_126 = arith.constant 8 : index
      %get3A_127 = arith.constant 0 : index
      %get3A_128 = arith.constant 0 : index
      %get3A_129 = vector.load %arg18[%get3A_126, %get3A_127, %get3A_128] : memref<12x512x64xf32, #tpu.memory_space<vmem>>, vector<1x512x64xf32>
      %get3A_130 = vector.shape_cast %get3A_129 : vector<1x512x64xf32> to vector<512x64xf32>
      %get3A_131 = arith.constant 8 : index
      %get3A_132 = arith.constant 0 : index
      %get3A_133 = arith.constant 0 : index
      %get3A_134 = vector.load %arg19[%get3A_131, %get3A_132, %get3A_133] : memref<12x512x1xf32, #tpu.memory_space<vmem>>, vector<1x512x1xf32>
      %get3A_135 = vector.shape_cast %get3A_134 : vector<1x512x1xf32> to vector<512x1xf32>
      %div3A_136 = arith.constant 1.000000e+00 : f32
      %div3A_137 = vector.broadcast %div3A_136 : f32 to vector<512x1xf32>
      %div3A_138 = arith.divf %div3A_137, %get3A_135 : vector<512x1xf32>
      %mul3A_139 = vector.broadcast %div3A_138 : vector<512x1xf32> to vector<512x64xf32>
      %mul3A_140 = arith.mulf %get3A_130, %mul3A_139 : vector<512x64xf32>
      %get3A_141 = arith.constant 9 : index
      %get3A_142 = arith.constant 0 : index
      %get3A_143 = arith.constant 0 : index
      %get3A_144 = vector.load %arg18[%get3A_141, %get3A_142, %get3A_143] : memref<12x512x64xf32, #tpu.memory_space<vmem>>, vector<1x512x64xf32>
      %get3A_145 = vector.shape_cast %get3A_144 : vector<1x512x64xf32> to vector<512x64xf32>
      %get3A_146 = arith.constant 9 : index
      %get3A_147 = arith.constant 0 : index
      %get3A_148 = arith.constant 0 : index
      %get3A_149 = vector.load %arg19[%get3A_146, %get3A_147, %get3A_148] : memref<12x512x1xf32, #tpu.memory_space<vmem>>, vector<1x512x1xf32>
      %get3A_150 = vector.shape_cast %get3A_149 : vector<1x512x1xf32> to vector<512x1xf32>
      %div3A_151 = arith.constant 1.000000e+00 : f32
      %div3A_152 = vector.broadcast %div3A_151 : f32 to vector<512x1xf32>
      %div3A_153 = arith.divf %div3A_152, %get3A_150 : vector<512x1xf32>
      %mul3A_154 = vector.broadcast %div3A_153 : vector<512x1xf32> to vector<512x64xf32>
      %mul3A_155 = arith.mulf %get3A_145, %mul3A_154 : vector<512x64xf32>
      %get3A_156 = arith.constant 10 : index
      %get3A_157 = arith.constant 0 : index
      %get3A_158 = arith.constant 0 : index
      %get3A_159 = vector.load %arg18[%get3A_156, %get3A_157, %get3A_158] : memref<12x512x64xf32, #tpu.memory_space<vmem>>, vector<1x512x64xf32>
      %get3A_160 = vector.shape_cast %get3A_159 : vector<1x512x64xf32> to vector<512x64xf32>
      %get3A_161 = arith.constant 10 : index
      %get3A_162 = arith.constant 0 : index
      %get3A_163 = arith.constant 0 : index
      %get3A_164 = vector.load %arg19[%get3A_161, %get3A_162, %get3A_163] : memref<12x512x1xf32, #tpu.memory_space<vmem>>, vector<1x512x1xf32>
      %get3A_165 = vector.shape_cast %get3A_164 : vector<1x512x1xf32> to vector<512x1xf32>
      %div3A_166 = arith.constant 1.000000e+00 : f32
      %div3A_167 = vector.broadcast %div3A_166 : f32 to vector<512x1xf32>
      %div3A_168 = arith.divf %div3A_167, %get3A_165 : vector<512x1xf32>
      %mul3A_169 = vector.broadcast %div3A_168 : vector<512x1xf32> to vector<512x64xf32>
      %mul3A_170 = arith.mulf %get3A_160, %mul3A_169 : vector<512x64xf32>
      %get3A_171 = arith.constant 11 : index
      %get3A_172 = arith.constant 0 : index
      %get3A_173 = arith.constant 0 : index
      %get3A_174 = vector.load %arg18[%get3A_171, %get3A_172, %get3A_173] : memref<12x512x64xf32, #tpu.memory_space<vmem>>, vector<1x512x64xf32>
      %get3A_175 = vector.shape_cast %get3A_174 : vector<1x512x64xf32> to vector<512x64xf32>
      %get3A_176 = arith.constant 11 : index
      %get3A_177 = arith.constant 0 : index
      %get3A_178 = arith.constant 0 : index
      %get3A_179 = vector.load %arg19[%get3A_176, %get3A_177, %get3A_178] : memref<12x512x1xf32, #tpu.memory_space<vmem>>, vector<1x512x1xf32>
      %get3A_180 = vector.shape_cast %get3A_179 : vector<1x512x1xf32> to vector<512x1xf32>
      %div3A_181 = arith.constant 1.000000e+00 : f32
      %div3A_182 = vector.broadcast %div3A_181 : f32 to vector<512x1xf32>
      %div3A_183 = arith.divf %div3A_182, %get3A_180 : vector<512x1xf32>
      %mul3A_184 = vector.broadcast %div3A_183 : vector<512x1xf32> to vector<512x64xf32>
      %mul3A_185 = arith.mulf %get3A_175, %mul3A_184 : vector<512x64xf32>
      %concatenate3A = tpu.concatenate %mul3A_20, %mul3A_35, %mul3A_50, %mul3A_65, %mul3A_80, %mul3A_95, %mul3A_110, %mul3A_125, %mul3A_140, %mul3A_155, %mul3A_170, %mul3A_185 in 1 : vector<512x64xf32>, vector<512x64xf32>, vector<512x64xf32>, vector<512x64xf32>, vector<512x64xf32>, vector<512x64xf32>, vector<512x64xf32>, vector<512x64xf32>, vector<512x64xf32>, vector<512x64xf32>, vector<512x64xf32>, vector<512x64xf32> -> vector<512x768xf32>
      %convert_element_type3A_186 = arith.truncf %concatenate3A : vector<512x768xf32> to vector<512x768xbf16>
      %get3A_187 = arith.constant 0 : index
      %get3A_188 = arith.constant 0 : index
      %get3A_189 = vector.load %arg7[%get3A_187, %get3A_188] : memref<768x768xbf16, #tpu.memory_space<vmem>>, vector<768x768xbf16>
      %dot_general3A = arith.constant dense<0.000000e+00> : vector<512x768xf32>
      %dot_general3A_190 = tpu.matmul %convert_element_type3A_186, %get3A_189, %dot_general3A {dimension_numbers = #tpu.dot_dimension_numbers<[1], [0], [0], [1], [0, 0, 1, 1], [], []>, transpose_lhs_hint = false} : vector<512x768xbf16>, vector<768x768xbf16>, vector<512x768xf32> -> vector<512x768xf32>
      %get3A_191 = arith.constant 0 : index
      %get3A_192 = arith.constant 0 : index
      %get3A_193 = vector.load %arg6[%get3A_191, %get3A_192] : memref<512x768xf32, #tpu.memory_space<vmem>>, vector<512x768xf32>
      %get3A_194 = arith.constant 0 : index
      %get3A_195 = arith.constant 0 : index
      %get3A_196 = vector.load %arg8[%get3A_194, %get3A_195] : memref<1x768xf32, #tpu.memory_space<vmem>>, vector<1x768xf32>
      %get3A_197 = arith.constant 0 : index
      %get3A_198 = arith.constant 0 : index
      %get3A_199 = vector.load %arg9[%get3A_197, %get3A_198] : memref<1x768xf32, #tpu.memory_space<vmem>>, vector<1x768xf32>
      %reduce_sum3A = arith.constant dense<0.000000e+00> : vector<512xf32>
      %reduce_sum3A_200 = vector.multi_reduction <add>, %dot_general3A_190, %reduce_sum3A [1] : vector<512x768xf32> to vector<512xf32>
      %broadcast_in_dim3A = vector.shape_cast %reduce_sum3A_200 : vector<512xf32> to vector<512x1xf32>
      %div3A_201 = arith.constant 7.680000e+02 : f32
      %div3A_202 = vector.broadcast %div3A_201 : f32 to vector<512x1xf32>
      %div3A_203 = arith.divf %broadcast_in_dim3A, %div3A_202 : vector<512x1xf32>
      %sub3A = vector.broadcast %div3A_203 : vector<512x1xf32> to vector<512x768xf32>
      %sub3A_204 = arith.subf %dot_general3A_190, %sub3A : vector<512x768xf32>
      %integer_pow3A = arith.mulf %sub3A_204, %sub3A_204 : vector<512x768xf32>
      %reduce_sum3A_205 = arith.constant dense<0.000000e+00> : vector<512xf32>
      %reduce_sum3A_206 = vector.multi_reduction <add>, %integer_pow3A, %reduce_sum3A_205 [1] : vector<512x768xf32> to vector<512xf32>
      %broadcast_in_dim3A_207 = vector.shape_cast %reduce_sum3A_206 : vector<512xf32> to vector<512x1xf32>
      %div3A_208 = arith.constant 7.680000e+02 : f32
      %div3A_209 = vector.broadcast %div3A_208 : f32 to vector<512x1xf32>
      %div3A_210 = arith.divf %broadcast_in_dim3A_207, %div3A_209 : vector<512x1xf32>
      %sub3A_211 = vector.broadcast %div3A_203 : vector<512x1xf32> to vector<512x768xf32>
      %sub3A_212 = arith.subf %dot_general3A_190, %sub3A_211 : vector<512x768xf32>
      %add3A = arith.constant 9.99999974E-6 : f32
      %add3A_213 = vector.broadcast %add3A : f32 to vector<512x1xf32>
      %add3A_214 = arith.addf %div3A_210, %add3A_213 : vector<512x1xf32>
      %sqrt3A = math.sqrt %add3A_214 : vector<512x1xf32>
      %div3A_215 = vector.broadcast %sqrt3A : vector<512x1xf32> to vector<512x768xf32>
      %div3A_216 = arith.divf %sub3A_212, %div3A_215 : vector<512x768xf32>
      %mul3A_217 = vector.broadcast %get3A_196 : vector<1x768xf32> to vector<512x768xf32>
      %mul3A_218 = arith.mulf %div3A_216, %mul3A_217 : vector<512x768xf32>
      %add3A_219 = vector.broadcast %get3A_199 : vector<1x768xf32> to vector<512x768xf32>
      %add3A_220 = arith.addf %mul3A_218, %add3A_219 : vector<512x768xf32>
      %add3A_221 = arith.addf %get3A_193, %add3A_220 : vector<512x768xf32>
      %swap3A = arith.constant 0 : index
      %swap3A_222 = arith.constant 0 : index
      %swap3A_223 = vector.load %arg14[%swap3A, %swap3A_222] : memref<512x768xf32, #tpu.memory_space<vmem>>, vector<512x768xf32>
      tpu.vector_store %arg14[%swap3A, %swap3A_222], %add3A_221 {strides = array<i32>} : memref<512x768xf32, #tpu.memory_space<vmem>>, vector<512x768xf32>,
      %get3A_224 = arith.constant 0 : index
      %get3A_225 = arith.constant 0 : index
      %get3A_226 = vector.load %arg10[%get3A_224, %get3A_225] : memref<1x768xf32, #tpu.memory_space<vmem>>, vector<1x768xf32>
      %get3A_227 = arith.constant 0 : index
      %get3A_228 = arith.constant 0 : index
      %get3A_229 = vector.load %arg11[%get3A_227, %get3A_228] : memref<1x768xf32, #tpu.memory_space<vmem>>, vector<1x768xf32>
      %reduce_sum3A_230 = arith.constant dense<0.000000e+00> : vector<512xf32>
      %reduce_sum3A_231 = vector.multi_reduction <add>, %add3A_221, %reduce_sum3A_230 [1] : vector<512x768xf32> to vector<512xf32>
      %broadcast_in_dim3A_232 = vector.shape_cast %reduce_sum3A_231 : vector<512xf32> to vector<512x1xf32>
      %div3A_233 = arith.constant 7.680000e+02 : f32
      %div3A_234 = vector.broadcast %div3A_233 : f32 to vector<512x1xf32>
      %div3A_235 = arith.divf %broadcast_in_dim3A_232, %div3A_234 : vector<512x1xf32>
      %sub3A_236 = vector.broadcast %div3A_235 : vector<512x1xf32> to vector<512x768xf32>
      %sub3A_237 = arith.subf %add3A_221, %sub3A_236 : vector<512x768xf32>
      %integer_pow3A_238 = arith.mulf %sub3A_237, %sub3A_237 : vector<512x768xf32>
      %reduce_sum3A_239 = arith.constant dense<0.000000e+00> : vector<512xf32>
      %reduce_sum3A_240 = vector.multi_reduction <add>, %integer_pow3A_238, %reduce_sum3A_239 [1] : vector<512x768xf32> to vector<512xf32>
      %broadcast_in_dim3A_241 = vector.shape_cast %reduce_sum3A_240 : vector<512xf32> to vector<512x1xf32>
      %div3A_242 = arith.constant 7.680000e+02 : f32
      %div3A_243 = vector.broadcast %div3A_242 : f32 to vector<512x1xf32>
      %div3A_244 = arith.divf %broadcast_in_dim3A_241, %div3A_243 : vector<512x1xf32>
      %sub3A_245 = vector.broadcast %div3A_235 : vector<512x1xf32> to vector<512x768xf32>
      %sub3A_246 = arith.subf %add3A_221, %sub3A_245 : vector<512x768xf32>
      %add3A_247 = arith.constant 9.99999974E-6 : f32
      %add3A_248 = vector.broadcast %add3A_247 : f32 to vector<512x1xf32>
      %add3A_249 = arith.addf %div3A_244, %add3A_248 : vector<512x1xf32>
      %sqrt3A_250 = math.sqrt %add3A_249 : vector<512x1xf32>
      %div3A_251 = vector.broadcast %sqrt3A_250 : vector<512x1xf32> to vector<512x768xf32>
      %div3A_252 = arith.divf %sub3A_246, %div3A_251 : vector<512x768xf32>
      %mul3A_253 = vector.broadcast %get3A_226 : vector<1x768xf32> to vector<512x768xf32>
      %mul3A_254 = arith.mulf %div3A_252, %mul3A_253 : vector<512x768xf32>
      %add3A_255 = vector.broadcast %get3A_229 : vector<1x768xf32> to vector<512x768xf32>
      %add3A_256 = arith.addf %mul3A_254, %add3A_255 : vector<512x768xf32>
      %swap3A_257 = arith.constant 0 : index
      %swap3A_258 = arith.constant 0 : index
      %swap3A_259 = vector.load %arg15[%swap3A_257, %swap3A_258] : memref<512x768xf32, #tpu.memory_space<vmem>>, vector<512x768xf32>
      tpu.vector_store %arg15[%swap3A_257, %swap3A_258], %add3A_256 {strides = array<i32>} : memref<512x768xf32, #tpu.memory_space<vmem>>, vector<512x768xf32>,
      %get3A_260 = arith.constant 0 : index
      %get3A_261 = arith.constant 0 : index
      %get3A_262 = vector.load %arg12[%get3A_260, %get3A_261] : memref<768x8xf32, #tpu.memory_space<vmem>>, vector<768x8xf32>
      %dot_general3A_263 = arith.constant dense<0.000000e+00> : vector<512x8xf32>
      %dot_general3A_264 = tpu.matmul %add3A_256, %get3A_262, %dot_general3A_263 {dimension_numbers = #tpu.dot_dimension_numbers<[1], [0], [0], [1], [0, 0, 1, 1], [], []>, transpose_lhs_hint = false} : vector<512x768xf32>, vector<768x8xf32>, vector<512x8xf32> -> vector<512x8xf32>
      %swap3A_265 = arith.constant 0 : index
      %swap3A_266 = arith.constant 0 : index
      %swap3A_267 = vector.load %arg16[%swap3A_265, %swap3A_266] : memref<512x8xf32, #tpu.memory_space<vmem>>, vector<512x8xf32>
      tpu.vector_store %arg16[%swap3A_265, %swap3A_266], %dot_general3A_264 {strides = array<i32>} : memref<512x8xf32, #tpu.memory_space<vmem>>, vector<512x8xf32>,
      %get3A_268 = arith.constant 0 : index
      %get3A_269 = arith.constant 0 : index
      %get3A_270 = vector.load %arg13[%get3A_268, %get3A_269] : memref<768x8xf32, #tpu.memory_space<vmem>>, vector<768x8xf32>
      %dot_general3A_271 = arith.constant dense<0.000000e+00> : vector<512x8xf32>
      %dot_general3A_272 = tpu.matmul %add3A_256, %get3A_270, %dot_general3A_271 {dimension_numbers = #tpu.dot_dimension_numbers<[1], [0], [0], [1], [0, 0, 1, 1], [], []>, transpose_lhs_hint = false} : vector<512x768xf32>, vector<768x8xf32>, vector<512x8xf32> -> vector<512x8xf32>
      %swap3A_273 = arith.constant 0 : index
      %swap3A_274 = arith.constant 0 : index
      %swap3A_275 = vector.load %arg17[%swap3A_273, %swap3A_274] : memref<512x8xf32, #tpu.memory_space<vmem>>, vector<512x8xf32>
      tpu.vector_store %arg17[%swap3A_273, %swap3A_274], %dot_general3A_272 {strides = array<i32>} : memref<512x8xf32, #tpu.memory_space<vmem>>, vector<512x8xf32>,
    } else {
    }
    return
  }
  func.func @transform_0(%arg0: i32, %arg1: i32, %arg2: i32) -> (i32, i32) {
    %mul3A = arith.constant 4 : i32
    %mul3A_0 = arith.muli %arg0, %mul3A : i32
    %add3A = arith.addi %mul3A_0, %arg1 : i32
    %c0_i32 = arith.constant 0 : i32
    %c0_i32_1 = arith.constant 0 : i32
    return %add3A, %c0_i32 : i32, i32
  }
  func.func @transform_1(%arg0: i32, %arg1: i32, %arg2: i32) -> (i32, i32) {
    %mul3A = arith.constant 4 : i32
    %mul3A_0 = arith.muli %arg0, %mul3A : i32
    %add3A = arith.addi %mul3A_0, %arg2 : i32
    %c0_i32 = arith.constant 0 : i32
    %c0_i32_1 = arith.constant 0 : i32
    return %add3A, %c0_i32 : i32, i32
  }
  func.func @transform_2(%arg0: i32, %arg1: i32, %arg2: i32) -> (i32, i32) {
    %mul3A = arith.constant 4 : i32
    %mul3A_0 = arith.muli %arg0, %mul3A : i32
    %add3A = arith.addi %mul3A_0, %arg2 : i32
    %c0_i32 = arith.constant 0 : i32
    %c0_i32_1 = arith.constant 0 : i32
    return %add3A, %c0_i32 : i32, i32
  }
  func.func @transform_3(%arg0: i32, %arg1: i32, %arg2: i32) -> (i32, i32) {
    %mul3A = arith.constant 4 : i32
    %mul3A_0 = arith.muli %arg0, %mul3A : i32
    %add3A = arith.addi %mul3A_0, %arg1 : i32
    %c0_i32 = arith.constant 0 : i32
    %c0_i32_1 = arith.constant 0 : i32
    return %add3A, %c0_i32 : i32, i32
  }
  func.func @transform_4(%arg0: i32, %arg1: i32, %arg2: i32) -> (i32, i32) {
    %c0_i32 = arith.constant 0 : i32
    %c0_i32_0 = arith.constant 0 : i32
    %c0_i32_1 = arith.constant 0 : i32
    return %c0_i32, %c0_i32_0 : i32, i32
  }
  func.func @transform_5(%arg0: i32, %arg1: i32, %arg2: i32) -> (i32, i32) {
    %c0_i32 = arith.constant 0 : i32
    %c0_i32_0 = arith.constant 0 : i32
    %c0_i32_1 = arith.constant 0 : i32
    return %c0_i32, %c0_i32_0 : i32, i32
  }
  func.func @transform_6(%arg0: i32, %arg1: i32, %arg2: i32) -> (i32, i32) {
    %c0_i32 = arith.constant 0 : i32
    %c0_i32_0 = arith.constant 0 : i32
    %c0_i32_1 = arith.constant 0 : i32
    return %c0_i32, %c0_i32_0 : i32, i32
  }
  func.func @transform_7(%arg0: i32, %arg1: i32, %arg2: i32) -> (i32, i32) {
    %c0_i32 = arith.constant 0 : i32
    %c0_i32_0 = arith.constant 0 : i32
    %c0_i32_1 = arith.constant 0 : i32
    return %c0_i32, %c0_i32_0 : i32, i32
  }
  func.func @transform_8(%arg0: i32, %arg1: i32, %arg2: i32) -> (i32, i32) {
    %c0_i32 = arith.constant 0 : i32
    %c0_i32_0 = arith.constant 0 : i32
    %c0_i32_1 = arith.constant 0 : i32
    return %c0_i32, %c0_i32_0 : i32, i32
  }
  func.func @transform_9(%arg0: i32, %arg1: i32, %arg2: i32) -> (i32, i32) {
    %c0_i32 = arith.constant 0 : i32
    %c0_i32_0 = arith.constant 0 : i32
    %c0_i32_1 = arith.constant 0 : i32
    return %c0_i32, %c0_i32_0 : i32, i32
  }
  func.func @transform_10(%arg0: i32, %arg1: i32, %arg2: i32) -> (i32, i32) {
    %c0_i32 = arith.constant 0 : i32
    %c0_i32_0 = arith.constant 0 : i32
    %c0_i32_1 = arith.constant 0 : i32
    return %c0_i32, %c0_i32_0 : i32, i32
  }
  func.func @transform_11(%arg0: i32, %arg1: i32, %arg2: i32) -> (i32, i32) {
    %mul3A = arith.constant 4 : i32
    %mul3A_0 = arith.muli %arg0, %mul3A : i32
    %add3A = arith.addi %mul3A_0, %arg1 : i32
    %c0_i32 = arith.constant 0 : i32
    %c0_i32_1 = arith.constant 0 : i32
    return %add3A, %c0_i32 : i32, i32
  }
  func.func @transform_12(%arg0: i32, %arg1: i32, %arg2: i32) -> (i32, i32) {
    %mul3A = arith.constant 4 : i32
    %mul3A_0 = arith.muli %arg0, %mul3A : i32
    %add3A = arith.addi %mul3A_0, %arg1 : i32
    %c0_i32 = arith.constant 0 : i32
    %c0_i32_1 = arith.constant 0 : i32
    return %add3A, %c0_i32 : i32, i32
  }
  func.func @transform_13(%arg0: i32, %arg1: i32, %arg2: i32) -> (i32, i32) {
    %mul3A = arith.constant 4 : i32
    %mul3A_0 = arith.muli %arg0, %mul3A : i32
    %add3A = arith.addi %mul3A_0, %arg1 : i32
    %c0_i32 = arith.constant 0 : i32
    %c0_i32_1 = arith.constant 0 : i32
    return %add3A, %c0_i32 : i32, i32
  }
  func.func @transform_14(%arg0: i32, %arg1: i32, %arg2: i32) -> (i32, i32) {
    %mul3A = arith.constant 4 : i32
    %mul3A_0 = arith.muli %arg0, %mul3A : i32
    %add3A = arith.addi %mul3A_0, %arg1 : i32
    %c0_i32 = arith.constant 0 : i32
    %c0_i32_1 = arith.constant 0 : i32
    return %add3A, %c0_i32 : i32, i32
  }
}

module attributes {stable_mosaic.version = 14 : i64} {
  func.func @_k1_body(%arg0: i32, %arg1: memref<512x768xf32, #tpu.memory_space<vmem>>, %arg2: memref<1x768xf32, #tpu.memory_space<vmem>>, %arg3: memref<1x768xf32, #tpu.memory_space<vmem>>, %arg4: memref<768x768xbf16, #tpu.memory_space<vmem>>, %arg5: memref<768x768xbf16, #tpu.memory_space<vmem>>, %arg6: memref<768x768xbf16, #tpu.memory_space<vmem>>, %arg7: memref<512x768xbf16, #tpu.memory_space<vmem>>, %arg8: memref<512x768xbf16, #tpu.memory_space<vmem>>, %arg9: memref<512x768xbf16, #tpu.memory_space<vmem>>) attributes {dimension_semantics = [#tpu.dimension_semantics<arbitrary>], iteration_bounds = array<i64: 8>, scalar_prefetch = 0 : i64, scratch_operands = 0 : i64, tpu.core_type = #tpu.core_type<tc>, window_params = [{transform_indices = @transform_0, window_bounds = array<i64: 512, 768>}, {pipeline_mode = #tpu.pipeline_mode<synchronous>, transform_indices = @transform_1, window_bounds = array<i64: 1, 768>}, {pipeline_mode = #tpu.pipeline_mode<synchronous>, transform_indices = @transform_2, window_bounds = array<i64: 1, 768>}, {pipeline_mode = #tpu.pipeline_mode<synchronous>, transform_indices = @transform_3, window_bounds = array<i64: 768, 768>}, {pipeline_mode = #tpu.pipeline_mode<synchronous>, transform_indices = @transform_4, window_bounds = array<i64: 768, 768>}, {pipeline_mode = #tpu.pipeline_mode<synchronous>, transform_indices = @transform_5, window_bounds = array<i64: 768, 768>}, {transform_indices = @transform_6, window_bounds = array<i64: 512, 768>}, {transform_indices = @transform_7, window_bounds = array<i64: 512, 768>}, {transform_indices = @transform_8, window_bounds = array<i64: 512, 768>}]} {
    %get3A = arith.constant 0 : index
    %get3A_0 = arith.constant 0 : index
    %get3A_1 = vector.load %arg1[%get3A, %get3A_0] : memref<512x768xf32, #tpu.memory_space<vmem>>, vector<512x768xf32>
    %get3A_2 = arith.constant 0 : index
    %get3A_3 = arith.constant 0 : index
    %get3A_4 = vector.load %arg2[%get3A_2, %get3A_3] : memref<1x768xf32, #tpu.memory_space<vmem>>, vector<1x768xf32>
    %get3A_5 = arith.constant 0 : index
    %get3A_6 = arith.constant 0 : index
    %get3A_7 = vector.load %arg3[%get3A_5, %get3A_6] : memref<1x768xf32, #tpu.memory_space<vmem>>, vector<1x768xf32>
    %reduce_sum3A = arith.constant dense<0.000000e+00> : vector<512xf32>
    %reduce_sum3A_8 = vector.multi_reduction <add>, %get3A_1, %reduce_sum3A [1] : vector<512x768xf32> to vector<512xf32>
    %broadcast_in_dim3A = vector.shape_cast %reduce_sum3A_8 : vector<512xf32> to vector<512x1xf32>
    %div3A = arith.constant 7.680000e+02 : f32
    %div3A_9 = vector.broadcast %div3A : f32 to vector<512x1xf32>
    %div3A_10 = arith.divf %broadcast_in_dim3A, %div3A_9 : vector<512x1xf32>
    %sub3A = vector.broadcast %div3A_10 : vector<512x1xf32> to vector<512x768xf32>
    %sub3A_11 = arith.subf %get3A_1, %sub3A : vector<512x768xf32>
    %integer_pow3A = arith.mulf %sub3A_11, %sub3A_11 : vector<512x768xf32>
    %reduce_sum3A_12 = arith.constant dense<0.000000e+00> : vector<512xf32>
    %reduce_sum3A_13 = vector.multi_reduction <add>, %integer_pow3A, %reduce_sum3A_12 [1] : vector<512x768xf32> to vector<512xf32>
    %broadcast_in_dim3A_14 = vector.shape_cast %reduce_sum3A_13 : vector<512xf32> to vector<512x1xf32>
    %div3A_15 = arith.constant 7.680000e+02 : f32
    %div3A_16 = vector.broadcast %div3A_15 : f32 to vector<512x1xf32>
    %div3A_17 = arith.divf %broadcast_in_dim3A_14, %div3A_16 : vector<512x1xf32>
    %sub3A_18 = vector.broadcast %div3A_10 : vector<512x1xf32> to vector<512x768xf32>
    %sub3A_19 = arith.subf %get3A_1, %sub3A_18 : vector<512x768xf32>
    %add3A = arith.constant 9.99999974E-6 : f32
    %add3A_20 = vector.broadcast %add3A : f32 to vector<512x1xf32>
    %add3A_21 = arith.addf %div3A_17, %add3A_20 : vector<512x1xf32>
    %sqrt3A = math.sqrt %add3A_21 : vector<512x1xf32>
    %div3A_22 = vector.broadcast %sqrt3A : vector<512x1xf32> to vector<512x768xf32>
    %div3A_23 = arith.divf %sub3A_19, %div3A_22 : vector<512x768xf32>
    %mul3A = vector.broadcast %get3A_4 : vector<1x768xf32> to vector<512x768xf32>
    %mul3A_24 = arith.mulf %div3A_23, %mul3A : vector<512x768xf32>
    %add3A_25 = vector.broadcast %get3A_7 : vector<1x768xf32> to vector<512x768xf32>
    %add3A_26 = arith.addf %mul3A_24, %add3A_25 : vector<512x768xf32>
    %convert_element_type3A = arith.truncf %add3A_26 : vector<512x768xf32> to vector<512x768xbf16>
    %get3A_27 = arith.constant 0 : index
    %get3A_28 = arith.constant 0 : index
    %get3A_29 = vector.load %arg4[%get3A_27, %get3A_28] : memref<768x768xbf16, #tpu.memory_space<vmem>>, vector<768x768xbf16>
    %dot_general3A = arith.constant dense<0.000000e+00> : vector<512x768xf32>
    %dot_general3A_30 = tpu.matmul %convert_element_type3A, %get3A_29, %dot_general3A {dimension_numbers = #tpu.dot_dimension_numbers<[1], [0], [0], [1], [0, 0, 1, 1], [], []>, transpose_lhs_hint = false} : vector<512x768xbf16>, vector<768x768xbf16>, vector<512x768xf32> -> vector<512x768xf32>
    %convert_element_type3A_31 = arith.truncf %dot_general3A_30 : vector<512x768xf32> to vector<512x768xbf16>
    %swap3A = arith.constant 0 : index
    %swap3A_32 = arith.constant 0 : index
    %swap3A_33 = vector.load %arg7[%swap3A, %swap3A_32] : memref<512x768xbf16, #tpu.memory_space<vmem>>, vector<512x768xbf16>
    tpu.vector_store %arg7[%swap3A, %swap3A_32], %convert_element_type3A_31 {strides = array<i32>} : memref<512x768xbf16, #tpu.memory_space<vmem>>, vector<512x768xbf16>,
    %get3A_34 = arith.constant 0 : index
    %get3A_35 = arith.constant 0 : index
    %get3A_36 = vector.load %arg5[%get3A_34, %get3A_35] : memref<768x768xbf16, #tpu.memory_space<vmem>>, vector<768x768xbf16>
    %dot_general3A_37 = arith.constant dense<0.000000e+00> : vector<512x768xf32>
    %dot_general3A_38 = tpu.matmul %convert_element_type3A, %get3A_36, %dot_general3A_37 {dimension_numbers = #tpu.dot_dimension_numbers<[1], [0], [0], [1], [0, 0, 1, 1], [], []>, transpose_lhs_hint = false} : vector<512x768xbf16>, vector<768x768xbf16>, vector<512x768xf32> -> vector<512x768xf32>
    %convert_element_type3A_39 = arith.truncf %dot_general3A_38 : vector<512x768xf32> to vector<512x768xbf16>
    %swap3A_40 = arith.constant 0 : index
    %swap3A_41 = arith.constant 0 : index
    %swap3A_42 = vector.load %arg8[%swap3A_40, %swap3A_41] : memref<512x768xbf16, #tpu.memory_space<vmem>>, vector<512x768xbf16>
    tpu.vector_store %arg8[%swap3A_40, %swap3A_41], %convert_element_type3A_39 {strides = array<i32>} : memref<512x768xbf16, #tpu.memory_space<vmem>>, vector<512x768xbf16>,
    %get3A_43 = arith.constant 0 : index
    %get3A_44 = arith.constant 0 : index
    %get3A_45 = vector.load %arg6[%get3A_43, %get3A_44] : memref<768x768xbf16, #tpu.memory_space<vmem>>, vector<768x768xbf16>
    %dot_general3A_46 = arith.constant dense<0.000000e+00> : vector<512x768xf32>
    %dot_general3A_47 = tpu.matmul %convert_element_type3A, %get3A_45, %dot_general3A_46 {dimension_numbers = #tpu.dot_dimension_numbers<[1], [0], [0], [1], [0, 0, 1, 1], [], []>, transpose_lhs_hint = false} : vector<512x768xbf16>, vector<768x768xbf16>, vector<512x768xf32> -> vector<512x768xf32>
    %convert_element_type3A_48 = arith.truncf %dot_general3A_47 : vector<512x768xf32> to vector<512x768xbf16>
    %swap3A_49 = arith.constant 0 : index
    %swap3A_50 = arith.constant 0 : index
    %swap3A_51 = vector.load %arg9[%swap3A_49, %swap3A_50] : memref<512x768xbf16, #tpu.memory_space<vmem>>, vector<512x768xbf16>
    tpu.vector_store %arg9[%swap3A_49, %swap3A_50], %convert_element_type3A_48 {strides = array<i32>} : memref<512x768xbf16, #tpu.memory_space<vmem>>, vector<512x768xbf16>,
    return
  }
  func.func @transform_0(%arg0: i32) -> (i32, i32) {
    %c0_i32 = arith.constant 0 : i32
    %c0_i32_0 = arith.constant 0 : i32
    return %arg0, %c0_i32 : i32, i32
  }
  func.func @transform_1(%arg0: i32) -> (i32, i32) {
    %c0_i32 = arith.constant 0 : i32
    %c0_i32_0 = arith.constant 0 : i32
    %c0_i32_1 = arith.constant 0 : i32
    return %c0_i32, %c0_i32_0 : i32, i32
  }
  func.func @transform_2(%arg0: i32) -> (i32, i32) {
    %c0_i32 = arith.constant 0 : i32
    %c0_i32_0 = arith.constant 0 : i32
    %c0_i32_1 = arith.constant 0 : i32
    return %c0_i32, %c0_i32_0 : i32, i32
  }
  func.func @transform_3(%arg0: i32) -> (i32, i32) {
    %c0_i32 = arith.constant 0 : i32
    %c0_i32_0 = arith.constant 0 : i32
    %c0_i32_1 = arith.constant 0 : i32
    return %c0_i32, %c0_i32_0 : i32, i32
  }
  func.func @transform_4(%arg0: i32) -> (i32, i32) {
    %c0_i32 = arith.constant 0 : i32
    %c0_i32_0 = arith.constant 0 : i32
    %c0_i32_1 = arith.constant 0 : i32
    return %c0_i32, %c0_i32_0 : i32, i32
  }
  func.func @transform_5(%arg0: i32) -> (i32, i32) {
    %c0_i32 = arith.constant 0 : i32
    %c0_i32_0 = arith.constant 0 : i32
    %c0_i32_1 = arith.constant 0 : i32
    return %c0_i32, %c0_i32_0 : i32, i32
  }
  func.func @transform_6(%arg0: i32) -> (i32, i32) {
    %c0_i32 = arith.constant 0 : i32
    %c0_i32_0 = arith.constant 0 : i32
    return %arg0, %c0_i32 : i32, i32
  }
  func.func @transform_7(%arg0: i32) -> (i32, i32) {
    %c0_i32 = arith.constant 0 : i32
    %c0_i32_0 = arith.constant 0 : i32
    return %arg0, %c0_i32 : i32, i32
  }
  func.func @transform_8(%arg0: i32) -> (i32, i32) {
    %c0_i32 = arith.constant 0 : i32
    %c0_i32_0 = arith.constant 0 : i32
    return %arg0, %c0_i32 : i32, i32
  }
}

module attributes {stable_mosaic.version = 14 : i64} {
  func.func @_k4_body(%arg0: memref<4096x8xf32, #tpu.memory_space<vmem>>, %arg1: memref<4096x8xf32, #tpu.memory_space<vmem>>, %arg2: memref<4096x2xf32, #tpu.memory_space<vmem>>, %arg3: memref<4096x1xi32, #tpu.memory_space<vmem>>, %arg4: memref<4096x1xi32, #tpu.memory_space<vmem>>, %arg5: memref<4096x2xi32, #tpu.memory_space<vmem>>, %arg6: memref<40x1xi32, #tpu.memory_space<vmem>>, %arg7: memref<4096x2xf32, #tpu.memory_space<vmem>>, %arg8: memref<4096x1xi32, #tpu.memory_space<vmem>>, %arg9: memref<4096x1xi32, #tpu.memory_space<vmem>>, %arg10: memref<4096x2xi32, #tpu.memory_space<vmem>>, %arg11: memref<40x1xi32, #tpu.memory_space<vmem>>, %arg12: memref<1x1xf32, #tpu.memory_space<vmem>>, %arg13: memref<4096x16xf32, #tpu.memory_space<vmem>>, %arg14: memref<4096x16xf32, #tpu.memory_space<vmem>>) attributes {dimension_semantics = [], scalar_prefetch = 0 : i64, scratch_operands = 2 : i64, tpu.core_type = #tpu.core_type<tc>} {
    %get3A = arith.constant 0 : index
    %get3A_0 = arith.constant 0 : index
    %get3A_1 = vector.load %arg0[%get3A, %get3A_0] : memref<4096x8xf32, #tpu.memory_space<vmem>>, vector<4096x8xf32>
    %reduce_max3A = arith.constant dense<0xFF800000> : vector<4096xf32>
    %reduce_max3A_2 = vector.multi_reduction <maximumf>, %get3A_1, %reduce_max3A [1] : vector<4096x8xf32> to vector<4096xf32>
    %broadcast_in_dim3A = vector.shape_cast %reduce_max3A_2 : vector<4096xf32> to vector<4096x1xf32>
    %sub3A = vector.broadcast %broadcast_in_dim3A : vector<4096x1xf32> to vector<4096x8xf32>
    %sub3A_3 = arith.subf %get3A_1, %sub3A : vector<4096x8xf32>
    %exp3A = math.exp %sub3A_3 : vector<4096x8xf32>
    %reduce_sum3A = arith.constant dense<0.000000e+00> : vector<4096xf32>
    %reduce_sum3A_4 = vector.multi_reduction <add>, %exp3A, %reduce_sum3A [1] : vector<4096x8xf32> to vector<4096xf32>
    %broadcast_in_dim3A_5 = vector.shape_cast %reduce_sum3A_4 : vector<4096xf32> to vector<4096x1xf32>
    %div3A = vector.broadcast %broadcast_in_dim3A_5 : vector<4096x1xf32> to vector<4096x8xf32>
    %div3A_6 = arith.divf %exp3A, %div3A : vector<4096x8xf32>
    %iota3A = tpu.iota {dimensions = array<i32: 1>} : vector<4096x8xi32>
    %reduce_max3A_7 = arith.constant dense<0xFF800000> : vector<4096xf32>
    %reduce_max3A_8 = vector.multi_reduction <maximumf>, %div3A_6, %reduce_max3A_7 [1] : vector<4096x8xf32> to vector<4096xf32>
    %broadcast_in_dim3A_9 = vector.shape_cast %reduce_max3A_8 : vector<4096xf32> to vector<4096x1xf32>
    %eq3A = vector.broadcast %broadcast_in_dim3A_9 : vector<4096x1xf32> to vector<4096x8xf32>
    %eq3A_10 = arith.cmpf oeq, %div3A_6, %eq3A : vector<4096x8xf32>
    %jit3A = arith.constant 8 : i32
    %broadcast_in_dim3A_11 = vector.broadcast %jit3A : i32 to vector<4096x8xi32>
    %select_n3A = arith.select %eq3A_10, %iota3A, %broadcast_in_dim3A_11 : vector<4096x8xi1>, vector<4096x8xi32>
    %reduce_min3A = arith.constant dense<2147483647> : vector<4096xi32>
    %reduce_min3A_12 = vector.multi_reduction <minsi>, %select_n3A, %reduce_min3A [1] : vector<4096x8xi32> to vector<4096xi32>
    %broadcast_in_dim3A_13 = vector.shape_cast %reduce_min3A_12 : vector<4096xi32> to vector<4096x1xi32>
    %eq3A_14 = vector.broadcast %broadcast_in_dim3A_13 : vector<4096x1xi32> to vector<4096x8xi32>
    %eq3A_15 = arith.cmpi eq, %iota3A, %eq3A_14 : vector<4096x8xi32>
    %jit3A_16 = arith.constant -1.000000e+09 : f32
    %broadcast_in_dim3A_17 = vector.broadcast %jit3A_16 : f32 to vector<4096x8xf32>
    %select_n3A_18 = arith.select %eq3A_15, %broadcast_in_dim3A_17, %div3A_6 : vector<4096x8xi1>, vector<4096x8xf32>
    %reduce_max3A_19 = arith.constant dense<0xFF800000> : vector<4096xf32>
    %reduce_max3A_20 = vector.multi_reduction <maximumf>, %select_n3A_18, %reduce_max3A_19 [1] : vector<4096x8xf32> to vector<4096xf32>
    %broadcast_in_dim3A_21 = vector.shape_cast %reduce_max3A_20 : vector<4096xf32> to vector<4096x1xf32>
    %eq3A_22 = vector.broadcast %broadcast_in_dim3A_21 : vector<4096x1xf32> to vector<4096x8xf32>
    %eq3A_23 = arith.cmpf oeq, %select_n3A_18, %eq3A_22 : vector<4096x8xf32>
    %jit3A_24 = arith.constant 8 : i32
    %broadcast_in_dim3A_25 = vector.broadcast %jit3A_24 : i32 to vector<4096x8xi32>
    %select_n3A_26 = arith.select %eq3A_23, %iota3A, %broadcast_in_dim3A_25 : vector<4096x8xi1>, vector<4096x8xi32>
    %reduce_min3A_27 = arith.constant dense<2147483647> : vector<4096xi32>
    %reduce_min3A_28 = vector.multi_reduction <minsi>, %select_n3A_26, %reduce_min3A_27 [1] : vector<4096x8xi32> to vector<4096xi32>
    %broadcast_in_dim3A_29 = vector.shape_cast %reduce_min3A_28 : vector<4096xi32> to vector<4096x1xi32>
    %eq3A_30 = vector.broadcast %broadcast_in_dim3A_29 : vector<4096x1xi32> to vector<4096x8xi32>
    %eq3A_31 = arith.cmpi eq, %iota3A, %eq3A_30 : vector<4096x8xi32>
    %add3A = arith.addf %broadcast_in_dim3A_9, %broadcast_in_dim3A_21 : vector<4096x1xf32>
    %div3A_32 = arith.divf %broadcast_in_dim3A_9, %add3A : vector<4096x1xf32>
    %div3A_33 = arith.divf %broadcast_in_dim3A_21, %add3A : vector<4096x1xf32>
    %concatenate3A = tpu.concatenate %div3A_32, %div3A_33 in 1 : vector<4096x1xf32>, vector<4096x1xf32> -> vector<4096x2xf32>
    %get3A_34 = arith.constant 0 : index
    %get3A_35 = arith.constant 0 : index
    %get3A_36 = vector.load %arg1[%get3A_34, %get3A_35] : memref<4096x8xf32, #tpu.memory_space<vmem>>, vector<4096x8xf32>
    %reduce_max3A_37 = arith.constant dense<0xFF800000> : vector<4096xf32>
    %reduce_max3A_38 = vector.multi_reduction <maximumf>, %get3A_36, %reduce_max3A_37 [1] : vector<4096x8xf32> to vector<4096xf32>
    %broadcast_in_dim3A_39 = vector.shape_cast %reduce_max3A_38 : vector<4096xf32> to vector<4096x1xf32>
    %sub3A_40 = vector.broadcast %broadcast_in_dim3A_39 : vector<4096x1xf32> to vector<4096x8xf32>
    %sub3A_41 = arith.subf %get3A_36, %sub3A_40 : vector<4096x8xf32>
    %exp3A_42 = math.exp %sub3A_41 : vector<4096x8xf32>
    %reduce_sum3A_43 = arith.constant dense<0.000000e+00> : vector<4096xf32>
    %reduce_sum3A_44 = vector.multi_reduction <add>, %exp3A_42, %reduce_sum3A_43 [1] : vector<4096x8xf32> to vector<4096xf32>
    %broadcast_in_dim3A_45 = vector.shape_cast %reduce_sum3A_44 : vector<4096xf32> to vector<4096x1xf32>
    %div3A_46 = vector.broadcast %broadcast_in_dim3A_45 : vector<4096x1xf32> to vector<4096x8xf32>
    %div3A_47 = arith.divf %exp3A_42, %div3A_46 : vector<4096x8xf32>
    %iota3A_48 = tpu.iota {dimensions = array<i32: 1>} : vector<4096x8xi32>
    %reduce_max3A_49 = arith.constant dense<0xFF800000> : vector<4096xf32>
    %reduce_max3A_50 = vector.multi_reduction <maximumf>, %div3A_47, %reduce_max3A_49 [1] : vector<4096x8xf32> to vector<4096xf32>
    %broadcast_in_dim3A_51 = vector.shape_cast %reduce_max3A_50 : vector<4096xf32> to vector<4096x1xf32>
    %eq3A_52 = vector.broadcast %broadcast_in_dim3A_51 : vector<4096x1xf32> to vector<4096x8xf32>
    %eq3A_53 = arith.cmpf oeq, %div3A_47, %eq3A_52 : vector<4096x8xf32>
    %jit3A_54 = arith.constant 8 : i32
    %broadcast_in_dim3A_55 = vector.broadcast %jit3A_54 : i32 to vector<4096x8xi32>
    %select_n3A_56 = arith.select %eq3A_53, %iota3A_48, %broadcast_in_dim3A_55 : vector<4096x8xi1>, vector<4096x8xi32>
    %reduce_min3A_57 = arith.constant dense<2147483647> : vector<4096xi32>
    %reduce_min3A_58 = vector.multi_reduction <minsi>, %select_n3A_56, %reduce_min3A_57 [1] : vector<4096x8xi32> to vector<4096xi32>
    %broadcast_in_dim3A_59 = vector.shape_cast %reduce_min3A_58 : vector<4096xi32> to vector<4096x1xi32>
    %eq3A_60 = vector.broadcast %broadcast_in_dim3A_59 : vector<4096x1xi32> to vector<4096x8xi32>
    %eq3A_61 = arith.cmpi eq, %iota3A_48, %eq3A_60 : vector<4096x8xi32>
    %jit3A_62 = arith.constant -1.000000e+09 : f32
    %broadcast_in_dim3A_63 = vector.broadcast %jit3A_62 : f32 to vector<4096x8xf32>
    %select_n3A_64 = arith.select %eq3A_61, %broadcast_in_dim3A_63, %div3A_47 : vector<4096x8xi1>, vector<4096x8xf32>
    %reduce_max3A_65 = arith.constant dense<0xFF800000> : vector<4096xf32>
    %reduce_max3A_66 = vector.multi_reduction <maximumf>, %select_n3A_64, %reduce_max3A_65 [1] : vector<4096x8xf32> to vector<4096xf32>
    %broadcast_in_dim3A_67 = vector.shape_cast %reduce_max3A_66 : vector<4096xf32> to vector<4096x1xf32>
    %eq3A_68 = vector.broadcast %broadcast_in_dim3A_67 : vector<4096x1xf32> to vector<4096x8xf32>
    %eq3A_69 = arith.cmpf oeq, %select_n3A_64, %eq3A_68 : vector<4096x8xf32>
    %jit3A_70 = arith.constant 8 : i32
    %broadcast_in_dim3A_71 = vector.broadcast %jit3A_70 : i32 to vector<4096x8xi32>
    %select_n3A_72 = arith.select %eq3A_69, %iota3A_48, %broadcast_in_dim3A_71 : vector<4096x8xi1>, vector<4096x8xi32>
    %reduce_min3A_73 = arith.constant dense<2147483647> : vector<4096xi32>
    %reduce_min3A_74 = vector.multi_reduction <minsi>, %select_n3A_72, %reduce_min3A_73 [1] : vector<4096x8xi32> to vector<4096xi32>
    %broadcast_in_dim3A_75 = vector.shape_cast %reduce_min3A_74 : vector<4096xi32> to vector<4096x1xi32>
    %eq3A_76 = vector.broadcast %broadcast_in_dim3A_75 : vector<4096x1xi32> to vector<4096x8xi32>
    %eq3A_77 = arith.cmpi eq, %iota3A_48, %eq3A_76 : vector<4096x8xi32>
    %add3A_78 = arith.addf %broadcast_in_dim3A_51, %broadcast_in_dim3A_67 : vector<4096x1xf32>
    %div3A_79 = arith.divf %broadcast_in_dim3A_51, %add3A_78 : vector<4096x1xf32>
    %div3A_80 = arith.divf %broadcast_in_dim3A_67, %add3A_78 : vector<4096x1xf32>
    %concatenate3A_81 = tpu.concatenate %div3A_79, %div3A_80 in 1 : vector<4096x1xf32>, vector<4096x1xf32> -> vector<4096x2xf32>
    %convert_element_type3A = arith.extui %eq3A_15 : vector<4096x8xi1> to vector<4096x8xi32>
    %convert_element_type3A_82 = arith.sitofp %convert_element_type3A : vector<4096x8xi32> to vector<4096x8xf32>
    %convert_element_type3A_83 = arith.extui %eq3A_31 : vector<4096x8xi1> to vector<4096x8xi32>
    %convert_element_type3A_84 = arith.sitofp %convert_element_type3A_83 : vector<4096x8xi32> to vector<4096x8xf32>
    %add3A_85 = arith.addf %convert_element_type3A_82, %convert_element_type3A_84 : vector<4096x8xf32>
    %swap3A = arith.constant 0 : index
    %swap3A_86 = arith.constant 0 : index
    %swap3A_87 = vector.load %arg13[%swap3A, %swap3A_86] : memref<4096x16xf32, #tpu.memory_space<vmem>>, vector<4096x8xf32>
    tpu.vector_store %arg13[%swap3A, %swap3A_86], %add3A_85 {strides = array<i32>} : memref<4096x16xf32, #tpu.memory_space<vmem>>, vector<4096x8xf32>,
    %convert_element_type3A_88 = arith.extui %eq3A_61 : vector<4096x8xi1> to vector<4096x8xi32>
    %convert_element_type3A_89 = arith.sitofp %convert_element_type3A_88 : vector<4096x8xi32> to vector<4096x8xf32>
    %convert_element_type3A_90 = arith.extui %eq3A_77 : vector<4096x8xi1> to vector<4096x8xi32>
    %convert_element_type3A_91 = arith.sitofp %convert_element_type3A_90 : vector<4096x8xi32> to vector<4096x8xf32>
    %add3A_92 = arith.addf %convert_element_type3A_89, %convert_element_type3A_91 : vector<4096x8xf32>
    %swap3A_93 = arith.constant 0 : index
    %swap3A_94 = arith.constant 8 : index
    %swap3A_95 = vector.load %arg13[%swap3A_93, %swap3A_94] : memref<4096x16xf32, #tpu.memory_space<vmem>>, vector<4096x8xf32>
    tpu.vector_store %arg13[%swap3A_93, %swap3A_94], %add3A_92 {strides = array<i32>} : memref<4096x16xf32, #tpu.memory_space<vmem>>, vector<4096x8xf32>,
    %iota3A_96 = tpu.iota {dimensions = array<i32: 0>} : vector<256x256xi32>
    %iota3A_97 = tpu.iota {dimensions = array<i32: 1>} : vector<256x256xi32>
    %gt3A = arith.cmpi sgt, %iota3A_96, %iota3A_97 : vector<256x256xi32>
    %convert_element_type3A_98 = arith.extui %gt3A : vector<256x256xi1> to vector<256x256xi32>
    %convert_element_type3A_99 = arith.sitofp %convert_element_type3A_98 : vector<256x256xi32> to vector<256x256xf32>
    %broadcast_in_dim3A_100 = arith.constant 0.000000e+00 : f32
    %broadcast_in_dim3A_101 = vector.broadcast %broadcast_in_dim3A_100 : f32 to vector<1x16xf32>
    %scan3A = arith.constant 0 : i32
    %scan3A_102 = arith.constant 16 : i32
    %scan3A_103 = arith.addi %scan3A, %scan3A_102 : i32
    %scan3A_104 = arith.constant 1 : i32
    %scan3A_105 = scf.for %scan3A_349 = %scan3A to %scan3A_103 step %scan3A_104 iter_args(%scan3A_350 = %broadcast_in_dim3A_101) -> (vector<1x16xf32>)  : i32 {
      %mul3A_351 = arith.constant 256 : i32
      %mul3A_352 = arith.muli %scan3A_349, %mul3A_351 : i32
      %get3A_353 = arith.index_cast %mul3A_352 : i32 to index
      %get3A_354 = arith.constant 0 : index
      %get3A_355 = vector.load %arg13[%get3A_353, %get3A_354] : memref<4096x16xf32, #tpu.memory_space<vmem>>, vector<256x16xf32>
      %dot_general3A_356 = arith.constant dense<0.000000e+00> : vector<256x16xf32>
      %dot_general3A_357 = tpu.matmul %convert_element_type3A_99, %get3A_355, %dot_general3A_356 {dimension_numbers = #tpu.dot_dimension_numbers<[1], [0], [0], [1], [0, 0, 1, 1], [], []>, transpose_lhs_hint = false} : vector<256x256xf32>, vector<256x16xf32>, vector<256x16xf32> -> vector<256x16xf32>
      %add3A_358 = vector.broadcast %scan3A_350 : vector<1x16xf32> to vector<256x16xf32>
      %add3A_359 = arith.addf %add3A_358, %dot_general3A_357 : vector<256x16xf32>
      %mul3A_360 = arith.constant 256 : i32
      %mul3A_361 = arith.muli %scan3A_349, %mul3A_360 : i32
      %swap3A_362 = arith.index_cast %mul3A_361 : i32 to index
      %swap3A_363 = arith.constant 0 : index
      %swap3A_364 = vector.load %arg14[%swap3A_362, %swap3A_363] : memref<4096x16xf32, #tpu.memory_space<vmem>>, vector<256x16xf32>
      tpu.vector_store %arg14[%swap3A_362, %swap3A_363], %add3A_359 {strides = array<i32>} : memref<4096x16xf32, #tpu.memory_space<vmem>>, vector<256x16xf32>,
      %reduce_sum3A_365 = arith.constant dense<0.000000e+00> : vector<16xf32>
      %reduce_sum3A_366 = vector.multi_reduction <add>, %get3A_355, %reduce_sum3A_365 [0] : vector<256x16xf32> to vector<16xf32>
      %broadcast_in_dim3A_367 = vector.shape_cast %reduce_sum3A_366 : vector<16xf32> to vector<1x16xf32>
      %add3A_368 = arith.addf %scan3A_350, %broadcast_in_dim3A_367 : vector<1x16xf32>
      scf.yield %add3A_368 : vector<1x16xf32>
    }
    %scan3A_106 = arith.constant 16 : i32
    %get3A_107 = arith.constant 0 : index
    %get3A_108 = arith.constant 0 : index
    %get3A_109 = vector.load %arg14[%get3A_107, %get3A_108] : memref<4096x16xf32, #tpu.memory_space<vmem>>, vector<4096x16xf32>
    %slice3A = vector.extract_strided_slice %get3A_109 {offsets = [0, 0], sizes = [4096, 8], strides = [1, 1]} : vector<4096x16xf32> to vector<4096x8xf32>
    %slice3A_110 = vector.extract_strided_slice %scan3A_105 {offsets = [0, 0], sizes = [1, 8], strides = [1, 1]} : vector<1x16xf32> to vector<1x8xf32>
    %jit3A_111 = arith.constant 0.000000e+00 : f32
    %broadcast_in_dim3A_112 = vector.broadcast %jit3A_111 : f32 to vector<4096x8xf32>
    %select_n3A_113 = arith.select %eq3A_15, %slice3A, %broadcast_in_dim3A_112 : vector<4096x8xi1>, vector<4096x8xf32>
    %reduce_sum3A_114 = arith.constant dense<0.000000e+00> : vector<4096xf32>
    %reduce_sum3A_115 = vector.multi_reduction <add>, %select_n3A_113, %reduce_sum3A_114 [1] : vector<4096x8xf32> to vector<4096xf32>
    %broadcast_in_dim3A_116 = vector.shape_cast %reduce_sum3A_115 : vector<4096xf32> to vector<4096x1xf32>
    %jit3A_117 = arith.constant 0.000000e+00 : f32
    %broadcast_in_dim3A_118 = vector.broadcast %jit3A_117 : f32 to vector<4096x8xf32>
    %select_n3A_119 = arith.select %eq3A_31, %slice3A, %broadcast_in_dim3A_118 : vector<4096x8xi1>, vector<4096x8xf32>
    %reduce_sum3A_120 = arith.constant dense<0.000000e+00> : vector<4096xf32>
    %reduce_sum3A_121 = vector.multi_reduction <add>, %select_n3A_119, %reduce_sum3A_120 [1] : vector<4096x8xf32> to vector<4096xf32>
    %broadcast_in_dim3A_122 = vector.shape_cast %reduce_sum3A_121 : vector<4096xf32> to vector<4096x1xf32>
    %convert_element_type3A_123 = arith.fptosi %slice3A_110 : vector<1x8xf32> to vector<1x8xi32>
    %add3A_124 = arith.constant 255 : i32
    %add3A_125 = vector.broadcast %add3A_124 : i32 to vector<1x8xi32>
    %add3A_126 = arith.addi %convert_element_type3A_123, %add3A_125 : vector<1x8xi32>
    %jit3A_127 = arith.constant 256 : i32
    %div3A_128 = vector.broadcast %jit3A_127 : i32 to vector<1x8xi32>
    %div3A_129 = arith.divsi %add3A_126, %div3A_128 : vector<1x8xi32>
    %sign3A = arith.constant 0 : i32
    %sign3A_130 = vector.broadcast %sign3A : i32 to vector<1x8xi32>
    %sign3A_131 = arith.cmpi sgt, %add3A_126, %sign3A_130 : vector<1x8xi32>
    %sign3A_132 = arith.extui %sign3A_131 : vector<1x8xi1> to vector<1x8xi32>
    %sign3A_133 = arith.constant 0 : i32
    %sign3A_134 = vector.broadcast %sign3A_133 : i32 to vector<1x8xi32>
    %sign3A_135 = arith.cmpi slt, %add3A_126, %sign3A_134 : vector<1x8xi32>
    %sign3A_136 = arith.extui %sign3A_135 : vector<1x8xi1> to vector<1x8xi32>
    %sign3A_137 = arith.subi %sign3A_132, %sign3A_136 : vector<1x8xi32>
    %sign3A_138 = arith.constant 0 : i32
    %sign3A_139 = arith.cmpi sgt, %jit3A_127, %sign3A_138 : i32
    %sign3A_140 = arith.extui %sign3A_139 : i1 to i32
    %sign3A_141 = arith.constant 0 : i32
    %sign3A_142 = arith.cmpi slt, %jit3A_127, %sign3A_141 : i32
    %sign3A_143 = arith.extui %sign3A_142 : i1 to i32
    %sign3A_144 = arith.subi %sign3A_140, %sign3A_143 : i32
    %ne3A = vector.broadcast %sign3A_144 : i32 to vector<1x8xi32>
    %ne3A_145 = arith.cmpi ne, %sign3A_137, %ne3A : vector<1x8xi32>
    %rem3A = vector.broadcast %jit3A_127 : i32 to vector<1x8xi32>
    %rem3A_146 = arith.remsi %add3A_126, %rem3A : vector<1x8xi32>
    %ne3A_147 = arith.constant 0 : i32
    %ne3A_148 = vector.broadcast %ne3A_147 : i32 to vector<1x8xi32>
    %ne3A_149 = arith.cmpi ne, %rem3A_146, %ne3A_148 : vector<1x8xi32>
    %and3A = arith.andi %ne3A_145, %ne3A_149 : vector<1x8xi1>
    %sub3A_150 = arith.constant 1 : i32
    %sub3A_151 = vector.broadcast %sub3A_150 : i32 to vector<1x8xi32>
    %sub3A_152 = arith.subi %div3A_129, %sub3A_151 : vector<1x8xi32>
    %select_n3A_153 = arith.select %and3A, %sub3A_152, %div3A_129 : vector<1x8xi1>, vector<1x8xi32>
    %mul3A = arith.constant 256 : i32
    %mul3A_154 = vector.broadcast %mul3A : i32 to vector<1x8xi32>
    %mul3A_155 = arith.muli %select_n3A_153, %mul3A_154 : vector<1x8xi32>
    %iota3A_156 = tpu.iota {dimensions = array<i32: 0>} : vector<8x8xi32>
    %iota3A_157 = tpu.iota {dimensions = array<i32: 1>} : vector<8x8xi32>
    %lt3A = arith.cmpi slt, %iota3A_156, %iota3A_157 : vector<8x8xi32>
    %convert_element_type3A_158 = arith.extui %lt3A : vector<8x8xi1> to vector<8x8xi32>
    %convert_element_type3A_159 = arith.sitofp %convert_element_type3A_158 : vector<8x8xi32> to vector<8x8xf32>
    %convert_element_type3A_160 = arith.sitofp %mul3A_155 : vector<1x8xi32> to vector<1x8xf32>
    %dot_general3A = arith.constant dense<0.000000e+00> : vector<1x8xf32>
    %dot_general3A_161 = tpu.matmul %convert_element_type3A_160, %convert_element_type3A_159, %dot_general3A {dimension_numbers = #tpu.dot_dimension_numbers<[1], [0], [0], [1], [0, 0, 1, 1], [], []>, transpose_lhs_hint = false} : vector<1x8xf32>, vector<8x8xf32>, vector<1x8xf32> -> vector<1x8xf32>
    %convert_element_type3A_162 = arith.fptosi %dot_general3A_161 : vector<1x8xf32> to vector<1x8xi32>
    %jit3A_163 = arith.constant 0 : i32
    %broadcast_in_dim3A_164 = vector.shape_cast %convert_element_type3A_162 : vector<1x8xi32> to vector<1x8xi32>
    %broadcast_in_dim3A_165 = vector.broadcast %broadcast_in_dim3A_164 : vector<1x8xi32> to vector<4096x8xi32>
    %broadcast_in_dim3A_166 = vector.broadcast %jit3A_163 : i32 to vector<4096x8xi32>
    %select_n3A_167 = arith.select %eq3A_15, %broadcast_in_dim3A_165, %broadcast_in_dim3A_166 : vector<4096x8xi1>, vector<4096x8xi32>
    %reduce_sum3A_168 = arith.constant dense<0> : vector<4096xi32>
    %reduce_sum3A_169 = vector.multi_reduction <add>, %select_n3A_167, %reduce_sum3A_168 [1] : vector<4096x8xi32> to vector<4096xi32>
    %broadcast_in_dim3A_170 = vector.shape_cast %reduce_sum3A_169 : vector<4096xi32> to vector<4096x1xi32>
    %jit3A_171 = arith.constant 0 : i32
    %broadcast_in_dim3A_172 = vector.shape_cast %convert_element_type3A_162 : vector<1x8xi32> to vector<1x8xi32>
    %broadcast_in_dim3A_173 = vector.broadcast %broadcast_in_dim3A_172 : vector<1x8xi32> to vector<4096x8xi32>
    %broadcast_in_dim3A_174 = vector.broadcast %jit3A_171 : i32 to vector<4096x8xi32>
    %select_n3A_175 = arith.select %eq3A_31, %broadcast_in_dim3A_173, %broadcast_in_dim3A_174 : vector<4096x8xi1>, vector<4096x8xi32>
    %reduce_sum3A_176 = arith.constant dense<0> : vector<4096xi32>
    %reduce_sum3A_177 = vector.multi_reduction <add>, %select_n3A_175, %reduce_sum3A_176 [1] : vector<4096x8xi32> to vector<4096xi32>
    %broadcast_in_dim3A_178 = vector.shape_cast %reduce_sum3A_177 : vector<4096xi32> to vector<4096x1xi32>
    %convert_element_type3A_179 = arith.fptosi %broadcast_in_dim3A_116 : vector<4096x1xf32> to vector<4096x1xi32>
    %add3A_180 = arith.addi %broadcast_in_dim3A_170, %convert_element_type3A_179 : vector<4096x1xi32>
    %convert_element_type3A_181 = arith.fptosi %broadcast_in_dim3A_122 : vector<4096x1xf32> to vector<4096x1xi32>
    %add3A_182 = arith.addi %broadcast_in_dim3A_178, %convert_element_type3A_181 : vector<4096x1xi32>
    %iota3A_183 = tpu.iota {dimensions = array<i32: 0>} : vector<40x8xi32>
    %mul3A_184 = arith.constant 256 : i32
    %mul3A_185 = vector.broadcast %mul3A_184 : i32 to vector<40x8xi32>
    %mul3A_186 = arith.muli %iota3A_183, %mul3A_185 : vector<40x8xi32>
    %add3A_187 = arith.addi %convert_element_type3A_162, %mul3A_155 : vector<1x8xi32>
    %ge3A = vector.broadcast %add3A_187 : vector<1x8xi32> to vector<40x8xi32>
    %ge3A_188 = arith.cmpi sge, %mul3A_186, %ge3A : vector<40x8xi32>
    %convert_element_type3A_189 = arith.extui %ge3A_188 : vector<40x8xi1> to vector<40x8xi32>
    %reduce_sum3A_190 = arith.constant dense<0> : vector<40xi32>
    %reduce_sum3A_191 = vector.multi_reduction <add>, %convert_element_type3A_189, %reduce_sum3A_190 [1] : vector<40x8xi32> to vector<40xi32>
    %broadcast_in_dim3A_192 = vector.shape_cast %reduce_sum3A_191 : vector<40xi32> to vector<40x1xi32>
    %min3A = arith.constant 7 : i32
    %min3A_193 = vector.broadcast %min3A : i32 to vector<40x1xi32>
    %min3A_194 = arith.minsi %broadcast_in_dim3A_192, %min3A_193 : vector<40x1xi32>
    %slice3A_195 = vector.extract_strided_slice %get3A_109 {offsets = [0, 8], sizes = [4096, 8], strides = [1, 1]} : vector<4096x16xf32> to vector<4096x8xf32>
    %slice3A_196 = vector.extract_strided_slice %scan3A_105 {offsets = [0, 8], sizes = [1, 8], strides = [1, 1]} : vector<1x16xf32> to vector<1x8xf32>
    %jit3A_197 = arith.constant 0.000000e+00 : f32
    %broadcast_in_dim3A_198 = vector.broadcast %jit3A_197 : f32 to vector<4096x8xf32>
    %select_n3A_199 = arith.select %eq3A_61, %slice3A_195, %broadcast_in_dim3A_198 : vector<4096x8xi1>, vector<4096x8xf32>
    %reduce_sum3A_200 = arith.constant dense<0.000000e+00> : vector<4096xf32>
    %reduce_sum3A_201 = vector.multi_reduction <add>, %select_n3A_199, %reduce_sum3A_200 [1] : vector<4096x8xf32> to vector<4096xf32>
    %broadcast_in_dim3A_202 = vector.shape_cast %reduce_sum3A_201 : vector<4096xf32> to vector<4096x1xf32>
    %jit3A_203 = arith.constant 0.000000e+00 : f32
    %broadcast_in_dim3A_204 = vector.broadcast %jit3A_203 : f32 to vector<4096x8xf32>
    %select_n3A_205 = arith.select %eq3A_77, %slice3A_195, %broadcast_in_dim3A_204 : vector<4096x8xi1>, vector<4096x8xf32>
    %reduce_sum3A_206 = arith.constant dense<0.000000e+00> : vector<4096xf32>
    %reduce_sum3A_207 = vector.multi_reduction <add>, %select_n3A_205, %reduce_sum3A_206 [1] : vector<4096x8xf32> to vector<4096xf32>
    %broadcast_in_dim3A_208 = vector.shape_cast %reduce_sum3A_207 : vector<4096xf32> to vector<4096x1xf32>
    %convert_element_type3A_209 = arith.fptosi %slice3A_196 : vector<1x8xf32> to vector<1x8xi32>
    %add3A_210 = arith.constant 255 : i32
    %add3A_211 = vector.broadcast %add3A_210 : i32 to vector<1x8xi32>
    %add3A_212 = arith.addi %convert_element_type3A_209, %add3A_211 : vector<1x8xi32>
    %jit3A_213 = arith.constant 256 : i32
    %div3A_214 = vector.broadcast %jit3A_213 : i32 to vector<1x8xi32>
    %div3A_215 = arith.divsi %add3A_212, %div3A_214 : vector<1x8xi32>
    %sign3A_216 = arith.constant 0 : i32
    %sign3A_217 = vector.broadcast %sign3A_216 : i32 to vector<1x8xi32>
    %sign3A_218 = arith.cmpi sgt, %add3A_212, %sign3A_217 : vector<1x8xi32>
    %sign3A_219 = arith.extui %sign3A_218 : vector<1x8xi1> to vector<1x8xi32>
    %sign3A_220 = arith.constant 0 : i32
    %sign3A_221 = vector.broadcast %sign3A_220 : i32 to vector<1x8xi32>
    %sign3A_222 = arith.cmpi slt, %add3A_212, %sign3A_221 : vector<1x8xi32>
    %sign3A_223 = arith.extui %sign3A_222 : vector<1x8xi1> to vector<1x8xi32>
    %sign3A_224 = arith.subi %sign3A_219, %sign3A_223 : vector<1x8xi32>
    %sign3A_225 = arith.constant 0 : i32
    %sign3A_226 = arith.cmpi sgt, %jit3A_213, %sign3A_225 : i32
    %sign3A_227 = arith.extui %sign3A_226 : i1 to i32
    %sign3A_228 = arith.constant 0 : i32
    %sign3A_229 = arith.cmpi slt, %jit3A_213, %sign3A_228 : i32
    %sign3A_230 = arith.extui %sign3A_229 : i1 to i32
    %sign3A_231 = arith.subi %sign3A_227, %sign3A_230 : i32
    %ne3A_232 = vector.broadcast %sign3A_231 : i32 to vector<1x8xi32>
    %ne3A_233 = arith.cmpi ne, %sign3A_224, %ne3A_232 : vector<1x8xi32>
    %rem3A_234 = vector.broadcast %jit3A_213 : i32 to vector<1x8xi32>
    %rem3A_235 = arith.remsi %add3A_212, %rem3A_234 : vector<1x8xi32>
    %ne3A_236 = arith.constant 0 : i32
    %ne3A_237 = vector.broadcast %ne3A_236 : i32 to vector<1x8xi32>
    %ne3A_238 = arith.cmpi ne, %rem3A_235, %ne3A_237 : vector<1x8xi32>
    %and3A_239 = arith.andi %ne3A_233, %ne3A_238 : vector<1x8xi1>
    %sub3A_240 = arith.constant 1 : i32
    %sub3A_241 = vector.broadcast %sub3A_240 : i32 to vector<1x8xi32>
    %sub3A_242 = arith.subi %div3A_215, %sub3A_241 : vector<1x8xi32>
    %select_n3A_243 = arith.select %and3A_239, %sub3A_242, %div3A_215 : vector<1x8xi1>, vector<1x8xi32>
    %mul3A_244 = arith.constant 256 : i32
    %mul3A_245 = vector.broadcast %mul3A_244 : i32 to vector<1x8xi32>
    %mul3A_246 = arith.muli %select_n3A_243, %mul3A_245 : vector<1x8xi32>
    %iota3A_247 = tpu.iota {dimensions = array<i32: 0>} : vector<8x8xi32>
    %iota3A_248 = tpu.iota {dimensions = array<i32: 1>} : vector<8x8xi32>
    %lt3A_249 = arith.cmpi slt, %iota3A_247, %iota3A_248 : vector<8x8xi32>
    %convert_element_type3A_250 = arith.extui %lt3A_249 : vector<8x8xi1> to vector<8x8xi32>
    %convert_element_type3A_251 = arith.sitofp %convert_element_type3A_250 : vector<8x8xi32> to vector<8x8xf32>
    %convert_element_type3A_252 = arith.sitofp %mul3A_246 : vector<1x8xi32> to vector<1x8xf32>
    %dot_general3A_253 = arith.constant dense<0.000000e+00> : vector<1x8xf32>
    %dot_general3A_254 = tpu.matmul %convert_element_type3A_252, %convert_element_type3A_251, %dot_general3A_253 {dimension_numbers = #tpu.dot_dimension_numbers<[1], [0], [0], [1], [0, 0, 1, 1], [], []>, transpose_lhs_hint = false} : vector<1x8xf32>, vector<8x8xf32>, vector<1x8xf32> -> vector<1x8xf32>
    %convert_element_type3A_255 = arith.fptosi %dot_general3A_254 : vector<1x8xf32> to vector<1x8xi32>
    %jit3A_256 = arith.constant 0 : i32
    %broadcast_in_dim3A_257 = vector.shape_cast %convert_element_type3A_255 : vector<1x8xi32> to vector<1x8xi32>
    %broadcast_in_dim3A_258 = vector.broadcast %broadcast_in_dim3A_257 : vector<1x8xi32> to vector<4096x8xi32>
    %broadcast_in_dim3A_259 = vector.broadcast %jit3A_256 : i32 to vector<4096x8xi32>
    %select_n3A_260 = arith.select %eq3A_61, %broadcast_in_dim3A_258, %broadcast_in_dim3A_259 : vector<4096x8xi1>, vector<4096x8xi32>
    %reduce_sum3A_261 = arith.constant dense<0> : vector<4096xi32>
    %reduce_sum3A_262 = vector.multi_reduction <add>, %select_n3A_260, %reduce_sum3A_261 [1] : vector<4096x8xi32> to vector<4096xi32>
    %broadcast_in_dim3A_263 = vector.shape_cast %reduce_sum3A_262 : vector<4096xi32> to vector<4096x1xi32>
    %jit3A_264 = arith.constant 0 : i32
    %broadcast_in_dim3A_265 = vector.shape_cast %convert_element_type3A_255 : vector<1x8xi32> to vector<1x8xi32>
    %broadcast_in_dim3A_266 = vector.broadcast %broadcast_in_dim3A_265 : vector<1x8xi32> to vector<4096x8xi32>
    %broadcast_in_dim3A_267 = vector.broadcast %jit3A_264 : i32 to vector<4096x8xi32>
    %select_n3A_268 = arith.select %eq3A_77, %broadcast_in_dim3A_266, %broadcast_in_dim3A_267 : vector<4096x8xi1>, vector<4096x8xi32>
    %reduce_sum3A_269 = arith.constant dense<0> : vector<4096xi32>
    %reduce_sum3A_270 = vector.multi_reduction <add>, %select_n3A_268, %reduce_sum3A_269 [1] : vector<4096x8xi32> to vector<4096xi32>
    %broadcast_in_dim3A_271 = vector.shape_cast %reduce_sum3A_270 : vector<4096xi32> to vector<4096x1xi32>
    %convert_element_type3A_272 = arith.fptosi %broadcast_in_dim3A_202 : vector<4096x1xf32> to vector<4096x1xi32>
    %add3A_273 = arith.addi %broadcast_in_dim3A_263, %convert_element_type3A_272 : vector<4096x1xi32>
    %convert_element_type3A_274 = arith.fptosi %broadcast_in_dim3A_208 : vector<4096x1xf32> to vector<4096x1xi32>
    %add3A_275 = arith.addi %broadcast_in_dim3A_271, %convert_element_type3A_274 : vector<4096x1xi32>
    %iota3A_276 = tpu.iota {dimensions = array<i32: 0>} : vector<40x8xi32>
    %mul3A_277 = arith.constant 256 : i32
    %mul3A_278 = vector.broadcast %mul3A_277 : i32 to vector<40x8xi32>
    %mul3A_279 = arith.muli %iota3A_276, %mul3A_278 : vector<40x8xi32>
    %add3A_280 = arith.addi %convert_element_type3A_255, %mul3A_246 : vector<1x8xi32>
    %ge3A_281 = vector.broadcast %add3A_280 : vector<1x8xi32> to vector<40x8xi32>
    %ge3A_282 = arith.cmpi sge, %mul3A_279, %ge3A_281 : vector<40x8xi32>
    %convert_element_type3A_283 = arith.extui %ge3A_282 : vector<40x8xi1> to vector<40x8xi32>
    %reduce_sum3A_284 = arith.constant dense<0> : vector<40xi32>
    %reduce_sum3A_285 = vector.multi_reduction <add>, %convert_element_type3A_283, %reduce_sum3A_284 [1] : vector<40x8xi32> to vector<40xi32>
    %broadcast_in_dim3A_286 = vector.shape_cast %reduce_sum3A_285 : vector<40xi32> to vector<40x1xi32>
    %min3A_287 = arith.constant 7 : i32
    %min3A_288 = vector.broadcast %min3A_287 : i32 to vector<40x1xi32>
    %min3A_289 = arith.minsi %broadcast_in_dim3A_286, %min3A_288 : vector<40x1xi32>
    %swap3A_290 = arith.constant 0 : index
    %swap3A_291 = arith.constant 0 : index
    %swap3A_292 = vector.load %arg2[%swap3A_290, %swap3A_291] : memref<4096x2xf32, #tpu.memory_space<vmem>>, vector<4096x2xf32>
    tpu.vector_store %arg2[%swap3A_290, %swap3A_291], %concatenate3A {strides = array<i32>} : memref<4096x2xf32, #tpu.memory_space<vmem>>, vector<4096x2xf32>,
    %swap3A_293 = arith.constant 0 : index
    %swap3A_294 = arith.constant 0 : index
    %swap3A_295 = vector.load %arg3[%swap3A_293, %swap3A_294] : memref<4096x1xi32, #tpu.memory_space<vmem>>, vector<4096x1xi32>
    tpu.vector_store %arg3[%swap3A_293, %swap3A_294], %add3A_180 {strides = array<i32>} : memref<4096x1xi32, #tpu.memory_space<vmem>>, vector<4096x1xi32>,
    %swap3A_296 = arith.constant 0 : index
    %swap3A_297 = arith.constant 0 : index
    %swap3A_298 = vector.load %arg4[%swap3A_296, %swap3A_297] : memref<4096x1xi32, #tpu.memory_space<vmem>>, vector<4096x1xi32>
    tpu.vector_store %arg4[%swap3A_296, %swap3A_297], %add3A_182 {strides = array<i32>} : memref<4096x1xi32, #tpu.memory_space<vmem>>, vector<4096x1xi32>,
    %concatenate3A_299 = tpu.concatenate %add3A_180, %add3A_182 in 1 : vector<4096x1xi32>, vector<4096x1xi32> -> vector<4096x2xi32>
    %swap3A_300 = arith.constant 0 : index
    %swap3A_301 = arith.constant 0 : index
    %swap3A_302 = vector.load %arg5[%swap3A_300, %swap3A_301] : memref<4096x2xi32, #tpu.memory_space<vmem>>, vector<4096x2xi32>
    tpu.vector_store %arg5[%swap3A_300, %swap3A_301], %concatenate3A_299 {strides = array<i32>} : memref<4096x2xi32, #tpu.memory_space<vmem>>, vector<4096x2xi32>,
    %swap3A_303 = arith.constant 0 : index
    %swap3A_304 = arith.constant 0 : index
    %swap3A_305 = vector.load %arg6[%swap3A_303, %swap3A_304] : memref<40x1xi32, #tpu.memory_space<vmem>>, vector<40x1xi32>
    tpu.vector_store %arg6[%swap3A_303, %swap3A_304], %min3A_194 {strides = array<i32>} : memref<40x1xi32, #tpu.memory_space<vmem>>, vector<40x1xi32>,
    %swap3A_306 = arith.constant 0 : index
    %swap3A_307 = arith.constant 0 : index
    %swap3A_308 = vector.load %arg7[%swap3A_306, %swap3A_307] : memref<4096x2xf32, #tpu.memory_space<vmem>>, vector<4096x2xf32>
    tpu.vector_store %arg7[%swap3A_306, %swap3A_307], %concatenate3A_81 {strides = array<i32>} : memref<4096x2xf32, #tpu.memory_space<vmem>>, vector<4096x2xf32>,
    %swap3A_309 = arith.constant 0 : index
    %swap3A_310 = arith.constant 0 : index
    %swap3A_311 = vector.load %arg8[%swap3A_309, %swap3A_310] : memref<4096x1xi32, #tpu.memory_space<vmem>>, vector<4096x1xi32>
    tpu.vector_store %arg8[%swap3A_309, %swap3A_310], %add3A_273 {strides = array<i32>} : memref<4096x1xi32, #tpu.memory_space<vmem>>, vector<4096x1xi32>,
    %swap3A_312 = arith.constant 0 : index
    %swap3A_313 = arith.constant 0 : index
    %swap3A_314 = vector.load %arg9[%swap3A_312, %swap3A_313] : memref<4096x1xi32, #tpu.memory_space<vmem>>, vector<4096x1xi32>
    tpu.vector_store %arg9[%swap3A_312, %swap3A_313], %add3A_275 {strides = array<i32>} : memref<4096x1xi32, #tpu.memory_space<vmem>>, vector<4096x1xi32>,
    %concatenate3A_315 = tpu.concatenate %add3A_273, %add3A_275 in 1 : vector<4096x1xi32>, vector<4096x1xi32> -> vector<4096x2xi32>
    %swap3A_316 = arith.constant 0 : index
    %swap3A_317 = arith.constant 0 : index
    %swap3A_318 = vector.load %arg10[%swap3A_316, %swap3A_317] : memref<4096x2xi32, #tpu.memory_space<vmem>>, vector<4096x2xi32>
    tpu.vector_store %arg10[%swap3A_316, %swap3A_317], %concatenate3A_315 {strides = array<i32>} : memref<4096x2xi32, #tpu.memory_space<vmem>>, vector<4096x2xi32>,
    %swap3A_319 = arith.constant 0 : index
    %swap3A_320 = arith.constant 0 : index
    %swap3A_321 = vector.load %arg11[%swap3A_319, %swap3A_320] : memref<40x1xi32, #tpu.memory_space<vmem>>, vector<40x1xi32>
    tpu.vector_store %arg11[%swap3A_319, %swap3A_320], %min3A_289 {strides = array<i32>} : memref<40x1xi32, #tpu.memory_space<vmem>>, vector<40x1xi32>,
    %convert_element_type3A_322 = arith.extui %eq3A_15 : vector<4096x8xi1> to vector<4096x8xi32>
    %convert_element_type3A_323 = arith.sitofp %convert_element_type3A_322 : vector<4096x8xi32> to vector<4096x8xf32>
    %reduce_sum3A_324 = arith.constant dense<0.000000e+00> : vector<8xf32>
    %reduce_sum3A_325 = vector.multi_reduction <add>, %convert_element_type3A_323, %reduce_sum3A_324 [0] : vector<4096x8xf32> to vector<8xf32>
    %broadcast_in_dim3A_326 = vector.shape_cast %reduce_sum3A_325 : vector<8xf32> to vector<1x8xf32>
    %div3A_327 = arith.constant 4.096000e+03 : f32
    %div3A_328 = vector.broadcast %div3A_327 : f32 to vector<1x8xf32>
    %div3A_329 = arith.divf %broadcast_in_dim3A_326, %div3A_328 : vector<1x8xf32>
    %reduce_sum3A_330 = arith.constant dense<0.000000e+00> : vector<8xf32>
    %reduce_sum3A_331 = vector.multi_reduction <add>, %div3A_6, %reduce_sum3A_330 [0] : vector<4096x8xf32> to vector<8xf32>
    %broadcast_in_dim3A_332 = vector.shape_cast %reduce_sum3A_331 : vector<8xf32> to vector<1x8xf32>
    %div3A_333 = arith.constant 4.096000e+03 : f32
    %div3A_334 = vector.broadcast %div3A_333 : f32 to vector<1x8xf32>
    %div3A_335 = arith.divf %broadcast_in_dim3A_332, %div3A_334 : vector<1x8xf32>
    %mul3A_336 = arith.mulf %div3A_329, %div3A_335 : vector<1x8xf32>
    %reduce_sum3A_337 = vector.shape_cast %mul3A_336 : vector<1x8xf32> to vector<1x1x8xf32>
    %reduce_sum3A_338 = arith.constant dense<0.000000e+00> : vector<1xf32>
    %reduce_sum3A_339 = vector.multi_reduction <add>, %reduce_sum3A_337, %reduce_sum3A_338 [1, 2] : vector<1x1x8xf32> to vector<1xf32>
    %reduce_sum3A_340 = vector.shape_cast %reduce_sum3A_339 : vector<1xf32> to vector<1x1x1xf32>
    %reduce_sum3A_341 = vector.extract %reduce_sum3A_340[0, 0, 0] : f32 from vector<1x1x1xf32>
    %broadcast_in_dim3A_342 = vector.broadcast %reduce_sum3A_341 : f32 to vector<1x1xf32>
    %mul3A_343 = arith.constant 8.000000e+00 : f32
    %mul3A_344 = vector.broadcast %mul3A_343 : f32 to vector<1x1xf32>
    %mul3A_345 = arith.mulf %mul3A_344, %broadcast_in_dim3A_342 : vector<1x1xf32>
    %swap3A_346 = arith.constant 0 : index
    %swap3A_347 = arith.constant 0 : index
    %swap3A_348 = vector.load %arg12[%swap3A_346, %swap3A_347] : memref<1x1xf32, #tpu.memory_space<vmem>>, vector<1x1xf32>
    tpu.vector_store %arg12[%swap3A_346, %swap3A_347], %mul3A_345 {strides = array<i32>} : memref<1x1xf32, #tpu.memory_space<vmem>>, vector<1x1xf32>,
    return
  }
}

module attributes {stable_mosaic.version = 14 : i64} {
  func.func @_k5_body(%arg0: i32, %arg1: memref<40xi32, #tpu.memory_space<smem>>, %arg2: memref<256x768xf32, #tpu.memory_space<vmem>>, %arg3: memref<8x768x768xbf16, #tpu.memory_space<vmem>>, %arg4: memref<8x768x768xbf16, #tpu.memory_space<vmem>>, %arg5: memref<8x768x384xbf16, #tpu.memory_space<vmem>>, %arg6: memref<256x384xf32, #tpu.memory_space<vmem>>) attributes {dimension_semantics = [#tpu.dimension_semantics<arbitrary>], iteration_bounds = array<i64: 40>, scalar_prefetch = 1 : i64, scratch_operands = 0 : i64, tpu.core_type = #tpu.core_type<tc>, window_params = [{transform_indices = @transform_0, window_bounds = array<i64: 256, 768>}, {pipeline_mode = #tpu.pipeline_mode<synchronous>, transform_indices = @transform_1, window_bounds = array<i64: 8, 768, 768>}, {pipeline_mode = #tpu.pipeline_mode<synchronous>, transform_indices = @transform_2, window_bounds = array<i64: 8, 768, 768>}, {pipeline_mode = #tpu.pipeline_mode<synchronous>, transform_indices = @transform_3, window_bounds = array<i64: 8, 768, 384>}, {transform_indices = @transform_4, window_bounds = array<i64: 256, 384>}]} {
    %get3A = arith.index_cast %arg0 : i32 to index
    %get3A_0 = memref.load %arg1[%get3A] : memref<40xi32, #tpu.memory_space<smem>>
    %get3A_1 = arith.constant 0 : index
    %get3A_2 = arith.constant 0 : index
    %get3A_3 = vector.load %arg2[%get3A_1, %get3A_2] : memref<256x768xf32, #tpu.memory_space<vmem>>, vector<256x768xf32>
    %convert_element_type3A = arith.truncf %get3A_3 : vector<256x768xf32> to vector<256x768xbf16>
    %get3A_4 = arith.index_cast %get3A_0 : i32 to index
    %get3A_5 = arith.constant 0 : index
    %get3A_6 = arith.constant 0 : index
    %get3A_7 = vector.load %arg3[%get3A_4, %get3A_5, %get3A_6] : memref<8x768x768xbf16, #tpu.memory_space<vmem>>, vector<1x768x768xbf16>
    %get3A_8 = vector.shape_cast %get3A_7 : vector<1x768x768xbf16> to vector<768x768xbf16>
    %dot_general3A = arith.constant dense<0.000000e+00> : vector<256x768xf32>
    %dot_general3A_9 = tpu.matmul %convert_element_type3A, %get3A_8, %dot_general3A {dimension_numbers = #tpu.dot_dimension_numbers<[1], [0], [0], [1], [0, 0, 1, 1], [], []>, transpose_lhs_hint = false} : vector<256x768xbf16>, vector<768x768xbf16>, vector<256x768xf32> -> vector<256x768xf32>
    %ge3A = arith.constant 0.000000e+00 : f32
    %ge3A_10 = vector.broadcast %ge3A : f32 to vector<256x768xf32>
    %ge3A_11 = arith.cmpf oge, %dot_general3A_9, %ge3A_10 : vector<256x768xf32>
    %mul3A = arith.constant 0.00999999977 : f32
    %mul3A_12 = vector.broadcast %mul3A : f32 to vector<256x768xf32>
    %mul3A_13 = arith.mulf %mul3A_12, %dot_general3A_9 : vector<256x768xf32>
    %select_n3A = arith.select %ge3A_11, %dot_general3A_9, %mul3A_13 : vector<256x768xi1>, vector<256x768xf32>
    %get3A_14 = arith.index_cast %get3A_0 : i32 to index
    %get3A_15 = arith.constant 0 : index
    %get3A_16 = arith.constant 0 : index
    %get3A_17 = vector.load %arg4[%get3A_14, %get3A_15, %get3A_16] : memref<8x768x768xbf16, #tpu.memory_space<vmem>>, vector<1x768x768xbf16>
    %get3A_18 = vector.shape_cast %get3A_17 : vector<1x768x768xbf16> to vector<768x768xbf16>
    %dot_general3A_19 = arith.constant dense<0.000000e+00> : vector<256x768xf32>
    %dot_general3A_20 = tpu.matmul %convert_element_type3A, %get3A_18, %dot_general3A_19 {dimension_numbers = #tpu.dot_dimension_numbers<[1], [0], [0], [1], [0, 0, 1, 1], [], []>, transpose_lhs_hint = false} : vector<256x768xbf16>, vector<768x768xbf16>, vector<256x768xf32> -> vector<256x768xf32>
    %mul3A_21 = arith.mulf %select_n3A, %dot_general3A_20 : vector<256x768xf32>
    %convert_element_type3A_22 = arith.truncf %mul3A_21 : vector<256x768xf32> to vector<256x768xbf16>
    %get3A_23 = arith.index_cast %get3A_0 : i32 to index
    %get3A_24 = arith.constant 0 : index
    %get3A_25 = arith.constant 0 : index
    %get3A_26 = vector.load %arg5[%get3A_23, %get3A_24, %get3A_25] : memref<8x768x384xbf16, #tpu.memory_space<vmem>>, vector<1x768x384xbf16>
    %get3A_27 = vector.shape_cast %get3A_26 : vector<1x768x384xbf16> to vector<768x384xbf16>
    %dot_general3A_28 = arith.constant dense<0.000000e+00> : vector<256x384xf32>
    %dot_general3A_29 = tpu.matmul %convert_element_type3A_22, %get3A_27, %dot_general3A_28 {dimension_numbers = #tpu.dot_dimension_numbers<[1], [0], [0], [1], [0, 0, 1, 1], [], []>, transpose_lhs_hint = false} : vector<256x768xbf16>, vector<768x384xbf16>, vector<256x384xf32> -> vector<256x384xf32>
    %swap3A = arith.constant 0 : index
    %swap3A_30 = arith.constant 0 : index
    %swap3A_31 = vector.load %arg6[%swap3A, %swap3A_30] : memref<256x384xf32, #tpu.memory_space<vmem>>, vector<256x384xf32>
    tpu.vector_store %arg6[%swap3A, %swap3A_30], %dot_general3A_29 {strides = array<i32>} : memref<256x384xf32, #tpu.memory_space<vmem>>, vector<256x384xf32>,
    return
  }
  func.func @transform_0(%arg0: i32, %arg1: memref<40xi32, #tpu.memory_space<smem>>) -> (i32, i32) {
    %c0_i32 = arith.constant 0 : i32
    %c0_i32_0 = arith.constant 0 : i32
    return %arg0, %c0_i32 : i32, i32
  }
  func.func @transform_1(%arg0: i32, %arg1: memref<40xi32, #tpu.memory_space<smem>>) -> (i32, i32, i32) {
    %c0_i32 = arith.constant 0 : i32
    %c0_i32_0 = arith.constant 0 : i32
    %c0_i32_1 = arith.constant 0 : i32
    %c0_i32_2 = arith.constant 0 : i32
    return %c0_i32, %c0_i32_0, %c0_i32_1 : i32, i32, i32
  }
  func.func @transform_2(%arg0: i32, %arg1: memref<40xi32, #tpu.memory_space<smem>>) -> (i32, i32, i32) {
    %c0_i32 = arith.constant 0 : i32
    %c0_i32_0 = arith.constant 0 : i32
    %c0_i32_1 = arith.constant 0 : i32
    %c0_i32_2 = arith.constant 0 : i32
    return %c0_i32, %c0_i32_0, %c0_i32_1 : i32, i32, i32
  }
  func.func @transform_3(%arg0: i32, %arg1: memref<40xi32, #tpu.memory_space<smem>>) -> (i32, i32, i32) {
    %c0_i32 = arith.constant 0 : i32
    %c0_i32_0 = arith.constant 0 : i32
    %c0_i32_1 = arith.constant 0 : i32
    %c0_i32_2 = arith.constant 0 : i32
    return %c0_i32, %c0_i32_0, %c0_i32_1 : i32, i32, i32
  }
  func.func @transform_4(%arg0: i32, %arg1: memref<40xi32, #tpu.memory_space<smem>>) -> (i32, i32) {
    %c0_i32 = arith.constant 0 : i32
    %c0_i32_0 = arith.constant 0 : i32
    return %arg0, %c0_i32 : i32, i32
  }
}

module attributes {stable_mosaic.version = 14 : i64} {
  func.func @_k6_body(%arg0: i32, %arg1: memref<1024x768xf32, #tpu.memory_space<vmem>>, %arg2: memref<1024x2xf32, #tpu.memory_space<vmem>>, %arg3: memref<1024x2xf32, #tpu.memory_space<vmem>>, %arg4: memref<1024x768xf32, #tpu.memory_space<vmem>>, %arg5: memref<1024x768xf32, #tpu.memory_space<vmem>>, %arg6: memref<1024x768xf32, #tpu.memory_space<vmem>>) attributes {dimension_semantics = [#tpu.dimension_semantics<arbitrary>], iteration_bounds = array<i64: 4>, scalar_prefetch = 0 : i64, scratch_operands = 0 : i64, tpu.core_type = #tpu.core_type<tc>, window_params = [{transform_indices = @transform_0, window_bounds = array<i64: 1024, 768>}, {transform_indices = @transform_1, window_bounds = array<i64: 1024, 2>}, {transform_indices = @transform_2, window_bounds = array<i64: 1024, 2>}, {transform_indices = @transform_3, window_bounds = array<i64: 1024, 768>}, {transform_indices = @transform_4, window_bounds = array<i64: 1024, 768>}, {transform_indices = @transform_5, window_bounds = array<i64: 1024, 768>}]} {
    %get3A = arith.constant 0 : index
    %get3A_0 = arith.constant 0 : index
    %get3A_1 = vector.load %arg4[%get3A, %get3A_0] : memref<1024x768xf32, #tpu.memory_space<vmem>>, vector<1024x768xf32>
    %get3A_2 = arith.constant 0 : index
    %get3A_3 = arith.constant 0 : index
    %get3A_4 = vector.load %arg5[%get3A_2, %get3A_3] : memref<1024x768xf32, #tpu.memory_space<vmem>>, vector<1024x768xf32>
    %get3A_5 = arith.constant 0 : index
    %get3A_6 = arith.constant 0 : index
    %get3A_7 = vector.load %arg2[%get3A_5, %get3A_6] : memref<1024x2xf32, #tpu.memory_space<vmem>>, vector<1024x1xf32>
    %slice3A = vector.extract_strided_slice %get3A_1 {offsets = [0, 0], sizes = [1024, 384], strides = [1, 1]} : vector<1024x768xf32> to vector<1024x384xf32>
    %mul3A = vector.broadcast %get3A_7 : vector<1024x1xf32> to vector<1024x384xf32>
    %mul3A_8 = arith.mulf %mul3A, %slice3A : vector<1024x384xf32>
    %get3A_9 = arith.constant 0 : index
    %get3A_10 = arith.constant 1 : index
    %get3A_11 = vector.load %arg2[%get3A_9, %get3A_10] : memref<1024x2xf32, #tpu.memory_space<vmem>>, vector<1024x1xf32>
    %slice3A_12 = vector.extract_strided_slice %get3A_1 {offsets = [0, 384], sizes = [1024, 384], strides = [1, 1]} : vector<1024x768xf32> to vector<1024x384xf32>
    %mul3A_13 = vector.broadcast %get3A_11 : vector<1024x1xf32> to vector<1024x384xf32>
    %mul3A_14 = arith.mulf %mul3A_13, %slice3A_12 : vector<1024x384xf32>
    %add3A = arith.addf %mul3A_8, %mul3A_14 : vector<1024x384xf32>
    %get3A_15 = arith.constant 0 : index
    %get3A_16 = arith.constant 0 : index
    %get3A_17 = vector.load %arg3[%get3A_15, %get3A_16] : memref<1024x2xf32, #tpu.memory_space<vmem>>, vector<1024x1xf32>
    %slice3A_18 = vector.extract_strided_slice %get3A_4 {offsets = [0, 0], sizes = [1024, 384], strides = [1, 1]} : vector<1024x768xf32> to vector<1024x384xf32>
    %mul3A_19 = vector.broadcast %get3A_17 : vector<1024x1xf32> to vector<1024x384xf32>
    %mul3A_20 = arith.mulf %mul3A_19, %slice3A_18 : vector<1024x384xf32>
    %get3A_21 = arith.constant 0 : index
    %get3A_22 = arith.constant 1 : index
    %get3A_23 = vector.load %arg3[%get3A_21, %get3A_22] : memref<1024x2xf32, #tpu.memory_space<vmem>>, vector<1024x1xf32>
    %slice3A_24 = vector.extract_strided_slice %get3A_4 {offsets = [0, 384], sizes = [1024, 384], strides = [1, 1]} : vector<1024x768xf32> to vector<1024x384xf32>
    %mul3A_25 = vector.broadcast %get3A_23 : vector<1024x1xf32> to vector<1024x384xf32>
    %mul3A_26 = arith.mulf %mul3A_25, %slice3A_24 : vector<1024x384xf32>
    %add3A_27 = arith.addf %mul3A_20, %mul3A_26 : vector<1024x384xf32>
    %get3A_28 = arith.constant 0 : index
    %get3A_29 = arith.constant 0 : index
    %get3A_30 = vector.load %arg1[%get3A_28, %get3A_29] : memref<1024x768xf32, #tpu.memory_space<vmem>>, vector<1024x768xf32>
    %concatenate3A = tpu.concatenate %add3A, %add3A_27 in 1 : vector<1024x384xf32>, vector<1024x384xf32> -> vector<1024x768xf32>
    %add3A_31 = arith.addf %get3A_30, %concatenate3A : vector<1024x768xf32>
    %swap3A = arith.constant 0 : index
    %swap3A_32 = arith.constant 0 : index
    %swap3A_33 = vector.load %arg6[%swap3A, %swap3A_32] : memref<1024x768xf32, #tpu.memory_space<vmem>>, vector<1024x768xf32>
    tpu.vector_store %arg6[%swap3A, %swap3A_32], %add3A_31 {strides = array<i32>} : memref<1024x768xf32, #tpu.memory_space<vmem>>, vector<1024x768xf32>,
    return
  }
  func.func @transform_0(%arg0: i32) -> (i32, i32) {
    %c0_i32 = arith.constant 0 : i32
    %c0_i32_0 = arith.constant 0 : i32
    return %arg0, %c0_i32 : i32, i32
  }
  func.func @transform_1(%arg0: i32) -> (i32, i32) {
    %c0_i32 = arith.constant 0 : i32
    %c0_i32_0 = arith.constant 0 : i32
    return %arg0, %c0_i32 : i32, i32
  }
  func.func @transform_2(%arg0: i32) -> (i32, i32) {
    %c0_i32 = arith.constant 0 : i32
    %c0_i32_0 = arith.constant 0 : i32
    return %arg0, %c0_i32 : i32, i32
  }
  func.func @transform_3(%arg0: i32) -> (i32, i32) {
    %c0_i32 = arith.constant 0 : i32
    %c0_i32_0 = arith.constant 0 : i32
    return %arg0, %c0_i32 : i32, i32
  }
  func.func @transform_4(%arg0: i32) -> (i32, i32) {
    %c0_i32 = arith.constant 0 : i32
    %c0_i32_0 = arith.constant 0 : i32
    return %arg0, %c0_i32 : i32, i32
  }
  func.func @transform_5(%arg0: i32) -> (i32, i32) {
    %c0_i32 = arith.constant 0 : i32
    %c0_i32_0 = arith.constant 0 : i32
    return %arg0, %c0_i32 : i32, i32
  }
}

</mosaic_0001>

<sc_bundles>
// kernel: kernel.10.cloned.1.call-start
scs
__scs_entry_jumppad:
0x0: {  	(pc) =	sbr.rel $0x88, $3  }
0x1: {  	(tag) =	ssettag $0x0;
	lr =	simm.s32 $0x1  }
0x2: {  	[smem:$0x3F8E] =	sst lr;
	_ =	strace $0xD0000000  }
0x3: {  	_ = 	snop  }
0x4: {  	_ = 	snop  }
0x5: {  	_ = 	snop  }
0x6: {  	_ = 	snop  }
0x7: {  	_ = 	snop  }
__scs_overlays_trampoline_lowered:
0x8: {  	[smem:$0x3F9D] =	sst s0  }
0x9: {  	[smem:$0x3F9E] =	sst s1  }
0xa: {  	[smem:$0x3F9F] =	sst s2  }
0xb: {  	[smem:$0x3FA0] =	sst s3  }
0xc: {  	[smem:$0x3FA1] =	sst s4  }
0xd: {  	[smem:$0x3FA2] =	sst s5  }
0xe: {  	[smem:$0x3FA3] =	sst s6  }
0xf: {  	[smem:$0x3FA4] =	sst s7  }
0x10: {  	[smem:$0x3FA5] =	sst s8  }
0x11: {  	[smem:$0x3FA6] =	sst s9;
	s0 =	simm.s32 @!p0 $0x0  }
0x12: {  	s1 =	sld [smem:$0x3F8C];
	s0 =	simm.s32 @p0 $0x1  }
0x13: {  	[smem:$0x3FA7] =	sst s0;
	s0 =	simm.s32 @!p1 $0x0  }
0x14: {  	s2 =	sld [smem:$0x3F8B];
	s0 =	simm.s32 @p1 $0x1  }
0x15: {  	[smem:$0x3FA8] =	sst s0;
	s0 =	simm.s32 @!p2 $0x0  }
0x16: {  	s3 =	sld [smem:$0x3FDB];
	s0 =	simm.s32 @p2 $0x1  }
0x17: {  	s4 =	simm.s32 $0x1BF5;
	[smem:$0x3FAA] =	sst s0  }
0x18: {  	s0 =	sld [smem:$0x3F8D];
	_ =	swait.ge [sflag:s4], $0x0  }
0x19: {  	s7 =	sld [smem:$0x3F8E]  }
0x1a: {  	s8 =	sadd.s32 $0xFFFFE003, lr  }
0x1b: {  	s9 =	sadd.s32 $0xFFFFFEF7, lr;
	s5 =	simm.s32 $0xFFFFFFFF;
	p2 =	slt.u32 s8, $0xFFFFF086  }
0x1c: {  	p1 =	slt.u32 s9, $0xF7A;
	s5 =	simm.s32 @!p2 $0x0  }
0x1d: {  	s5 =	simm.s32 @p1 $0x1;
	p0 =	seq.s32 s7, s2  }
0x1e: {  	s7 =	smul.u32 @!p0 $0xF7A, s2;
	p2 =	seq.s32 @!p0 s5, $0x0  }
0x1f: {  	s9 =	smul.u32 $0xF7A, s1;
	s8 =	simm.s32 @!p0 $0x1BF5;
	p2 =	por !p2, p0  }
0x20: {  	[sflag:s8] =	ssyncset.s32 @!p0 $0xFFFFF086;
	s6 =	sadd.s32 @!p0 s3, s7;
	s7 =	simm.s32 @!p0 $0x108  }
0x21: {  	s3 =	sadd.s32 s3, s9;
	s6 =	sadd.s32 @!p0 $0x88, s6;
	s7 =	simm.s32 @p2 $0x1082  }
0x22: {  	[simem:s7], [sflag:s8] =	dma.local @!p0 [hbm:s6], $0xF7A  }
0x23: {  	s9 =	sor.u32 $0xD0000000, s2;
	s6 =	simm.s32 $0x108;
	_ =	swait.ge @!p0 [sflag:s8], $0x0  }
0x24: {  	s3 =	sadd.s32 $0x88, s3;
	s6 =	simm.s32 @!p1 $0x1082;
	[sflag:s4] =	ssyncset.s32 $0xFFFFF086  }
0x25: {  	[simem:s6], [sflag:s4] =	dma.local [hbm:s3], $0xF7A  }
0x26: {  	[smem:$0x3F8E] =	sst s1;
	(tag) =	ssettag s2;
	_ =	strace s9  }
0x27: {  	s1 =	sld [smem:$0x3F9E]  }
0x28: {  	s2 =	sld [smem:$0x3F9F]  }
0x29: {  	s4 =	sld [smem:$0x3FA1]  }
0x2a: {  	p0 =	seq.s32 s5, $0x0;
	s5 =	sld [smem:$0x3FA2]  }
0x2b: {  	s6 =	sld [smem:$0x3FA3]  }
0x2c: {  	s7 =	sld [smem:$0x3FA4]  }
0x2d: {  	s3 =	simm.s32 $0x108;
	s8 =	sld [smem:$0x3FA5]  }
0x2e: {  	s3 =	simm.s32 @!p0 $0x1082;
	s9 =	sld [smem:$0x3FA6]  }
0x2f: {  	lr =	sadd.s32 s0, s3;
	s0 =	sld [smem:$0x3F9D]  }
0x30: {  	s3 =	sld [smem:$0x3FA0]  }
0x31: {  	[smem:$0x3FA9] =	sst s10  }
0x32: {  	s10 =	sld [smem:$0x3FA7];
	_ =	sdelay $0x3  }
0x33: {  	p0 =	seq.s32 s10, $0x1;
	s10 =	sld [smem:$0x3FA9];
	_ =	sdelay $0x3  }
0x34: {  	[smem:$0x3FA9] =	sst s10  }
0x35: {  	s10 =	sld [smem:$0x3FA8];
	_ =	sdelay $0x3  }
0x36: {  	p1 =	seq.s32 s10, $0x1;
	s10 =	sld [smem:$0x3FA9];
	_ =	sdelay $0x3  }
0x37: {  	[smem:$0x3FA9] =	sst s10  }
0x38: {  	s10 =	sld [smem:$0x3FAA]  }
0x39: {  	_ = 	snop;
	(pc) =	sbr.ind lr, $3  }
0x3a: {  	_ = 	snop  }
0x3b: {  	_ = 	snop  }
0x3c: {  	p2 =	seq.s32 s10, $0x1;
	s10 =	sld [smem:$0x3FA9]  }
0x3d: {  	_ =	shalt  }
0x3e: {  	_ =	shalt  }
0x3f: {  	_ =	shalt  }
0x40: {  	_ =	shalt  }
0x41: {  	_ =	shalt  }
0x42: {  	_ =	shalt  }
0x43: {  	_ =	shalt  }
0x44: {  	_ =	shalt  }
0x45: {  	_ =	shalt  }
0x46: {  	_ =	shalt  }
0x47: {  	_ =	shalt  }
0x48: {  	_ =	shalt  }
0x49: {  	_ =	shalt  }
0x4a: {  	_ =	shalt  }
0x4b: {  	_ =	shalt  }
0x4c: {  	_ =	shalt  }
0x4d: {  	_ =	shalt  }
0x4e: {  	_ =	shalt  }
0x4f: {  	_ =	shalt  }
0x50: {  	_ =	shalt  }
0x51: {  	_ =	shalt  }
0x52: {  	_ =	shalt  }
0x53: {  	_ =	shalt  }
0x54: {  	_ =	shalt  }
0x55: {  	_ =	shalt  }
0x56: {  	_ =	shalt  }
0x57: {  	_ =	shalt  }
0x58: {  	_ =	shalt  }
0x59: {  	_ =	shalt  }
0x5a: {  	_ =	shalt  }
0x5b: {  	_ =	shalt  }
0x5c: {  	_ =	shalt  }
0x5d: {  	_ =	shalt  }
0x5e: {  	_ =	shalt  }
0x5f: {  	_ =	shalt  }
0x60: {  	_ =	shalt  }
0x61: {  	_ =	shalt  }
0x62: {  	_ =	shalt  }
0x63: {  	_ =	shalt  }
0x64: {  	_ =	shalt  }
0x65: {  	_ =	shalt  }
0x66: {  	_ =	shalt  }
0x67: {  	_ =	shalt  }
0x68: {  	_ =	shalt  }
0x69: {  	_ =	shalt  }
0x6a: {  	_ =	shalt  }
0x6b: {  	_ =	shalt  }
0x6c: {  	_ =	shalt  }
0x6d: {  	_ =	shalt  }
0x6e: {  	_ =	shalt  }
0x6f: {  	_ =	shalt  }
0x70: {  	_ =	shalt  }
0x71: {  	_ =	shalt  }
0x72: {  	_ =	shalt  }
0x73: {  	_ =	shalt  }
0x74: {  	_ =	shalt  }
0x75: {  	_ =	shalt  }
0x76: {  	_ =	shalt  }
0x77: {  	_ =	shalt  }
0x78: {  	_ =	shalt  }
0x79: {  	_ =	shalt  }
0x7a: {  	_ =	shalt  }
0x7b: {  	_ =	shalt  }
0x7c: {  	_ =	shalt  }
0x7d: {  	_ =	shalt  }
0x7e: {  	_ =	shalt  }
0x7f: {  	_ =	shalt  }
0x80: {  	_ =	shalt  }
0x81: {  	_ =	shalt  }
0x82: {  	_ =	shalt  }
0x83: {  	_ =	shalt  }
0x84: {  	_ =	shalt  }
0x85: {  	_ =	shalt  }
0x86: {  	_ =	shalt  }
0x87: {  	_ =	shalt  }
.Lfunc_end0:
.L_simem_size_0:
called_computation_lowered:
.L_overlay_start_0:
0x88: {  	s2 =	sld [smem:$0x3FD9]  }
0x89: {  	s3 =	sld [smem:$0x3FFE];
	_ =	sdelay $0x1  }
0x8a: {  	s1 =	srdreg.scid  }
0x8b: {  	s0 =	sand.u32 $0x1, s1  }
0x8c: {  	s16 =	sshll.u32 s0, $0xA;
	s2 =	sadd.s32 s3, s2  }
0x8d: {  	s2 =	sadd.s32 s2, s16  }
0x8e: {  	[smem:$0x3FB5] =	sst s2  }
0x8f: {  	_ = 	snop  }
0x90: {  	(tm) =	ssettm $0x1  }
0x91: {  	s17 =	sld [smem:$0x3FFB];
	_ =	sdelay $0x3  }
0x92: {  	_ =	strace s17  }
0x93: {  	s2 =	sld [smem:$0x3FFC];
	_ =	sdelay $0x3  }
0x94: {  	_ =	strace s2  }
0x95: {  	s2 =	sld [smem:$0x3FFD];
	_ =	sdelay $0x3  }
0x96: {  	_ =	strace s2  }
0x97: {  	_ =	strace $0x8FFFFFFF  }
0x98: {  	s18 =	sld [smem:$0x3FDB];
	_ =	sdelay $0x1  }
0x99: {  	s19 =	simm.s32 $_scs_section_size  }
0x9a: {  	s4 =	simm.s32 $_size__tile_overlayer_lowered;
	s5 =	simm.s32 $_tile_overlayer_lowered  }
0x9b: {  	s22 =	simm.s32 $0x1BFF;
	s21 =	sshll.u32 s5, $0x1;
	s2 =	sadd.s32 s19, s18  }
0x9c: {  	s6 =	simm.s32 $0x0;
	s20 =	sshll.u32 s4, $0x1;
	s4 =	sadd.s32 s21, s2  }
0x9d: {  	[timem:s6], [sflag:s22] =	dma.local [hbm:s4], s20  }
0x9e: {  	_ =	swait.ge [sflag:s22], s20  }
0x9f: {  	s3 =	ssub.s32 $0x0, s20;
	[sflag:s22] =	ssyncset.done $0x0  }
0xa0: {  	[sflag:s22] =	ssyncadd.s32 s3;
	_ =	sdelay $0x1  }
0xa1: {  	s23 =	simm.s32 $0x1B8B  }
0xa2: {  	_ =	swait.ge [sflag:s23], $0x1  }
0xa3: {  	[sflag:s23] =	ssyncset.done $0x0  }
0xa4: {  	s25 =	simm.s32 $0x1B8E;
	s24 =	sld [smem:$0x3FFE];
	[sflag:s23] =	ssyncadd.s32 $0xFFFFFFFF  }
0xa5: {  	s26 =	simm.s32 $execute0_lowered;
	[smem:$0x3FD2] =	sst s25  }
0xa6: {  	s4 =	sshll.u32 s26, $0x1;
	_ =	strace $0x80000046;
	[dreg:$0x1] =	wrdreg $0xFFFFFFFF  }
0xa7: {  	s28 =	simm.s32 $_size_execute0_lowered;
	s2 =	sadd.s32 s2, s4;
	[dreg:$0x0] =	wrdreg $0x0  }
0xa8: {  	s4 =	sshll.u32 s28, $0x1;
	[dreg:$0x2] =	wrdreg s2  }
0xa9: {  	[dreg:$0x3] =	wrdreg s4  }
0xaa: {  	[dreg:$0x4] =	wrdreg $0xC0  }
0xab: {  	_ =	task [dreg:s6], $0x5FFFF  }
0xac: {  	[dreg:$0x1] =	wrdreg $0xFFFFFFFF  }
0xad: {  	[dreg:$0x0] =	wrdreg $0x60  }
0xae: {  	[dreg:$0x2] =	wrdreg s24  }
0xaf: {  	[dreg:$0x3] =	wrdreg $0x9  }
0xb0: {  	_ =	task.clear_ibuf [dreg:s6], $0x4FFFF;
	_ =	strace $0x90000046  }
0xb1: {  	s29 =	simm.s32 $0x9;
	_ =	strace $0x80000048  }
0xb2: {  	_ =	swait.ge [sflag:s29], $0x1  }
0xb3: {  	[sflag:s29] =	ssyncadd.s32 $0xFFFFFFFF  }
0xb4: {  	_ =	strace $0x90000048  }
0xb5: {  	_ =	sfence  }
0xb6: {  	s30 =	sld [smem:$0x0];
	_ =	sdelay $0x2  }
0xb7: {  	s31 =	sshll.u32 s1, $0xD;
	s1 =	sshrl.u32 s1, $0x2  }
0xb8: {  	s3 =	sand.u32 $0x4000, s31;
	s1 =	sadd.s32 s1, s30  }
0xb9: {  	s0 =	sor.u32 s3, s0;
	s1 =	sshll.u32 s1, $0x11  }
0xba: {  	s0 =	sor.u32 s1, s0  }
0xbb: {  	s0 =	sadd.s32 $0x8F2B, s0  }
0xbc: {  	[sflag:s0] =	ssyncadd.remote.s32 $0x1  }
0xbd: {  	_ =	sfence.sel $0xFFFF  }
0xbe: {  	[dreg:$0x0] =	wrdreg $0xFFFFFFFF;
	(pc) =	sbr.abs _section_cstart, $3  }
0xbf: {  	[dreg:$0x1] =	wrdreg $0xFFFFFFFF  }
0xc0: {  	_ =	task.clear_ibuf [dreg:s6], $0x2FFFF;
	_ =	strace $0x9FFFFFFF  }
0xc1: {  	(tm) =	ssettm $0x7FFFFFFF  }
tec
execute0_lowered:
.L_overlay_start_1:
0x0: {  	(tag) =	ssettag $0x1  }
0x1: {  	s0 =	rddreg [dreg:$0x0];
	s1 =	srdreg.scid  }
0x2: {  	s3 =	stileid.u32;
	s2 =	simm.s32 $0x0;
	s16 =	simm.s32 $0x1  }
0x3: {  	s1 =	sand.u32 $0x1, s1;
	s3 =	sshll.u32 s3, $0x5;
	[smem:$0x7FF] =	sst s2  }
0x4: {  	s6 =	sadd.s32 $0x33000, s0;
	s7 =	sadd.s32 $0x23000, s0;
	s8 =	sadd.s32 $0x23200, s0  }
0x5: {  	s9 =	sadd.s32 $0x23400, s0;
	s10 =	sadd.s32 $0x23600, s0;
	s4 =	sshll.u32 s1, $0x4  }
0x6: {  	_ =	strace $0x80000047;
	s1 =	ssub.s32 $0x2, s1;
	s5 =	sor.u32 s4, s3  }
0x7: {  	s4 =	sadd.s32 $0x183000, s0;
	s26 =	sshrl.u32 s1, $0x1;
	s23 =	sadd.s32 s7, s5  }
0x8: {  	s3 =	smul.u32 $0x300, s5;
	s24 =	sadd.s32 s8, s5;
	[dreg:$0x3] =	wrdreg s23  }
0x9: {  	s11 =	sor.u32 $0x8, s5;
	s12 =	sadd.s32 s9, s5;
	[dreg:$0x4] =	wrdreg s24  }
0xa: {  	s5 =	sadd.s32 s10, s5;
	s1 =	ssub.s32 s1, s26;
	[dreg:$0x5] =	wrdreg s12  }
0xb: {  	s13 =	smul.u32 $0x300, s11;
	[dreg:$0x6] =	wrdreg s5;
	s28 =	sadd.s32 s7, s11  }
0xc: {  	s29 =	sadd.s32 s8, s11;
	s5 =	sadd.s32 $0x93100, s0;
	[dreg:$0x8] =	wrdreg s28  }
0xd: {  	s30 =	sadd.s32 s9, s11;
	s31 =	sadd.s32 s10, s11;
	[dreg:$0x9] =	wrdreg s29  }
0xe: {  	s7 =	sadd.s32 $0x183100, s0;
	s8 =	sadd.s32 $0x183200, s0;
	[dreg:$0xa] =	wrdreg s30  }
0xf: {  	v2 =	vlaneseq.u32;
	s10 =	simm.s32 $0x2;
	s22 =	sadd.s32 s6, s3;
	[dreg:$0xb] =	wrdreg s31  }
0x10: {  	vm0 =	vmmov $0xffff;
	v1 =	vshrl.u32 v2, $0x3;
	s3 =	sadd.s32 $0x93000, s0;
	[dreg:$0x2] =	wrdreg s22;
	s25 =	sadd.s32 s6, s13  }
0x11: {  	v0 =	vand.u32 $0x7, v2;
	v2 =	vor.u32 $0x8, v2;
	v1 =	vmul.u32 $0x8, v1;
	s6 =	sadd.s32 $0x93200, s0;
	s0 =	smax.u32 s1, $0x1;
	[dreg:$0x7] =	wrdreg s25  }
.LBB2_1:
0x12: {  	[dreg:$0xc] =	wrdreg s0  }
0x13: {  	s17 =	rddreg [dreg:$0x2]  }
0x14: {  	[tilespmem:s2], [sflag:$0x2] =	stream.linear.gather [hbm4b:s17+s2], $0xC000, $0x38;
	[tilespmem:$0xC200] =	vst v63  }
0x15: {  	_ =	swait.ge [sflag:s10], $0xC000  }
0x16: {  	[sflag:s10] =	ssyncset.done $0x0  }
0x17: {  	s31 =	simm.s32 $0xC000;
	s30 =	rddreg [dreg:$0x3];
	[sflag:s10] =	ssyncadd.s32 $0xFFFF4000  }
0x18: {  	[tilespmem:s31], [sflag:$0x2] =	stream.linear.gather [hbm4b:s30+s2], $0x40, $0x38;
	[tilespmem:$0xC200] =	vst v63  }
0x19: {  	_ =	swait.ge [sflag:s10], $0x40  }
0x1a: {  	[sflag:s10] =	ssyncset.done $0x0  }
0x1b: {  	s9 =	simm.s32 $0xC080;
	s1 =	rddreg [dreg:$0x4];
	[sflag:s10] =	ssyncadd.s32 $0xFFFFFFC0  }
0x1c: {  	[tilespmem:s9], [sflag:$0x2] =	stream.linear.gather [hbm4b:s1+s2], $0x40, $0x38;
	[tilespmem:$0xC200] =	vst v63  }
0x1d: {  	_ =	swait.ge [sflag:s10], $0x40  }
0x1e: {  	[sflag:s10] =	ssyncset.done $0x0  }
0x1f: {  	s12 =	simm.s32 $0xC100;
	s11 =	rddreg [dreg:$0x5];
	[sflag:s10] =	ssyncadd.s32 $0xFFFFFFC0  }
0x20: {  	[tilespmem:s12], [sflag:$0x2] =	stream.linear.gather [hbm4b:s11+s2], $0x40, $0x38;
	[tilespmem:$0xC200] =	vst v63  }
0x21: {  	_ =	swait.ge [sflag:s10], $0x40  }
0x22: {  	[sflag:s10] =	ssyncset.done $0x0  }
0x23: {  	s14 =	simm.s32 $0xC180;
	s13 =	rddreg [dreg:$0x6];
	[sflag:s10] =	ssyncadd.s32 $0xFFFFFFC0  }
0x24: {  	[tilespmem:s14], [sflag:$0x2] =	stream.linear.gather [hbm4b:s13+s2], $0x40, $0x38;
	[tilespmem:$0xC200] =	vst v63  }
0x25: {  	_ =	swait.ge [sflag:s10], $0x40  }
0x26: {  	[sflag:s10] =	ssyncset.done $0x0  }
0x27: {  	[sflag:s10] =	ssyncadd.s32 $0xFFFFFFC0  }
0x28: {  	v3 =	vld [tilespmem:$0xC000];
	_ =	sdelay $0x4  }
0x29: {  	v4 =	vshrl.u32 v3, $0x3  }
0x2a: {  	v4 =	vmul.u32 $0x30, v4  }
0x2b: {  	v3 =	vand.u32 $0x7, v3  }
0x2c: {  	v3 =	vor.u32 v3, v4  }
0x2d: {  	v4 =	vperm.xlane v3, v0;
	_ =	sdelay $0x1  }
0x2e: {  	v4 =	vadd.s32 v1, v4;
	_ =	sdelay $0x3  }
0x2f: {  	v3 =	vperm.xlane v3, v2  }
0x30: {  	[hbm4b:s3+s2] =	stream.indirect_vreg.scatter [tilespmem:s2], [sflag:$0x1], $0x80, v4, vm0, $0xb8;
	[tilespmem:$0xC200] =	vst v63  }
0x31: {  	s15 =	simm.s32 $0x800;
	v3 =	vadd.s32 v1, v3  }
0x32: {  	[hbm4b:s5+s2] =	stream.indirect_vreg.scatter [tilespmem:s15], [sflag:$0x1], $0x80, v4, vm0, $0xb8;
	[tilespmem:$0xC200] =	vst v63  }
0x33: {  	s17 =	simm.s32 $0x1000  }
0x34: {  	[hbm4b:s6+s2] =	stream.indirect_vreg.scatter [tilespmem:s17], [sflag:$0x1], $0x80, v4, vm0, $0xb8;
	[tilespmem:$0xC200] =	vst v63  }
0x35: {  	s18 =	simm.s32 $0x1800  }
0x36: {  	[hbm4b:s3+s2] =	stream.indirect_vreg.scatter [tilespmem:s18], [sflag:$0x1], $0x80, v3, vm0, $0xb8;
	[tilespmem:$0xC200] =	vst v63  }
0x37: {  	s19 =	simm.s32 $0x2000  }
0x38: {  	[hbm4b:s5+s2] =	stream.indirect_vreg.scatter [tilespmem:s19], [sflag:$0x1], $0x80, v3, vm0, $0xb8;
	[tilespmem:$0xC200] =	vst v63  }
0x39: {  	s20 =	simm.s32 $0x2800  }
0x3a: {  	[hbm4b:s6+s2] =	stream.indirect_vreg.scatter [tilespmem:s20], [sflag:$0x1], $0x80, v3, vm0, $0xb8;
	[tilespmem:$0xC200] =	vst v63  }
0x3b: {  	v3 =	vld [tilespmem:$0xC010];
	_ =	sdelay $0x4  }
0x3c: {  	v33 =	vshrl.u32 v3, $0x3  }
0x3d: {  	v4 =	vmul.u32 $0x30, v33  }
0x3e: {  	v3 =	vand.u32 $0x7, v3  }
0x3f: {  	v3 =	vor.u32 v3, v4  }
0x40: {  	v4 =	vperm.xlane v3, v0;
	_ =	sdelay $0x1  }
0x41: {  	v4 =	vadd.s32 v1, v4;
	_ =	sdelay $0x3  }
0x42: {  	s21 =	simm.s32 $0x3000;
	v3 =	vperm.xlane v3, v2  }
0x43: {  	[hbm4b:s3+s2] =	stream.indirect_vreg.scatter [tilespmem:s21], [sflag:$0x1], $0x80, v4, vm0, $0xb8;
	[tilespmem:$0xC200] =	vst v63  }
0x44: {  	s22 =	simm.s32 $0x3800;
	v3 =	vadd.s32 v1, v3  }
0x45: {  	[hbm4b:s5+s2] =	stream.indirect_vreg.scatter [tilespmem:s22], [sflag:$0x1], $0x80, v4, vm0, $0xb8;
	[tilespmem:$0xC200] =	vst v63  }
0x46: {  	s23 =	simm.s32 $0x4000  }
0x47: {  	[hbm4b:s6+s2] =	stream.indirect_vreg.scatter [tilespmem:s23], [sflag:$0x1], $0x80, v4, vm0, $0xb8;
	[tilespmem:$0xC200] =	vst v63  }
0x48: {  	s24 =	simm.s32 $0x4800  }
0x49: {  	[hbm4b:s3+s2] =	stream.indirect_vreg.scatter [tilespmem:s24], [sflag:$0x1], $0x80, v3, vm0, $0xb8;
	[tilespmem:$0xC200] =	vst v63  }
0x4a: {  	s25 =	simm.s32 $0x5000  }
0x4b: {  	[hbm4b:s5+s2] =	stream.indirect_vreg.scatter [tilespmem:s25], [sflag:$0x1], $0x80, v3, vm0, $0xb8;
	[tilespmem:$0xC200] =	vst v63  }
0x4c: {  	s26 =	simm.s32 $0x5800  }
0x4d: {  	[hbm4b:s6+s2] =	stream.indirect_vreg.scatter [tilespmem:s26], [sflag:$0x1], $0x80, v3, vm0, $0xb8;
	[tilespmem:$0xC200] =	vst v63  }
0x4e: {  	v3 =	vld [tilespmem:$0xC020];
	_ =	sdelay $0x4  }
0x4f: {  	v34 =	vshrl.u32 v3, $0x3  }
0x50: {  	v4 =	vmul.u32 $0x30, v34  }
0x51: {  	v3 =	vand.u32 $0x7, v3  }
0x52: {  	v3 =	vor.u32 v3, v4  }
0x53: {  	v4 =	vperm.xlane v3, v0;
	_ =	sdelay $0x1  }
0x54: {  	v4 =	vadd.s32 v1, v4;
	_ =	sdelay $0x3  }
0x55: {  	s28 =	simm.s32 $0x6000;
	v3 =	vperm.xlane v3, v2  }
0x56: {  	[hbm4b:s3+s2] =	stream.indirect_vreg.scatter [tilespmem:s28], [sflag:$0x1], $0x80, v4, vm0, $0xb8;
	[tilespmem:$0xC200] =	vst v63  }
0x57: {  	s29 =	simm.s32 $0x6800;
	v3 =	vadd.s32 v1, v3  }
0x58: {  	[hbm4b:s5+s2] =	stream.indirect_vreg.scatter [tilespmem:s29], [sflag:$0x1], $0x80, v4, vm0, $0xb8;
	[tilespmem:$0xC200] =	vst v63  }
0x59: {  	s30 =	simm.s32 $0x7000  }
0x5a: {  	[hbm4b:s6+s2] =	stream.indirect_vreg.scatter [tilespmem:s30], [sflag:$0x1], $0x80, v4, vm0, $0xb8;
	[tilespmem:$0xC200] =	vst v63  }
0x5b: {  	s31 =	simm.s32 $0x7800  }
0x5c: {  	[hbm4b:s3+s2] =	stream.indirect_vreg.scatter [tilespmem:s31], [sflag:$0x1], $0x80, v3, vm0, $0xb8;
	[tilespmem:$0xC200] =	vst v63  }
0x5d: {  	s11 =	simm.s32 $0x8000  }
0x5e: {  	[hbm4b:s5+s2] =	stream.indirect_vreg.scatter [tilespmem:s11], [sflag:$0x1], $0x80, v3, vm0, $0xb8;
	[tilespmem:$0xC200] =	vst v63  }
0x5f: {  	s12 =	simm.s32 $0x8800  }
0x60: {  	[hbm4b:s6+s2] =	stream.indirect_vreg.scatter [tilespmem:s12], [sflag:$0x1], $0x80, v3, vm0, $0xb8;
	[tilespmem:$0xC200] =	vst v63  }
0x61: {  	v3 =	vld [tilespmem:$0xC030];
	_ =	sdelay $0x4  }
0x62: {  	v35 =	vshrl.u32 v3, $0x3  }
0x63: {  	v4 =	vmul.u32 $0x30, v35  }
0x64: {  	v3 =	vand.u32 $0x7, v3  }
0x65: {  	v3 =	vor.u32 v3, v4  }
0x66: {  	v4 =	vperm.xlane v3, v0;
	_ =	sdelay $0x1  }
0x67: {  	v4 =	vadd.s32 v1, v4;
	_ =	sdelay $0x3  }
0x68: {  	s13 =	simm.s32 $0x9000;
	v3 =	vperm.xlane v3, v2  }
0x69: {  	[hbm4b:s3+s2] =	stream.indirect_vreg.scatter [tilespmem:s13], [sflag:$0x1], $0x80, v4, vm0, $0xb8;
	[tilespmem:$0xC200] =	vst v63  }
0x6a: {  	s14 =	simm.s32 $0x9800;
	v3 =	vadd.s32 v1, v3  }
0x6b: {  	[hbm4b:s5+s2] =	stream.indirect_vreg.scatter [tilespmem:s14], [sflag:$0x1], $0x80, v4, vm0, $0xb8;
	[tilespmem:$0xC200] =	vst v63  }
0x6c: {  	s17 =	simm.s32 $0xA000  }
0x6d: {  	[hbm4b:s6+s2] =	stream.indirect_vreg.scatter [tilespmem:s17], [sflag:$0x1], $0x80, v4, vm0, $0xb8;
	[tilespmem:$0xC200] =	vst v63  }
0x6e: {  	s22 =	simm.s32 $0xA800  }
0x6f: {  	[hbm4b:s3+s2] =	stream.indirect_vreg.scatter [tilespmem:s22], [sflag:$0x1], $0x80, v3, vm0, $0xb8;
	[tilespmem:$0xC200] =	vst v63  }
0x70: {  	s24 =	simm.s32 $0xB000  }
0x71: {  	[hbm4b:s5+s2] =	stream.indirect_vreg.scatter [tilespmem:s24], [sflag:$0x1], $0x80, v3, vm0, $0xb8;
	[tilespmem:$0xC200] =	vst v63  }
0x72: {  	s26 =	simm.s32 $0xB800  }
0x73: {  	[hbm4b:s6+s2] =	stream.indirect_vreg.scatter [tilespmem:s26], [sflag:$0x1], $0x80, v3, vm0, $0xb8;
	[tilespmem:$0xC200] =	vst v63  }
0x74: {  	v3 =	vld [tilespmem:$0xC080];
	_ =	sdelay $0x4  }
0x75: {  	v36 =	vshrl.u32 v3, $0x3  }
0x76: {  	v4 =	vmul.u32 $0x30, v36  }
0x77: {  	v3 =	vand.u32 $0x7, v3  }
0x78: {  	v3 =	vor.u32 v3, v4  }
0x79: {  	v4 =	vperm.xlane v3, v0;
	_ =	sdelay $0x1  }
0x7a: {  	v4 =	vadd.s32 v1, v4;
	_ =	sdelay $0x3  }
0x7b: {  	v3 =	vperm.xlane v3, v2  }
0x7c: {  	[hbm4b:s3+s2] =	stream.indirect_vreg.scatter [tilespmem:s2], [sflag:$0x1], $0x80, v4, vm0, $0xb8;
	[tilespmem:$0xC200] =	vst v63  }
0x7d: {  	s11 =	simm.s32 $0x800;
	v3 =	vadd.s32 v1, v3  }
0x7e: {  	[hbm4b:s5+s2] =	stream.indirect_vreg.scatter [tilespmem:s11], [sflag:$0x1], $0x80, v4, vm0, $0xb8;
	[tilespmem:$0xC200] =	vst v63  }
0x7f: {  	s12 =	simm.s32 $0x1000  }
0x80: {  	[hbm4b:s6+s2] =	stream.indirect_vreg.scatter [tilespmem:s12], [sflag:$0x1], $0x80, v4, vm0, $0xb8;
	[tilespmem:$0xC200] =	vst v63  }
0x81: {  	s13 =	simm.s32 $0x1800  }
0x82: {  	[hbm4b:s3+s2] =	stream.indirect_vreg.scatter [tilespmem:s13], [sflag:$0x1], $0x80, v3, vm0, $0xb8;
	[tilespmem:$0xC200] =	vst v63  }
0x83: {  	s14 =	simm.s32 $0x2000  }
0x84: {  	[hbm4b:s5+s2] =	stream.indirect_vreg.scatter [tilespmem:s14], [sflag:$0x1], $0x80, v3, vm0, $0xb8;
	[tilespmem:$0xC200] =	vst v63  }
0x85: {  	s28 =	simm.s32 $0x2800  }
0x86: {  	[hbm4b:s6+s2] =	stream.indirect_vreg.scatter [tilespmem:s28], [sflag:$0x1], $0x80, v3, vm0, $0xb8;
	[tilespmem:$0xC200] =	vst v63  }
0x87: {  	v3 =	vld [tilespmem:$0xC090];
	_ =	sdelay $0x4  }
0x88: {  	v37 =	vshrl.u32 v3, $0x3  }
0x89: {  	v4 =	vmul.u32 $0x30, v37  }
0x8a: {  	v3 =	vand.u32 $0x7, v3  }
0x8b: {  	v3 =	vor.u32 v3, v4  }
0x8c: {  	v4 =	vperm.xlane v3, v0;
	_ =	sdelay $0x1  }
0x8d: {  	v4 =	vadd.s32 v1, v4;
	_ =	sdelay $0x3  }
0x8e: {  	s9 =	simm.s32 $0x3000;
	v3 =	vperm.xlane v3, v2  }
0x8f: {  	[hbm4b:s3+s2] =	stream.indirect_vreg.scatter [tilespmem:s9], [sflag:$0x1], $0x80, v4, vm0, $0xb8;
	[tilespmem:$0xC200] =	vst v63  }
0x90: {  	s1 =	simm.s32 $0x3800;
	v3 =	vadd.s32 v1, v3  }
0x91: {  	[hbm4b:s5+s2] =	stream.indirect_vreg.scatter [tilespmem:s1], [sflag:$0x1], $0x80, v4, vm0, $0xb8;
	[tilespmem:$0xC200] =	vst v63  }
0x92: {  	s15 =	simm.s32 $0x4000  }
0x93: {  	[hbm4b:s6+s2] =	stream.indirect_vreg.scatter [tilespmem:s15], [sflag:$0x1], $0x80, v4, vm0, $0xb8;
	[tilespmem:$0xC200] =	vst v63  }
0x94: {  	s18 =	simm.s32 $0x4800  }
0x95: {  	[hbm4b:s3+s2] =	stream.indirect_vreg.scatter [tilespmem:s18], [sflag:$0x1], $0x80, v3, vm0, $0xb8;
	[tilespmem:$0xC200] =	vst v63  }
0x96: {  	s20 =	simm.s32 $0x5000  }
0x97: {  	[hbm4b:s5+s2] =	stream.indirect_vreg.scatter [tilespmem:s20], [sflag:$0x1], $0x80, v3, vm0, $0xb8;
	[tilespmem:$0xC200] =	vst v63  }
0x98: {  	s21 =	simm.s32 $0x5800  }
0x99: {  	[hbm4b:s6+s2] =	stream.indirect_vreg.scatter [tilespmem:s21], [sflag:$0x1], $0x80, v3, vm0, $0xb8;
	[tilespmem:$0xC200] =	vst v63  }
0x9a: {  	v3 =	vld [tilespmem:$0xC0A0];
	_ =	sdelay $0x4  }
0x9b: {  	v38 =	vshrl.u32 v3, $0x3  }
0x9c: {  	v4 =	vmul.u32 $0x30, v38  }
0x9d: {  	v3 =	vand.u32 $0x7, v3  }
0x9e: {  	v3 =	vor.u32 v3, v4  }
0x9f: {  	v4 =	vperm.xlane v3, v0;
	_ =	sdelay $0x1  }
0xa0: {  	v4 =	vadd.s32 v1, v4;
	_ =	sdelay $0x3  }
0xa1: {  	s21 =	simm.s32 $0x6000;
	v3 =	vperm.xlane v3, v2  }
0xa2: {  	[hbm4b:s3+s2] =	stream.indirect_vreg.scatter [tilespmem:s21], [sflag:$0x1], $0x80, v4, vm0, $0xb8;
	[tilespmem:$0xC200] =	vst v63  }
0xa3: {  	s18 =	simm.s32 $0x6800;
	v3 =	vadd.s32 v1, v3  }
0xa4: {  	[hbm4b:s5+s2] =	stream.indirect_vreg.scatter [tilespmem:s18], [sflag:$0x1], $0x80, v4, vm0, $0xb8;
	[tilespmem:$0xC200] =	vst v63  }
0xa5: {  	s23 =	simm.s32 $0x7000  }
0xa6: {  	[hbm4b:s6+s2] =	stream.indirect_vreg.scatter [tilespmem:s23], [sflag:$0x1], $0x80, v4, vm0, $0xb8;
	[tilespmem:$0xC200] =	vst v63  }
0xa7: {  	s0 =	simm.s32 $0x7800  }
0xa8: {  	[hbm4b:s3+s2] =	stream.indirect_vreg.scatter [tilespmem:s0], [sflag:$0x1], $0x80, v3, vm0, $0xb8;
	[tilespmem:$0xC200] =	vst v63  }
0xa9: {  	s19 =	simm.s32 $0x8000  }
0xaa: {  	[hbm4b:s5+s2] =	stream.indirect_vreg.scatter [tilespmem:s19], [sflag:$0x1], $0x80, v3, vm0, $0xb8;
	[tilespmem:$0xC200] =	vst v63  }
0xab: {  	s19 =	simm.s32 $0x8800  }
0xac: {  	[hbm4b:s6+s2] =	stream.indirect_vreg.scatter [tilespmem:s19], [sflag:$0x1], $0x80, v3, vm0, $0xb8;
	[tilespmem:$0xC200] =	vst v63  }
0xad: {  	v3 =	vld [tilespmem:$0xC0B0];
	_ =	sdelay $0x4  }
0xae: {  	v39 =	vshrl.u32 v3, $0x3  }
0xaf: {  	v4 =	vmul.u32 $0x30, v39  }
0xb0: {  	v3 =	vand.u32 $0x7, v3  }
0xb1: {  	v3 =	vor.u32 v3, v4  }
0xb2: {  	v4 =	vperm.xlane v3, v0;
	_ =	sdelay $0x1  }
0xb3: {  	v4 =	vadd.s32 v1, v4;
	_ =	sdelay $0x3  }
0xb4: {  	s15 =	simm.s32 $0x9000;
	v3 =	vperm.xlane v3, v2  }
0xb5: {  	[hbm4b:s3+s2] =	stream.indirect_vreg.scatter [tilespmem:s15], [sflag:$0x1], $0x80, v4, vm0, $0xb8;
	[tilespmem:$0xC200] =	vst v63  }
0xb6: {  	s20 =	simm.s32 $0x9800;
	v3 =	vadd.s32 v1, v3  }
0xb7: {  	[hbm4b:s5+s2] =	stream.indirect_vreg.scatter [tilespmem:s20], [sflag:$0x1], $0x80, v4, vm0, $0xb8;
	[tilespmem:$0xC200] =	vst v63  }
0xb8: {  	s9 =	simm.s32 $0xA000  }
0xb9: {  	[hbm4b:s6+s2] =	stream.indirect_vreg.scatter [tilespmem:s9], [sflag:$0x1], $0x80, v4, vm0, $0xb8;
	[tilespmem:$0xC200] =	vst v63  }
0xba: {  	s25 =	simm.s32 $0xA800  }
0xbb: {  	[hbm4b:s3+s2] =	stream.indirect_vreg.scatter [tilespmem:s25], [sflag:$0x1], $0x80, v3, vm0, $0xb8;
	[tilespmem:$0xC200] =	vst v63  }
0xbc: {  	s1 =	simm.s32 $0xB000  }
0xbd: {  	[hbm4b:s5+s2] =	stream.indirect_vreg.scatter [tilespmem:s1], [sflag:$0x1], $0x80, v3, vm0, $0xb8;
	[tilespmem:$0xC200] =	vst v63  }
0xbe: {  	s31 =	simm.s32 $0xB800  }
0xbf: {  	[hbm4b:s6+s2] =	stream.indirect_vreg.scatter [tilespmem:s31], [sflag:$0x1], $0x80, v3, vm0, $0xb8;
	[tilespmem:$0xC200] =	vst v63  }
0xc0: {  	v3 =	vld [tilespmem:$0xC100];
	_ =	sdelay $0x4  }
0xc1: {  	v40 =	vshrl.u32 v3, $0x3  }
0xc2: {  	v4 =	vmul.u32 $0x30, v40  }
0xc3: {  	v3 =	vand.u32 $0x7, v3  }
0xc4: {  	v3 =	vor.u32 v3, v4  }
0xc5: {  	v4 =	vperm.xlane v3, v0;
	_ =	sdelay $0x1  }
0xc6: {  	v4 =	vadd.s32 v1, v4;
	_ =	sdelay $0x3  }
0xc7: {  	v3 =	vperm.xlane v3, v2  }
0xc8: {  	[hbm4b:s4+s2] =	stream.indirect_vreg.scatter [tilespmem:s2], [sflag:$0x1], $0x80, v4, vm0, $0xb8;
	[tilespmem:$0xC200] =	vst v63  }
0xc9: {  	v3 =	vadd.s32 v1, v3  }
0xca: {  	[hbm4b:s7+s2] =	stream.indirect_vreg.scatter [tilespmem:s11], [sflag:$0x1], $0x80, v4, vm0, $0xb8;
	[tilespmem:$0xC200] =	vst v63  }
0xcb: {  	_ = 	snop  }
0xcc: {  	[hbm4b:s8+s2] =	stream.indirect_vreg.scatter [tilespmem:s12], [sflag:$0x1], $0x80, v4, vm0, $0xb8;
	[tilespmem:$0xC200] =	vst v63  }
0xcd: {  	_ = 	snop  }
0xce: {  	[hbm4b:s4+s2] =	stream.indirect_vreg.scatter [tilespmem:s13], [sflag:$0x1], $0x80, v3, vm0, $0xb8;
	[tilespmem:$0xC200] =	vst v63  }
0xcf: {  	_ = 	snop  }
0xd0: {  	[hbm4b:s7+s2] =	stream.indirect_vreg.scatter [tilespmem:s14], [sflag:$0x1], $0x80, v3, vm0, $0xb8;
	[tilespmem:$0xC200] =	vst v63  }
0xd1: {  	_ = 	snop  }
0xd2: {  	[hbm4b:s8+s2] =	stream.indirect_vreg.scatter [tilespmem:s28], [sflag:$0x1], $0x80, v3, vm0, $0xb8;
	[tilespmem:$0xC200] =	vst v63  }
0xd3: {  	v3 =	vld [tilespmem:$0xC110];
	_ =	sdelay $0x4  }
0xd4: {  	v41 =	vshrl.u32 v3, $0x3  }
0xd5: {  	v4 =	vmul.u32 $0x30, v41  }
0xd6: {  	v3 =	vand.u32 $0x7, v3  }
0xd7: {  	v3 =	vor.u32 v3, v4  }
0xd8: {  	v4 =	vperm.xlane v3, v0;
	_ =	sdelay $0x1  }
0xd9: {  	v4 =	vadd.s32 v1, v4;
	_ =	sdelay $0x3  }
0xda: {  	s24 =	simm.s32 $0x3000;
	v3 =	vperm.xlane v3, v2  }
0xdb: {  	[hbm4b:s4+s2] =	stream.indirect_vreg.scatter [tilespmem:s24], [sflag:$0x1], $0x80, v4, vm0, $0xb8;
	[tilespmem:$0xC200] =	vst v63  }
0xdc: {  	s22 =	simm.s32 $0x3800;
	v3 =	vadd.s32 v1, v3  }
0xdd: {  	[hbm4b:s7+s2] =	stream.indirect_vreg.scatter [tilespmem:s22], [sflag:$0x1], $0x80, v4, vm0, $0xb8;
	[tilespmem:$0xC200] =	vst v63  }
0xde: {  	s26 =	simm.s32 $0x4000  }
0xdf: {  	[hbm4b:s8+s2] =	stream.indirect_vreg.scatter [tilespmem:s26], [sflag:$0x1], $0x80, v4, vm0, $0xb8;
	[tilespmem:$0xC200] =	vst v63  }
0xe0: {  	s30 =	simm.s32 $0x4800  }
0xe1: {  	[hbm4b:s4+s2] =	stream.indirect_vreg.scatter [tilespmem:s30], [sflag:$0x1], $0x80, v3, vm0, $0xb8;
	[tilespmem:$0xC200] =	vst v63  }
0xe2: {  	s31 =	simm.s32 $0x5000  }
0xe3: {  	[hbm4b:s7+s2] =	stream.indirect_vreg.scatter [tilespmem:s31], [sflag:$0x1], $0x80, v3, vm0, $0xb8;
	[tilespmem:$0xC200] =	vst v63  }
0xe4: {  	s26 =	simm.s32 $0x5800  }
0xe5: {  	[hbm4b:s8+s2] =	stream.indirect_vreg.scatter [tilespmem:s26], [sflag:$0x1], $0x80, v3, vm0, $0xb8;
	[tilespmem:$0xC200] =	vst v63  }
0xe6: {  	v3 =	vld [tilespmem:$0xC120];
	_ =	sdelay $0x4  }
0xe7: {  	v42 =	vshrl.u32 v3, $0x3  }
0xe8: {  	v4 =	vmul.u32 $0x30, v42  }
0xe9: {  	v3 =	vand.u32 $0x7, v3  }
0xea: {  	v3 =	vor.u32 v3, v4  }
0xeb: {  	v4 =	vperm.xlane v3, v0;
	_ =	sdelay $0x1  }
0xec: {  	v4 =	vadd.s32 v1, v4;
	_ =	sdelay $0x3  }
0xed: {  	v3 =	vperm.xlane v3, v2  }
0xee: {  	[hbm4b:s4+s2] =	stream.indirect_vreg.scatter [tilespmem:s21], [sflag:$0x1], $0x80, v4, vm0, $0xb8;
	[tilespmem:$0xC200] =	vst v63  }
0xef: {  	v3 =	vadd.s32 v1, v3  }
0xf0: {  	[hbm4b:s7+s2] =	stream.indirect_vreg.scatter [tilespmem:s18], [sflag:$0x1], $0x80, v4, vm0, $0xb8;
	[tilespmem:$0xC200] =	vst v63  }
0xf1: {  	s23 =	simm.s32 $0x7000  }
0xf2: {  	[hbm4b:s8+s2] =	stream.indirect_vreg.scatter [tilespmem:s23], [sflag:$0x1], $0x80, v4, vm0, $0xb8;
	[tilespmem:$0xC200] =	vst v63  }
0xf3: {  	_ = 	snop  }
0xf4: {  	[hbm4b:s4+s2] =	stream.indirect_vreg.scatter [tilespmem:s0], [sflag:$0x1], $0x80, v3, vm0, $0xb8;
	[tilespmem:$0xC200] =	vst v63  }
0xf5: {  	s23 =	simm.s32 $0x8000  }
0xf6: {  	[hbm4b:s7+s2] =	stream.indirect_vreg.scatter [tilespmem:s23], [sflag:$0x1], $0x80, v3, vm0, $0xb8;
	[tilespmem:$0xC200] =	vst v63  }
0xf7: {  	_ = 	snop  }
0xf8: {  	[hbm4b:s8+s2] =	stream.indirect_vreg.scatter [tilespmem:s19], [sflag:$0x1], $0x80, v3, vm0, $0xb8;
	[tilespmem:$0xC200] =	vst v63  }
0xf9: {  	v3 =	vld [tilespmem:$0xC130];
	_ =	sdelay $0x4  }
0xfa: {  	v43 =	vshrl.u32 v3, $0x3  }
0xfb: {  	v4 =	vmul.u32 $0x30, v43  }
0xfc: {  	v3 =	vand.u32 $0x7, v3  }
0xfd: {  	v3 =	vor.u32 v3, v4  }
0xfe: {  	v4 =	vperm.xlane v3, v0;
	_ =	sdelay $0x1  }
0xff: {  	v4 =	vadd.s32 v1, v4;
	_ =	sdelay $0x3  }
0x100: {  	v3 =	vperm.xlane v3, v2  }
0x101: {  	[hbm4b:s4+s2] =	stream.indirect_vreg.scatter [tilespmem:s15], [sflag:$0x1], $0x80, v4, vm0, $0xb8;
	[tilespmem:$0xC200] =	vst v63  }
0x102: {  	v3 =	vadd.s32 v1, v3  }
0x103: {  	[hbm4b:s7+s2] =	stream.indirect_vreg.scatter [tilespmem:s20], [sflag:$0x1], $0x80, v4, vm0, $0xb8;
	[tilespmem:$0xC200] =	vst v63  }
0x104: {  	_ = 	snop  }
0x105: {  	[hbm4b:s8+s2] =	stream.indirect_vreg.scatter [tilespmem:s9], [sflag:$0x1], $0x80, v4, vm0, $0xb8;
	[tilespmem:$0xC200] =	vst v63  }
0x106: {  	s29 =	simm.s32 $0xA800  }
0x107: {  	[hbm4b:s4+s2] =	stream.indirect_vreg.scatter [tilespmem:s29], [sflag:$0x1], $0x80, v3, vm0, $0xb8;
	[tilespmem:$0xC200] =	vst v63  }
0x108: {  	_ = 	snop  }
0x109: {  	[hbm4b:s7+s2] =	stream.indirect_vreg.scatter [tilespmem:s1], [sflag:$0x1], $0x80, v3, vm0, $0xb8;
	[tilespmem:$0xC200] =	vst v63  }
0x10a: {  	s29 =	simm.s32 $0xB800  }
0x10b: {  	[hbm4b:s8+s2] =	stream.indirect_vreg.scatter [tilespmem:s29], [sflag:$0x1], $0x80, v3, vm0, $0xb8;
	[tilespmem:$0xC200] =	vst v63  }
0x10c: {  	v3 =	vld [tilespmem:$0xC180];
	_ =	sdelay $0x4  }
0x10d: {  	v44 =	vshrl.u32 v3, $0x3  }
0x10e: {  	v4 =	vmul.u32 $0x30, v44  }
0x10f: {  	v3 =	vand.u32 $0x7, v3  }
0x110: {  	v3 =	vor.u32 v3, v4  }
0x111: {  	v4 =	vperm.xlane v3, v0;
	_ =	sdelay $0x1  }
0x112: {  	v4 =	vadd.s32 v1, v4;
	_ =	sdelay $0x3  }
0x113: {  	v3 =	vperm.xlane v3, v2  }
0x114: {  	[hbm4b:s4+s2] =	stream.indirect_vreg.scatter [tilespmem:s2], [sflag:$0x1], $0x80, v4, vm0, $0xb8;
	[tilespmem:$0xC200] =	vst v63  }
0x115: {  	s11 =	simm.s32 $0x800;
	v3 =	vadd.s32 v1, v3  }
0x116: {  	[hbm4b:s7+s2] =	stream.indirect_vreg.scatter [tilespmem:s11], [sflag:$0x1], $0x80, v4, vm0, $0xb8;
	[tilespmem:$0xC200] =	vst v63  }
0x117: {  	s12 =	simm.s32 $0x1000  }
0x118: {  	[hbm4b:s8+s2] =	stream.indirect_vreg.scatter [tilespmem:s12], [sflag:$0x1], $0x80, v4, vm0, $0xb8;
	[tilespmem:$0xC200] =	vst v63  }
0x119: {  	s13 =	simm.s32 $0x1800  }
0x11a: {  	[hbm4b:s4+s2] =	stream.indirect_vreg.scatter [tilespmem:s13], [sflag:$0x1], $0x80, v3, vm0, $0xb8;
	[tilespmem:$0xC200] =	vst v63  }
0x11b: {  	s14 =	simm.s32 $0x2000  }
0x11c: {  	[hbm4b:s7+s2] =	stream.indirect_vreg.scatter [tilespmem:s14], [sflag:$0x1], $0x80, v3, vm0, $0xb8;
	[tilespmem:$0xC200] =	vst v63  }
0x11d: {  	s17 =	simm.s32 $0x2800  }
0x11e: {  	[hbm4b:s8+s2] =	stream.indirect_vreg.scatter [tilespmem:s17], [sflag:$0x1], $0x80, v3, vm0, $0xb8;
	[tilespmem:$0xC200] =	vst v63  }
0x11f: {  	v3 =	vld [tilespmem:$0xC190];
	_ =	sdelay $0x4  }
0x120: {  	v45 =	vshrl.u32 v3, $0x3  }
0x121: {  	v4 =	vmul.u32 $0x30, v45  }
0x122: {  	v3 =	vand.u32 $0x7, v3  }
0x123: {  	v3 =	vor.u32 v3, v4  }
0x124: {  	v4 =	vperm.xlane v3, v0;
	_ =	sdelay $0x1  }
0x125: {  	v4 =	vadd.s32 v1, v4;
	_ =	sdelay $0x3  }
0x126: {  	s25 =	simm.s32 $0x3000;
	v3 =	vperm.xlane v3, v2  }
0x127: {  	[hbm4b:s4+s2] =	stream.indirect_vreg.scatter [tilespmem:s25], [sflag:$0x1], $0x80, v4, vm0, $0xb8;
	[tilespmem:$0xC200] =	vst v63  }
0x128: {  	s24 =	simm.s32 $0x3800;
	v3 =	vadd.s32 v1, v3  }
0x129: {  	[hbm4b:s7+s2] =	stream.indirect_vreg.scatter [tilespmem:s24], [sflag:$0x1], $0x80, v4, vm0, $0xb8;
	[tilespmem:$0xC200] =	vst v63  }
0x12a: {  	s28 =	simm.s32 $0x4000  }
0x12b: {  	[hbm4b:s8+s2] =	stream.indirect_vreg.scatter [tilespmem:s28], [sflag:$0x1], $0x80, v4, vm0, $0xb8;
	[tilespmem:$0xC200] =	vst v63  }
0x12c: {  	s30 =	simm.s32 $0x4800  }
0x12d: {  	[hbm4b:s4+s2] =	stream.indirect_vreg.scatter [tilespmem:s30], [sflag:$0x1], $0x80, v3, vm0, $0xb8;
	[tilespmem:$0xC200] =	vst v63  }
0x12e: {  	s31 =	simm.s32 $0x5000  }
0x12f: {  	[hbm4b:s7+s2] =	stream.indirect_vreg.scatter [tilespmem:s31], [sflag:$0x1], $0x80, v3, vm0, $0xb8;
	[tilespmem:$0xC200] =	vst v63  }
0x130: {  	s30 =	simm.s32 $0x5800  }
0x131: {  	[hbm4b:s8+s2] =	stream.indirect_vreg.scatter [tilespmem:s30], [sflag:$0x1], $0x80, v3, vm0, $0xb8;
	[tilespmem:$0xC200] =	vst v63  }
0x132: {  	v3 =	vld [tilespmem:$0xC1A0];
	_ =	sdelay $0x4  }
0x133: {  	v46 =	vshrl.u32 v3, $0x3  }
0x134: {  	v4 =	vmul.u32 $0x30, v46  }
0x135: {  	v3 =	vand.u32 $0x7, v3  }
0x136: {  	v3 =	vor.u32 v3, v4  }
0x137: {  	v4 =	vperm.xlane v3, v0;
	_ =	sdelay $0x1  }
0x138: {  	v4 =	vadd.s32 v1, v4;
	_ =	sdelay $0x3  }
0x139: {  	s22 =	simm.s32 $0x6000;
	v3 =	vperm.xlane v3, v2  }
0x13a: {  	[hbm4b:s4+s2] =	stream.indirect_vreg.scatter [tilespmem:s22], [sflag:$0x1], $0x80, v4, vm0, $0xb8;
	[tilespmem:$0xC200] =	vst v63  }
0x13b: {  	s18 =	simm.s32 $0x6800;
	v3 =	vadd.s32 v1, v3  }
0x13c: {  	[hbm4b:s7+s2] =	stream.indirect_vreg.scatter [tilespmem:s18], [sflag:$0x1], $0x80, v4, vm0, $0xb8;
	[tilespmem:$0xC200] =	vst v63  }
0x13d: {  	s26 =	simm.s32 $0x7000  }
0x13e: {  	[hbm4b:s8+s2] =	stream.indirect_vreg.scatter [tilespmem:s26], [sflag:$0x1], $0x80, v4, vm0, $0xb8;
	[tilespmem:$0xC200] =	vst v63  }
0x13f: {  	s21 =	simm.s32 $0x7800  }
0x140: {  	[hbm4b:s4+s2] =	stream.indirect_vreg.scatter [tilespmem:s21], [sflag:$0x1], $0x80, v3, vm0, $0xb8;
	[tilespmem:$0xC200] =	vst v63  }
0x141: {  	s23 =	simm.s32 $0x8000  }
0x142: {  	[hbm4b:s7+s2] =	stream.indirect_vreg.scatter [tilespmem:s23], [sflag:$0x1], $0x80, v3, vm0, $0xb8;
	[tilespmem:$0xC200] =	vst v63  }
0x143: {  	s0 =	simm.s32 $0x8800  }
0x144: {  	[hbm4b:s8+s2] =	stream.indirect_vreg.scatter [tilespmem:s0], [sflag:$0x1], $0x80, v3, vm0, $0xb8;
	[tilespmem:$0xC200] =	vst v63  }
0x145: {  	v3 =	vld [tilespmem:$0xC1B0];
	_ =	sdelay $0x4  }
0x146: {  	v47 =	vshrl.u32 v3, $0x3  }
0x147: {  	v4 =	vmul.u32 $0x30, v47  }
0x148: {  	v3 =	vand.u32 $0x7, v3  }
0x149: {  	v3 =	vor.u32 v3, v4  }
0x14a: {  	v4 =	vperm.xlane v3, v0;
	_ =	sdelay $0x1  }
0x14b: {  	v4 =	vadd.s32 v1, v4;
	_ =	sdelay $0x3  }
0x14c: {  	s15 =	simm.s32 $0x9000;
	v3 =	vperm.xlane v3, v2  }
0x14d: {  	[hbm4b:s4+s2] =	stream.indirect_vreg.scatter [tilespmem:s15], [sflag:$0x1], $0x80, v4, vm0, $0xb8;
	[tilespmem:$0xC200] =	vst v63  }
0x14e: {  	s19 =	simm.s32 $0x9800;
	v3 =	vadd.s32 v1, v3  }
0x14f: {  	[hbm4b:s7+s2] =	stream.indirect_vreg.scatter [tilespmem:s19], [sflag:$0x1], $0x80, v4, vm0, $0xb8;
	[tilespmem:$0xC200] =	vst v63  }
0x150: {  	s9 =	simm.s32 $0xA000  }
0x151: {  	[hbm4b:s8+s2] =	stream.indirect_vreg.scatter [tilespmem:s9], [sflag:$0x1], $0x80, v4, vm0, $0xb8;
	[tilespmem:$0xC200] =	vst v63  }
0x152: {  	s20 =	simm.s32 $0xA800  }
0x153: {  	[hbm4b:s4+s2] =	stream.indirect_vreg.scatter [tilespmem:s20], [sflag:$0x1], $0x80, v3, vm0, $0xb8;
	[tilespmem:$0xC200] =	vst v63  }
0x154: {  	s1 =	simm.s32 $0xB000  }
0x155: {  	[hbm4b:s7+s2] =	stream.indirect_vreg.scatter [tilespmem:s1], [sflag:$0x1], $0x80, v3, vm0, $0xb8;
	[tilespmem:$0xC200] =	vst v63  }
0x156: {  	s29 =	simm.s32 $0xB800  }
0x157: {  	[hbm4b:s8+s2] =	stream.indirect_vreg.scatter [tilespmem:s29], [sflag:$0x1], $0x80, v3, vm0, $0xb8;
	[tilespmem:$0xC200] =	vst v63  }
0x158: {  	_ =	swait.ge [sflag:s16], $0xC000  }
0x159: {  	[sflag:s16] =	ssyncset.done $0x0  }
0x15a: {  	[sflag:s16] =	ssyncadd.s32 $0xFFFF4000  }
0x15b: {  	_ =	swait.ge [sflag:s16], $0xC000  }
0x15c: {  	[sflag:s16] =	ssyncset.done $0x0  }
0x15d: {  	[sflag:s16] =	ssyncadd.s32 $0xFFFF4000  }
0x15e: {  	_ =	swait.ge [sflag:s16], $0xC000  }
0x15f: {  	[sflag:s16] =	ssyncset.done $0x0  }
0x160: {  	[sflag:s16] =	ssyncadd.s32 $0xFFFF4000  }
0x161: {  	_ =	swait.ge [sflag:s16], $0xC000  }
0x162: {  	[sflag:s16] =	ssyncset.done $0x0  }
0x163: {  	s31 =	rddreg [dreg:$0x7];
	[sflag:s16] =	ssyncadd.s32 $0xFFFF4000  }
0x164: {  	[tilespmem:s2], [sflag:$0x2] =	stream.linear.gather [hbm4b:s31+s2], $0xC000, $0x38;
	[tilespmem:$0xC200] =	vst v63  }
0x165: {  	_ =	swait.ge [sflag:s10], $0xC000  }
0x166: {  	[sflag:s10] =	ssyncset.done $0x0  }
0x167: {  	s1 =	simm.s32 $0xC000;
	s0 =	rddreg [dreg:$0x8];
	[sflag:s10] =	ssyncadd.s32 $0xFFFF4000  }
0x168: {  	[tilespmem:s1], [sflag:$0x2] =	stream.linear.gather [hbm4b:s0+s2], $0x40, $0x38;
	[tilespmem:$0xC200] =	vst v63  }
0x169: {  	_ =	swait.ge [sflag:s10], $0x40  }
0x16a: {  	[sflag:s10] =	ssyncset.done $0x0  }
0x16b: {  	s11 =	simm.s32 $0xC080;
	s9 =	rddreg [dreg:$0x9];
	[sflag:s10] =	ssyncadd.s32 $0xFFFFFFC0  }
0x16c: {  	[tilespmem:s11], [sflag:$0x2] =	stream.linear.gather [hbm4b:s9+s2], $0x40, $0x38;
	[tilespmem:$0xC200] =	vst v63  }
0x16d: {  	_ =	swait.ge [sflag:s10], $0x40  }
0x16e: {  	[sflag:s10] =	ssyncset.done $0x0  }
0x16f: {  	s13 =	simm.s32 $0xC100;
	s12 =	rddreg [dreg:$0xa];
	[sflag:s10] =	ssyncadd.s32 $0xFFFFFFC0  }
0x170: {  	[tilespmem:s13], [sflag:$0x2] =	stream.linear.gather [hbm4b:s12+s2], $0x40, $0x38;
	[tilespmem:$0xC200] =	vst v63  }
0x171: {  	_ =	swait.ge [sflag:s10], $0x40  }
0x172: {  	[sflag:s10] =	ssyncset.done $0x0  }
0x173: {  	s15 =	simm.s32 $0xC180;
	s14 =	rddreg [dreg:$0xb];
	[sflag:s10] =	ssyncadd.s32 $0xFFFFFFC0  }
0x174: {  	[tilespmem:s15], [sflag:$0x2] =	stream.linear.gather [hbm4b:s14+s2], $0x40, $0x38;
	[tilespmem:$0xC200] =	vst v63  }
0x175: {  	_ =	swait.ge [sflag:s10], $0x40  }
0x176: {  	[sflag:s10] =	ssyncset.done $0x0  }
0x177: {  	[sflag:s10] =	ssyncadd.s32 $0xFFFFFFC0  }
0x178: {  	v3 =	vld [tilespmem:$0xC000];
	_ =	sdelay $0x4  }
0x179: {  	v48 =	vshrl.u32 v3, $0x3  }
0x17a: {  	v4 =	vmul.u32 $0x30, v48  }
0x17b: {  	v3 =	vand.u32 $0x7, v3  }
0x17c: {  	v3 =	vor.u32 v3, v4  }
0x17d: {  	v4 =	vperm.xlane v3, v0;
	_ =	sdelay $0x1  }
0x17e: {  	v4 =	vadd.s32 v1, v4;
	_ =	sdelay $0x3  }
0x17f: {  	v3 =	vperm.xlane v3, v2  }
0x180: {  	[hbm4b:s3+s2] =	stream.indirect_vreg.scatter [tilespmem:s2], [sflag:$0x1], $0x80, v4, vm0, $0xb8;
	[tilespmem:$0xC200] =	vst v63  }
0x181: {  	s29 =	simm.s32 $0x800;
	v3 =	vadd.s32 v1, v3  }
0x182: {  	[hbm4b:s5+s2] =	stream.indirect_vreg.scatter [tilespmem:s29], [sflag:$0x1], $0x80, v4, vm0, $0xb8;
	[tilespmem:$0xC200] =	vst v63  }
0x183: {  	s31 =	simm.s32 $0x1000  }
0x184: {  	[hbm4b:s6+s2] =	stream.indirect_vreg.scatter [tilespmem:s31], [sflag:$0x1], $0x80, v4, vm0, $0xb8;
	[tilespmem:$0xC200] =	vst v63  }
0x185: {  	s25 =	simm.s32 $0x1800  }
0x186: {  	[hbm4b:s3+s2] =	stream.indirect_vreg.scatter [tilespmem:s25], [sflag:$0x1], $0x80, v3, vm0, $0xb8;
	[tilespmem:$0xC200] =	vst v63  }
0x187: {  	s14 =	simm.s32 $0x2000  }
0x188: {  	[hbm4b:s5+s2] =	stream.indirect_vreg.scatter [tilespmem:s14], [sflag:$0x1], $0x80, v3, vm0, $0xb8;
	[tilespmem:$0xC200] =	vst v63  }
0x189: {  	s18 =	simm.s32 $0x2800  }
0x18a: {  	[hbm4b:s6+s2] =	stream.indirect_vreg.scatter [tilespmem:s18], [sflag:$0x1], $0x80, v3, vm0, $0xb8;
	[tilespmem:$0xC200] =	vst v63  }
0x18b: {  	v3 =	vld [tilespmem:$0xC010];
	_ =	sdelay $0x4  }
0x18c: {  	v49 =	vshrl.u32 v3, $0x3  }
0x18d: {  	v4 =	vmul.u32 $0x30, v49  }
0x18e: {  	v3 =	vand.u32 $0x7, v3  }
0x18f: {  	v3 =	vor.u32 v3, v4  }
0x190: {  	v4 =	vperm.xlane v3, v0;
	_ =	sdelay $0x1  }
0x191: {  	v4 =	vadd.s32 v1, v4;
	_ =	sdelay $0x3  }
0x192: {  	s15 =	simm.s32 $0x3000;
	v3 =	vperm.xlane v3, v2  }
0x193: {  	[hbm4b:s3+s2] =	stream.indirect_vreg.scatter [tilespmem:s15], [sflag:$0x1], $0x80, v4, vm0, $0xb8;
	[tilespmem:$0xC200] =	vst v63  }
0x194: {  	s9 =	simm.s32 $0x3800;
	v3 =	vadd.s32 v1, v3  }
0x195: {  	[hbm4b:s5+s2] =	stream.indirect_vreg.scatter [tilespmem:s9], [sflag:$0x1], $0x80, v4, vm0, $0xb8;
	[tilespmem:$0xC200] =	vst v63  }
0x196: {  	s24 =	simm.s32 $0x4000  }
0x197: {  	[hbm4b:s6+s2] =	stream.indirect_vreg.scatter [tilespmem:s24], [sflag:$0x1], $0x80, v4, vm0, $0xb8;
	[tilespmem:$0xC200] =	vst v63  }
0x198: {  	s19 =	simm.s32 $0x4800  }
0x199: {  	[hbm4b:s3+s2] =	stream.indirect_vreg.scatter [tilespmem:s19], [sflag:$0x1], $0x80, v3, vm0, $0xb8;
	[tilespmem:$0xC200] =	vst v63  }
0x19a: {  	s20 =	simm.s32 $0x5000  }
0x19b: {  	[hbm4b:s5+s2] =	stream.indirect_vreg.scatter [tilespmem:s20], [sflag:$0x1], $0x80, v3, vm0, $0xb8;
	[tilespmem:$0xC200] =	vst v63  }
0x19c: {  	s21 =	simm.s32 $0x5800  }
0x19d: {  	[hbm4b:s6+s2] =	stream.indirect_vreg.scatter [tilespmem:s21], [sflag:$0x1], $0x80, v3, vm0, $0xb8;
	[tilespmem:$0xC200] =	vst v63  }
0x19e: {  	v3 =	vld [tilespmem:$0xC020];
	_ =	sdelay $0x4  }
0x19f: {  	v50 =	vshrl.u32 v3, $0x3  }
0x1a0: {  	v4 =	vmul.u32 $0x30, v50  }
0x1a1: {  	v3 =	vand.u32 $0x7, v3  }
0x1a2: {  	v3 =	vor.u32 v3, v4  }
0x1a3: {  	v4 =	vperm.xlane v3, v0;
	_ =	sdelay $0x1  }
0x1a4: {  	v4 =	vadd.s32 v1, v4;
	_ =	sdelay $0x3  }
0x1a5: {  	s22 =	simm.s32 $0x6000;
	v3 =	vperm.xlane v3, v2  }
0x1a6: {  	[hbm4b:s3+s2] =	stream.indirect_vreg.scatter [tilespmem:s22], [sflag:$0x1], $0x80, v4, vm0, $0xb8;
	[tilespmem:$0xC200] =	vst v63  }
0x1a7: {  	s23 =	simm.s32 $0x6800;
	v3 =	vadd.s32 v1, v3  }
0x1a8: {  	[hbm4b:s5+s2] =	stream.indirect_vreg.scatter [tilespmem:s23], [sflag:$0x1], $0x80, v4, vm0, $0xb8;
	[tilespmem:$0xC200] =	vst v63  }
0x1a9: {  	s11 =	simm.s32 $0x7000  }
0x1aa: {  	[hbm4b:s6+s2] =	stream.indirect_vreg.scatter [tilespmem:s11], [sflag:$0x1], $0x80, v4, vm0, $0xb8;
	[tilespmem:$0xC200] =	vst v63  }
0x1ab: {  	s12 =	simm.s32 $0x7800  }
0x1ac: {  	[hbm4b:s3+s2] =	stream.indirect_vreg.scatter [tilespmem:s12], [sflag:$0x1], $0x80, v3, vm0, $0xb8;
	[tilespmem:$0xC200] =	vst v63  }
0x1ad: {  	s13 =	simm.s32 $0x8000  }
0x1ae: {  	[hbm4b:s5+s2] =	stream.indirect_vreg.scatter [tilespmem:s13], [sflag:$0x1], $0x80, v3, vm0, $0xb8;
	[tilespmem:$0xC200] =	vst v63  }
0x1af: {  	s18 =	simm.s32 $0x8800  }
0x1b0: {  	[hbm4b:s6+s2] =	stream.indirect_vreg.scatter [tilespmem:s18], [sflag:$0x1], $0x80, v3, vm0, $0xb8;
	[tilespmem:$0xC200] =	vst v63  }
0x1b1: {  	v3 =	vld [tilespmem:$0xC030];
	_ =	sdelay $0x4  }
0x1b2: {  	v51 =	vshrl.u32 v3, $0x3  }
0x1b3: {  	v4 =	vmul.u32 $0x30, v51  }
0x1b4: {  	v3 =	vand.u32 $0x7, v3  }
0x1b5: {  	v3 =	vor.u32 v3, v4  }
0x1b6: {  	v4 =	vperm.xlane v3, v0;
	_ =	sdelay $0x1  }
0x1b7: {  	v4 =	vadd.s32 v1, v4;
	_ =	sdelay $0x3  }
0x1b8: {  	s30 =	simm.s32 $0x9000;
	v3 =	vperm.xlane v3, v2  }
0x1b9: {  	[hbm4b:s3+s2] =	stream.indirect_vreg.scatter [tilespmem:s30], [sflag:$0x1], $0x80, v4, vm0, $0xb8;
	[tilespmem:$0xC200] =	vst v63  }
0x1ba: {  	s26 =	simm.s32 $0x9800;
	v3 =	vadd.s32 v1, v3  }
0x1bb: {  	[hbm4b:s5+s2] =	stream.indirect_vreg.scatter [tilespmem:s26], [sflag:$0x1], $0x80, v4, vm0, $0xb8;
	[tilespmem:$0xC200] =	vst v63  }
0x1bc: {  	s28 =	simm.s32 $0xA000  }
0x1bd: {  	[hbm4b:s6+s2] =	stream.indirect_vreg.scatter [tilespmem:s28], [sflag:$0x1], $0x80, v4, vm0, $0xb8;
	[tilespmem:$0xC200] =	vst v63  }
0x1be: {  	s0 =	simm.s32 $0xA800  }
0x1bf: {  	[hbm4b:s3+s2] =	stream.indirect_vreg.scatter [tilespmem:s0], [sflag:$0x1], $0x80, v3, vm0, $0xb8;
	[tilespmem:$0xC200] =	vst v63  }
0x1c0: {  	s1 =	simm.s32 $0xB000  }
0x1c1: {  	[hbm4b:s5+s2] =	stream.indirect_vreg.scatter [tilespmem:s1], [sflag:$0x1], $0x80, v3, vm0, $0xb8;
	[tilespmem:$0xC200] =	vst v63  }
0x1c2: {  	s17 =	simm.s32 $0xB800  }
0x1c3: {  	[hbm4b:s6+s2] =	stream.indirect_vreg.scatter [tilespmem:s17], [sflag:$0x1], $0x80, v3, vm0, $0xb8;
	[tilespmem:$0xC200] =	vst v63  }
0x1c4: {  	v3 =	vld [tilespmem:$0xC080];
	_ =	sdelay $0x4  }
0x1c5: {  	v52 =	vshrl.u32 v3, $0x3  }
0x1c6: {  	v4 =	vmul.u32 $0x30, v52  }
0x1c7: {  	v3 =	vand.u32 $0x7, v3  }
0x1c8: {  	v3 =	vor.u32 v3, v4  }
0x1c9: {  	v4 =	vperm.xlane v3, v0;
	_ =	sdelay $0x1  }
0x1ca: {  	v4 =	vadd.s32 v1, v4;
	_ =	sdelay $0x3  }
0x1cb: {  	v3 =	vperm.xlane v3, v2  }
0x1cc: {  	[hbm4b:s3+s2] =	stream.indirect_vreg.scatter [tilespmem:s2], [sflag:$0x1], $0x80, v4, vm0, $0xb8;
	[tilespmem:$0xC200] =	vst v63  }
0x1cd: {  	v3 =	vadd.s32 v1, v3  }
0x1ce: {  	[hbm4b:s5+s2] =	stream.indirect_vreg.scatter [tilespmem:s29], [sflag:$0x1], $0x80, v4, vm0, $0xb8;
	[tilespmem:$0xC200] =	vst v63  }
0x1cf: {  	_ = 	snop  }
0x1d0: {  	[hbm4b:s6+s2] =	stream.indirect_vreg.scatter [tilespmem:s31], [sflag:$0x1], $0x80, v4, vm0, $0xb8;
	[tilespmem:$0xC200] =	vst v63  }
0x1d1: {  	_ = 	snop  }
0x1d2: {  	[hbm4b:s3+s2] =	stream.indirect_vreg.scatter [tilespmem:s25], [sflag:$0x1], $0x80, v3, vm0, $0xb8;
	[tilespmem:$0xC200] =	vst v63  }
0x1d3: {  	_ = 	snop  }
0x1d4: {  	[hbm4b:s5+s2] =	stream.indirect_vreg.scatter [tilespmem:s14], [sflag:$0x1], $0x80, v3, vm0, $0xb8;
	[tilespmem:$0xC200] =	vst v63  }
0x1d5: {  	s25 =	simm.s32 $0x2800  }
0x1d6: {  	[hbm4b:s6+s2] =	stream.indirect_vreg.scatter [tilespmem:s25], [sflag:$0x1], $0x80, v3, vm0, $0xb8;
	[tilespmem:$0xC200] =	vst v63  }
0x1d7: {  	v3 =	vld [tilespmem:$0xC090];
	_ =	sdelay $0x4  }
0x1d8: {  	v53 =	vshrl.u32 v3, $0x3  }
0x1d9: {  	v4 =	vmul.u32 $0x30, v53  }
0x1da: {  	v3 =	vand.u32 $0x7, v3  }
0x1db: {  	v3 =	vor.u32 v3, v4  }
0x1dc: {  	v4 =	vperm.xlane v3, v0;
	_ =	sdelay $0x1  }
0x1dd: {  	v4 =	vadd.s32 v1, v4;
	_ =	sdelay $0x3  }
0x1de: {  	v3 =	vperm.xlane v3, v2  }
0x1df: {  	[hbm4b:s3+s2] =	stream.indirect_vreg.scatter [tilespmem:s15], [sflag:$0x1], $0x80, v4, vm0, $0xb8;
	[tilespmem:$0xC200] =	vst v63  }
0x1e0: {  	v3 =	vadd.s32 v1, v3  }
0x1e1: {  	[hbm4b:s5+s2] =	stream.indirect_vreg.scatter [tilespmem:s9], [sflag:$0x1], $0x80, v4, vm0, $0xb8;
	[tilespmem:$0xC200] =	vst v63  }
0x1e2: {  	_ = 	snop  }
0x1e3: {  	[hbm4b:s6+s2] =	stream.indirect_vreg.scatter [tilespmem:s24], [sflag:$0x1], $0x80, v4, vm0, $0xb8;
	[tilespmem:$0xC200] =	vst v63  }
0x1e4: {  	_ = 	snop  }
0x1e5: {  	[hbm4b:s3+s2] =	stream.indirect_vreg.scatter [tilespmem:s19], [sflag:$0x1], $0x80, v3, vm0, $0xb8;
	[tilespmem:$0xC200] =	vst v63  }
0x1e6: {  	_ = 	snop  }
0x1e7: {  	[hbm4b:s5+s2] =	stream.indirect_vreg.scatter [tilespmem:s20], [sflag:$0x1], $0x80, v3, vm0, $0xb8;
	[tilespmem:$0xC200] =	vst v63  }
0x1e8: {  	_ = 	snop  }
0x1e9: {  	[hbm4b:s6+s2] =	stream.indirect_vreg.scatter [tilespmem:s21], [sflag:$0x1], $0x80, v3, vm0, $0xb8;
	[tilespmem:$0xC200] =	vst v63  }
0x1ea: {  	v3 =	vld [tilespmem:$0xC0A0];
	_ =	sdelay $0x4  }
0x1eb: {  	v54 =	vshrl.u32 v3, $0x3  }
0x1ec: {  	v4 =	vmul.u32 $0x30, v54  }
0x1ed: {  	v3 =	vand.u32 $0x7, v3  }
0x1ee: {  	v3 =	vor.u32 v3, v4  }
0x1ef: {  	v4 =	vperm.xlane v3, v0;
	_ =	sdelay $0x1  }
0x1f0: {  	v4 =	vadd.s32 v1, v4;
	_ =	sdelay $0x3  }
0x1f1: {  	v3 =	vperm.xlane v3, v2  }
0x1f2: {  	[hbm4b:s3+s2] =	stream.indirect_vreg.scatter [tilespmem:s22], [sflag:$0x1], $0x80, v4, vm0, $0xb8;
	[tilespmem:$0xC200] =	vst v63  }
0x1f3: {  	v3 =	vadd.s32 v1, v3  }
0x1f4: {  	[hbm4b:s5+s2] =	stream.indirect_vreg.scatter [tilespmem:s23], [sflag:$0x1], $0x80, v4, vm0, $0xb8;
	[tilespmem:$0xC200] =	vst v63  }
0x1f5: {  	_ = 	snop  }
0x1f6: {  	[hbm4b:s6+s2] =	stream.indirect_vreg.scatter [tilespmem:s11], [sflag:$0x1], $0x80, v4, vm0, $0xb8;
	[tilespmem:$0xC200] =	vst v63  }
0x1f7: {  	_ = 	snop  }
0x1f8: {  	[hbm4b:s3+s2] =	stream.indirect_vreg.scatter [tilespmem:s12], [sflag:$0x1], $0x80, v3, vm0, $0xb8;
	[tilespmem:$0xC200] =	vst v63  }
0x1f9: {  	_ = 	snop  }
0x1fa: {  	[hbm4b:s5+s2] =	stream.indirect_vreg.scatter [tilespmem:s13], [sflag:$0x1], $0x80, v3, vm0, $0xb8;
	[tilespmem:$0xC200] =	vst v63  }
0x1fb: {  	_ = 	snop  }
0x1fc: {  	[hbm4b:s6+s2] =	stream.indirect_vreg.scatter [tilespmem:s18], [sflag:$0x1], $0x80, v3, vm0, $0xb8;
	[tilespmem:$0xC200] =	vst v63  }
0x1fd: {  	v3 =	vld [tilespmem:$0xC0B0];
	_ =	sdelay $0x4  }
0x1fe: {  	v55 =	vshrl.u32 v3, $0x3  }
0x1ff: {  	v4 =	vmul.u32 $0x30, v55  }
0x200: {  	v3 =	vand.u32 $0x7, v3  }
0x201: {  	v3 =	vor.u32 v3, v4  }
0x202: {  	v4 =	vperm.xlane v3, v0;
	_ =	sdelay $0x1  }
0x203: {  	v4 =	vadd.s32 v1, v4;
	_ =	sdelay $0x3  }
0x204: {  	v3 =	vperm.xlane v3, v2  }
0x205: {  	[hbm4b:s3+s2] =	stream.indirect_vreg.scatter [tilespmem:s30], [sflag:$0x1], $0x80, v4, vm0, $0xb8;
	[tilespmem:$0xC200] =	vst v63  }
0x206: {  	v3 =	vadd.s32 v1, v3  }
0x207: {  	[hbm4b:s5+s2] =	stream.indirect_vreg.scatter [tilespmem:s26], [sflag:$0x1], $0x80, v4, vm0, $0xb8;
	[tilespmem:$0xC200] =	vst v63  }
0x208: {  	_ = 	snop  }
0x209: {  	[hbm4b:s6+s2] =	stream.indirect_vreg.scatter [tilespmem:s28], [sflag:$0x1], $0x80, v4, vm0, $0xb8;
	[tilespmem:$0xC200] =	vst v63  }
0x20a: {  	_ = 	snop  }
0x20b: {  	[hbm4b:s3+s2] =	stream.indirect_vreg.scatter [tilespmem:s0], [sflag:$0x1], $0x80, v3, vm0, $0xb8;
	[tilespmem:$0xC200] =	vst v63  }
0x20c: {  	_ = 	snop  }
0x20d: {  	[hbm4b:s5+s2] =	stream.indirect_vreg.scatter [tilespmem:s1], [sflag:$0x1], $0x80, v3, vm0, $0xb8;
	[tilespmem:$0xC200] =	vst v63  }
0x20e: {  	_ = 	snop  }
0x20f: {  	[hbm4b:s6+s2] =	stream.indirect_vreg.scatter [tilespmem:s17], [sflag:$0x1], $0x80, v3, vm0, $0xb8;
	[tilespmem:$0xC200] =	vst v63  }
0x210: {  	v3 =	vld [tilespmem:$0xC100];
	_ =	sdelay $0x4  }
0x211: {  	v56 =	vshrl.u32 v3, $0x3  }
0x212: {  	v4 =	vmul.u32 $0x30, v56  }
0x213: {  	v3 =	vand.u32 $0x7, v3  }
0x214: {  	v3 =	vor.u32 v3, v4  }
0x215: {  	v4 =	vperm.xlane v3, v0;
	_ =	sdelay $0x1  }
0x216: {  	v4 =	vadd.s32 v1, v4;
	_ =	sdelay $0x3  }
0x217: {  	v3 =	vperm.xlane v3, v2  }
0x218: {  	[hbm4b:s4+s2] =	stream.indirect_vreg.scatter [tilespmem:s2], [sflag:$0x1], $0x80, v4, vm0, $0xb8;
	[tilespmem:$0xC200] =	vst v63  }
0x219: {  	s29 =	simm.s32 $0x800;
	v3 =	vadd.s32 v1, v3  }
0x21a: {  	[hbm4b:s7+s2] =	stream.indirect_vreg.scatter [tilespmem:s29], [sflag:$0x1], $0x80, v4, vm0, $0xb8;
	[tilespmem:$0xC200] =	vst v63  }
0x21b: {  	s9 =	simm.s32 $0x1000  }
0x21c: {  	[hbm4b:s8+s2] =	stream.indirect_vreg.scatter [tilespmem:s9], [sflag:$0x1], $0x80, v4, vm0, $0xb8;
	[tilespmem:$0xC200] =	vst v63  }
0x21d: {  	s31 =	simm.s32 $0x1800  }
0x21e: {  	[hbm4b:s4+s2] =	stream.indirect_vreg.scatter [tilespmem:s31], [sflag:$0x1], $0x80, v3, vm0, $0xb8;
	[tilespmem:$0xC200] =	vst v63  }
0x21f: {  	s14 =	simm.s32 $0x2000  }
0x220: {  	[hbm4b:s7+s2] =	stream.indirect_vreg.scatter [tilespmem:s14], [sflag:$0x1], $0x80, v3, vm0, $0xb8;
	[tilespmem:$0xC200] =	vst v63  }
0x221: {  	s11 =	simm.s32 $0x2800  }
0x222: {  	[hbm4b:s8+s2] =	stream.indirect_vreg.scatter [tilespmem:s11], [sflag:$0x1], $0x80, v3, vm0, $0xb8;
	[tilespmem:$0xC200] =	vst v63  }
0x223: {  	v3 =	vld [tilespmem:$0xC110];
	_ =	sdelay $0x4  }
0x224: {  	v57 =	vshrl.u32 v3, $0x3  }
0x225: {  	v4 =	vmul.u32 $0x30, v57  }
0x226: {  	v3 =	vand.u32 $0x7, v3  }
0x227: {  	v3 =	vor.u32 v3, v4  }
0x228: {  	v4 =	vperm.xlane v3, v0;
	_ =	sdelay $0x1  }
0x229: {  	v4 =	vadd.s32 v1, v4;
	_ =	sdelay $0x3  }
0x22a: {  	s25 =	simm.s32 $0x3000;
	v3 =	vperm.xlane v3, v2  }
0x22b: {  	[hbm4b:s4+s2] =	stream.indirect_vreg.scatter [tilespmem:s25], [sflag:$0x1], $0x80, v4, vm0, $0xb8;
	[tilespmem:$0xC200] =	vst v63  }
0x22c: {  	s15 =	simm.s32 $0x3800;
	v3 =	vadd.s32 v1, v3  }
0x22d: {  	[hbm4b:s7+s2] =	stream.indirect_vreg.scatter [tilespmem:s15], [sflag:$0x1], $0x80, v4, vm0, $0xb8;
	[tilespmem:$0xC200] =	vst v63  }
0x22e: {  	s12 =	simm.s32 $0x4000  }
0x22f: {  	[hbm4b:s8+s2] =	stream.indirect_vreg.scatter [tilespmem:s12], [sflag:$0x1], $0x80, v4, vm0, $0xb8;
	[tilespmem:$0xC200] =	vst v63  }
0x230: {  	s19 =	simm.s32 $0x4800  }
0x231: {  	[hbm4b:s4+s2] =	stream.indirect_vreg.scatter [tilespmem:s19], [sflag:$0x1], $0x80, v3, vm0, $0xb8;
	[tilespmem:$0xC200] =	vst v63  }
0x232: {  	s0 =	simm.s32 $0x5000  }
0x233: {  	[hbm4b:s7+s2] =	stream.indirect_vreg.scatter [tilespmem:s0], [sflag:$0x1], $0x80, v3, vm0, $0xb8;
	[tilespmem:$0xC200] =	vst v63  }
0x234: {  	s12 =	simm.s32 $0x5800  }
0x235: {  	[hbm4b:s8+s2] =	stream.indirect_vreg.scatter [tilespmem:s12], [sflag:$0x1], $0x80, v3, vm0, $0xb8;
	[tilespmem:$0xC200] =	vst v63  }
0x236: {  	v3 =	vld [tilespmem:$0xC120];
	_ =	sdelay $0x4  }
0x237: {  	v58 =	vshrl.u32 v3, $0x3  }
0x238: {  	v4 =	vmul.u32 $0x30, v58  }
0x239: {  	v3 =	vand.u32 $0x7, v3  }
0x23a: {  	v3 =	vor.u32 v3, v4  }
0x23b: {  	v4 =	vperm.xlane v3, v0;
	_ =	sdelay $0x1  }
0x23c: {  	v4 =	vadd.s32 v1, v4;
	_ =	sdelay $0x3  }
0x23d: {  	s9 =	simm.s32 $0x6000;
	v3 =	vperm.xlane v3, v2  }
0x23e: {  	[hbm4b:s4+s2] =	stream.indirect_vreg.scatter [tilespmem:s9], [sflag:$0x1], $0x80, v4, vm0, $0xb8;
	[tilespmem:$0xC200] =	vst v63  }
0x23f: {  	s11 =	simm.s32 $0x6800;
	v3 =	vadd.s32 v1, v3  }
0x240: {  	[hbm4b:s7+s2] =	stream.indirect_vreg.scatter [tilespmem:s11], [sflag:$0x1], $0x80, v4, vm0, $0xb8;
	[tilespmem:$0xC200] =	vst v63  }
0x241: {  	s20 =	simm.s32 $0x7000  }
0x242: {  	[hbm4b:s8+s2] =	stream.indirect_vreg.scatter [tilespmem:s20], [sflag:$0x1], $0x80, v4, vm0, $0xb8;
	[tilespmem:$0xC200] =	vst v63  }
0x243: {  	s21 =	simm.s32 $0x7800  }
0x244: {  	[hbm4b:s4+s2] =	stream.indirect_vreg.scatter [tilespmem:s21], [sflag:$0x1], $0x80, v3, vm0, $0xb8;
	[tilespmem:$0xC200] =	vst v63  }
0x245: {  	s23 =	simm.s32 $0x8000  }
0x246: {  	[hbm4b:s7+s2] =	stream.indirect_vreg.scatter [tilespmem:s23], [sflag:$0x1], $0x80, v3, vm0, $0xb8;
	[tilespmem:$0xC200] =	vst v63  }
0x247: {  	s13 =	simm.s32 $0x8800  }
0x248: {  	[hbm4b:s8+s2] =	stream.indirect_vreg.scatter [tilespmem:s13], [sflag:$0x1], $0x80, v3, vm0, $0xb8;
	[tilespmem:$0xC200] =	vst v63  }
0x249: {  	v3 =	vld [tilespmem:$0xC130];
	_ =	sdelay $0x4  }
0x24a: {  	v59 =	vshrl.u32 v3, $0x3  }
0x24b: {  	v4 =	vmul.u32 $0x30, v59  }
0x24c: {  	v3 =	vand.u32 $0x7, v3  }
0x24d: {  	v3 =	vor.u32 v3, v4  }
0x24e: {  	v4 =	vperm.xlane v3, v0;
	_ =	sdelay $0x1  }
0x24f: {  	v4 =	vadd.s32 v1, v4;
	_ =	sdelay $0x3  }
0x250: {  	s13 =	simm.s32 $0x9000;
	v3 =	vperm.xlane v3, v2  }
0x251: {  	[hbm4b:s4+s2] =	stream.indirect_vreg.scatter [tilespmem:s13], [sflag:$0x1], $0x80, v4, vm0, $0xb8;
	[tilespmem:$0xC200] =	vst v63  }
0x252: {  	s22 =	simm.s32 $0x9800;
	v3 =	vadd.s32 v1, v3  }
0x253: {  	[hbm4b:s7+s2] =	stream.indirect_vreg.scatter [tilespmem:s22], [sflag:$0x1], $0x80, v4, vm0, $0xb8;
	[tilespmem:$0xC200] =	vst v63  }
0x254: {  	s1 =	simm.s32 $0xA000  }
0x255: {  	[hbm4b:s8+s2] =	stream.indirect_vreg.scatter [tilespmem:s1], [sflag:$0x1], $0x80, v4, vm0, $0xb8;
	[tilespmem:$0xC200] =	vst v63  }
0x256: {  	s13 =	simm.s32 $0xA800  }
0x257: {  	[hbm4b:s4+s2] =	stream.indirect_vreg.scatter [tilespmem:s13], [sflag:$0x1], $0x80, v3, vm0, $0xb8;
	[tilespmem:$0xC200] =	vst v63  }
0x258: {  	s13 =	simm.s32 $0xB000  }
0x259: {  	[hbm4b:s7+s2] =	stream.indirect_vreg.scatter [tilespmem:s13], [sflag:$0x1], $0x80, v3, vm0, $0xb8;
	[tilespmem:$0xC200] =	vst v63  }
0x25a: {  	s18 =	simm.s32 $0xB800  }
0x25b: {  	[hbm4b:s8+s2] =	stream.indirect_vreg.scatter [tilespmem:s18], [sflag:$0x1], $0x80, v3, vm0, $0xb8;
	[tilespmem:$0xC200] =	vst v63  }
0x25c: {  	v3 =	vld [tilespmem:$0xC180];
	_ =	sdelay $0x4  }
0x25d: {  	v60 =	vshrl.u32 v3, $0x3  }
0x25e: {  	v4 =	vmul.u32 $0x30, v60  }
0x25f: {  	v3 =	vand.u32 $0x7, v3  }
0x260: {  	v3 =	vor.u32 v3, v4  }
0x261: {  	v4 =	vperm.xlane v3, v0;
	_ =	sdelay $0x1  }
0x262: {  	v4 =	vadd.s32 v1, v4;
	_ =	sdelay $0x3  }
0x263: {  	v3 =	vperm.xlane v3, v2  }
0x264: {  	[hbm4b:s4+s2] =	stream.indirect_vreg.scatter [tilespmem:s2], [sflag:$0x1], $0x80, v4, vm0, $0xb8;
	[tilespmem:$0xC200] =	vst v63  }
0x265: {  	s28 =	simm.s32 $0x800;
	v3 =	vadd.s32 v1, v3  }
0x266: {  	[hbm4b:s7+s2] =	stream.indirect_vreg.scatter [tilespmem:s28], [sflag:$0x1], $0x80, v4, vm0, $0xb8;
	[tilespmem:$0xC200] =	vst v63  }
0x267: {  	s30 =	simm.s32 $0x1000  }
0x268: {  	[hbm4b:s8+s2] =	stream.indirect_vreg.scatter [tilespmem:s30], [sflag:$0x1], $0x80, v4, vm0, $0xb8;
	[tilespmem:$0xC200] =	vst v63  }
0x269: {  	s29 =	simm.s32 $0x1800  }
0x26a: {  	[hbm4b:s4+s2] =	stream.indirect_vreg.scatter [tilespmem:s29], [sflag:$0x1], $0x80, v3, vm0, $0xb8;
	[tilespmem:$0xC200] =	vst v63  }
0x26b: {  	s14 =	simm.s32 $0x2000  }
0x26c: {  	[hbm4b:s7+s2] =	stream.indirect_vreg.scatter [tilespmem:s14], [sflag:$0x1], $0x80, v3, vm0, $0xb8;
	[tilespmem:$0xC200] =	vst v63  }
0x26d: {  	s17 =	simm.s32 $0x2800  }
0x26e: {  	[hbm4b:s8+s2] =	stream.indirect_vreg.scatter [tilespmem:s17], [sflag:$0x1], $0x80, v3, vm0, $0xb8;
	[tilespmem:$0xC200] =	vst v63  }
0x26f: {  	v3 =	vld [tilespmem:$0xC190];
	_ =	sdelay $0x4  }
0x270: {  	v61 =	vshrl.u32 v3, $0x3  }
0x271: {  	v4 =	vmul.u32 $0x30, v61  }
0x272: {  	v3 =	vand.u32 $0x7, v3  }
0x273: {  	v3 =	vor.u32 v3, v4  }
0x274: {  	v4 =	vperm.xlane v3, v0;
	_ =	sdelay $0x1  }
0x275: {  	v4 =	vadd.s32 v1, v4;
	_ =	sdelay $0x3  }
0x276: {  	s25 =	simm.s32 $0x3000;
	v3 =	vperm.xlane v3, v2  }
0x277: {  	[hbm4b:s4+s2] =	stream.indirect_vreg.scatter [tilespmem:s25], [sflag:$0x1], $0x80, v4, vm0, $0xb8;
	[tilespmem:$0xC200] =	vst v63  }
0x278: {  	s15 =	simm.s32 $0x3800;
	v3 =	vadd.s32 v1, v3  }
0x279: {  	[hbm4b:s7+s2] =	stream.indirect_vreg.scatter [tilespmem:s15], [sflag:$0x1], $0x80, v4, vm0, $0xb8;
	[tilespmem:$0xC200] =	vst v63  }
0x27a: {  	s31 =	simm.s32 $0x4000  }
0x27b: {  	[hbm4b:s8+s2] =	stream.indirect_vreg.scatter [tilespmem:s31], [sflag:$0x1], $0x80, v4, vm0, $0xb8;
	[tilespmem:$0xC200] =	vst v63  }
0x27c: {  	s24 =	simm.s32 $0x4800  }
0x27d: {  	[hbm4b:s4+s2] =	stream.indirect_vreg.scatter [tilespmem:s24], [sflag:$0x1], $0x80, v3, vm0, $0xb8;
	[tilespmem:$0xC200] =	vst v63  }
0x27e: {  	_ = 	snop  }
0x27f: {  	[hbm4b:s7+s2] =	stream.indirect_vreg.scatter [tilespmem:s0], [sflag:$0x1], $0x80, v3, vm0, $0xb8;
	[tilespmem:$0xC200] =	vst v63  }
0x280: {  	_ = 	snop  }
0x281: {  	[hbm4b:s8+s2] =	stream.indirect_vreg.scatter [tilespmem:s12], [sflag:$0x1], $0x80, v3, vm0, $0xb8;
	[tilespmem:$0xC200] =	vst v63  }
0x282: {  	v3 =	vld [tilespmem:$0xC1A0];
	_ =	sdelay $0x4  }
0x283: {  	v62 =	vshrl.u32 v3, $0x3  }
0x284: {  	v4 =	vmul.u32 $0x30, v62  }
0x285: {  	v3 =	vand.u32 $0x7, v3  }
0x286: {  	v3 =	vor.u32 v3, v4  }
0x287: {  	v4 =	vperm.xlane v3, v0;
	_ =	sdelay $0x1  }
0x288: {  	v4 =	vadd.s32 v1, v4;
	_ =	sdelay $0x3  }
0x289: {  	v3 =	vperm.xlane v3, v2  }
0x28a: {  	[hbm4b:s4+s2] =	stream.indirect_vreg.scatter [tilespmem:s9], [sflag:$0x1], $0x80, v4, vm0, $0xb8;
	[tilespmem:$0xC200] =	vst v63  }
0x28b: {  	v3 =	vadd.s32 v1, v3  }
0x28c: {  	[hbm4b:s7+s2] =	stream.indirect_vreg.scatter [tilespmem:s11], [sflag:$0x1], $0x80, v4, vm0, $0xb8;
	[tilespmem:$0xC200] =	vst v63  }
0x28d: {  	s19 =	simm.s32 $0x7000  }
0x28e: {  	[hbm4b:s8+s2] =	stream.indirect_vreg.scatter [tilespmem:s19], [sflag:$0x1], $0x80, v4, vm0, $0xb8;
	[tilespmem:$0xC200] =	vst v63  }
0x28f: {  	s20 =	simm.s32 $0x7800  }
0x290: {  	[hbm4b:s4+s2] =	stream.indirect_vreg.scatter [tilespmem:s20], [sflag:$0x1], $0x80, v3, vm0, $0xb8;
	[tilespmem:$0xC200] =	vst v63  }
0x291: {  	s21 =	simm.s32 $0x8000  }
0x292: {  	[hbm4b:s7+s2] =	stream.indirect_vreg.scatter [tilespmem:s21], [sflag:$0x1], $0x80, v3, vm0, $0xb8;
	[tilespmem:$0xC200] =	vst v63  }
0x293: {  	s23 =	simm.s32 $0x8800  }
0x294: {  	[hbm4b:s8+s2] =	stream.indirect_vreg.scatter [tilespmem:s23], [sflag:$0x1], $0x80, v3, vm0, $0xb8;
	[tilespmem:$0xC200] =	vst v63  }
0x295: {  	v3 =	vld [tilespmem:$0xC1B0];
	_ =	sdelay $0x4  }
0x296: {  	v63 =	vshrl.u32 v3, $0x3  }
0x297: {  	v4 =	vmul.u32 $0x30, v63  }
0x298: {  	v3 =	vand.u32 $0x7, v3  }
0x299: {  	v3 =	vor.u32 v3, v4  }
0x29a: {  	v4 =	vperm.xlane v3, v0;
	_ =	sdelay $0x1  }
0x29b: {  	v4 =	vadd.s32 v1, v4;
	_ =	sdelay $0x3  }
0x29c: {  	s26 =	simm.s32 $0x9000;
	v3 =	vperm.xlane v3, v2  }
0x29d: {  	[hbm4b:s4+s2] =	stream.indirect_vreg.scatter [tilespmem:s26], [sflag:$0x1], $0x80, v4, vm0, $0xb8;
	[tilespmem:$0xC200] =	vst v63  }
0x29e: {  	s22 =	simm.s32 $0x9800;
	v3 =	vadd.s32 v1, v3  }
0x29f: {  	[hbm4b:s7+s2] =	stream.indirect_vreg.scatter [tilespmem:s22], [sflag:$0x1], $0x80, v4, vm0, $0xb8;
	[tilespmem:$0xC200] =	vst v63  }
0x2a0: {  	_ = 	snop  }
0x2a1: {  	[hbm4b:s8+s2] =	stream.indirect_vreg.scatter [tilespmem:s1], [sflag:$0x1], $0x80, v4, vm0, $0xb8;
	[tilespmem:$0xC200] =	vst v63  }
0x2a2: {  	s30 =	simm.s32 $0xA800  }
0x2a3: {  	[hbm4b:s4+s2] =	stream.indirect_vreg.scatter [tilespmem:s30], [sflag:$0x1], $0x80, v3, vm0, $0xb8;
	[tilespmem:$0xC200] =	vst v63  }
0x2a4: {  	s13 =	simm.s32 $0xB000  }
0x2a5: {  	[hbm4b:s7+s2] =	stream.indirect_vreg.scatter [tilespmem:s13], [sflag:$0x1], $0x80, v3, vm0, $0xb8;
	[tilespmem:$0xC200] =	vst v63  }
0x2a6: {  	s18 =	simm.s32 $0xB800  }
0x2a7: {  	[hbm4b:s8+s2] =	stream.indirect_vreg.scatter [tilespmem:s18], [sflag:$0x1], $0x80, v3, vm0, $0xb8;
	[tilespmem:$0xC200] =	vst v63  }
0x2a8: {  	s31 =	rddreg [dreg:$0xc];
	_ =	swait.ge [sflag:s16], $0xC000  }
0x2a9: {  	[sflag:s16] =	ssyncset.done $0x0  }
0x2aa: {  	[sflag:s16] =	ssyncadd.s32 $0xFFFF4000  }
0x2ab: {  	_ =	swait.ge [sflag:s16], $0xC000  }
0x2ac: {  	[sflag:s16] =	ssyncset.done $0x0  }
0x2ad: {  	[sflag:s16] =	ssyncadd.s32 $0xFFFF4000  }
0x2ae: {  	p0 =	sne.s32 s31, $0x1;
	_ =	swait.ge [sflag:s16], $0xC000  }
.Ltmp0:
0x2af: {  	[sflag:s16] =	ssyncset.done $0x0;
	(pc) =	sbr.rel @p0 .LBB2_1-.Ltmp0, $4  }
0x2b0: {  	[sflag:s16] =	ssyncadd.s32 $0xFFFF4000  }
0x2b1: {  	_ =	swait.ge [sflag:s16], $0xC000  }
0x2b2: {  	[sflag:s16] =	ssyncset.done $0x0  }
0x2b3: {  	s0 =	sadd.s32 $0xFFFFFFFF, s31;
	[sflag:s16] =	ssyncadd.s32 $0xFFFF4000  }
0x2b4: {  	_ =	sfence.sel $0x180000  }
0x2b5: {  	[bflag:$0x0] =	sbarrier.arrive $0xFFFF  }
0x2b6: {  	_ =	strace $0x90000047  }
0x2b7: {  	s0 =	stileid.u32;
	[bflag:$0x2] =	sbarrier.arrive $0xFFFF  }
0x2b8: {  	p0 =	sne.s32 s0, $0x0;
	s0 =	rddreg [dreg:$0x1]  }
0x2b9: {  	s0 =	sadd.s32 @!p0 $0x100000, s0  }
0x2ba: {  	[sflag:s0] =	ssyncadd.tile.s32 @!p0 $0x1;
	_ =	shalt  }
.Lfunc_end2:
_tile_overlayer_lowered:
.L_overlay_start_2:
0x2bb: {  	(tag) =	ssettag $0x2  }
0x2bc: {  	s0 =	rddreg [dreg:$0x0];
	s2 =	stileid.u32  }
0x2bd: {  	s1 =	rddreg [dreg:$0x1];
	p0 =	sne.s32 s2, $0x0  }
0x2be: {  	s3 =	rddreg [dreg:$0x2];
	[bflag:$0x3] =	sbarrier.arrive $0xFFFF;
	s2 =	simm.s32 @!p0 $0x1C02  }
0x2bf: {  	[timem:s3], [sflag:s2] =	dma.local @!p0 [hbm:s0], s1  }
0x2c0: {  	s0 =	simm.s32 @!p0 $0x2  }
0x2c1: {  	_ =	swait.ge @!p0 [sflag:s0], s1  }
0x2c2: {  	s1 =	ssub.s32 @!p0 $0x0, s1;
	[sflag:s0] =	ssyncset.done @!p0 $0x0  }
0x2c3: {  	[sflag:s0] =	ssyncadd.s32 @!p0 s1  }
0x2c4: {  	[bflag:$0x3] =	sbarrier.arrive $0xFFFF  }
0x2c5: {  	_ =	shalt  }

// kernel: kernel.13.cloned.1.call-start
scs
__scs_entry_jumppad:
0x0: {  	(pc) =	sbr.rel $0x88, $3  }
0x1: {  	(tag) =	ssettag $0x0;
	lr =	simm.s32 $0x1  }
0x2: {  	[smem:$0x3F8E] =	sst lr;
	_ =	strace $0xD0000000  }
0x3: {  	_ = 	snop  }
0x4: {  	_ = 	snop  }
0x5: {  	_ = 	snop  }
0x6: {  	_ = 	snop  }
0x7: {  	_ = 	snop  }
__scs_overlays_trampoline_lowered:
0x8: {  	[smem:$0x3F9D] =	sst s0  }
0x9: {  	[smem:$0x3F9E] =	sst s1  }
0xa: {  	[smem:$0x3F9F] =	sst s2  }
0xb: {  	[smem:$0x3FA0] =	sst s3  }
0xc: {  	[smem:$0x3FA1] =	sst s4  }
0xd: {  	[smem:$0x3FA2] =	sst s5  }
0xe: {  	[smem:$0x3FA3] =	sst s6  }
0xf: {  	[smem:$0x3FA4] =	sst s7  }
0x10: {  	[smem:$0x3FA5] =	sst s8  }
0x11: {  	[smem:$0x3FA6] =	sst s9;
	s0 =	simm.s32 @!p0 $0x0  }
0x12: {  	s1 =	sld [smem:$0x3F8C];
	s0 =	simm.s32 @p0 $0x1  }
0x13: {  	[smem:$0x3FA7] =	sst s0;
	s0 =	simm.s32 @!p1 $0x0  }
0x14: {  	s2 =	sld [smem:$0x3F8B];
	s0 =	simm.s32 @p1 $0x1  }
0x15: {  	[smem:$0x3FA8] =	sst s0;
	s0 =	simm.s32 @!p2 $0x0  }
0x16: {  	s3 =	sld [smem:$0x3FDB];
	s0 =	simm.s32 @p2 $0x1  }
0x17: {  	s4 =	simm.s32 $0x1BF5;
	[smem:$0x3FAA] =	sst s0  }
0x18: {  	s0 =	sld [smem:$0x3F8D];
	_ =	swait.ge [sflag:s4], $0x0  }
0x19: {  	s7 =	sld [smem:$0x3F8E]  }
0x1a: {  	s8 =	sadd.s32 $0xFFFFE003, lr  }
0x1b: {  	s9 =	sadd.s32 $0xFFFFFEF7, lr;
	s5 =	simm.s32 $0xFFFFFFFF;
	p2 =	slt.u32 s8, $0xFFFFF086  }
0x1c: {  	p1 =	slt.u32 s9, $0xF7A;
	s5 =	simm.s32 @!p2 $0x0  }
0x1d: {  	s5 =	simm.s32 @p1 $0x1;
	p0 =	seq.s32 s7, s2  }
0x1e: {  	s7 =	smul.u32 @!p0 $0xF7A, s2;
	p2 =	seq.s32 @!p0 s5, $0x0  }
0x1f: {  	s9 =	smul.u32 $0xF7A, s1;
	s8 =	simm.s32 @!p0 $0x1BF5;
	p2 =	por !p2, p0  }
0x20: {  	[sflag:s8] =	ssyncset.s32 @!p0 $0xFFFFF086;
	s6 =	sadd.s32 @!p0 s3, s7;
	s7 =	simm.s32 @!p0 $0x108  }
0x21: {  	s3 =	sadd.s32 s3, s9;
	s6 =	sadd.s32 @!p0 $0x88, s6;
	s7 =	simm.s32 @p2 $0x1082  }
0x22: {  	[simem:s7], [sflag:s8] =	dma.local @!p0 [hbm:s6], $0xF7A  }
0x23: {  	s9 =	sor.u32 $0xD0000000, s2;
	s6 =	simm.s32 $0x108;
	_ =	swait.ge @!p0 [sflag:s8], $0x0  }
0x24: {  	s3 =	sadd.s32 $0x88, s3;
	s6 =	simm.s32 @!p1 $0x1082;
	[sflag:s4] =	ssyncset.s32 $0xFFFFF086  }
0x25: {  	[simem:s6], [sflag:s4] =	dma.local [hbm:s3], $0xF7A  }
0x26: {  	[smem:$0x3F8E] =	sst s1;
	(tag) =	ssettag s2;
	_ =	strace s9  }
0x27: {  	s1 =	sld [smem:$0x3F9E]  }
0x28: {  	s2 =	sld [smem:$0x3F9F]  }
0x29: {  	s4 =	sld [smem:$0x3FA1]  }
0x2a: {  	p0 =	seq.s32 s5, $0x0;
	s5 =	sld [smem:$0x3FA2]  }
0x2b: {  	s6 =	sld [smem:$0x3FA3]  }
0x2c: {  	s7 =	sld [smem:$0x3FA4]  }
0x2d: {  	s3 =	simm.s32 $0x108;
	s8 =	sld [smem:$0x3FA5]  }
0x2e: {  	s3 =	simm.s32 @!p0 $0x1082;
	s9 =	sld [smem:$0x3FA6]  }
0x2f: {  	lr =	sadd.s32 s0, s3;
	s0 =	sld [smem:$0x3F9D]  }
0x30: {  	s3 =	sld [smem:$0x3FA0]  }
0x31: {  	[smem:$0x3FA9] =	sst s10  }
0x32: {  	s10 =	sld [smem:$0x3FA7];
	_ =	sdelay $0x3  }
0x33: {  	p0 =	seq.s32 s10, $0x1;
	s10 =	sld [smem:$0x3FA9];
	_ =	sdelay $0x3  }
0x34: {  	[smem:$0x3FA9] =	sst s10  }
0x35: {  	s10 =	sld [smem:$0x3FA8];
	_ =	sdelay $0x3  }
0x36: {  	p1 =	seq.s32 s10, $0x1;
	s10 =	sld [smem:$0x3FA9];
	_ =	sdelay $0x3  }
0x37: {  	[smem:$0x3FA9] =	sst s10  }
0x38: {  	s10 =	sld [smem:$0x3FAA]  }
0x39: {  	_ = 	snop;
	(pc) =	sbr.ind lr, $3  }
0x3a: {  	_ = 	snop  }
0x3b: {  	_ = 	snop  }
0x3c: {  	p2 =	seq.s32 s10, $0x1;
	s10 =	sld [smem:$0x3FA9]  }
0x3d: {  	_ =	shalt  }
0x3e: {  	_ =	shalt  }
0x3f: {  	_ =	shalt  }
0x40: {  	_ =	shalt  }
0x41: {  	_ =	shalt  }
0x42: {  	_ =	shalt  }
0x43: {  	_ =	shalt  }
0x44: {  	_ =	shalt  }
0x45: {  	_ =	shalt  }
0x46: {  	_ =	shalt  }
0x47: {  	_ =	shalt  }
0x48: {  	_ =	shalt  }
0x49: {  	_ =	shalt  }
0x4a: {  	_ =	shalt  }
0x4b: {  	_ =	shalt  }
0x4c: {  	_ =	shalt  }
0x4d: {  	_ =	shalt  }
0x4e: {  	_ =	shalt  }
0x4f: {  	_ =	shalt  }
0x50: {  	_ =	shalt  }
0x51: {  	_ =	shalt  }
0x52: {  	_ =	shalt  }
0x53: {  	_ =	shalt  }
0x54: {  	_ =	shalt  }
0x55: {  	_ =	shalt  }
0x56: {  	_ =	shalt  }
0x57: {  	_ =	shalt  }
0x58: {  	_ =	shalt  }
0x59: {  	_ =	shalt  }
0x5a: {  	_ =	shalt  }
0x5b: {  	_ =	shalt  }
0x5c: {  	_ =	shalt  }
0x5d: {  	_ =	shalt  }
0x5e: {  	_ =	shalt  }
0x5f: {  	_ =	shalt  }
0x60: {  	_ =	shalt  }
0x61: {  	_ =	shalt  }
0x62: {  	_ =	shalt  }
0x63: {  	_ =	shalt  }
0x64: {  	_ =	shalt  }
0x65: {  	_ =	shalt  }
0x66: {  	_ =	shalt  }
0x67: {  	_ =	shalt  }
0x68: {  	_ =	shalt  }
0x69: {  	_ =	shalt  }
0x6a: {  	_ =	shalt  }
0x6b: {  	_ =	shalt  }
0x6c: {  	_ =	shalt  }
0x6d: {  	_ =	shalt  }
0x6e: {  	_ =	shalt  }
0x6f: {  	_ =	shalt  }
0x70: {  	_ =	shalt  }
0x71: {  	_ =	shalt  }
0x72: {  	_ =	shalt  }
0x73: {  	_ =	shalt  }
0x74: {  	_ =	shalt  }
0x75: {  	_ =	shalt  }
0x76: {  	_ =	shalt  }
0x77: {  	_ =	shalt  }
0x78: {  	_ =	shalt  }
0x79: {  	_ =	shalt  }
0x7a: {  	_ =	shalt  }
0x7b: {  	_ =	shalt  }
0x7c: {  	_ =	shalt  }
0x7d: {  	_ =	shalt  }
0x7e: {  	_ =	shalt  }
0x7f: {  	_ =	shalt  }
0x80: {  	_ =	shalt  }
0x81: {  	_ =	shalt  }
0x82: {  	_ =	shalt  }
0x83: {  	_ =	shalt  }
0x84: {  	_ =	shalt  }
0x85: {  	_ =	shalt  }
0x86: {  	_ =	shalt  }
0x87: {  	_ =	shalt  }
.Lfunc_end0:
.L_simem_size_0:
called_computation.1_lowered:
.L_overlay_start_0:
0x88: {  	s2 =	sld [smem:$0x3FD9]  }
0x89: {  	s3 =	sld [smem:$0x3FFE];
	_ =	sdelay $0x1  }
0x8a: {  	s1 =	srdreg.scid  }
0x8b: {  	s0 =	sand.u32 $0x1, s1  }
0x8c: {  	s16 =	sshll.u32 s0, $0xA;
	s2 =	sadd.s32 s3, s2  }
0x8d: {  	s2 =	sadd.s32 s2, s16  }
0x8e: {  	[smem:$0x3FB5] =	sst s2  }
0x8f: {  	_ = 	snop  }
0x90: {  	(tm) =	ssettm $0x1  }
0x91: {  	s17 =	sld [smem:$0x3FFB];
	_ =	sdelay $0x3  }
0x92: {  	_ =	strace s17  }
0x93: {  	s2 =	sld [smem:$0x3FFC];
	_ =	sdelay $0x3  }
0x94: {  	_ =	strace s2  }
0x95: {  	s2 =	sld [smem:$0x3FFD];
	_ =	sdelay $0x3  }
0x96: {  	_ =	strace s2  }
0x97: {  	_ =	strace $0x8FFFFFFF  }
0x98: {  	s18 =	sld [smem:$0x3FDB];
	_ =	sdelay $0x1  }
0x99: {  	s19 =	simm.s32 $_scs_section_size  }
0x9a: {  	s4 =	simm.s32 $_size__tile_overlayer_lowered;
	s5 =	simm.s32 $_tile_overlayer_lowered  }
0x9b: {  	s22 =	simm.s32 $0x1BFF;
	s21 =	sshll.u32 s5, $0x1;
	s2 =	sadd.s32 s19, s18  }
0x9c: {  	s6 =	simm.s32 $0x0;
	s20 =	sshll.u32 s4, $0x1;
	s4 =	sadd.s32 s21, s2  }
0x9d: {  	[timem:s6], [sflag:s22] =	dma.local [hbm:s4], s20  }
0x9e: {  	_ =	swait.ge [sflag:s22], s20  }
0x9f: {  	s3 =	ssub.s32 $0x0, s20;
	[sflag:s22] =	ssyncset.done $0x0  }
0xa0: {  	[sflag:s22] =	ssyncadd.s32 s3;
	_ =	sdelay $0x1  }
0xa1: {  	s23 =	simm.s32 $0x1B8B  }
0xa2: {  	_ =	swait.ge [sflag:s23], $0x1  }
0xa3: {  	[sflag:s23] =	ssyncset.done $0x0  }
0xa4: {  	s25 =	simm.s32 $0x1B8E;
	s24 =	sld [smem:$0x3FFE];
	[sflag:s23] =	ssyncadd.s32 $0xFFFFFFFF  }
0xa5: {  	s26 =	simm.s32 $execute0_lowered;
	[smem:$0x3FD2] =	sst s25  }
0xa6: {  	s4 =	sshll.u32 s26, $0x1;
	_ =	strace $0x80000049;
	[dreg:$0x1] =	wrdreg $0xFFFFFFFF  }
0xa7: {  	s28 =	simm.s32 $_size_execute0_lowered;
	s2 =	sadd.s32 s2, s4;
	[dreg:$0x0] =	wrdreg $0x0  }
0xa8: {  	s4 =	sshll.u32 s28, $0x1;
	[dreg:$0x2] =	wrdreg s2  }
0xa9: {  	[dreg:$0x3] =	wrdreg s4  }
0xaa: {  	[dreg:$0x4] =	wrdreg $0xC0  }
0xab: {  	_ =	task [dreg:s6], $0x5FFFF  }
0xac: {  	[dreg:$0x1] =	wrdreg $0xFFFFFFFF  }
0xad: {  	[dreg:$0x0] =	wrdreg $0x60  }
0xae: {  	[dreg:$0x2] =	wrdreg s24  }
0xaf: {  	[dreg:$0x3] =	wrdreg $0x9  }
0xb0: {  	_ =	task.clear_ibuf [dreg:s6], $0x4FFFF;
	_ =	strace $0x90000049  }
0xb1: {  	s29 =	simm.s32 $0x9;
	_ =	strace $0x8000004B  }
0xb2: {  	_ =	swait.ge [sflag:s29], $0x1  }
0xb3: {  	[sflag:s29] =	ssyncadd.s32 $0xFFFFFFFF  }
0xb4: {  	_ =	strace $0x9000004B  }
0xb5: {  	_ =	sfence  }
0xb6: {  	s30 =	sld [smem:$0x0];
	_ =	sdelay $0x2  }
0xb7: {  	s31 =	sshll.u32 s1, $0xD;
	s1 =	sshrl.u32 s1, $0x2  }
0xb8: {  	s3 =	sand.u32 $0x4000, s31;
	s1 =	sadd.s32 s1, s30  }
0xb9: {  	s0 =	sor.u32 s3, s0;
	s1 =	sshll.u32 s1, $0x11  }
0xba: {  	s0 =	sor.u32 s1, s0  }
0xbb: {  	s0 =	sadd.s32 $0x8F2B, s0  }
0xbc: {  	[sflag:s0] =	ssyncadd.remote.s32 $0x1  }
0xbd: {  	_ =	sfence.sel $0xFFFF  }
0xbe: {  	[dreg:$0x0] =	wrdreg $0xFFFFFFFF;
	(pc) =	sbr.abs _section_cstart, $3  }
0xbf: {  	[dreg:$0x1] =	wrdreg $0xFFFFFFFF  }
0xc0: {  	_ =	task.clear_ibuf [dreg:s6], $0x2FFFF;
	_ =	strace $0x9FFFFFFF  }
0xc1: {  	(tm) =	ssettm $0x7FFFFFFF  }
tec
execute0_lowered:
.L_overlay_start_1:
0x0: {  	(tag) =	ssettag $0x1  }
0x1: {  	s0 =	rddreg [dreg:$0x0];
	s1 =	simm.s32 $0x0;
	s2 =	srdreg.scid  }
0x2: {  	s6 =	stileid.u32;
	s28 =	simm.s32 $0x1;
	s30 =	simm.s32 $0x18000  }
0x3: {  	s31 =	simm.s32 $0x18080;
	s13 =	simm.s32 $0x2C00;
	s14 =	simm.s32 $0x3000  }
0x4: {  	s15 =	simm.s32 $0x3800;
	s16 =	simm.s32 $0x3C00;
	s17 =	simm.s32 $0x4400  }
0x5: {  	s19 =	simm.s32 $0x4800;
	s20 =	simm.s32 $0x5000;
	s18 =	simm.s32 $0x7800  }
0x6: {  	[smem:$0x7FF] =	sst s1;
	s3 =	sadd.s32 $0x303000, s0;
	s4 =	sadd.s32 $0x24000, s0  }
0x7: {  	s2 =	sand.u32 $0x1, s2;
	s5 =	sadd.s32 $0x23800, s0;
	s6 =	sshll.u32 s6, $0x6  }
0x8: {  	s8 =	sadd.s32 $0x23C00, s0;
	s9 =	sadd.s32 $0x9C000, s0;
	s7 =	sshll.u32 s2, $0x5  }
0x9: {  	s21 =	sadd.s32 $0xFC000, s0;
	s2 =	ssub.s32 $0x2, s2;
	s6 =	sor.u32 s7, s6  }
0xa: {  	_ =	strace $0x8000004A;
	s12 =	sshrl.u32 s2, $0x1;
	s10 =	sadd.s32 s5, s6  }
0xb: {  	s11 =	smul.u32 $0x180, s6;
	s22 =	sadd.s32 s8, s6;
	s6 =	sor.u32 $0x10, s6  }
0xc: {  	s2 =	ssub.s32 s2, s12;
	s12 =	simm.s32 $0x2400;
	[dreg:$0x2] =	wrdreg s10  }
0xd: {  	[dreg:$0x3] =	wrdreg s22;
	s5 =	sadd.s32 s5, s6;
	s25 =	smul.u32 $0x180, s6  }
0xe: {  	s6 =	sadd.s32 s8, s6;
	s7 =	smax.u32 s2, $0x1;
	s8 =	simm.s32 $0x1400  }
0xf: {  	s10 =	simm.s32 $0x1800;
	s22 =	simm.s32 $0x5C00;
	[dreg:$0x6] =	wrdreg s5  }
0x10: {  	s23 =	sadd.s32 s9, s11;
	s24 =	sadd.s32 s21, s11;
	[dreg:$0x7] =	wrdreg s6  }
0x11: {  	s5 =	sadd.s32 $0x303100, s0;
	s6 =	sadd.s32 $0x24100, s0;
	[dreg:$0x4] =	wrdreg s23  }
0x12: {  	s11 =	simm.s32 $0x2000;
	[dreg:$0x5] =	wrdreg s24;
	s26 =	sadd.s32 s9, s25  }
0x13: {  	v2 =	vlaneseq.u32;
	s29 =	sadd.s32 s21, s25;
	s9 =	simm.s32 $0x2;
	s21 =	simm.s32 $0x5400  }
0x14: {  	vm0 =	vmmov $0xffff;
	vm1 =	vmmov $0xff;
	v1 =	vshrl.u32 v2, $0x3;
	s23 =	simm.s32 $0x6000;
	s24 =	simm.s32 $0x6800;
	[dreg:$0x8] =	wrdreg s26  }
0x15: {  	v0 =	vand.u32 $0x7, v2;
	v2 =	vor.u32 $0x8, v2;
	v1 =	vmul.u32 $0x8, v1;
	s25 =	simm.s32 $0x6C00;
	[dreg:$0x9] =	wrdreg s29;
	s26 =	simm.s32 $0x7400  }
.LBB2_1:
0x16: {  	s29 =	rddreg [dreg:$0x2]  }
0x17: {  	[tilespmem:s30], [sflag:$0x2] =	stream.linear.gather [hbm4b:s29+s1], $0x80, $0x38;
	[tilespmem:$0x18100] =	vst v63  }
0x18: {  	_ =	swait.ge [sflag:s9], $0x80  }
0x19: {  	[sflag:s9] =	ssyncset.done $0x0  }
0x1a: {  	s2 =	rddreg [dreg:$0x3];
	[sflag:s9] =	ssyncadd.s32 $0xFFFFFF80  }
0x1b: {  	[tilespmem:s31], [sflag:$0x2] =	stream.linear.gather [hbm4b:s2+s1], $0x80, $0x38;
	[tilespmem:$0x18100] =	vst v63  }
0x1c: {  	_ =	swait.ge [sflag:s9], $0x80  }
0x1d: {  	[sflag:s9] =	ssyncset.done $0x0  }
0x1e: {  	[sflag:s9] =	ssyncadd.s32 $0xFFFFFF80  }
0x1f: {  	v3 =	vld [tilespmem:$0x18000];
	_ =	sdelay $0x4  }
0x20: {  	v4 =	vshrl.u32 v3, $0x3  }
0x21: {  	v4 =	vmul.u32 $0x18, v4  }
0x22: {  	v3 =	vand.u32 $0x7, v3  }
0x23: {  	v3 =	vor.u32 v3, v4  }
0x24: {  	v4 =	vperm.xlane v3, v0;
	_ =	sdelay $0x1  }
0x25: {  	v4 =	vadd.s32 v1, v4;
	_ =	sdelay $0x1  }
0x26: {  	v3 =	vperm.xlane v3, v2;
	_ =	sdelay $0x1  }
0x27: {  	v3 =	vadd.s32 v1, v3  }
0x28: {  	[tilespmem:s1], [sflag:$0x1] =	stream.indirect_vreg.gather [hbm4b:s3+s1], $0x80, v4, vm0, $0xb8;
	[tilespmem:$0x18100] =	vst v63  }
0x29: {  	s0 =	simm.s32 $0x800  }
0x2a: {  	[tilespmem:s0], [sflag:$0x1] =	stream.indirect_vreg.gather [hbm4b:s5+s1], $0x80, v4, vm1, $0xb8;
	[tilespmem:$0x18100] =	vst v63  }
0x2b: {  	s2 =	simm.s32 $0xC00  }
0x2c: {  	[tilespmem:s2], [sflag:$0x1] =	stream.indirect_vreg.gather [hbm4b:s3+s1], $0x80, v3, vm0, $0xb8;
	[tilespmem:$0x18100] =	vst v63  }
0x2d: {  	_ = 	snop  }
0x2e: {  	[tilespmem:s8], [sflag:$0x1] =	stream.indirect_vreg.gather [hbm4b:s5+s1], $0x80, v3, vm1, $0xb8;
	[tilespmem:$0x18100] =	vst v63  }
0x2f: {  	v3 =	vld [tilespmem:$0x18010];
	_ =	sdelay $0x4  }
0x30: {  	v33 =	vshrl.u32 v3, $0x3  }
0x31: {  	v4 =	vmul.u32 $0x18, v33  }
0x32: {  	v3 =	vand.u32 $0x7, v3  }
0x33: {  	v3 =	vor.u32 v3, v4  }
0x34: {  	v4 =	vperm.xlane v3, v0;
	_ =	sdelay $0x1  }
0x35: {  	v4 =	vadd.s32 v1, v4;
	_ =	sdelay $0x1  }
0x36: {  	v3 =	vperm.xlane v3, v2;
	_ =	sdelay $0x1  }
0x37: {  	v3 =	vadd.s32 v1, v3  }
0x38: {  	[tilespmem:s10], [sflag:$0x1] =	stream.indirect_vreg.gather [hbm4b:s3+s1], $0x80, v4, vm0, $0xb8;
	[tilespmem:$0x18100] =	vst v63  }
0x39: {  	_ = 	snop  }
0x3a: {  	[tilespmem:s11], [sflag:$0x1] =	stream.indirect_vreg.gather [hbm4b:s5+s1], $0x80, v4, vm1, $0xb8;
	[tilespmem:$0x18100] =	vst v63  }
0x3b: {  	_ = 	snop  }
0x3c: {  	[tilespmem:s12], [sflag:$0x1] =	stream.indirect_vreg.gather [hbm4b:s3+s1], $0x80, v3, vm0, $0xb8;
	[tilespmem:$0x18100] =	vst v63  }
0x3d: {  	_ = 	snop  }
0x3e: {  	[tilespmem:s13], [sflag:$0x1] =	stream.indirect_vreg.gather [hbm4b:s5+s1], $0x80, v3, vm1, $0xb8;
	[tilespmem:$0x18100] =	vst v63  }
0x3f: {  	v3 =	vld [tilespmem:$0x18020];
	_ =	sdelay $0x4  }
0x40: {  	v34 =	vshrl.u32 v3, $0x3  }
0x41: {  	v4 =	vmul.u32 $0x18, v34  }
0x42: {  	v3 =	vand.u32 $0x7, v3  }
0x43: {  	v3 =	vor.u32 v3, v4  }
0x44: {  	v4 =	vperm.xlane v3, v0;
	_ =	sdelay $0x1  }
0x45: {  	v4 =	vadd.s32 v1, v4;
	_ =	sdelay $0x1  }
0x46: {  	v3 =	vperm.xlane v3, v2;
	_ =	sdelay $0x1  }
0x47: {  	v3 =	vadd.s32 v1, v3  }
0x48: {  	[tilespmem:s14], [sflag:$0x1] =	stream.indirect_vreg.gather [hbm4b:s3+s1], $0x80, v4, vm0, $0xb8;
	[tilespmem:$0x18100] =	vst v63  }
0x49: {  	_ = 	snop  }
0x4a: {  	[tilespmem:s15], [sflag:$0x1] =	stream.indirect_vreg.gather [hbm4b:s5+s1], $0x80, v4, vm1, $0xb8;
	[tilespmem:$0x18100] =	vst v63  }
0x4b: {  	_ = 	snop  }
0x4c: {  	[tilespmem:s16], [sflag:$0x1] =	stream.indirect_vreg.gather [hbm4b:s3+s1], $0x80, v3, vm0, $0xb8;
	[tilespmem:$0x18100] =	vst v63  }
0x4d: {  	_ = 	snop  }
0x4e: {  	[tilespmem:s17], [sflag:$0x1] =	stream.indirect_vreg.gather [hbm4b:s5+s1], $0x80, v3, vm1, $0xb8;
	[tilespmem:$0x18100] =	vst v63  }
0x4f: {  	v3 =	vld [tilespmem:$0x18030];
	_ =	sdelay $0x4  }
0x50: {  	v35 =	vshrl.u32 v3, $0x3  }
0x51: {  	v4 =	vmul.u32 $0x18, v35  }
0x52: {  	v3 =	vand.u32 $0x7, v3  }
0x53: {  	v3 =	vor.u32 v3, v4  }
0x54: {  	v4 =	vperm.xlane v3, v0;
	_ =	sdelay $0x1  }
0x55: {  	v4 =	vadd.s32 v1, v4;
	_ =	sdelay $0x1  }
0x56: {  	v3 =	vperm.xlane v3, v2;
	_ =	sdelay $0x1  }
0x57: {  	v3 =	vadd.s32 v1, v3  }
0x58: {  	[tilespmem:s19], [sflag:$0x1] =	stream.indirect_vreg.gather [hbm4b:s3+s1], $0x80, v4, vm0, $0xb8;
	[tilespmem:$0x18100] =	vst v63  }
0x59: {  	_ = 	snop  }
0x5a: {  	[tilespmem:s20], [sflag:$0x1] =	stream.indirect_vreg.gather [hbm4b:s5+s1], $0x80, v4, vm1, $0xb8;
	[tilespmem:$0x18100] =	vst v63  }
0x5b: {  	_ = 	snop  }
0x5c: {  	[tilespmem:s21], [sflag:$0x1] =	stream.indirect_vreg.gather [hbm4b:s3+s1], $0x80, v3, vm0, $0xb8;
	[tilespmem:$0x18100] =	vst v63  }
0x5d: {  	_ = 	snop  }
0x5e: {  	[tilespmem:s22], [sflag:$0x1] =	stream.indirect_vreg.gather [hbm4b:s5+s1], $0x80, v3, vm1, $0xb8;
	[tilespmem:$0x18100] =	vst v63  }
0x5f: {  	v3 =	vld [tilespmem:$0x18040];
	_ =	sdelay $0x4  }
0x60: {  	v36 =	vshrl.u32 v3, $0x3  }
0x61: {  	v4 =	vmul.u32 $0x18, v36  }
0x62: {  	v3 =	vand.u32 $0x7, v3  }
0x63: {  	v3 =	vor.u32 v3, v4  }
0x64: {  	v4 =	vperm.xlane v3, v0;
	_ =	sdelay $0x1  }
0x65: {  	v4 =	vadd.s32 v1, v4;
	_ =	sdelay $0x1  }
0x66: {  	v3 =	vperm.xlane v3, v2;
	_ =	sdelay $0x1  }
0x67: {  	v3 =	vadd.s32 v1, v3  }
0x68: {  	[tilespmem:s23], [sflag:$0x1] =	stream.indirect_vreg.gather [hbm4b:s3+s1], $0x80, v4, vm0, $0xb8;
	[tilespmem:$0x18100] =	vst v63  }
0x69: {  	_ = 	snop  }
0x6a: {  	[tilespmem:s24], [sflag:$0x1] =	stream.indirect_vreg.gather [hbm4b:s5+s1], $0x80, v4, vm1, $0xb8;
	[tilespmem:$0x18100] =	vst v63  }
0x6b: {  	_ = 	snop  }
0x6c: {  	[tilespmem:s25], [sflag:$0x1] =	stream.indirect_vreg.gather [hbm4b:s3+s1], $0x80, v3, vm0, $0xb8;
	[tilespmem:$0x18100] =	vst v63  }
0x6d: {  	_ = 	snop  }
0x6e: {  	[tilespmem:s26], [sflag:$0x1] =	stream.indirect_vreg.gather [hbm4b:s5+s1], $0x80, v3, vm1, $0xb8;
	[tilespmem:$0x18100] =	vst v63  }
0x6f: {  	v3 =	vld [tilespmem:$0x18050];
	_ =	sdelay $0x4  }
0x70: {  	v37 =	vshrl.u32 v3, $0x3  }
0x71: {  	v4 =	vmul.u32 $0x18, v37  }
0x72: {  	v3 =	vand.u32 $0x7, v3  }
0x73: {  	v3 =	vor.u32 v3, v4  }
0x74: {  	v4 =	vperm.xlane v3, v0;
	_ =	sdelay $0x1  }
0x75: {  	v4 =	vadd.s32 v1, v4;
	_ =	sdelay $0x1  }
0x76: {  	v3 =	vperm.xlane v3, v2;
	_ =	sdelay $0x1  }
0x77: {  	v3 =	vadd.s32 v1, v3  }
0x78: {  	[tilespmem:s18], [sflag:$0x1] =	stream.indirect_vreg.gather [hbm4b:s3+s1], $0x80, v4, vm0, $0xb8;
	[tilespmem:$0x18100] =	vst v63  }
0x79: {  	s29 =	simm.s32 $0x8000  }
0x7a: {  	[tilespmem:s29], [sflag:$0x1] =	stream.indirect_vreg.gather [hbm4b:s5+s1], $0x80, v4, vm1, $0xb8;
	[tilespmem:$0x18100] =	vst v63  }
0x7b: {  	s29 =	simm.s32 $0x8400  }
0x7c: {  	[tilespmem:s29], [sflag:$0x1] =	stream.indirect_vreg.gather [hbm4b:s3+s1], $0x80, v3, vm0, $0xb8;
	[tilespmem:$0x18100] =	vst v63  }
0x7d: {  	s29 =	simm.s32 $0x8C00  }
0x7e: {  	[tilespmem:s29], [sflag:$0x1] =	stream.indirect_vreg.gather [hbm4b:s5+s1], $0x80, v3, vm1, $0xb8;
	[tilespmem:$0x18100] =	vst v63  }
0x7f: {  	v3 =	vld [tilespmem:$0x18060];
	_ =	sdelay $0x4  }
0x80: {  	v38 =	vshrl.u32 v3, $0x3  }
0x81: {  	v4 =	vmul.u32 $0x18, v38  }
0x82: {  	v3 =	vand.u32 $0x7, v3  }
0x83: {  	v3 =	vor.u32 v3, v4  }
0x84: {  	v4 =	vperm.xlane v3, v0;
	_ =	sdelay $0x1  }
0x85: {  	v4 =	vadd.s32 v1, v4;
	_ =	sdelay $0x1  }
0x86: {  	v3 =	vperm.xlane v3, v2;
	_ =	sdelay $0x1  }
0x87: {  	s29 =	simm.s32 $0x9000;
	v3 =	vadd.s32 v1, v3  }
0x88: {  	[tilespmem:s29], [sflag:$0x1] =	stream.indirect_vreg.gather [hbm4b:s3+s1], $0x80, v4, vm0, $0xb8;
	[tilespmem:$0x18100] =	vst v63  }
0x89: {  	s29 =	simm.s32 $0x9800  }
0x8a: {  	[tilespmem:s29], [sflag:$0x1] =	stream.indirect_vreg.gather [hbm4b:s5+s1], $0x80, v4, vm1, $0xb8;
	[tilespmem:$0x18100] =	vst v63  }
0x8b: {  	s29 =	simm.s32 $0x9C00  }
0x8c: {  	[tilespmem:s29], [sflag:$0x1] =	stream.indirect_vreg.gather [hbm4b:s3+s1], $0x80, v3, vm0, $0xb8;
	[tilespmem:$0x18100] =	vst v63  }
0x8d: {  	s29 =	simm.s32 $0xA400  }
0x8e: {  	[tilespmem:s29], [sflag:$0x1] =	stream.indirect_vreg.gather [hbm4b:s5+s1], $0x80, v3, vm1, $0xb8;
	[tilespmem:$0x18100] =	vst v63  }
0x8f: {  	v3 =	vld [tilespmem:$0x18070];
	_ =	sdelay $0x4  }
0x90: {  	v39 =	vshrl.u32 v3, $0x3  }
0x91: {  	v4 =	vmul.u32 $0x18, v39  }
0x92: {  	v3 =	vand.u32 $0x7, v3  }
0x93: {  	v3 =	vor.u32 v3, v4  }
0x94: {  	v4 =	vperm.xlane v3, v0;
	_ =	sdelay $0x1  }
0x95: {  	v4 =	vadd.s32 v1, v4;
	_ =	sdelay $0x1  }
0x96: {  	v3 =	vperm.xlane v3, v2;
	_ =	sdelay $0x1  }
0x97: {  	s29 =	simm.s32 $0xA800;
	v3 =	vadd.s32 v1, v3  }
0x98: {  	[tilespmem:s29], [sflag:$0x1] =	stream.indirect_vreg.gather [hbm4b:s3+s1], $0x80, v4, vm0, $0xb8;
	[tilespmem:$0x18100] =	vst v63  }
0x99: {  	s29 =	simm.s32 $0xB000  }
0x9a: {  	[tilespmem:s29], [sflag:$0x1] =	stream.indirect_vreg.gather [hbm4b:s5+s1], $0x80, v4, vm1, $0xb8;
	[tilespmem:$0x18100] =	vst v63  }
0x9b: {  	s29 =	simm.s32 $0xB400  }
0x9c: {  	[tilespmem:s29], [sflag:$0x1] =	stream.indirect_vreg.gather [hbm4b:s3+s1], $0x80, v3, vm0, $0xb8;
	[tilespmem:$0x18100] =	vst v63  }
0x9d: {  	s29 =	simm.s32 $0xBC00  }
0x9e: {  	[tilespmem:s29], [sflag:$0x1] =	stream.indirect_vreg.gather [hbm4b:s5+s1], $0x80, v3, vm1, $0xb8;
	[tilespmem:$0x18100] =	vst v63  }
0x9f: {  	v3 =	vld [tilespmem:$0x18080];
	_ =	sdelay $0x4  }
0xa0: {  	v40 =	vshrl.u32 v3, $0x3  }
0xa1: {  	v4 =	vmul.u32 $0x18, v40  }
0xa2: {  	v3 =	vand.u32 $0x7, v3  }
0xa3: {  	v3 =	vor.u32 v3, v4  }
0xa4: {  	v4 =	vperm.xlane v3, v0;
	_ =	sdelay $0x1  }
0xa5: {  	v4 =	vadd.s32 v1, v4;
	_ =	sdelay $0x1  }
0xa6: {  	v3 =	vperm.xlane v3, v2;
	_ =	sdelay $0x1  }
0xa7: {  	s0 =	simm.s32 $0xC000;
	v3 =	vadd.s32 v1, v3  }
0xa8: {  	[tilespmem:s0], [sflag:$0x1] =	stream.indirect_vreg.gather [hbm4b:s4+s1], $0x80, v4, vm0, $0xb8;
	[tilespmem:$0x18100] =	vst v63  }
0xa9: {  	s29 =	simm.s32 $0xC800  }
0xaa: {  	[tilespmem:s29], [sflag:$0x1] =	stream.indirect_vreg.gather [hbm4b:s6+s1], $0x80, v4, vm1, $0xb8;
	[tilespmem:$0x18100] =	vst v63  }
0xab: {  	s29 =	simm.s32 $0xCC00  }
0xac: {  	[tilespmem:s29], [sflag:$0x1] =	stream.indirect_vreg.gather [hbm4b:s4+s1], $0x80, v3, vm0, $0xb8;
	[tilespmem:$0x18100] =	vst v63  }
0xad: {  	s29 =	simm.s32 $0xD400  }
0xae: {  	[tilespmem:s29], [sflag:$0x1] =	stream.indirect_vreg.gather [hbm4b:s6+s1], $0x80, v3, vm1, $0xb8;
	[tilespmem:$0x18100] =	vst v63  }
0xaf: {  	v3 =	vld [tilespmem:$0x18090];
	_ =	sdelay $0x4  }
0xb0: {  	v41 =	vshrl.u32 v3, $0x3  }
0xb1: {  	v4 =	vmul.u32 $0x18, v41  }
0xb2: {  	v3 =	vand.u32 $0x7, v3  }
0xb3: {  	v3 =	vor.u32 v3, v4  }
0xb4: {  	v4 =	vperm.xlane v3, v0;
	_ =	sdelay $0x1  }
0xb5: {  	v4 =	vadd.s32 v1, v4;
	_ =	sdelay $0x1  }
0xb6: {  	v3 =	vperm.xlane v3, v2;
	_ =	sdelay $0x1  }
0xb7: {  	s29 =	simm.s32 $0xD800;
	v3 =	vadd.s32 v1, v3  }
0xb8: {  	[tilespmem:s29], [sflag:$0x1] =	stream.indirect_vreg.gather [hbm4b:s4+s1], $0x80, v4, vm0, $0xb8;
	[tilespmem:$0x18100] =	vst v63  }
0xb9: {  	s29 =	simm.s32 $0xE000  }
0xba: {  	[tilespmem:s29], [sflag:$0x1] =	stream.indirect_vreg.gather [hbm4b:s6+s1], $0x80, v4, vm1, $0xb8;
	[tilespmem:$0x18100] =	vst v63  }
0xbb: {  	s29 =	simm.s32 $0xE400  }
0xbc: {  	[tilespmem:s29], [sflag:$0x1] =	stream.indirect_vreg.gather [hbm4b:s4+s1], $0x80, v3, vm0, $0xb8;
	[tilespmem:$0x18100] =	vst v63  }
0xbd: {  	s29 =	simm.s32 $0xEC00  }
0xbe: {  	[tilespmem:s29], [sflag:$0x1] =	stream.indirect_vreg.gather [hbm4b:s6+s1], $0x80, v3, vm1, $0xb8;
	[tilespmem:$0x18100] =	vst v63  }
0xbf: {  	v3 =	vld [tilespmem:$0x180A0];
	_ =	sdelay $0x4  }
0xc0: {  	v42 =	vshrl.u32 v3, $0x3  }
0xc1: {  	v4 =	vmul.u32 $0x18, v42  }
0xc2: {  	v3 =	vand.u32 $0x7, v3  }
0xc3: {  	v3 =	vor.u32 v3, v4  }
0xc4: {  	v4 =	vperm.xlane v3, v0;
	_ =	sdelay $0x1  }
0xc5: {  	v4 =	vadd.s32 v1, v4;
	_ =	sdelay $0x1  }
0xc6: {  	v3 =	vperm.xlane v3, v2;
	_ =	sdelay $0x1  }
0xc7: {  	s29 =	simm.s32 $0xF000;
	v3 =	vadd.s32 v1, v3  }
0xc8: {  	[tilespmem:s29], [sflag:$0x1] =	stream.indirect_vreg.gather [hbm4b:s4+s1], $0x80, v4, vm0, $0xb8;
	[tilespmem:$0x18100] =	vst v63  }
0xc9: {  	s29 =	simm.s32 $0xF800  }
0xca: {  	[tilespmem:s29], [sflag:$0x1] =	stream.indirect_vreg.gather [hbm4b:s6+s1], $0x80, v4, vm1, $0xb8;
	[tilespmem:$0x18100] =	vst v63  }
0xcb: {  	s29 =	simm.s32 $0xFC00  }
0xcc: {  	[tilespmem:s29], [sflag:$0x1] =	stream.indirect_vreg.gather [hbm4b:s4+s1], $0x80, v3, vm0, $0xb8;
	[tilespmem:$0x18100] =	vst v63  }
0xcd: {  	s29 =	simm.s32 $0x10400  }
0xce: {  	[tilespmem:s29], [sflag:$0x1] =	stream.indirect_vreg.gather [hbm4b:s6+s1], $0x80, v3, vm1, $0xb8;
	[tilespmem:$0x18100] =	vst v63  }
0xcf: {  	v3 =	vld [tilespmem:$0x180B0];
	_ =	sdelay $0x4  }
0xd0: {  	v43 =	vshrl.u32 v3, $0x3  }
0xd1: {  	v4 =	vmul.u32 $0x18, v43  }
0xd2: {  	v3 =	vand.u32 $0x7, v3  }
0xd3: {  	v3 =	vor.u32 v3, v4  }
0xd4: {  	v4 =	vperm.xlane v3, v0;
	_ =	sdelay $0x1  }
0xd5: {  	v4 =	vadd.s32 v1, v4;
	_ =	sdelay $0x1  }
0xd6: {  	v3 =	vperm.xlane v3, v2;
	_ =	sdelay $0x1  }
0xd7: {  	s29 =	simm.s32 $0x10800;
	v3 =	vadd.s32 v1, v3  }
0xd8: {  	[tilespmem:s29], [sflag:$0x1] =	stream.indirect_vreg.gather [hbm4b:s4+s1], $0x80, v4, vm0, $0xb8;
	[tilespmem:$0x18100] =	vst v63  }
0xd9: {  	s29 =	simm.s32 $0x11000  }
0xda: {  	[tilespmem:s29], [sflag:$0x1] =	stream.indirect_vreg.gather [hbm4b:s6+s1], $0x80, v4, vm1, $0xb8;
	[tilespmem:$0x18100] =	vst v63  }
0xdb: {  	s29 =	simm.s32 $0x11400  }
0xdc: {  	[tilespmem:s29], [sflag:$0x1] =	stream.indirect_vreg.gather [hbm4b:s4+s1], $0x80, v3, vm0, $0xb8;
	[tilespmem:$0x18100] =	vst v63  }
0xdd: {  	s29 =	simm.s32 $0x11C00  }
0xde: {  	[tilespmem:s29], [sflag:$0x1] =	stream.indirect_vreg.gather [hbm4b:s6+s1], $0x80, v3, vm1, $0xb8;
	[tilespmem:$0x18100] =	vst v63  }
0xdf: {  	v3 =	vld [tilespmem:$0x180C0];
	_ =	sdelay $0x4  }
0xe0: {  	v44 =	vshrl.u32 v3, $0x3  }
0xe1: {  	v4 =	vmul.u32 $0x18, v44  }
0xe2: {  	v3 =	vand.u32 $0x7, v3  }
0xe3: {  	v3 =	vor.u32 v3, v4  }
0xe4: {  	v4 =	vperm.xlane v3, v0;
	_ =	sdelay $0x1  }
0xe5: {  	v4 =	vadd.s32 v1, v4;
	_ =	sdelay $0x1  }
0xe6: {  	v3 =	vperm.xlane v3, v2;
	_ =	sdelay $0x1  }
0xe7: {  	s29 =	simm.s32 $0x12000;
	v3 =	vadd.s32 v1, v3  }
0xe8: {  	[tilespmem:s29], [sflag:$0x1] =	stream.indirect_vreg.gather [hbm4b:s4+s1], $0x80, v4, vm0, $0xb8;
	[tilespmem:$0x18100] =	vst v63  }
0xe9: {  	s29 =	simm.s32 $0x12800  }
0xea: {  	[tilespmem:s29], [sflag:$0x1] =	stream.indirect_vreg.gather [hbm4b:s6+s1], $0x80, v4, vm1, $0xb8;
	[tilespmem:$0x18100] =	vst v63  }
0xeb: {  	s29 =	simm.s32 $0x12C00  }
0xec: {  	[tilespmem:s29], [sflag:$0x1] =	stream.indirect_vreg.gather [hbm4b:s4+s1], $0x80, v3, vm0, $0xb8;
	[tilespmem:$0x18100] =	vst v63  }
0xed: {  	s29 =	simm.s32 $0x13400  }
0xee: {  	[tilespmem:s29], [sflag:$0x1] =	stream.indirect_vreg.gather [hbm4b:s6+s1], $0x80, v3, vm1, $0xb8;
	[tilespmem:$0x18100] =	vst v63  }
0xef: {  	v3 =	vld [tilespmem:$0x180D0];
	_ =	sdelay $0x4  }
0xf0: {  	v45 =	vshrl.u32 v3, $0x3  }
0xf1: {  	v4 =	vmul.u32 $0x18, v45  }
0xf2: {  	v3 =	vand.u32 $0x7, v3  }
0xf3: {  	v3 =	vor.u32 v3, v4  }
0xf4: {  	v4 =	vperm.xlane v3, v0;
	_ =	sdelay $0x1  }
0xf5: {  	v4 =	vadd.s32 v1, v4;
	_ =	sdelay $0x1  }
0xf6: {  	v3 =	vperm.xlane v3, v2;
	_ =	sdelay $0x1  }
0xf7: {  	s29 =	simm.s32 $0x13800;
	v3 =	vadd.s32 v1, v3  }
0xf8: {  	[tilespmem:s29], [sflag:$0x1] =	stream.indirect_vreg.gather [hbm4b:s4+s1], $0x80, v4, vm0, $0xb8;
	[tilespmem:$0x18100] =	vst v63  }
0xf9: {  	s29 =	simm.s32 $0x14000  }
0xfa: {  	[tilespmem:s29], [sflag:$0x1] =	stream.indirect_vreg.gather [hbm4b:s6+s1], $0x80, v4, vm1, $0xb8;
	[tilespmem:$0x18100] =	vst v63  }
0xfb: {  	s29 =	simm.s32 $0x14400  }
0xfc: {  	[tilespmem:s29], [sflag:$0x1] =	stream.indirect_vreg.gather [hbm4b:s4+s1], $0x80, v3, vm0, $0xb8;
	[tilespmem:$0x18100] =	vst v63  }
0xfd: {  	s29 =	simm.s32 $0x14C00  }
0xfe: {  	[tilespmem:s29], [sflag:$0x1] =	stream.indirect_vreg.gather [hbm4b:s6+s1], $0x80, v3, vm1, $0xb8;
	[tilespmem:$0x18100] =	vst v63  }
0xff: {  	v3 =	vld [tilespmem:$0x180E0];
	_ =	sdelay $0x4  }
0x100: {  	v46 =	vshrl.u32 v3, $0x3  }
0x101: {  	v4 =	vmul.u32 $0x18, v46  }
0x102: {  	v3 =	vand.u32 $0x7, v3  }
0x103: {  	v3 =	vor.u32 v3, v4  }
0x104: {  	v4 =	vperm.xlane v3, v0;
	_ =	sdelay $0x1  }
0x105: {  	v4 =	vadd.s32 v1, v4;
	_ =	sdelay $0x1  }
0x106: {  	v3 =	vperm.xlane v3, v2;
	_ =	sdelay $0x1  }
0x107: {  	s29 =	simm.s32 $0x15000;
	v3 =	vadd.s32 v1, v3  }
0x108: {  	[tilespmem:s29], [sflag:$0x1] =	stream.indirect_vreg.gather [hbm4b:s4+s1], $0x80, v4, vm0, $0xb8;
	[tilespmem:$0x18100] =	vst v63  }
0x109: {  	s29 =	simm.s32 $0x15800  }
0x10a: {  	[tilespmem:s29], [sflag:$0x1] =	stream.indirect_vreg.gather [hbm4b:s6+s1], $0x80, v4, vm1, $0xb8;
	[tilespmem:$0x18100] =	vst v63  }
0x10b: {  	s29 =	simm.s32 $0x15C00  }
0x10c: {  	[tilespmem:s29], [sflag:$0x1] =	stream.indirect_vreg.gather [hbm4b:s4+s1], $0x80, v3, vm0, $0xb8;
	[tilespmem:$0x18100] =	vst v63  }
0x10d: {  	s29 =	simm.s32 $0x16400  }
0x10e: {  	[tilespmem:s29], [sflag:$0x1] =	stream.indirect_vreg.gather [hbm4b:s6+s1], $0x80, v3, vm1, $0xb8;
	[tilespmem:$0x18100] =	vst v63  }
0x10f: {  	v3 =	vld [tilespmem:$0x180F0];
	_ =	sdelay $0x4  }
0x110: {  	v47 =	vshrl.u32 v3, $0x3  }
0x111: {  	v4 =	vmul.u32 $0x18, v47  }
0x112: {  	v3 =	vand.u32 $0x7, v3  }
0x113: {  	v3 =	vor.u32 v3, v4  }
0x114: {  	v4 =	vperm.xlane v3, v0;
	_ =	sdelay $0x1  }
0x115: {  	v4 =	vadd.s32 v1, v4;
	_ =	sdelay $0x1  }
0x116: {  	v3 =	vperm.xlane v3, v2;
	_ =	sdelay $0x1  }
0x117: {  	s29 =	simm.s32 $0x16800;
	v3 =	vadd.s32 v1, v3  }
0x118: {  	[tilespmem:s29], [sflag:$0x1] =	stream.indirect_vreg.gather [hbm4b:s4+s1], $0x80, v4, vm0, $0xb8;
	[tilespmem:$0x18100] =	vst v63  }
0x119: {  	s29 =	simm.s32 $0x17000  }
0x11a: {  	[tilespmem:s29], [sflag:$0x1] =	stream.indirect_vreg.gather [hbm4b:s6+s1], $0x80, v4, vm1, $0xb8;
	[tilespmem:$0x18100] =	vst v63  }
0x11b: {  	s29 =	simm.s32 $0x17400  }
0x11c: {  	[tilespmem:s29], [sflag:$0x1] =	stream.indirect_vreg.gather [hbm4b:s4+s1], $0x80, v3, vm0, $0xb8;
	[tilespmem:$0x18100] =	vst v63  }
0x11d: {  	s29 =	simm.s32 $0x17C00  }
0x11e: {  	[tilespmem:s29], [sflag:$0x1] =	stream.indirect_vreg.gather [hbm4b:s6+s1], $0x80, v3, vm1, $0xb8;
	[tilespmem:$0x18100] =	vst v63  }
0x11f: {  	_ =	swait.ge [sflag:s28], $0xC000  }
0x120: {  	[sflag:s28] =	ssyncset.done $0x0  }
0x121: {  	[sflag:s28] =	ssyncadd.s32 $0xFFFF4000  }
0x122: {  	_ =	swait.ge [sflag:s28], $0xC000  }
0x123: {  	[sflag:s28] =	ssyncset.done $0x0  }
0x124: {  	s29 =	rddreg [dreg:$0x4];
	[sflag:s28] =	ssyncadd.s32 $0xFFFF4000  }
0x125: {  	[hbm4b:s29+s1] =	stream.linear.scatter [tilespmem:s1], [sflag:$0x2], $0xC000, $0x38;
	[tilespmem:$0x18100] =	vst v63  }
0x126: {  	_ =	swait.ge [sflag:s9], $0xC000  }
0x127: {  	[sflag:s9] =	ssyncset.done $0x0  }
0x128: {  	s29 =	rddreg [dreg:$0x5];
	[sflag:s9] =	ssyncadd.s32 $0xFFFF4000  }
0x129: {  	[hbm4b:s29+s1] =	stream.linear.scatter [tilespmem:s0], [sflag:$0x2], $0xC000, $0x38;
	[tilespmem:$0x18100] =	vst v63  }
0x12a: {  	_ =	swait.ge [sflag:s9], $0xC000  }
0x12b: {  	[sflag:s9] =	ssyncset.done $0x0  }
0x12c: {  	s29 =	rddreg [dreg:$0x6];
	[sflag:s9] =	ssyncadd.s32 $0xFFFF4000  }
0x12d: {  	[tilespmem:s30], [sflag:$0x2] =	stream.linear.gather [hbm4b:s29+s1], $0x80, $0x38;
	[tilespmem:$0x18100] =	vst v63  }
0x12e: {  	_ =	swait.ge [sflag:s9], $0x80  }
0x12f: {  	[sflag:s9] =	ssyncset.done $0x0  }
0x130: {  	s29 =	rddreg [dreg:$0x7];
	[sflag:s9] =	ssyncadd.s32 $0xFFFFFF80  }
0x131: {  	[tilespmem:s31], [sflag:$0x2] =	stream.linear.gather [hbm4b:s29+s1], $0x80, $0x38;
	[tilespmem:$0x18100] =	vst v63  }
0x132: {  	_ =	swait.ge [sflag:s9], $0x80  }
0x133: {  	[sflag:s9] =	ssyncset.done $0x0  }
0x134: {  	[sflag:s9] =	ssyncadd.s32 $0xFFFFFF80  }
0x135: {  	v3 =	vld [tilespmem:$0x18000];
	_ =	sdelay $0x4  }
0x136: {  	v48 =	vshrl.u32 v3, $0x3  }
0x137: {  	v4 =	vmul.u32 $0x18, v48  }
0x138: {  	v3 =	vand.u32 $0x7, v3  }
0x139: {  	v3 =	vor.u32 v3, v4  }
0x13a: {  	v4 =	vperm.xlane v3, v0;
	_ =	sdelay $0x1  }
0x13b: {  	v4 =	vadd.s32 v1, v4;
	_ =	sdelay $0x1  }
0x13c: {  	v3 =	vperm.xlane v3, v2;
	_ =	sdelay $0x1  }
0x13d: {  	v3 =	vadd.s32 v1, v3  }
0x13e: {  	[tilespmem:s1], [sflag:$0x1] =	stream.indirect_vreg.gather [hbm4b:s3+s1], $0x80, v4, vm0, $0xb8;
	[tilespmem:$0x18100] =	vst v63  }
0x13f: {  	s29 =	simm.s32 $0x800  }
0x140: {  	[tilespmem:s29], [sflag:$0x1] =	stream.indirect_vreg.gather [hbm4b:s5+s1], $0x80, v4, vm1, $0xb8;
	[tilespmem:$0x18100] =	vst v63  }
0x141: {  	_ = 	snop  }
0x142: {  	[tilespmem:s2], [sflag:$0x1] =	stream.indirect_vreg.gather [hbm4b:s3+s1], $0x80, v3, vm0, $0xb8;
	[tilespmem:$0x18100] =	vst v63  }
0x143: {  	_ = 	snop  }
0x144: {  	[tilespmem:s8], [sflag:$0x1] =	stream.indirect_vreg.gather [hbm4b:s5+s1], $0x80, v3, vm1, $0xb8;
	[tilespmem:$0x18100] =	vst v63  }
0x145: {  	v3 =	vld [tilespmem:$0x18010];
	_ =	sdelay $0x4  }
0x146: {  	v49 =	vshrl.u32 v3, $0x3  }
0x147: {  	v4 =	vmul.u32 $0x18, v49  }
0x148: {  	v3 =	vand.u32 $0x7, v3  }
0x149: {  	v3 =	vor.u32 v3, v4  }
0x14a: {  	v4 =	vperm.xlane v3, v0;
	_ =	sdelay $0x1  }
0x14b: {  	v4 =	vadd.s32 v1, v4;
	_ =	sdelay $0x1  }
0x14c: {  	v3 =	vperm.xlane v3, v2;
	_ =	sdelay $0x1  }
0x14d: {  	v3 =	vadd.s32 v1, v3  }
0x14e: {  	[tilespmem:s10], [sflag:$0x1] =	stream.indirect_vreg.gather [hbm4b:s3+s1], $0x80, v4, vm0, $0xb8;
	[tilespmem:$0x18100] =	vst v63  }
0x14f: {  	_ = 	snop  }
0x150: {  	[tilespmem:s11], [sflag:$0x1] =	stream.indirect_vreg.gather [hbm4b:s5+s1], $0x80, v4, vm1, $0xb8;
	[tilespmem:$0x18100] =	vst v63  }
0x151: {  	_ = 	snop  }
0x152: {  	[tilespmem:s12], [sflag:$0x1] =	stream.indirect_vreg.gather [hbm4b:s3+s1], $0x80, v3, vm0, $0xb8;
	[tilespmem:$0x18100] =	vst v63  }
0x153: {  	_ = 	snop  }
0x154: {  	[tilespmem:s13], [sflag:$0x1] =	stream.indirect_vreg.gather [hbm4b:s5+s1], $0x80, v3, vm1, $0xb8;
	[tilespmem:$0x18100] =	vst v63  }
0x155: {  	v3 =	vld [tilespmem:$0x18020];
	_ =	sdelay $0x4  }
0x156: {  	v50 =	vshrl.u32 v3, $0x3  }
0x157: {  	v4 =	vmul.u32 $0x18, v50  }
0x158: {  	v3 =	vand.u32 $0x7, v3  }
0x159: {  	v3 =	vor.u32 v3, v4  }
0x15a: {  	v4 =	vperm.xlane v3, v0;
	_ =	sdelay $0x1  }
0x15b: {  	v4 =	vadd.s32 v1, v4;
	_ =	sdelay $0x1  }
0x15c: {  	v3 =	vperm.xlane v3, v2;
	_ =	sdelay $0x1  }
0x15d: {  	v3 =	vadd.s32 v1, v3  }
0x15e: {  	[tilespmem:s14], [sflag:$0x1] =	stream.indirect_vreg.gather [hbm4b:s3+s1], $0x80, v4, vm0, $0xb8;
	[tilespmem:$0x18100] =	vst v63  }
0x15f: {  	_ = 	snop  }
0x160: {  	[tilespmem:s15], [sflag:$0x1] =	stream.indirect_vreg.gather [hbm4b:s5+s1], $0x80, v4, vm1, $0xb8;
	[tilespmem:$0x18100] =	vst v63  }
0x161: {  	_ = 	snop  }
0x162: {  	[tilespmem:s16], [sflag:$0x1] =	stream.indirect_vreg.gather [hbm4b:s3+s1], $0x80, v3, vm0, $0xb8;
	[tilespmem:$0x18100] =	vst v63  }
0x163: {  	_ = 	snop  }
0x164: {  	[tilespmem:s17], [sflag:$0x1] =	stream.indirect_vreg.gather [hbm4b:s5+s1], $0x80, v3, vm1, $0xb8;
	[tilespmem:$0x18100] =	vst v63  }
0x165: {  	v3 =	vld [tilespmem:$0x18030];
	_ =	sdelay $0x4  }
0x166: {  	v51 =	vshrl.u32 v3, $0x3  }
0x167: {  	v4 =	vmul.u32 $0x18, v51  }
0x168: {  	v3 =	vand.u32 $0x7, v3  }
0x169: {  	v3 =	vor.u32 v3, v4  }
0x16a: {  	v4 =	vperm.xlane v3, v0;
	_ =	sdelay $0x1  }
0x16b: {  	v4 =	vadd.s32 v1, v4;
	_ =	sdelay $0x1  }
0x16c: {  	v3 =	vperm.xlane v3, v2;
	_ =	sdelay $0x1  }
0x16d: {  	v3 =	vadd.s32 v1, v3  }
0x16e: {  	[tilespmem:s19], [sflag:$0x1] =	stream.indirect_vreg.gather [hbm4b:s3+s1], $0x80, v4, vm0, $0xb8;
	[tilespmem:$0x18100] =	vst v63  }
0x16f: {  	_ = 	snop  }
0x170: {  	[tilespmem:s20], [sflag:$0x1] =	stream.indirect_vreg.gather [hbm4b:s5+s1], $0x80, v4, vm1, $0xb8;
	[tilespmem:$0x18100] =	vst v63  }
0x171: {  	_ = 	snop  }
0x172: {  	[tilespmem:s21], [sflag:$0x1] =	stream.indirect_vreg.gather [hbm4b:s3+s1], $0x80, v3, vm0, $0xb8;
	[tilespmem:$0x18100] =	vst v63  }
0x173: {  	_ = 	snop  }
0x174: {  	[tilespmem:s22], [sflag:$0x1] =	stream.indirect_vreg.gather [hbm4b:s5+s1], $0x80, v3, vm1, $0xb8;
	[tilespmem:$0x18100] =	vst v63  }
0x175: {  	v3 =	vld [tilespmem:$0x18040];
	_ =	sdelay $0x4  }
0x176: {  	v52 =	vshrl.u32 v3, $0x3  }
0x177: {  	v4 =	vmul.u32 $0x18, v52  }
0x178: {  	v3 =	vand.u32 $0x7, v3  }
0x179: {  	v3 =	vor.u32 v3, v4  }
0x17a: {  	v4 =	vperm.xlane v3, v0;
	_ =	sdelay $0x1  }
0x17b: {  	v4 =	vadd.s32 v1, v4;
	_ =	sdelay $0x1  }
0x17c: {  	v3 =	vperm.xlane v3, v2;
	_ =	sdelay $0x1  }
0x17d: {  	v3 =	vadd.s32 v1, v3  }
0x17e: {  	[tilespmem:s23], [sflag:$0x1] =	stream.indirect_vreg.gather [hbm4b:s3+s1], $0x80, v4, vm0, $0xb8;
	[tilespmem:$0x18100] =	vst v63  }
0x17f: {  	_ = 	snop  }
0x180: {  	[tilespmem:s24], [sflag:$0x1] =	stream.indirect_vreg.gather [hbm4b:s5+s1], $0x80, v4, vm1, $0xb8;
	[tilespmem:$0x18100] =	vst v63  }
0x181: {  	_ = 	snop  }
0x182: {  	[tilespmem:s25], [sflag:$0x1] =	stream.indirect_vreg.gather [hbm4b:s3+s1], $0x80, v3, vm0, $0xb8;
	[tilespmem:$0x18100] =	vst v63  }
0x183: {  	_ = 	snop  }
0x184: {  	[tilespmem:s26], [sflag:$0x1] =	stream.indirect_vreg.gather [hbm4b:s5+s1], $0x80, v3, vm1, $0xb8;
	[tilespmem:$0x18100] =	vst v63  }
0x185: {  	v3 =	vld [tilespmem:$0x18050];
	_ =	sdelay $0x4  }
0x186: {  	v53 =	vshrl.u32 v3, $0x3  }
0x187: {  	v4 =	vmul.u32 $0x18, v53  }
0x188: {  	v3 =	vand.u32 $0x7, v3  }
0x189: {  	v3 =	vor.u32 v3, v4  }
0x18a: {  	v4 =	vperm.xlane v3, v0;
	_ =	sdelay $0x1  }
0x18b: {  	v4 =	vadd.s32 v1, v4;
	_ =	sdelay $0x1  }
0x18c: {  	v3 =	vperm.xlane v3, v2;
	_ =	sdelay $0x1  }
0x18d: {  	v3 =	vadd.s32 v1, v3  }
0x18e: {  	[tilespmem:s18], [sflag:$0x1] =	stream.indirect_vreg.gather [hbm4b:s3+s1], $0x80, v4, vm0, $0xb8;
	[tilespmem:$0x18100] =	vst v63  }
0x18f: {  	s29 =	simm.s32 $0x8000  }
0x190: {  	[tilespmem:s29], [sflag:$0x1] =	stream.indirect_vreg.gather [hbm4b:s5+s1], $0x80, v4, vm1, $0xb8;
	[tilespmem:$0x18100] =	vst v63  }
0x191: {  	s29 =	simm.s32 $0x8400  }
0x192: {  	[tilespmem:s29], [sflag:$0x1] =	stream.indirect_vreg.gather [hbm4b:s3+s1], $0x80, v3, vm0, $0xb8;
	[tilespmem:$0x18100] =	vst v63  }
0x193: {  	s29 =	simm.s32 $0x8C00  }
0x194: {  	[tilespmem:s29], [sflag:$0x1] =	stream.indirect_vreg.gather [hbm4b:s5+s1], $0x80, v3, vm1, $0xb8;
	[tilespmem:$0x18100] =	vst v63  }
0x195: {  	v3 =	vld [tilespmem:$0x18060];
	_ =	sdelay $0x4  }
0x196: {  	v54 =	vshrl.u32 v3, $0x3  }
0x197: {  	v4 =	vmul.u32 $0x18, v54  }
0x198: {  	v3 =	vand.u32 $0x7, v3  }
0x199: {  	v3 =	vor.u32 v3, v4  }
0x19a: {  	v4 =	vperm.xlane v3, v0;
	_ =	sdelay $0x1  }
0x19b: {  	v4 =	vadd.s32 v1, v4;
	_ =	sdelay $0x1  }
0x19c: {  	v3 =	vperm.xlane v3, v2;
	_ =	sdelay $0x1  }
0x19d: {  	s29 =	simm.s32 $0x9000;
	v3 =	vadd.s32 v1, v3  }
0x19e: {  	[tilespmem:s29], [sflag:$0x1] =	stream.indirect_vreg.gather [hbm4b:s3+s1], $0x80, v4, vm0, $0xb8;
	[tilespmem:$0x18100] =	vst v63  }
0x19f: {  	s29 =	simm.s32 $0x9800  }
0x1a0: {  	[tilespmem:s29], [sflag:$0x1] =	stream.indirect_vreg.gather [hbm4b:s5+s1], $0x80, v4, vm1, $0xb8;
	[tilespmem:$0x18100] =	vst v63  }
0x1a1: {  	s29 =	simm.s32 $0x9C00  }
0x1a2: {  	[tilespmem:s29], [sflag:$0x1] =	stream.indirect_vreg.gather [hbm4b:s3+s1], $0x80, v3, vm0, $0xb8;
	[tilespmem:$0x18100] =	vst v63  }
0x1a3: {  	s29 =	simm.s32 $0xA400  }
0x1a4: {  	[tilespmem:s29], [sflag:$0x1] =	stream.indirect_vreg.gather [hbm4b:s5+s1], $0x80, v3, vm1, $0xb8;
	[tilespmem:$0x18100] =	vst v63  }
0x1a5: {  	v3 =	vld [tilespmem:$0x18070];
	_ =	sdelay $0x4  }
0x1a6: {  	v55 =	vshrl.u32 v3, $0x3  }
0x1a7: {  	v4 =	vmul.u32 $0x18, v55  }
0x1a8: {  	v3 =	vand.u32 $0x7, v3  }
0x1a9: {  	v3 =	vor.u32 v3, v4  }
0x1aa: {  	v4 =	vperm.xlane v3, v0;
	_ =	sdelay $0x1  }
0x1ab: {  	v4 =	vadd.s32 v1, v4;
	_ =	sdelay $0x1  }
0x1ac: {  	v3 =	vperm.xlane v3, v2;
	_ =	sdelay $0x1  }
0x1ad: {  	s29 =	simm.s32 $0xA800;
	v3 =	vadd.s32 v1, v3  }
0x1ae: {  	[tilespmem:s29], [sflag:$0x1] =	stream.indirect_vreg.gather [hbm4b:s3+s1], $0x80, v4, vm0, $0xb8;
	[tilespmem:$0x18100] =	vst v63  }
0x1af: {  	s29 =	simm.s32 $0xB000  }
0x1b0: {  	[tilespmem:s29], [sflag:$0x1] =	stream.indirect_vreg.gather [hbm4b:s5+s1], $0x80, v4, vm1, $0xb8;
	[tilespmem:$0x18100] =	vst v63  }
0x1b1: {  	s29 =	simm.s32 $0xB400  }
0x1b2: {  	[tilespmem:s29], [sflag:$0x1] =	stream.indirect_vreg.gather [hbm4b:s3+s1], $0x80, v3, vm0, $0xb8;
	[tilespmem:$0x18100] =	vst v63  }
0x1b3: {  	s29 =	simm.s32 $0xBC00  }
0x1b4: {  	[tilespmem:s29], [sflag:$0x1] =	stream.indirect_vreg.gather [hbm4b:s5+s1], $0x80, v3, vm1, $0xb8;
	[tilespmem:$0x18100] =	vst v63  }
0x1b5: {  	v3 =	vld [tilespmem:$0x18080];
	_ =	sdelay $0x4  }
0x1b6: {  	v56 =	vshrl.u32 v3, $0x3  }
0x1b7: {  	v4 =	vmul.u32 $0x18, v56  }
0x1b8: {  	v3 =	vand.u32 $0x7, v3  }
0x1b9: {  	v3 =	vor.u32 v3, v4  }
0x1ba: {  	v4 =	vperm.xlane v3, v0;
	_ =	sdelay $0x1  }
0x1bb: {  	v4 =	vadd.s32 v1, v4;
	_ =	sdelay $0x1  }
0x1bc: {  	v3 =	vperm.xlane v3, v2;
	_ =	sdelay $0x1  }
0x1bd: {  	v3 =	vadd.s32 v1, v3  }
0x1be: {  	[tilespmem:s0], [sflag:$0x1] =	stream.indirect_vreg.gather [hbm4b:s4+s1], $0x80, v4, vm0, $0xb8;
	[tilespmem:$0x18100] =	vst v63  }
0x1bf: {  	s29 =	simm.s32 $0xC800  }
0x1c0: {  	[tilespmem:s29], [sflag:$0x1] =	stream.indirect_vreg.gather [hbm4b:s6+s1], $0x80, v4, vm1, $0xb8;
	[tilespmem:$0x18100] =	vst v63  }
0x1c1: {  	s29 =	simm.s32 $0xCC00  }
0x1c2: {  	[tilespmem:s29], [sflag:$0x1] =	stream.indirect_vreg.gather [hbm4b:s4+s1], $0x80, v3, vm0, $0xb8;
	[tilespmem:$0x18100] =	vst v63  }
0x1c3: {  	s29 =	simm.s32 $0xD400  }
0x1c4: {  	[tilespmem:s29], [sflag:$0x1] =	stream.indirect_vreg.gather [hbm4b:s6+s1], $0x80, v3, vm1, $0xb8;
	[tilespmem:$0x18100] =	vst v63  }
0x1c5: {  	v3 =	vld [tilespmem:$0x18090];
	_ =	sdelay $0x4  }
0x1c6: {  	v57 =	vshrl.u32 v3, $0x3  }
0x1c7: {  	v4 =	vmul.u32 $0x18, v57  }
0x1c8: {  	v3 =	vand.u32 $0x7, v3  }
0x1c9: {  	v3 =	vor.u32 v3, v4  }
0x1ca: {  	v4 =	vperm.xlane v3, v0;
	_ =	sdelay $0x1  }
0x1cb: {  	v4 =	vadd.s32 v1, v4;
	_ =	sdelay $0x1  }
0x1cc: {  	v3 =	vperm.xlane v3, v2;
	_ =	sdelay $0x1  }
0x1cd: {  	s29 =	simm.s32 $0xD800;
	v3 =	vadd.s32 v1, v3  }
0x1ce: {  	[tilespmem:s29], [sflag:$0x1] =	stream.indirect_vreg.gather [hbm4b:s4+s1], $0x80, v4, vm0, $0xb8;
	[tilespmem:$0x18100] =	vst v63  }
0x1cf: {  	s29 =	simm.s32 $0xE000  }
0x1d0: {  	[tilespmem:s29], [sflag:$0x1] =	stream.indirect_vreg.gather [hbm4b:s6+s1], $0x80, v4, vm1, $0xb8;
	[tilespmem:$0x18100] =	vst v63  }
0x1d1: {  	s29 =	simm.s32 $0xE400  }
0x1d2: {  	[tilespmem:s29], [sflag:$0x1] =	stream.indirect_vreg.gather [hbm4b:s4+s1], $0x80, v3, vm0, $0xb8;
	[tilespmem:$0x18100] =	vst v63  }
0x1d3: {  	s29 =	simm.s32 $0xEC00  }
0x1d4: {  	[tilespmem:s29], [sflag:$0x1] =	stream.indirect_vreg.gather [hbm4b:s6+s1], $0x80, v3, vm1, $0xb8;
	[tilespmem:$0x18100] =	vst v63  }
0x1d5: {  	v3 =	vld [tilespmem:$0x180A0];
	_ =	sdelay $0x4  }
0x1d6: {  	v58 =	vshrl.u32 v3, $0x3  }
0x1d7: {  	v4 =	vmul.u32 $0x18, v58  }
0x1d8: {  	v3 =	vand.u32 $0x7, v3  }
0x1d9: {  	v3 =	vor.u32 v3, v4  }
0x1da: {  	v4 =	vperm.xlane v3, v0;
	_ =	sdelay $0x1  }
0x1db: {  	v4 =	vadd.s32 v1, v4;
	_ =	sdelay $0x1  }
0x1dc: {  	v3 =	vperm.xlane v3, v2;
	_ =	sdelay $0x1  }
0x1dd: {  	s29 =	simm.s32 $0xF000;
	v3 =	vadd.s32 v1, v3  }
0x1de: {  	[tilespmem:s29], [sflag:$0x1] =	stream.indirect_vreg.gather [hbm4b:s4+s1], $0x80, v4, vm0, $0xb8;
	[tilespmem:$0x18100] =	vst v63  }
0x1df: {  	s29 =	simm.s32 $0xF800  }
0x1e0: {  	[tilespmem:s29], [sflag:$0x1] =	stream.indirect_vreg.gather [hbm4b:s6+s1], $0x80, v4, vm1, $0xb8;
	[tilespmem:$0x18100] =	vst v63  }
0x1e1: {  	s29 =	simm.s32 $0xFC00  }
0x1e2: {  	[tilespmem:s29], [sflag:$0x1] =	stream.indirect_vreg.gather [hbm4b:s4+s1], $0x80, v3, vm0, $0xb8;
	[tilespmem:$0x18100] =	vst v63  }
0x1e3: {  	s29 =	simm.s32 $0x10400  }
0x1e4: {  	[tilespmem:s29], [sflag:$0x1] =	stream.indirect_vreg.gather [hbm4b:s6+s1], $0x80, v3, vm1, $0xb8;
	[tilespmem:$0x18100] =	vst v63  }
0x1e5: {  	v3 =	vld [tilespmem:$0x180B0];
	_ =	sdelay $0x4  }
0x1e6: {  	v59 =	vshrl.u32 v3, $0x3  }
0x1e7: {  	v4 =	vmul.u32 $0x18, v59  }
0x1e8: {  	v3 =	vand.u32 $0x7, v3  }
0x1e9: {  	v3 =	vor.u32 v3, v4  }
0x1ea: {  	v4 =	vperm.xlane v3, v0;
	_ =	sdelay $0x1  }
0x1eb: {  	v4 =	vadd.s32 v1, v4;
	_ =	sdelay $0x1  }
0x1ec: {  	v3 =	vperm.xlane v3, v2;
	_ =	sdelay $0x1  }
0x1ed: {  	s29 =	simm.s32 $0x10800;
	v3 =	vadd.s32 v1, v3  }
0x1ee: {  	[tilespmem:s29], [sflag:$0x1] =	stream.indirect_vreg.gather [hbm4b:s4+s1], $0x80, v4, vm0, $0xb8;
	[tilespmem:$0x18100] =	vst v63  }
0x1ef: {  	s29 =	simm.s32 $0x11000  }
0x1f0: {  	[tilespmem:s29], [sflag:$0x1] =	stream.indirect_vreg.gather [hbm4b:s6+s1], $0x80, v4, vm1, $0xb8;
	[tilespmem:$0x18100] =	vst v63  }
0x1f1: {  	s29 =	simm.s32 $0x11400  }
0x1f2: {  	[tilespmem:s29], [sflag:$0x1] =	stream.indirect_vreg.gather [hbm4b:s4+s1], $0x80, v3, vm0, $0xb8;
	[tilespmem:$0x18100] =	vst v63  }
0x1f3: {  	s29 =	simm.s32 $0x11C00  }
0x1f4: {  	[tilespmem:s29], [sflag:$0x1] =	stream.indirect_vreg.gather [hbm4b:s6+s1], $0x80, v3, vm1, $0xb8;
	[tilespmem:$0x18100] =	vst v63  }
0x1f5: {  	v3 =	vld [tilespmem:$0x180C0];
	_ =	sdelay $0x4  }
0x1f6: {  	v60 =	vshrl.u32 v3, $0x3  }
0x1f7: {  	v4 =	vmul.u32 $0x18, v60  }
0x1f8: {  	v3 =	vand.u32 $0x7, v3  }
0x1f9: {  	v3 =	vor.u32 v3, v4  }
0x1fa: {  	v4 =	vperm.xlane v3, v0;
	_ =	sdelay $0x1  }
0x1fb: {  	v4 =	vadd.s32 v1, v4;
	_ =	sdelay $0x1  }
0x1fc: {  	v3 =	vperm.xlane v3, v2;
	_ =	sdelay $0x1  }
0x1fd: {  	s29 =	simm.s32 $0x12000;
	v3 =	vadd.s32 v1, v3  }
0x1fe: {  	[tilespmem:s29], [sflag:$0x1] =	stream.indirect_vreg.gather [hbm4b:s4+s1], $0x80, v4, vm0, $0xb8;
	[tilespmem:$0x18100] =	vst v63  }
0x1ff: {  	s29 =	simm.s32 $0x12800  }
0x200: {  	[tilespmem:s29], [sflag:$0x1] =	stream.indirect_vreg.gather [hbm4b:s6+s1], $0x80, v4, vm1, $0xb8;
	[tilespmem:$0x18100] =	vst v63  }
0x201: {  	s29 =	simm.s32 $0x12C00  }
0x202: {  	[tilespmem:s29], [sflag:$0x1] =	stream.indirect_vreg.gather [hbm4b:s4+s1], $0x80, v3, vm0, $0xb8;
	[tilespmem:$0x18100] =	vst v63  }
0x203: {  	s29 =	simm.s32 $0x13400  }
0x204: {  	[tilespmem:s29], [sflag:$0x1] =	stream.indirect_vreg.gather [hbm4b:s6+s1], $0x80, v3, vm1, $0xb8;
	[tilespmem:$0x18100] =	vst v63  }
0x205: {  	v3 =	vld [tilespmem:$0x180D0];
	_ =	sdelay $0x4  }
0x206: {  	v61 =	vshrl.u32 v3, $0x3  }
0x207: {  	v4 =	vmul.u32 $0x18, v61  }
0x208: {  	v3 =	vand.u32 $0x7, v3  }
0x209: {  	v3 =	vor.u32 v3, v4  }
0x20a: {  	v4 =	vperm.xlane v3, v0;
	_ =	sdelay $0x1  }
0x20b: {  	v4 =	vadd.s32 v1, v4;
	_ =	sdelay $0x1  }
0x20c: {  	v3 =	vperm.xlane v3, v2;
	_ =	sdelay $0x1  }
0x20d: {  	s29 =	simm.s32 $0x13800;
	v3 =	vadd.s32 v1, v3  }
0x20e: {  	[tilespmem:s29], [sflag:$0x1] =	stream.indirect_vreg.gather [hbm4b:s4+s1], $0x80, v4, vm0, $0xb8;
	[tilespmem:$0x18100] =	vst v63  }
0x20f: {  	s29 =	simm.s32 $0x14000  }
0x210: {  	[tilespmem:s29], [sflag:$0x1] =	stream.indirect_vreg.gather [hbm4b:s6+s1], $0x80, v4, vm1, $0xb8;
	[tilespmem:$0x18100] =	vst v63  }
0x211: {  	s29 =	simm.s32 $0x14400  }
0x212: {  	[tilespmem:s29], [sflag:$0x1] =	stream.indirect_vreg.gather [hbm4b:s4+s1], $0x80, v3, vm0, $0xb8;
	[tilespmem:$0x18100] =	vst v63  }
0x213: {  	s29 =	simm.s32 $0x14C00  }
0x214: {  	[tilespmem:s29], [sflag:$0x1] =	stream.indirect_vreg.gather [hbm4b:s6+s1], $0x80, v3, vm1, $0xb8;
	[tilespmem:$0x18100] =	vst v63  }
0x215: {  	v3 =	vld [tilespmem:$0x180E0];
	_ =	sdelay $0x4  }
0x216: {  	v62 =	vshrl.u32 v3, $0x3  }
0x217: {  	v4 =	vmul.u32 $0x18, v62  }
0x218: {  	v3 =	vand.u32 $0x7, v3  }
0x219: {  	v3 =	vor.u32 v3, v4  }
0x21a: {  	v4 =	vperm.xlane v3, v0;
	_ =	sdelay $0x1  }
0x21b: {  	v4 =	vadd.s32 v1, v4;
	_ =	sdelay $0x1  }
0x21c: {  	v3 =	vperm.xlane v3, v2;
	_ =	sdelay $0x1  }
0x21d: {  	s29 =	simm.s32 $0x15000;
	v3 =	vadd.s32 v1, v3  }
0x21e: {  	[tilespmem:s29], [sflag:$0x1] =	stream.indirect_vreg.gather [hbm4b:s4+s1], $0x80, v4, vm0, $0xb8;
	[tilespmem:$0x18100] =	vst v63  }
0x21f: {  	s29 =	simm.s32 $0x15800  }
0x220: {  	[tilespmem:s29], [sflag:$0x1] =	stream.indirect_vreg.gather [hbm4b:s6+s1], $0x80, v4, vm1, $0xb8;
	[tilespmem:$0x18100] =	vst v63  }
0x221: {  	s29 =	simm.s32 $0x15C00  }
0x222: {  	[tilespmem:s29], [sflag:$0x1] =	stream.indirect_vreg.gather [hbm4b:s4+s1], $0x80, v3, vm0, $0xb8;
	[tilespmem:$0x18100] =	vst v63  }
0x223: {  	s29 =	simm.s32 $0x16400  }
0x224: {  	[tilespmem:s29], [sflag:$0x1] =	stream.indirect_vreg.gather [hbm4b:s6+s1], $0x80, v3, vm1, $0xb8;
	[tilespmem:$0x18100] =	vst v63  }
0x225: {  	v3 =	vld [tilespmem:$0x180F0];
	_ =	sdelay $0x4  }
0x226: {  	v63 =	vshrl.u32 v3, $0x3  }
0x227: {  	v4 =	vmul.u32 $0x18, v63  }
0x228: {  	v3 =	vand.u32 $0x7, v3  }
0x229: {  	v3 =	vor.u32 v3, v4  }
0x22a: {  	v4 =	vperm.xlane v3, v0;
	_ =	sdelay $0x1  }
0x22b: {  	v4 =	vadd.s32 v1, v4;
	_ =	sdelay $0x1  }
0x22c: {  	v3 =	vperm.xlane v3, v2;
	_ =	sdelay $0x1  }
0x22d: {  	s29 =	simm.s32 $0x16800;
	v3 =	vadd.s32 v1, v3  }
0x22e: {  	[tilespmem:s29], [sflag:$0x1] =	stream.indirect_vreg.gather [hbm4b:s4+s1], $0x80, v4, vm0, $0xb8;
	[tilespmem:$0x18100] =	vst v63  }
0x22f: {  	s29 =	simm.s32 $0x17000  }
0x230: {  	[tilespmem:s29], [sflag:$0x1] =	stream.indirect_vreg.gather [hbm4b:s6+s1], $0x80, v4, vm1, $0xb8;
	[tilespmem:$0x18100] =	vst v63  }
0x231: {  	s29 =	simm.s32 $0x17400  }
0x232: {  	[tilespmem:s29], [sflag:$0x1] =	stream.indirect_vreg.gather [hbm4b:s4+s1], $0x80, v3, vm0, $0xb8;
	[tilespmem:$0x18100] =	vst v63  }
0x233: {  	s29 =	simm.s32 $0x17C00  }
0x234: {  	[tilespmem:s29], [sflag:$0x1] =	stream.indirect_vreg.gather [hbm4b:s6+s1], $0x80, v3, vm1, $0xb8;
	[tilespmem:$0x18100] =	vst v63  }
0x235: {  	_ =	swait.ge [sflag:s28], $0xC000  }
0x236: {  	[sflag:s28] =	ssyncset.done $0x0  }
0x237: {  	[sflag:s28] =	ssyncadd.s32 $0xFFFF4000  }
0x238: {  	_ =	swait.ge [sflag:s28], $0xC000  }
0x239: {  	[sflag:s28] =	ssyncset.done $0x0  }
0x23a: {  	s2 =	rddreg [dreg:$0x8];
	[sflag:s28] =	ssyncadd.s32 $0xFFFF4000  }
0x23b: {  	[hbm4b:s2+s1] =	stream.linear.scatter [tilespmem:s1], [sflag:$0x2], $0xC000, $0x38;
	[tilespmem:$0x18100] =	vst v63  }
0x23c: {  	_ =	swait.ge [sflag:s9], $0xC000  }
0x23d: {  	p0 =	sne.s32 s7, $0x1;
	[sflag:s9] =	ssyncset.done $0x0  }
.Ltmp0:
0x23e: {  	s2 =	rddreg [dreg:$0x9];
	[sflag:s9] =	ssyncadd.s32 $0xFFFF4000;
	(pc) =	sbr.rel @p0 .LBB2_1-.Ltmp0, $4  }
0x23f: {  	[hbm4b:s2+s1] =	stream.linear.scatter [tilespmem:s0], [sflag:$0x2], $0xC000, $0x38;
	[tilespmem:$0x18100] =	vst v63  }
0x240: {  	_ =	swait.ge [sflag:s9], $0xC000  }
0x241: {  	[sflag:s9] =	ssyncset.done $0x0  }
0x242: {  	s7 =	sadd.s32 $0xFFFFFFFF, s7;
	[sflag:s9] =	ssyncadd.s32 $0xFFFF4000  }
0x243: {  	_ =	sfence.sel $0x180000  }
0x244: {  	[bflag:$0x0] =	sbarrier.arrive $0xFFFF  }
0x245: {  	_ =	strace $0x9000004A  }
0x246: {  	s0 =	stileid.u32;
	[bflag:$0x2] =	sbarrier.arrive $0xFFFF  }
0x247: {  	p0 =	sne.s32 s0, $0x0;
	s0 =	rddreg [dreg:$0x1]  }
0x248: {  	s0 =	sadd.s32 @!p0 $0x100000, s0  }
0x249: {  	[sflag:s0] =	ssyncadd.tile.s32 @!p0 $0x1;
	_ =	shalt  }
.Lfunc_end2:
_tile_overlayer_lowered:
.L_overlay_start_2:
0x24a: {  	(tag) =	ssettag $0x2  }
0x24b: {  	s0 =	rddreg [dreg:$0x0];
	s2 =	stileid.u32  }
0x24c: {  	s1 =	rddreg [dreg:$0x1];
	p0 =	sne.s32 s2, $0x0  }
0x24d: {  	s3 =	rddreg [dreg:$0x2];
	[bflag:$0x3] =	sbarrier.arrive $0xFFFF;
	s2 =	simm.s32 @!p0 $0x1C02  }
0x24e: {  	[timem:s3], [sflag:s2] =	dma.local @!p0 [hbm:s0], s1  }
0x24f: {  	s0 =	simm.s32 @!p0 $0x2  }
0x250: {  	_ =	swait.ge @!p0 [sflag:s0], s1  }
0x251: {  	s1 =	ssub.s32 @!p0 $0x0, s1;
	[sflag:s0] =	ssyncset.done @!p0 $0x0  }
0x252: {  	[sflag:s0] =	ssyncadd.s32 @!p0 s1  }
0x253: {  	[bflag:$0x3] =	sbarrier.arrive $0xFFFF  }
0x254: {  	_ =	shalt  }

</sc_bundles>
